<compile_context>
chip_gen: v7x
topology: tpu7x:2x2x1
jax: 0.10.2.dev20260603
libtpu: 0.0.44.dev20260713+nightly
codegen_flags: <defaults>
</compile_context>

<pallas_src>
import functools

import jax
import jax.numpy as jnp
from jax.experimental import pallas as pl
from jax.experimental.pallas import tpu as pltpu

B, N, A = 4, 2048, 4
DIM_NODES, DIM_EDGES, K, NUM_RBF = 256, 128, 30, 32
TILE = 256
SIGMA = 20.0 / NUM_RBF


def _body(x12_ref, xt_ref, mrow_ref, mcol_ref, wn_c_ref, wn_l_ref,
          we_rbf_ref, we_dir_ref, bn_ref, be_ref, cen_ref,
          nh_ref, eh_ref, ei_ref, mij_ref, dm_s):
    i = pl.program_id(1)
    x12 = x12_ref[0]
    xt = xt_ref[0]

    xi = [(((x12[:, c:c + 1] + x12[:, 3 + c:4 + c])
            + x12[:, 6 + c:7 + c]) + x12[:, 9 + c:10 + c]) * 0.25
          for c in range(3)]
    xj = [(((xt[c:c + 1, :] + xt[3 + c:4 + c, :])
            + xt[6 + c:7 + c, :]) + xt[9 + c:10 + c, :]) * 0.25
          for c in range(3)]

    d2 = ((xi[0] - xj[0]) ** 2 + (xi[2] - xj[2]) ** 2) + (xi[1] - xj[1]) ** 2
    dist = jnp.sqrt(d2 + 1e-8)

    col = jax.lax.broadcasted_iota(jnp.int32, (TILE, N), 1)
    row = jax.lax.broadcasted_iota(jnp.int32, (TILE, 1), 0) + i * TILE
    dm_s[...] = jnp.where(col == row, 1e9, dist)

    vt = jnp.concatenate([xj[0], xj[1], xj[2], mrow_ref[0]], axis=0)
    hi = vt.astype(jnp.bfloat16)
    rem = vt - hi.astype(jnp.float32)
    mid = rem.astype(jnp.bfloat16)
    lo = (rem - mid.astype(jnp.float32)).astype(jnp.bfloat16)
    vt3 = jnp.concatenate([hi, mid, lo], axis=0)

    mi = mcol_ref[0]
    cen = cen_ref[0:1, :]
    be = be_ref[0:1, :]
    we_rbf = we_rbf_ref[...]
    we_dir = we_dir_ref[...]

    for k in range(K):
        dm = dm_s[...]
        m = jnp.min(dm, axis=1, keepdims=True)
        idx = jnp.min(jnp.where(dm == m, col, N), axis=1,
                      keepdims=True)
        onehot = col == idx
        dm_s[...] = jnp.where(onehot, 1e9, dm)
        g = jax.lax.dot_general(
            onehot.astype(jnp.bfloat16), vt3, (((1,), (1,)), ((), ())),
            preferred_element_type=jnp.float32)
        dx = ((g[:, 0:1] + g[:, 4:5]) + g[:, 8:9]) - xi[0]
        dy = ((g[:, 1:2] + g[:, 5:6]) + g[:, 9:10]) - xi[1]
        dz = ((g[:, 2:3] + g[:, 6:7]) + g[:, 10:11]) - xi[2]
        mj = g[:, 3:4]
        inv = 1.0 / (m + 1e-8)
        z = (m - cen) / SIGMA
        rbf = jnp.exp(-(z * z))
        eh = jax.lax.dot_general(
            rbf, we_rbf, (((1,), (0,)), ((), ())),
            preferred_element_type=jnp.float32)
        eh = eh + ((dx * inv) * we_dir[0:1, :]
                   + (dy * inv) * we_dir[1:2, :]
                   + (dz * inv) * we_dir[2:3, :]) + be
        mij = mi * mj
        eh_ref[0, :, k * DIM_EDGES:(k + 1) * DIM_EDGES] = eh * mij
        ei_ref[0, :, k:k + 1] = idx
        mij_ref[0, :, k:k + 1] = mij

    xc3 = jnp.concatenate([xi[0], xi[1], xi[2]], axis=1)
    cen4 = jnp.concatenate([xc3, xc3, xc3, xc3], axis=1)
    centered = x12 - cen4
    lens = []
    for a in range(A):
        ca = centered[:, a * 3:a * 3 + 3]
        lens.append(jnp.sqrt(jnp.sum(ca * ca, axis=1, keepdims=True)))
    logl = jnp.log(jnp.concatenate(lens, axis=1) + 1e-6)
    nh = jax.lax.dot_general(
        centered, wn_c_ref[...], (((1,), (0,)), ((), ())),
        preferred_element_type=jnp.float32)
    nh = nh + jax.lax.dot_general(
        logl, wn_l_ref[...], (((1,), (0,)), ((), ())),
        preferred_element_type=jnp.float32)
    nh_ref[0] = (nh + bn_ref[0:1, :]) * mi


@functools.partial(jax.jit, static_argnames=())
def kernel(X, C, W_node, b_node, W_edge, b_edge):
    x12 = X.reshape(B, N, A * 3)
    xt = x12.transpose(0, 2, 1)
    mask_i = (C >= 0).astype(jnp.float32)
    mrow = mask_i.reshape(B, 1, N)
    mcol = mask_i.reshape(B, N, 1)
    centers = jnp.linspace(0.0, 20.0, NUM_RBF).astype(jnp.float32).reshape(1, NUM_RBF)

    grid = (B, N // TILE)
    node_h, edge_big, edge_idx, mask_ij = pl.pallas_call(
        _body,
        grid=grid,
        in_specs=[
            pl.BlockSpec((1, TILE, A * 3), lambda b, i: (b, i, 0)),
            pl.BlockSpec((1, A * 3, N), lambda b, i: (b, 0, 0)),
            pl.BlockSpec((1, 1, N), lambda b, i: (b, 0, 0)),
            pl.BlockSpec((1, TILE, 1), lambda b, i: (b, i, 0)),
            pl.BlockSpec((A * 3, DIM_NODES), lambda b, i: (0, 0)),
            pl.BlockSpec((A, DIM_NODES), lambda b, i: (0, 0)),
            pl.BlockSpec((NUM_RBF, DIM_EDGES), lambda b, i: (0, 0)),
            pl.BlockSpec((3, DIM_EDGES), lambda b, i: (0, 0)),
            pl.BlockSpec((1, DIM_NODES), lambda b, i: (0, 0)),
            pl.BlockSpec((1, DIM_EDGES), lambda b, i: (0, 0)),
            pl.BlockSpec((1, NUM_RBF), lambda b, i: (0, 0)),
        ],
        out_specs=[
            pl.BlockSpec((1, TILE, DIM_NODES), lambda b, i: (b, i, 0)),
            pl.BlockSpec((1, TILE, K * DIM_EDGES), lambda b, i: (b, i, 0)),
            pl.BlockSpec((1, TILE, K), lambda b, i: (b, i, 0)),
            pl.BlockSpec((1, TILE, K), lambda b, i: (b, i, 0)),
        ],
        out_shape=[
            jax.ShapeDtypeStruct((B, N, DIM_NODES), jnp.float32),
            jax.ShapeDtypeStruct((B, N, K * DIM_EDGES), jnp.float32),
            jax.ShapeDtypeStruct((B, N, K), jnp.int32),
            jax.ShapeDtypeStruct((B, N, K), jnp.float32),
        ],
        scratch_shapes=[pltpu.VMEM((TILE, N), jnp.float32)],
    )(x12, xt, mrow, mcol,
      W_node[:A * 3], W_node[A * 3:],
      W_edge[:NUM_RBF], W_edge[NUM_RBF:],
      b_node.reshape(1, DIM_NODES), b_edge.reshape(1, DIM_EDGES), centers)

    edge_h = edge_big.reshape(B, N, K, DIM_EDGES)
    return node_h, edge_h, edge_idx, mask_i, mask_ij

# --- scband reference (transcript-rebuilt; emitter-appended) ---
"""Pipeline reference for scband-flow-model-binder-25211458027674 (READ-ONLY COPY).

The authoritative reference and input builder live on the scoring server;
editing this copy changes nothing except your own understanding.
"""

import jax, jax.numpy as jnp
import numpy as np

B, N, A = 4, 2048, 4
DIM_NODES, DIM_EDGES, K, NUM_RBF = 256, 128, 30, 32
NODE_IN = 16
EDGE_IN = NUM_RBF + 3

def setup_inputs(seed: int = 0) -> dict:
    key = jax.random.key(seed)
    k1, k2, k3, k4 = jax.random.split(key, 4)
    X = jax.random.normal(k1, (B, N, A, 3), dtype=jnp.float32)
    C = jax.random.randint(k2, (B, N), 0, 4)
    W_node = jax.random.normal(k3, (NODE_IN, DIM_NODES), dtype=jnp.float32) * 0.05
    b_node = jnp.zeros((DIM_NODES,), dtype=jnp.float32)
    W_edge = jax.random.normal(k4, (EDGE_IN, DIM_EDGES), dtype=jnp.float32) * 0.05
    b_edge = jnp.zeros((DIM_EDGES,), dtype=jnp.float32)
    return {"X": X, "C": C, "W_node": W_node, "b_node": b_node, "W_edge": W_edge, "b_edge": b_edge}

def reference(X, C, W_node, b_node, W_edge, b_edge):
    # centroid per residue (graph_distance_atom_type = -1 -> centroid)
    Xc = jnp.mean(X, axis=2)  # [B, N, 3]
    diff = Xc[:, :, None, :] - Xc[:, None, :, :]
    D = jnp.sqrt(jnp.sum(diff * diff, axis=-1) + 1e-8)  # [B, N, N]
    eye = jnp.eye(N, dtype=bool)
    D_masked = jnp.where(eye[None, :, :], 1e9, D)
    # kNN graph construction via top-k of negative distances
    neg_topk, edge_idx = jax.lax.top_k(-D_masked, K)  # [B, N, K]
    D_ij = -neg_topk
    edge_idx = edge_idx.astype(jnp.int32)
    # gather neighbor centroid coords
    Xj = jax.vmap(lambda xc, idx: xc[idx])(Xc, edge_idx)  # [B, N, K, 3]
    dirs = Xj - Xc[:, :, None, :]
    dirs = dirs / (jnp.linalg.norm(dirs, axis=-1, keepdims=True) + 1e-8)
    # RBF distance featurization (distances_2mer-style edge features)
    centers = jnp.linspace(0.0, 20.0, NUM_RBF)
    sigma = 20.0 / NUM_RBF
    rbf = jnp.exp(-(((D_ij[..., None] - centers) / sigma) ** 2))  # [B, N, K, NUM_RBF]
    edge_feat = jnp.concatenate([rbf, dirs], axis=-1)  # [B, N, K, EDGE_IN]
    edge_h = edge_feat @ W_edge + b_edge  # [B, N, K, DIM_EDGES]
    # internal-coordinate node features with log lengths
    centered = X - Xc[:, :, None, :]  # [B, N, A, 3]
    lengths = jnp.linalg.norm(centered, axis=-1)  # [B, N, A]
    node_feat = jnp.concatenate([centered.reshape(B, N, A * 3), jnp.log(lengths + 1e-6)], axis=-1)  # [B, N, 16]
    node_h = node_feat @ W_node + b_node  # [B, N, DIM_NODES]
    # masks from chain map
    mask_i = (C >= 0).astype(jnp.float32)  # [B, N]
    mask_j = jax.vmap(lambda m, idx: m[idx])(mask_i, edge_idx)  # [B, N, K]
    mask_ij = mask_i[:, :, None] * mask_j
    node_h = node_h * mask_i[..., None]
    edge_h = edge_h * mask_ij[..., None]
    return node_h, edge_h, edge_idx, mask_i, mask_ij

if __name__ == "__main__":
    import jax
    _d = setup_inputs()
    print(jax.jit(kernel)(*tuple(_d.values())))

</pallas_src>

<mosaic_0001>
module attributes {stable_mosaic.version = 14 : i64} {
  func.func @_body(%arg0: i32, %arg1: i32, %arg2: memref<1x256x12xf32, #tpu.memory_space<vmem>>, %arg3: memref<1x12x2048xf32, #tpu.memory_space<vmem>>, %arg4: memref<1x1x2048xf32, #tpu.memory_space<vmem>>, %arg5: memref<1x256x1xf32, #tpu.memory_space<vmem>>, %arg6: memref<12x256xf32, #tpu.memory_space<vmem>>, %arg7: memref<4x256xf32, #tpu.memory_space<vmem>>, %arg8: memref<32x128xf32, #tpu.memory_space<vmem>>, %arg9: memref<3x128xf32, #tpu.memory_space<vmem>>, %arg10: memref<1x256xf32, #tpu.memory_space<vmem>>, %arg11: memref<1x128xf32, #tpu.memory_space<vmem>>, %arg12: memref<1x32xf32, #tpu.memory_space<vmem>>, %arg13: memref<1x256x256xf32, #tpu.memory_space<vmem>>, %arg14: memref<1x256x3840xf32, #tpu.memory_space<vmem>>, %arg15: memref<1x256x30xi32, #tpu.memory_space<vmem>>, %arg16: memref<1x256x30xf32, #tpu.memory_space<vmem>>, %arg17: memref<256x2048xf32, #tpu.memory_space<vmem>>) attributes {dimension_semantics = [#tpu.dimension_semantics<arbitrary>, #tpu.dimension_semantics<arbitrary>], iteration_bounds = array<i64: 4, 8>, scalar_prefetch = 0 : i64, scratch_operands = 1 : i64, tpu.core_type = #tpu.core_type<tc>, window_params = [{transform_indices = @transform_0, window_bounds = array<i64: 1, 256, 12>}, {transform_indices = @transform_1, window_bounds = array<i64: 1, 12, 2048>}, {transform_indices = @transform_2, window_bounds = array<i64: 1, 1, 2048>}, {transform_indices = @transform_3, window_bounds = array<i64: 1, 256, 1>}, {pipeline_mode = #tpu.pipeline_mode<synchronous>, transform_indices = @transform_4, window_bounds = array<i64: 12, 256>}, {pipeline_mode = #tpu.pipeline_mode<synchronous>, transform_indices = @transform_5, window_bounds = array<i64: 4, 256>}, {pipeline_mode = #tpu.pipeline_mode<synchronous>, transform_indices = @transform_6, window_bounds = array<i64: 32, 128>}, {pipeline_mode = #tpu.pipeline_mode<synchronous>, transform_indices = @transform_7, window_bounds = array<i64: 3, 128>}, {pipeline_mode = #tpu.pipeline_mode<synchronous>, transform_indices = @transform_8, window_bounds = array<i64: 1, 256>}, {pipeline_mode = #tpu.pipeline_mode<synchronous>, transform_indices = @transform_9, window_bounds = array<i64: 1, 128>}, {pipeline_mode = #tpu.pipeline_mode<synchronous>, transform_indices = @transform_10, window_bounds = array<i64: 1, 32>}, {transform_indices = @transform_11, window_bounds = array<i64: 1, 256, 256>}, {transform_indices = @transform_12, window_bounds = array<i64: 1, 256, 3840>}, {transform_indices = @transform_13, window_bounds = array<i64: 1, 256, 30>}, {transform_indices = @transform_14, window_bounds = array<i64: 1, 256, 30>}]} {
    %get3A = arith.constant 0 : index
    %get3A_0 = arith.constant 0 : index
    %get3A_1 = arith.constant 0 : index
    %get3A_2 = vector.load %arg2[%get3A, %get3A_0, %get3A_1] : memref<1x256x12xf32, #tpu.memory_space<vmem>>, vector<1x256x12xf32>
    %get3A_3 = vector.shape_cast %get3A_2 : vector<1x256x12xf32> to vector<256x12xf32>
    %get3A_4 = arith.constant 0 : index
    %get3A_5 = arith.constant 0 : index
    %get3A_6 = arith.constant 0 : index
    %get3A_7 = vector.load %arg3[%get3A_4, %get3A_5, %get3A_6] : memref<1x12x2048xf32, #tpu.memory_space<vmem>>, vector<1x12x2048xf32>
    %get3A_8 = vector.shape_cast %get3A_7 : vector<1x12x2048xf32> to vector<12x2048xf32>
    %slice3A = vector.extract_strided_slice %get3A_3 {offsets = [0, 0], sizes = [256, 1], strides = [1, 1]} : vector<256x12xf32> to vector<256x1xf32>
    %slice3A_9 = vector.extract_strided_slice %get3A_3 {offsets = [0, 3], sizes = [256, 1], strides = [1, 1]} : vector<256x12xf32> to vector<256x1xf32>
    %add3A = arith.addf %slice3A, %slice3A_9 : vector<256x1xf32>
    %slice3A_10 = vector.extract_strided_slice %get3A_3 {offsets = [0, 6], sizes = [256, 1], strides = [1, 1]} : vector<256x12xf32> to vector<256x1xf32>
    %add3A_11 = arith.addf %add3A, %slice3A_10 : vector<256x1xf32>
    %slice3A_12 = vector.extract_strided_slice %get3A_3 {offsets = [0, 9], sizes = [256, 1], strides = [1, 1]} : vector<256x12xf32> to vector<256x1xf32>
    %add3A_13 = arith.addf %add3A_11, %slice3A_12 : vector<256x1xf32>
    %mul3A = arith.constant 2.500000e-01 : f32
    %mul3A_14 = vector.broadcast %mul3A : f32 to vector<256x1xf32>
    %mul3A_15 = arith.mulf %add3A_13, %mul3A_14 : vector<256x1xf32>
    %slice3A_16 = vector.extract_strided_slice %get3A_3 {offsets = [0, 1], sizes = [256, 1], strides = [1, 1]} : vector<256x12xf32> to vector<256x1xf32>
    %slice3A_17 = vector.extract_strided_slice %get3A_3 {offsets = [0, 4], sizes = [256, 1], strides = [1, 1]} : vector<256x12xf32> to vector<256x1xf32>
    %add3A_18 = arith.addf %slice3A_16, %slice3A_17 : vector<256x1xf32>
    %slice3A_19 = vector.extract_strided_slice %get3A_3 {offsets = [0, 7], sizes = [256, 1], strides = [1, 1]} : vector<256x12xf32> to vector<256x1xf32>
    %add3A_20 = arith.addf %add3A_18, %slice3A_19 : vector<256x1xf32>
    %slice3A_21 = vector.extract_strided_slice %get3A_3 {offsets = [0, 10], sizes = [256, 1], strides = [1, 1]} : vector<256x12xf32> to vector<256x1xf32>
    %add3A_22 = arith.addf %add3A_20, %slice3A_21 : vector<256x1xf32>
    %mul3A_23 = arith.constant 2.500000e-01 : f32
    %mul3A_24 = vector.broadcast %mul3A_23 : f32 to vector<256x1xf32>
    %mul3A_25 = arith.mulf %add3A_22, %mul3A_24 : vector<256x1xf32>
    %slice3A_26 = vector.extract_strided_slice %get3A_3 {offsets = [0, 2], sizes = [256, 1], strides = [1, 1]} : vector<256x12xf32> to vector<256x1xf32>
    %slice3A_27 = vector.extract_strided_slice %get3A_3 {offsets = [0, 5], sizes = [256, 1], strides = [1, 1]} : vector<256x12xf32> to vector<256x1xf32>
    %add3A_28 = arith.addf %slice3A_26, %slice3A_27 : vector<256x1xf32>
    %slice3A_29 = vector.extract_strided_slice %get3A_3 {offsets = [0, 8], sizes = [256, 1], strides = [1, 1]} : vector<256x12xf32> to vector<256x1xf32>
    %add3A_30 = arith.addf %add3A_28, %slice3A_29 : vector<256x1xf32>
    %slice3A_31 = vector.extract_strided_slice %get3A_3 {offsets = [0, 11], sizes = [256, 1], strides = [1, 1]} : vector<256x12xf32> to vector<256x1xf32>
    %add3A_32 = arith.addf %add3A_30, %slice3A_31 : vector<256x1xf32>
    %mul3A_33 = arith.constant 2.500000e-01 : f32
    %mul3A_34 = vector.broadcast %mul3A_33 : f32 to vector<256x1xf32>
    %mul3A_35 = arith.mulf %add3A_32, %mul3A_34 : vector<256x1xf32>
    %slice3A_36 = vector.extract_strided_slice %get3A_8 {offsets = [0, 0], sizes = [1, 2048], strides = [1, 1]} : vector<12x2048xf32> to vector<1x2048xf32>
    %slice3A_37 = vector.extract_strided_slice %get3A_8 {offsets = [3, 0], sizes = [1, 2048], strides = [1, 1]} : vector<12x2048xf32> to vector<1x2048xf32>
    %add3A_38 = arith.addf %slice3A_36, %slice3A_37 : vector<1x2048xf32>
    %slice3A_39 = vector.extract_strided_slice %get3A_8 {offsets = [6, 0], sizes = [1, 2048], strides = [1, 1]} : vector<12x2048xf32> to vector<1x2048xf32>
    %add3A_40 = arith.addf %add3A_38, %slice3A_39 : vector<1x2048xf32>
    %slice3A_41 = vector.extract_strided_slice %get3A_8 {offsets = [9, 0], sizes = [1, 2048], strides = [1, 1]} : vector<12x2048xf32> to vector<1x2048xf32>
    %add3A_42 = arith.addf %add3A_40, %slice3A_41 : vector<1x2048xf32>
    %mul3A_43 = arith.constant 2.500000e-01 : f32
    %mul3A_44 = vector.broadcast %mul3A_43 : f32 to vector<1x2048xf32>
    %mul3A_45 = arith.mulf %add3A_42, %mul3A_44 : vector<1x2048xf32>
    %slice3A_46 = vector.extract_strided_slice %get3A_8 {offsets = [1, 0], sizes = [1, 2048], strides = [1, 1]} : vector<12x2048xf32> to vector<1x2048xf32>
    %slice3A_47 = vector.extract_strided_slice %get3A_8 {offsets = [4, 0], sizes = [1, 2048], strides = [1, 1]} : vector<12x2048xf32> to vector<1x2048xf32>
    %add3A_48 = arith.addf %slice3A_46, %slice3A_47 : vector<1x2048xf32>
    %slice3A_49 = vector.extract_strided_slice %get3A_8 {offsets = [7, 0], sizes = [1, 2048], strides = [1, 1]} : vector<12x2048xf32> to vector<1x2048xf32>
    %add3A_50 = arith.addf %add3A_48, %slice3A_49 : vector<1x2048xf32>
    %slice3A_51 = vector.extract_strided_slice %get3A_8 {offsets = [10, 0], sizes = [1, 2048], strides = [1, 1]} : vector<12x2048xf32> to vector<1x2048xf32>
    %add3A_52 = arith.addf %add3A_50, %slice3A_51 : vector<1x2048xf32>
    %mul3A_53 = arith.constant 2.500000e-01 : f32
    %mul3A_54 = vector.broadcast %mul3A_53 : f32 to vector<1x2048xf32>
    %mul3A_55 = arith.mulf %add3A_52, %mul3A_54 : vector<1x2048xf32>
    %slice3A_56 = vector.extract_strided_slice %get3A_8 {offsets = [2, 0], sizes = [1, 2048], strides = [1, 1]} : vector<12x2048xf32> to vector<1x2048xf32>
    %slice3A_57 = vector.extract_strided_slice %get3A_8 {offsets = [5, 0], sizes = [1, 2048], strides = [1, 1]} : vector<12x2048xf32> to vector<1x2048xf32>
    %add3A_58 = arith.addf %slice3A_56, %slice3A_57 : vector<1x2048xf32>
    %slice3A_59 = vector.extract_strided_slice %get3A_8 {offsets = [8, 0], sizes = [1, 2048], strides = [1, 1]} : vector<12x2048xf32> to vector<1x2048xf32>
    %add3A_60 = arith.addf %add3A_58, %slice3A_59 : vector<1x2048xf32>
    %slice3A_61 = vector.extract_strided_slice %get3A_8 {offsets = [11, 0], sizes = [1, 2048], strides = [1, 1]} : vector<12x2048xf32> to vector<1x2048xf32>
    %add3A_62 = arith.addf %add3A_60, %slice3A_61 : vector<1x2048xf32>
    %mul3A_63 = arith.constant 2.500000e-01 : f32
    %mul3A_64 = vector.broadcast %mul3A_63 : f32 to vector<1x2048xf32>
    %mul3A_65 = arith.mulf %add3A_62, %mul3A_64 : vector<1x2048xf32>
    %sub3A = vector.broadcast %mul3A_15 : vector<256x1xf32> to vector<256x2048xf32>
    %sub3A_66 = vector.broadcast %mul3A_45 : vector<1x2048xf32> to vector<256x2048xf32>
    %sub3A_67 = arith.subf %sub3A, %sub3A_66 : vector<256x2048xf32>
    %integer_pow3A = arith.mulf %sub3A_67, %sub3A_67 : vector<256x2048xf32>
    %sub3A_68 = vector.broadcast %mul3A_35 : vector<256x1xf32> to vector<256x2048xf32>
    %sub3A_69 = vector.broadcast %mul3A_65 : vector<1x2048xf32> to vector<256x2048xf32>
    %sub3A_70 = arith.subf %sub3A_68, %sub3A_69 : vector<256x2048xf32>
    %integer_pow3A_71 = arith.mulf %sub3A_70, %sub3A_70 : vector<256x2048xf32>
    %add3A_72 = arith.addf %integer_pow3A, %integer_pow3A_71 : vector<256x2048xf32>
    %sub3A_73 = vector.broadcast %mul3A_25 : vector<256x1xf32> to vector<256x2048xf32>
    %sub3A_74 = vector.broadcast %mul3A_55 : vector<1x2048xf32> to vector<256x2048xf32>
    %sub3A_75 = arith.subf %sub3A_73, %sub3A_74 : vector<256x2048xf32>
    %integer_pow3A_76 = arith.mulf %sub3A_75, %sub3A_75 : vector<256x2048xf32>
    %add3A_77 = arith.addf %add3A_72, %integer_pow3A_76 : vector<256x2048xf32>
    %add3A_78 = arith.constant 9.99999993E-9 : f32
    %add3A_79 = vector.broadcast %add3A_78 : f32 to vector<256x2048xf32>
    %add3A_80 = arith.addf %add3A_77, %add3A_79 : vector<256x2048xf32>
    %sqrt3A = math.sqrt %add3A_80 : vector<256x2048xf32>
    %iota3A = tpu.iota {dimensions = array<i32: 1>} : vector<256x2048xi32>
    %iota3A_81 = tpu.iota {dimensions = array<i32: 0>} : vector<256x1xi32>
    %mul3A_82 = arith.constant 256 : i32
    %mul3A_83 = arith.muli %arg1, %mul3A_82 : i32
    %add3A_84 = vector.broadcast %mul3A_83 : i32 to vector<256x1xi32>
    %add3A_85 = arith.addi %iota3A_81, %add3A_84 : vector<256x1xi32>
    %eq3A = vector.broadcast %add3A_85 : vector<256x1xi32> to vector<256x2048xi32>
    %eq3A_86 = arith.cmpi eq, %iota3A, %eq3A : vector<256x2048xi32>
    %jit3A = arith.constant 1.000000e+09 : f32
    %broadcast_in_dim3A = vector.broadcast %jit3A : f32 to vector<256x2048xf32>
    %select_n3A = arith.select %eq3A_86, %broadcast_in_dim3A, %sqrt3A : vector<256x2048xi1>, vector<256x2048xf32>
    %swap3A = arith.constant 0 : index
    %swap3A_87 = arith.constant 0 : index
    %swap3A_88 = vector.load %arg17[%swap3A, %swap3A_87] : memref<256x2048xf32, #tpu.memory_space<vmem>>, vector<256x2048xf32>
    tpu.vector_store %arg17[%swap3A, %swap3A_87], %select_n3A {strides = array<i32>} : memref<256x2048xf32, #tpu.memory_space<vmem>>, vector<256x2048xf32>,
    %get3A_89 = arith.constant 0 : index
    %get3A_90 = arith.constant 0 : index
    %get3A_91 = arith.constant 0 : index
    %get3A_92 = vector.load %arg4[%get3A_89, %get3A_90, %get3A_91] : memref<1x1x2048xf32, #tpu.memory_space<vmem>>, vector<1x1x2048xf32>
    %get3A_93 = vector.shape_cast %get3A_92 : vector<1x1x2048xf32> to vector<1x2048xf32>
    %concatenate3A = tpu.concatenate %mul3A_45, %mul3A_55, %mul3A_65, %get3A_93 in 0 : vector<1x2048xf32>, vector<1x2048xf32>, vector<1x2048xf32>, vector<1x2048xf32> -> vector<4x2048xf32>
    %convert_element_type3A = arith.truncf %concatenate3A : vector<4x2048xf32> to vector<4x2048xbf16>
    %convert_element_type3A_94 = arith.extf %convert_element_type3A : vector<4x2048xbf16> to vector<4x2048xf32>
    %sub3A_95 = arith.subf %concatenate3A, %convert_element_type3A_94 : vector<4x2048xf32>
    %convert_element_type3A_96 = arith.truncf %sub3A_95 : vector<4x2048xf32> to vector<4x2048xbf16>
    %convert_element_type3A_97 = arith.extf %convert_element_type3A_96 : vector<4x2048xbf16> to vector<4x2048xf32>
    %sub3A_98 = arith.subf %sub3A_95, %convert_element_type3A_97 : vector<4x2048xf32>
    %convert_element_type3A_99 = arith.truncf %sub3A_98 : vector<4x2048xf32> to vector<4x2048xbf16>
    %concatenate3A_100 = tpu.concatenate %convert_element_type3A, %convert_element_type3A_96, %convert_element_type3A_99 in 0 : vector<4x2048xbf16>, vector<4x2048xbf16>, vector<4x2048xbf16> -> vector<12x2048xbf16>
    %get3A_101 = arith.constant 0 : index
    %get3A_102 = arith.constant 0 : index
    %get3A_103 = arith.constant 0 : index
    %get3A_104 = vector.load %arg5[%get3A_101, %get3A_102, %get3A_103] : memref<1x256x1xf32, #tpu.memory_space<vmem>>, vector<1x256x1xf32>
    %get3A_105 = vector.shape_cast %get3A_104 : vector<1x256x1xf32> to vector<256x1xf32>
    %get3A_106 = arith.constant 0 : index
    %get3A_107 = arith.constant 0 : index
    %get3A_108 = vector.load %arg12[%get3A_106, %get3A_107] : memref<1x32xf32, #tpu.memory_space<vmem>>, vector<1x32xf32>
    %get3A_109 = arith.constant 0 : index
    %get3A_110 = arith.constant 0 : index
    %get3A_111 = vector.load %arg11[%get3A_109, %get3A_110] : memref<1x128xf32, #tpu.memory_space<vmem>>, vector<1x128xf32>
    %get3A_112 = arith.constant 0 : index
    %get3A_113 = arith.constant 0 : index
    %get3A_114 = vector.load %arg8[%get3A_112, %get3A_113] : memref<32x128xf32, #tpu.memory_space<vmem>>, vector<32x128xf32>
    %get3A_115 = arith.constant 0 : index
    %get3A_116 = arith.constant 0 : index
    %get3A_117 = vector.load %arg9[%get3A_115, %get3A_116] : memref<3x128xf32, #tpu.memory_space<vmem>>, vector<3x128xf32>
    %get3A_118 = arith.constant 0 : index
    %get3A_119 = arith.constant 0 : index
    %get3A_120 = vector.load %arg17[%get3A_118, %get3A_119] : memref<256x2048xf32, #tpu.memory_space<vmem>>, vector<256x2048xf32>
    %reduce_min3A = arith.constant dense<0x7F800000> : vector<256xf32>
    %reduce_min3A_121 = vector.multi_reduction <minimumf>, %get3A_120, %reduce_min3A [1] : vector<256x2048xf32> to vector<256xf32>
    %broadcast_in_dim3A_122 = vector.shape_cast %reduce_min3A_121 : vector<256xf32> to vector<256x1xf32>
    %eq3A_123 = vector.broadcast %broadcast_in_dim3A_122 : vector<256x1xf32> to vector<256x2048xf32>
    %eq3A_124 = arith.cmpf oeq, %get3A_120, %eq3A_123 : vector<256x2048xf32>
    %jit3A_125 = arith.constant 2048 : i32
    %broadcast_in_dim3A_126 = vector.broadcast %jit3A_125 : i32 to vector<256x2048xi32>
    %select_n3A_127 = arith.select %eq3A_124, %iota3A, %broadcast_in_dim3A_126 : vector<256x2048xi1>, vector<256x2048xi32>
    %reduce_min3A_128 = arith.constant dense<2147483647> : vector<256xi32>
    %reduce_min3A_129 = vector.multi_reduction <minsi>, %select_n3A_127, %reduce_min3A_128 [1] : vector<256x2048xi32> to vector<256xi32>
    %broadcast_in_dim3A_130 = vector.shape_cast %reduce_min3A_129 : vector<256xi32> to vector<256x1xi32>
    %eq3A_131 = vector.broadcast %broadcast_in_dim3A_130 : vector<256x1xi32> to vector<256x2048xi32>
    %eq3A_132 = arith.cmpi eq, %iota3A, %eq3A_131 : vector<256x2048xi32>
    %jit3A_133 = arith.constant 1.000000e+09 : f32
    %broadcast_in_dim3A_134 = vector.broadcast %jit3A_133 : f32 to vector<256x2048xf32>
    %select_n3A_135 = arith.select %eq3A_132, %broadcast_in_dim3A_134, %get3A_120 : vector<256x2048xi1>, vector<256x2048xf32>
    %swap3A_136 = arith.constant 0 : index
    %swap3A_137 = arith.constant 0 : index
    %swap3A_138 = vector.load %arg17[%swap3A_136, %swap3A_137] : memref<256x2048xf32, #tpu.memory_space<vmem>>, vector<256x2048xf32>
    tpu.vector_store %arg17[%swap3A_136, %swap3A_137], %select_n3A_135 {strides = array<i32>} : memref<256x2048xf32, #tpu.memory_space<vmem>>, vector<256x2048xf32>,
    %convert_element_type3A_139 = arith.extui %eq3A_132 : vector<256x2048xi1> to vector<256x2048xi32>
    %convert_element_type3A_140 = arith.sitofp %convert_element_type3A_139 : vector<256x2048xi32> to vector<256x2048xf32>
    %convert_element_type3A_141 = arith.truncf %convert_element_type3A_140 : vector<256x2048xf32> to vector<256x2048xbf16>
    %dot_general3A = arith.constant dense<0.000000e+00> : vector<256x12xf32>
    %dot_general3A_142 = tpu.matmul %convert_element_type3A_141, %concatenate3A_100, %dot_general3A {dimension_numbers = #tpu.dot_dimension_numbers<[1], [1], [0], [0], [0, 0, 1, 0], [], []>, transpose_lhs_hint = false} : vector<256x2048xbf16>, vector<12x2048xbf16>, vector<256x12xf32> -> vector<256x12xf32>
    %slice3A_143 = vector.extract_strided_slice %dot_general3A_142 {offsets = [0, 0], sizes = [256, 1], strides = [1, 1]} : vector<256x12xf32> to vector<256x1xf32>
    %slice3A_144 = vector.extract_strided_slice %dot_general3A_142 {offsets = [0, 4], sizes = [256, 1], strides = [1, 1]} : vector<256x12xf32> to vector<256x1xf32>
    %add3A_145 = arith.addf %slice3A_143, %slice3A_144 : vector<256x1xf32>
    %slice3A_146 = vector.extract_strided_slice %dot_general3A_142 {offsets = [0, 8], sizes = [256, 1], strides = [1, 1]} : vector<256x12xf32> to vector<256x1xf32>
    %add3A_147 = arith.addf %add3A_145, %slice3A_146 : vector<256x1xf32>
    %sub3A_148 = arith.subf %add3A_147, %mul3A_15 : vector<256x1xf32>
    %slice3A_149 = vector.extract_strided_slice %dot_general3A_142 {offsets = [0, 1], sizes = [256, 1], strides = [1, 1]} : vector<256x12xf32> to vector<256x1xf32>
    %slice3A_150 = vector.extract_strided_slice %dot_general3A_142 {offsets = [0, 5], sizes = [256, 1], strides = [1, 1]} : vector<256x12xf32> to vector<256x1xf32>
    %add3A_151 = arith.addf %slice3A_149, %slice3A_150 : vector<256x1xf32>
    %slice3A_152 = vector.extract_strided_slice %dot_general3A_142 {offsets = [0, 9], sizes = [256, 1], strides = [1, 1]} : vector<256x12xf32> to vector<256x1xf32>
    %add3A_153 = arith.addf %add3A_151, %slice3A_152 : vector<256x1xf32>
    %sub3A_154 = arith.subf %add3A_153, %mul3A_25 : vector<256x1xf32>
    %slice3A_155 = vector.extract_strided_slice %dot_general3A_142 {offsets = [0, 2], sizes = [256, 1], strides = [1, 1]} : vector<256x12xf32> to vector<256x1xf32>
    %slice3A_156 = vector.extract_strided_slice %dot_general3A_142 {offsets = [0, 6], sizes = [256, 1], strides = [1, 1]} : vector<256x12xf32> to vector<256x1xf32>
    %add3A_157 = arith.addf %slice3A_155, %slice3A_156 : vector<256x1xf32>
    %slice3A_158 = vector.extract_strided_slice %dot_general3A_142 {offsets = [0, 10], sizes = [256, 1], strides = [1, 1]} : vector<256x12xf32> to vector<256x1xf32>
    %add3A_159 = arith.addf %add3A_157, %slice3A_158 : vector<256x1xf32>
    %sub3A_160 = arith.subf %add3A_159, %mul3A_35 : vector<256x1xf32>
    %slice3A_161 = vector.extract_strided_slice %dot_general3A_142 {offsets = [0, 3], sizes = [256, 1], strides = [1, 1]} : vector<256x12xf32> to vector<256x1xf32>
    %add3A_162 = arith.constant 9.99999993E-9 : f32
    %add3A_163 = vector.broadcast %add3A_162 : f32 to vector<256x1xf32>
    %add3A_164 = arith.addf %broadcast_in_dim3A_122, %add3A_163 : vector<256x1xf32>
    %div3A = arith.constant 1.000000e+00 : f32
    %div3A_165 = vector.broadcast %div3A : f32 to vector<256x1xf32>
    %div3A_166 = arith.divf %div3A_165, %add3A_164 : vector<256x1xf32>
    %sub3A_167 = vector.broadcast %broadcast_in_dim3A_122 : vector<256x1xf32> to vector<256x32xf32>
    %sub3A_168 = vector.broadcast %get3A_108 : vector<1x32xf32> to vector<256x32xf32>
    %sub3A_169 = arith.subf %sub3A_167, %sub3A_168 : vector<256x32xf32>
    %div3A_170 = arith.constant 6.250000e-01 : f32
    %div3A_171 = vector.broadcast %div3A_170 : f32 to vector<256x32xf32>
    %div3A_172 = arith.divf %sub3A_169, %div3A_171 : vector<256x32xf32>
    %mul3A_173 = arith.mulf %div3A_172, %div3A_172 : vector<256x32xf32>
    %neg3A = arith.constant 0.000000e+00 : f32
    %neg3A_174 = vector.broadcast %neg3A : f32 to vector<256x32xf32>
    %neg3A_175 = arith.subf %neg3A_174, %mul3A_173 : vector<256x32xf32>
    %exp3A = math.exp %neg3A_175 : vector<256x32xf32>
    %dot_general3A_176 = arith.constant dense<0.000000e+00> : vector<256x128xf32>
    %dot_general3A_177 = tpu.matmul %exp3A, %get3A_114, %dot_general3A_176 {dimension_numbers = #tpu.dot_dimension_numbers<[1], [0], [0], [1], [0, 0, 1, 1], [], []>, transpose_lhs_hint = false} : vector<256x32xf32>, vector<32x128xf32>, vector<256x128xf32> -> vector<256x128xf32>
    %mul3A_178 = arith.mulf %sub3A_148, %div3A_166 : vector<256x1xf32>
    %slice3A_179 = vector.extract_strided_slice %get3A_117 {offsets = [0, 0], sizes = [1, 128], strides = [1, 1]} : vector<3x128xf32> to vector<1x128xf32>
    %mul3A_180 = vector.broadcast %mul3A_178 : vector<256x1xf32> to vector<256x128xf32>
    %mul3A_181 = vector.broadcast %slice3A_179 : vector<1x128xf32> to vector<256x128xf32>
    %mul3A_182 = arith.mulf %mul3A_180, %mul3A_181 : vector<256x128xf32>
    %mul3A_183 = arith.mulf %sub3A_154, %div3A_166 : vector<256x1xf32>
    %slice3A_184 = vector.extract_strided_slice %get3A_117 {offsets = [1, 0], sizes = [1, 128], strides = [1, 1]} : vector<3x128xf32> to vector<1x128xf32>
    %mul3A_185 = vector.broadcast %mul3A_183 : vector<256x1xf32> to vector<256x128xf32>
    %mul3A_186 = vector.broadcast %slice3A_184 : vector<1x128xf32> to vector<256x128xf32>
    %mul3A_187 = arith.mulf %mul3A_185, %mul3A_186 : vector<256x128xf32>
    %add3A_188 = arith.addf %mul3A_182, %mul3A_187 : vector<256x128xf32>
    %mul3A_189 = arith.mulf %sub3A_160, %div3A_166 : vector<256x1xf32>
    %slice3A_190 = vector.extract_strided_slice %get3A_117 {offsets = [2, 0], sizes = [1, 128], strides = [1, 1]} : vector<3x128xf32> to vector<1x128xf32>
    %mul3A_191 = vector.broadcast %mul3A_189 : vector<256x1xf32> to vector<256x128xf32>
    %mul3A_192 = vector.broadcast %slice3A_190 : vector<1x128xf32> to vector<256x128xf32>
    %mul3A_193 = arith.mulf %mul3A_191, %mul3A_192 : vector<256x128xf32>
    %add3A_194 = arith.addf %add3A_188, %mul3A_193 : vector<256x128xf32>
    %add3A_195 = arith.addf %dot_general3A_177, %add3A_194 : vector<256x128xf32>
    %add3A_196 = vector.broadcast %get3A_111 : vector<1x128xf32> to vector<256x128xf32>
    %add3A_197 = arith.addf %add3A_195, %add3A_196 : vector<256x128xf32>
    %mul3A_198 = arith.mulf %get3A_105, %slice3A_161 : vector<256x1xf32>
    %mul3A_199 = vector.broadcast %mul3A_198 : vector<256x1xf32> to vector<256x128xf32>
    %mul3A_200 = arith.mulf %add3A_197, %mul3A_199 : vector<256x128xf32>
    %swap3A_201 = arith.constant 0 : index
    %swap3A_202 = arith.constant 0 : index
    %swap3A_203 = arith.constant 0 : index
    %swap3A_204 = vector.load %arg14[%swap3A_201, %swap3A_202, %swap3A_203] : memref<1x256x3840xf32, #tpu.memory_space<vmem>>, vector<1x256x128xf32>
    %swap3A_205 = vector.shape_cast %swap3A_204 : vector<1x256x128xf32> to vector<256x128xf32>
    %swap3A_206 = vector.shape_cast %mul3A_200 : vector<256x128xf32> to vector<1x256x128xf32>
    tpu.vector_store %arg14[%swap3A_201, %swap3A_202, %swap3A_203], %swap3A_206 {strides = array<i32>} : memref<1x256x3840xf32, #tpu.memory_space<vmem>>, vector<1x256x128xf32>,
    %swap3A_207 = arith.constant 0 : index
    %swap3A_208 = arith.constant 0 : index
    %swap3A_209 = arith.constant 0 : index
    %swap3A_210 = vector.load %arg15[%swap3A_207, %swap3A_208, %swap3A_209] : memref<1x256x30xi32, #tpu.memory_space<vmem>>, vector<1x256x1xi32>
    %swap3A_211 = vector.shape_cast %swap3A_210 : vector<1x256x1xi32> to vector<256x1xi32>
    %swap3A_212 = vector.shape_cast %broadcast_in_dim3A_130 : vector<256x1xi32> to vector<1x256x1xi32>
    tpu.vector_store %arg15[%swap3A_207, %swap3A_208, %swap3A_209], %swap3A_212 {strides = array<i32>} : memref<1x256x30xi32, #tpu.memory_space<vmem>>, vector<1x256x1xi32>,
    %swap3A_213 = arith.constant 0 : index
    %swap3A_214 = arith.constant 0 : index
    %swap3A_215 = arith.constant 0 : index
    %swap3A_216 = vector.load %arg16[%swap3A_213, %swap3A_214, %swap3A_215] : memref<1x256x30xf32, #tpu.memory_space<vmem>>, vector<1x256x1xf32>
    %swap3A_217 = vector.shape_cast %swap3A_216 : vector<1x256x1xf32> to vector<256x1xf32>
    %swap3A_218 = vector.shape_cast %mul3A_198 : vector<256x1xf32> to vector<1x256x1xf32>
    tpu.vector_store %arg16[%swap3A_213, %swap3A_214, %swap3A_215], %swap3A_218 {strides = array<i32>} : memref<1x256x30xf32, #tpu.memory_space<vmem>>, vector<1x256x1xf32>,
    %get3A_219 = arith.constant 0 : index
    %get3A_220 = arith.constant 0 : index
    %get3A_221 = vector.load %arg17[%get3A_219, %get3A_220] : memref<256x2048xf32, #tpu.memory_space<vmem>>, vector<256x2048xf32>
    %reduce_min3A_222 = arith.constant dense<0x7F800000> : vector<256xf32>
    %reduce_min3A_223 = vector.multi_reduction <minimumf>, %get3A_221, %reduce_min3A_222 [1] : vector<256x2048xf32> to vector<256xf32>
    %broadcast_in_dim3A_224 = vector.shape_cast %reduce_min3A_223 : vector<256xf32> to vector<256x1xf32>
    %eq3A_225 = vector.broadcast %broadcast_in_dim3A_224 : vector<256x1xf32> to vector<256x2048xf32>
    %eq3A_226 = arith.cmpf oeq, %get3A_221, %eq3A_225 : vector<256x2048xf32>
    %jit3A_227 = arith.constant 2048 : i32
    %broadcast_in_dim3A_228 = vector.broadcast %jit3A_227 : i32 to vector<256x2048xi32>
    %select_n3A_229 = arith.select %eq3A_226, %iota3A, %broadcast_in_dim3A_228 : vector<256x2048xi1>, vector<256x2048xi32>
    %reduce_min3A_230 = arith.constant dense<2147483647> : vector<256xi32>
    %reduce_min3A_231 = vector.multi_reduction <minsi>, %select_n3A_229, %reduce_min3A_230 [1] : vector<256x2048xi32> to vector<256xi32>
    %broadcast_in_dim3A_232 = vector.shape_cast %reduce_min3A_231 : vector<256xi32> to vector<256x1xi32>
    %eq3A_233 = vector.broadcast %broadcast_in_dim3A_232 : vector<256x1xi32> to vector<256x2048xi32>
    %eq3A_234 = arith.cmpi eq, %iota3A, %eq3A_233 : vector<256x2048xi32>
    %jit3A_235 = arith.constant 1.000000e+09 : f32
    %broadcast_in_dim3A_236 = vector.broadcast %jit3A_235 : f32 to vector<256x2048xf32>
    %select_n3A_237 = arith.select %eq3A_234, %broadcast_in_dim3A_236, %get3A_221 : vector<256x2048xi1>, vector<256x2048xf32>
    %swap3A_238 = arith.constant 0 : index
    %swap3A_239 = arith.constant 0 : index
    %swap3A_240 = vector.load %arg17[%swap3A_238, %swap3A_239] : memref<256x2048xf32, #tpu.memory_space<vmem>>, vector<256x2048xf32>
    tpu.vector_store %arg17[%swap3A_238, %swap3A_239], %select_n3A_237 {strides = array<i32>} : memref<256x2048xf32, #tpu.memory_space<vmem>>, vector<256x2048xf32>,
    %convert_element_type3A_241 = arith.extui %eq3A_234 : vector<256x2048xi1> to vector<256x2048xi32>
    %convert_element_type3A_242 = arith.sitofp %convert_element_type3A_241 : vector<256x2048xi32> to vector<256x2048xf32>
    %convert_element_type3A_243 = arith.truncf %convert_element_type3A_242 : vector<256x2048xf32> to vector<256x2048xbf16>
    %dot_general3A_244 = arith.constant dense<0.000000e+00> : vector<256x12xf32>
    %dot_general3A_245 = tpu.matmul %convert_element_type3A_243, %concatenate3A_100, %dot_general3A_244 {dimension_numbers = #tpu.dot_dimension_numbers<[1], [1], [0], [0], [0, 0, 1, 0], [], []>, transpose_lhs_hint = false} : vector<256x2048xbf16>, vector<12x2048xbf16>, vector<256x12xf32> -> vector<256x12xf32>
    %slice3A_246 = vector.extract_strided_slice %dot_general3A_245 {offsets = [0, 0], sizes = [256, 1], strides = [1, 1]} : vector<256x12xf32> to vector<256x1xf32>
    %slice3A_247 = vector.extract_strided_slice %dot_general3A_245 {offsets = [0, 4], sizes = [256, 1], strides = [1, 1]} : vector<256x12xf32> to vector<256x1xf32>
    %add3A_248 = arith.addf %slice3A_246, %slice3A_247 : vector<256x1xf32>
    %slice3A_249 = vector.extract_strided_slice %dot_general3A_245 {offsets = [0, 8], sizes = [256, 1], strides = [1, 1]} : vector<256x12xf32> to vector<256x1xf32>
    %add3A_250 = arith.addf %add3A_248, %slice3A_249 : vector<256x1xf32>
    %sub3A_251 = arith.subf %add3A_250, %mul3A_15 : vector<256x1xf32>
    %slice3A_252 = vector.extract_strided_slice %dot_general3A_245 {offsets = [0, 1], sizes = [256, 1], strides = [1, 1]} : vector<256x12xf32> to vector<256x1xf32>
    %slice3A_253 = vector.extract_strided_slice %dot_general3A_245 {offsets = [0, 5], sizes = [256, 1], strides = [1, 1]} : vector<256x12xf32> to vector<256x1xf32>
    %add3A_254 = arith.addf %slice3A_252, %slice3A_253 : vector<256x1xf32>
    %slice3A_255 = vector.extract_strided_slice %dot_general3A_245 {offsets = [0, 9], sizes = [256, 1], strides = [1, 1]} : vector<256x12xf32> to vector<256x1xf32>
    %add3A_256 = arith.addf %add3A_254, %slice3A_255 : vector<256x1xf32>
    %sub3A_257 = arith.subf %add3A_256, %mul3A_25 : vector<256x1xf32>
    %slice3A_258 = vector.extract_strided_slice %dot_general3A_245 {offsets = [0, 2], sizes = [256, 1], strides = [1, 1]} : vector<256x12xf32> to vector<256x1xf32>
    %slice3A_259 = vector.extract_strided_slice %dot_general3A_245 {offsets = [0, 6], sizes = [256, 1], strides = [1, 1]} : vector<256x12xf32> to vector<256x1xf32>
    %add3A_260 = arith.addf %slice3A_258, %slice3A_259 : vector<256x1xf32>
    %slice3A_261 = vector.extract_strided_slice %dot_general3A_245 {offsets = [0, 10], sizes = [256, 1], strides = [1, 1]} : vector<256x12xf32> to vector<256x1xf32>
    %add3A_262 = arith.addf %add3A_260, %slice3A_261 : vector<256x1xf32>
    %sub3A_263 = arith.subf %add3A_262, %mul3A_35 : vector<256x1xf32>
    %slice3A_264 = vector.extract_strided_slice %dot_general3A_245 {offsets = [0, 3], sizes = [256, 1], strides = [1, 1]} : vector<256x12xf32> to vector<256x1xf32>
    %add3A_265 = arith.constant 9.99999993E-9 : f32
    %add3A_266 = vector.broadcast %add3A_265 : f32 to vector<256x1xf32>
    %add3A_267 = arith.addf %broadcast_in_dim3A_224, %add3A_266 : vector<256x1xf32>
    %div3A_268 = arith.constant 1.000000e+00 : f32
    %div3A_269 = vector.broadcast %div3A_268 : f32 to vector<256x1xf32>
    %div3A_270 = arith.divf %div3A_269, %add3A_267 : vector<256x1xf32>
    %sub3A_271 = vector.broadcast %broadcast_in_dim3A_224 : vector<256x1xf32> to vector<256x32xf32>
    %sub3A_272 = vector.broadcast %get3A_108 : vector<1x32xf32> to vector<256x32xf32>
    %sub3A_273 = arith.subf %sub3A_271, %sub3A_272 : vector<256x32xf32>
    %div3A_274 = arith.constant 6.250000e-01 : f32
    %div3A_275 = vector.broadcast %div3A_274 : f32 to vector<256x32xf32>
    %div3A_276 = arith.divf %sub3A_273, %div3A_275 : vector<256x32xf32>
    %mul3A_277 = arith.mulf %div3A_276, %div3A_276 : vector<256x32xf32>
    %neg3A_278 = arith.constant 0.000000e+00 : f32
    %neg3A_279 = vector.broadcast %neg3A_278 : f32 to vector<256x32xf32>
    %neg3A_280 = arith.subf %neg3A_279, %mul3A_277 : vector<256x32xf32>
    %exp3A_281 = math.exp %neg3A_280 : vector<256x32xf32>
    %dot_general3A_282 = arith.constant dense<0.000000e+00> : vector<256x128xf32>
    %dot_general3A_283 = tpu.matmul %exp3A_281, %get3A_114, %dot_general3A_282 {dimension_numbers = #tpu.dot_dimension_numbers<[1], [0], [0], [1], [0, 0, 1, 1], [], []>, transpose_lhs_hint = false} : vector<256x32xf32>, vector<32x128xf32>, vector<256x128xf32> -> vector<256x128xf32>
    %mul3A_284 = arith.mulf %sub3A_251, %div3A_270 : vector<256x1xf32>
    %slice3A_285 = vector.extract_strided_slice %get3A_117 {offsets = [0, 0], sizes = [1, 128], strides = [1, 1]} : vector<3x128xf32> to vector<1x128xf32>
    %mul3A_286 = vector.broadcast %mul3A_284 : vector<256x1xf32> to vector<256x128xf32>
    %mul3A_287 = vector.broadcast %slice3A_285 : vector<1x128xf32> to vector<256x128xf32>
    %mul3A_288 = arith.mulf %mul3A_286, %mul3A_287 : vector<256x128xf32>
    %mul3A_289 = arith.mulf %sub3A_257, %div3A_270 : vector<256x1xf32>
    %slice3A_290 = vector.extract_strided_slice %get3A_117 {offsets = [1, 0], sizes = [1, 128], strides = [1, 1]} : vector<3x128xf32> to vector<1x128xf32>
    %mul3A_291 = vector.broadcast %mul3A_289 : vector<256x1xf32> to vector<256x128xf32>
    %mul3A_292 = vector.broadcast %slice3A_290 : vector<1x128xf32> to vector<256x128xf32>
    %mul3A_293 = arith.mulf %mul3A_291, %mul3A_292 : vector<256x128xf32>
    %add3A_294 = arith.addf %mul3A_288, %mul3A_293 : vector<256x128xf32>
    %mul3A_295 = arith.mulf %sub3A_263, %div3A_270 : vector<256x1xf32>
    %slice3A_296 = vector.extract_strided_slice %get3A_117 {offsets = [2, 0], sizes = [1, 128], strides = [1, 1]} : vector<3x128xf32> to vector<1x128xf32>
    %mul3A_297 = vector.broadcast %mul3A_295 : vector<256x1xf32> to vector<256x128xf32>
    %mul3A_298 = vector.broadcast %slice3A_296 : vector<1x128xf32> to vector<256x128xf32>
    %mul3A_299 = arith.mulf %mul3A_297, %mul3A_298 : vector<256x128xf32>
    %add3A_300 = arith.addf %add3A_294, %mul3A_299 : vector<256x128xf32>
    %add3A_301 = arith.addf %dot_general3A_283, %add3A_300 : vector<256x128xf32>
    %add3A_302 = vector.broadcast %get3A_111 : vector<1x128xf32> to vector<256x128xf32>
    %add3A_303 = arith.addf %add3A_301, %add3A_302 : vector<256x128xf32>
    %mul3A_304 = arith.mulf %get3A_105, %slice3A_264 : vector<256x1xf32>
    %mul3A_305 = vector.broadcast %mul3A_304 : vector<256x1xf32> to vector<256x128xf32>
    %mul3A_306 = arith.mulf %add3A_303, %mul3A_305 : vector<256x128xf32>
    %swap3A_307 = arith.constant 0 : index
    %swap3A_308 = arith.constant 0 : index
    %swap3A_309 = arith.constant 128 : index
    %swap3A_310 = vector.load %arg14[%swap3A_307, %swap3A_308, %swap3A_309] : memref<1x256x3840xf32, #tpu.memory_space<vmem>>, vector<1x256x128xf32>
    %swap3A_311 = vector.shape_cast %swap3A_310 : vector<1x256x128xf32> to vector<256x128xf32>
    %swap3A_312 = vector.shape_cast %mul3A_306 : vector<256x128xf32> to vector<1x256x128xf32>
    tpu.vector_store %arg14[%swap3A_307, %swap3A_308, %swap3A_309], %swap3A_312 {strides = array<i32>} : memref<1x256x3840xf32, #tpu.memory_space<vmem>>, vector<1x256x128xf32>,
    %swap3A_313 = arith.constant 0 : index
    %swap3A_314 = arith.constant 0 : index
    %swap3A_315 = arith.constant 1 : index
    %swap3A_316 = vector.load %arg15[%swap3A_313, %swap3A_314, %swap3A_315] : memref<1x256x30xi32, #tpu.memory_space<vmem>>, vector<1x256x1xi32>
    %swap3A_317 = vector.shape_cast %swap3A_316 : vector<1x256x1xi32> to vector<256x1xi32>
    %swap3A_318 = vector.shape_cast %broadcast_in_dim3A_232 : vector<256x1xi32> to vector<1x256x1xi32>
    tpu.vector_store %arg15[%swap3A_313, %swap3A_314, %swap3A_315], %swap3A_318 {strides = array<i32>} : memref<1x256x30xi32, #tpu.memory_space<vmem>>, vector<1x256x1xi32>,
    %swap3A_319 = arith.constant 0 : index
    %swap3A_320 = arith.constant 0 : index
    %swap3A_321 = arith.constant 1 : index
    %swap3A_322 = vector.load %arg16[%swap3A_319, %swap3A_320, %swap3A_321] : memref<1x256x30xf32, #tpu.memory_space<vmem>>, vector<1x256x1xf32>
    %swap3A_323 = vector.shape_cast %swap3A_322 : vector<1x256x1xf32> to vector<256x1xf32>
    %swap3A_324 = vector.shape_cast %mul3A_304 : vector<256x1xf32> to vector<1x256x1xf32>
    tpu.vector_store %arg16[%swap3A_319, %swap3A_320, %swap3A_321], %swap3A_324 {strides = array<i32>} : memref<1x256x30xf32, #tpu.memory_space<vmem>>, vector<1x256x1xf32>,
    %get3A_325 = arith.constant 0 : index
    %get3A_326 = arith.constant 0 : index
    %get3A_327 = vector.load %arg17[%get3A_325, %get3A_326] : memref<256x2048xf32, #tpu.memory_space<vmem>>, vector<256x2048xf32>
    %reduce_min3A_328 = arith.constant dense<0x7F800000> : vector<256xf32>
    %reduce_min3A_329 = vector.multi_reduction <minimumf>, %get3A_327, %reduce_min3A_328 [1] : vector<256x2048xf32> to vector<256xf32>
    %broadcast_in_dim3A_330 = vector.shape_cast %reduce_min3A_329 : vector<256xf32> to vector<256x1xf32>
    %eq3A_331 = vector.broadcast %broadcast_in_dim3A_330 : vector<256x1xf32> to vector<256x2048xf32>
    %eq3A_332 = arith.cmpf oeq, %get3A_327, %eq3A_331 : vector<256x2048xf32>
    %jit3A_333 = arith.constant 2048 : i32
    %broadcast_in_dim3A_334 = vector.broadcast %jit3A_333 : i32 to vector<256x2048xi32>
    %select_n3A_335 = arith.select %eq3A_332, %iota3A, %broadcast_in_dim3A_334 : vector<256x2048xi1>, vector<256x2048xi32>
    %reduce_min3A_336 = arith.constant dense<2147483647> : vector<256xi32>
    %reduce_min3A_337 = vector.multi_reduction <minsi>, %select_n3A_335, %reduce_min3A_336 [1] : vector<256x2048xi32> to vector<256xi32>
    %broadcast_in_dim3A_338 = vector.shape_cast %reduce_min3A_337 : vector<256xi32> to vector<256x1xi32>
    %eq3A_339 = vector.broadcast %broadcast_in_dim3A_338 : vector<256x1xi32> to vector<256x2048xi32>
    %eq3A_340 = arith.cmpi eq, %iota3A, %eq3A_339 : vector<256x2048xi32>
    %jit3A_341 = arith.constant 1.000000e+09 : f32
    %broadcast_in_dim3A_342 = vector.broadcast %jit3A_341 : f32 to vector<256x2048xf32>
    %select_n3A_343 = arith.select %eq3A_340, %broadcast_in_dim3A_342, %get3A_327 : vector<256x2048xi1>, vector<256x2048xf32>
    %swap3A_344 = arith.constant 0 : index
    %swap3A_345 = arith.constant 0 : index
    %swap3A_346 = vector.load %arg17[%swap3A_344, %swap3A_345] : memref<256x2048xf32, #tpu.memory_space<vmem>>, vector<256x2048xf32>
    tpu.vector_store %arg17[%swap3A_344, %swap3A_345], %select_n3A_343 {strides = array<i32>} : memref<256x2048xf32, #tpu.memory_space<vmem>>, vector<256x2048xf32>,
    %convert_element_type3A_347 = arith.extui %eq3A_340 : vector<256x2048xi1> to vector<256x2048xi32>
    %convert_element_type3A_348 = arith.sitofp %convert_element_type3A_347 : vector<256x2048xi32> to vector<256x2048xf32>
    %convert_element_type3A_349 = arith.truncf %convert_element_type3A_348 : vector<256x2048xf32> to vector<256x2048xbf16>
    %dot_general3A_350 = arith.constant dense<0.000000e+00> : vector<256x12xf32>
    %dot_general3A_351 = tpu.matmul %convert_element_type3A_349, %concatenate3A_100, %dot_general3A_350 {dimension_numbers = #tpu.dot_dimension_numbers<[1], [1], [0], [0], [0, 0, 1, 0], [], []>, transpose_lhs_hint = false} : vector<256x2048xbf16>, vector<12x2048xbf16>, vector<256x12xf32> -> vector<256x12xf32>
    %slice3A_352 = vector.extract_strided_slice %dot_general3A_351 {offsets = [0, 0], sizes = [256, 1], strides = [1, 1]} : vector<256x12xf32> to vector<256x1xf32>
    %slice3A_353 = vector.extract_strided_slice %dot_general3A_351 {offsets = [0, 4], sizes = [256, 1], strides = [1, 1]} : vector<256x12xf32> to vector<256x1xf32>
    %add3A_354 = arith.addf %slice3A_352, %slice3A_353 : vector<256x1xf32>
    %slice3A_355 = vector.extract_strided_slice %dot_general3A_351 {offsets = [0, 8], sizes = [256, 1], strides = [1, 1]} : vector<256x12xf32> to vector<256x1xf32>
    %add3A_356 = arith.addf %add3A_354, %slice3A_355 : vector<256x1xf32>
    %sub3A_357 = arith.subf %add3A_356, %mul3A_15 : vector<256x1xf32>
    %slice3A_358 = vector.extract_strided_slice %dot_general3A_351 {offsets = [0, 1], sizes = [256, 1], strides = [1, 1]} : vector<256x12xf32> to vector<256x1xf32>
    %slice3A_359 = vector.extract_strided_slice %dot_general3A_351 {offsets = [0, 5], sizes = [256, 1], strides = [1, 1]} : vector<256x12xf32> to vector<256x1xf32>
    %add3A_360 = arith.addf %slice3A_358, %slice3A_359 : vector<256x1xf32>
    %slice3A_361 = vector.extract_strided_slice %dot_general3A_351 {offsets = [0, 9], sizes = [256, 1], strides = [1, 1]} : vector<256x12xf32> to vector<256x1xf32>
    %add3A_362 = arith.addf %add3A_360, %slice3A_361 : vector<256x1xf32>
    %sub3A_363 = arith.subf %add3A_362, %mul3A_25 : vector<256x1xf32>
    %slice3A_364 = vector.extract_strided_slice %dot_general3A_351 {offsets = [0, 2], sizes = [256, 1], strides = [1, 1]} : vector<256x12xf32> to vector<256x1xf32>
    %slice3A_365 = vector.extract_strided_slice %dot_general3A_351 {offsets = [0, 6], sizes = [256, 1], strides = [1, 1]} : vector<256x12xf32> to vector<256x1xf32>
    %add3A_366 = arith.addf %slice3A_364, %slice3A_365 : vector<256x1xf32>
    %slice3A_367 = vector.extract_strided_slice %dot_general3A_351 {offsets = [0, 10], sizes = [256, 1], strides = [1, 1]} : vector<256x12xf32> to vector<256x1xf32>
    %add3A_368 = arith.addf %add3A_366, %slice3A_367 : vector<256x1xf32>
    %sub3A_369 = arith.subf %add3A_368, %mul3A_35 : vector<256x1xf32>
    %slice3A_370 = vector.extract_strided_slice %dot_general3A_351 {offsets = [0, 3], sizes = [256, 1], strides = [1, 1]} : vector<256x12xf32> to vector<256x1xf32>
    %add3A_371 = arith.constant 9.99999993E-9 : f32
    %add3A_372 = vector.broadcast %add3A_371 : f32 to vector<256x1xf32>
    %add3A_373 = arith.addf %broadcast_in_dim3A_330, %add3A_372 : vector<256x1xf32>
    %div3A_374 = arith.constant 1.000000e+00 : f32
    %div3A_375 = vector.broadcast %div3A_374 : f32 to vector<256x1xf32>
    %div3A_376 = arith.divf %div3A_375, %add3A_373 : vector<256x1xf32>
    %sub3A_377 = vector.broadcast %broadcast_in_dim3A_330 : vector<256x1xf32> to vector<256x32xf32>
    %sub3A_378 = vector.broadcast %get3A_108 : vector<1x32xf32> to vector<256x32xf32>
    %sub3A_379 = arith.subf %sub3A_377, %sub3A_378 : vector<256x32xf32>
    %div3A_380 = arith.constant 6.250000e-01 : f32
    %div3A_381 = vector.broadcast %div3A_380 : f32 to vector<256x32xf32>
    %div3A_382 = arith.divf %sub3A_379, %div3A_381 : vector<256x32xf32>
    %mul3A_383 = arith.mulf %div3A_382, %div3A_382 : vector<256x32xf32>
    %neg3A_384 = arith.constant 0.000000e+00 : f32
    %neg3A_385 = vector.broadcast %neg3A_384 : f32 to vector<256x32xf32>
    %neg3A_386 = arith.subf %neg3A_385, %mul3A_383 : vector<256x32xf32>
    %exp3A_387 = math.exp %neg3A_386 : vector<256x32xf32>
    %dot_general3A_388 = arith.constant dense<0.000000e+00> : vector<256x128xf32>
    %dot_general3A_389 = tpu.matmul %exp3A_387, %get3A_114, %dot_general3A_388 {dimension_numbers = #tpu.dot_dimension_numbers<[1], [0], [0], [1], [0, 0, 1, 1], [], []>, transpose_lhs_hint = false} : vector<256x32xf32>, vector<32x128xf32>, vector<256x128xf32> -> vector<256x128xf32>
    %mul3A_390 = arith.mulf %sub3A_357, %div3A_376 : vector<256x1xf32>
    %slice3A_391 = vector.extract_strided_slice %get3A_117 {offsets = [0, 0], sizes = [1, 128], strides = [1, 1]} : vector<3x128xf32> to vector<1x128xf32>
    %mul3A_392 = vector.broadcast %mul3A_390 : vector<256x1xf32> to vector<256x128xf32>
    %mul3A_393 = vector.broadcast %slice3A_391 : vector<1x128xf32> to vector<256x128xf32>
    %mul3A_394 = arith.mulf %mul3A_392, %mul3A_393 : vector<256x128xf32>
    %mul3A_395 = arith.mulf %sub3A_363, %div3A_376 : vector<256x1xf32>
    %slice3A_396 = vector.extract_strided_slice %get3A_117 {offsets = [1, 0], sizes = [1, 128], strides = [1, 1]} : vector<3x128xf32> to vector<1x128xf32>
    %mul3A_397 = vector.broadcast %mul3A_395 : vector<256x1xf32> to vector<256x128xf32>
    %mul3A_398 = vector.broadcast %slice3A_396 : vector<1x128xf32> to vector<256x128xf32>
    %mul3A_399 = arith.mulf %mul3A_397, %mul3A_398 : vector<256x128xf32>
    %add3A_400 = arith.addf %mul3A_394, %mul3A_399 : vector<256x128xf32>
    %mul3A_401 = arith.mulf %sub3A_369, %div3A_376 : vector<256x1xf32>
    %slice3A_402 = vector.extract_strided_slice %get3A_117 {offsets = [2, 0], sizes = [1, 128], strides = [1, 1]} : vector<3x128xf32> to vector<1x128xf32>
    %mul3A_403 = vector.broadcast %mul3A_401 : vector<256x1xf32> to vector<256x128xf32>
    %mul3A_404 = vector.broadcast %slice3A_402 : vector<1x128xf32> to vector<256x128xf32>
    %mul3A_405 = arith.mulf %mul3A_403, %mul3A_404 : vector<256x128xf32>
    %add3A_406 = arith.addf %add3A_400, %mul3A_405 : vector<256x128xf32>
    %add3A_407 = arith.addf %dot_general3A_389, %add3A_406 : vector<256x128xf32>
    %add3A_408 = vector.broadcast %get3A_111 : vector<1x128xf32> to vector<256x128xf32>
    %add3A_409 = arith.addf %add3A_407, %add3A_408 : vector<256x128xf32>
    %mul3A_410 = arith.mulf %get3A_105, %slice3A_370 : vector<256x1xf32>
    %mul3A_411 = vector.broadcast %mul3A_410 : vector<256x1xf32> to vector<256x128xf32>
    %mul3A_412 = arith.mulf %add3A_409, %mul3A_411 : vector<256x128xf32>
    %swap3A_413 = arith.constant 0 : index
    %swap3A_414 = arith.constant 0 : index
    %swap3A_415 = arith.constant 256 : index
    %swap3A_416 = vector.load %arg14[%swap3A_413, %swap3A_414, %swap3A_415] : memref<1x256x3840xf32, #tpu.memory_space<vmem>>, vector<1x256x128xf32>
    %swap3A_417 = vector.shape_cast %swap3A_416 : vector<1x256x128xf32> to vector<256x128xf32>
    %swap3A_418 = vector.shape_cast %mul3A_412 : vector<256x128xf32> to vector<1x256x128xf32>
    tpu.vector_store %arg14[%swap3A_413, %swap3A_414, %swap3A_415], %swap3A_418 {strides = array<i32>} : memref<1x256x3840xf32, #tpu.memory_space<vmem>>, vector<1x256x128xf32>,
    %swap3A_419 = arith.constant 0 : index
    %swap3A_420 = arith.constant 0 : index
    %swap3A_421 = arith.constant 2 : index
    %swap3A_422 = vector.load %arg15[%swap3A_419, %swap3A_420, %swap3A_421] : memref<1x256x30xi32, #tpu.memory_space<vmem>>, vector<1x256x1xi32>
    %swap3A_423 = vector.shape_cast %swap3A_422 : vector<1x256x1xi32> to vector<256x1xi32>
    %swap3A_424 = vector.shape_cast %broadcast_in_dim3A_338 : vector<256x1xi32> to vector<1x256x1xi32>
    tpu.vector_store %arg15[%swap3A_419, %swap3A_420, %swap3A_421], %swap3A_424 {strides = array<i32>} : memref<1x256x30xi32, #tpu.memory_space<vmem>>, vector<1x256x1xi32>,
    %swap3A_425 = arith.constant 0 : index
    %swap3A_426 = arith.constant 0 : index
    %swap3A_427 = arith.constant 2 : index
    %swap3A_428 = vector.load %arg16[%swap3A_425, %swap3A_426, %swap3A_427] : memref<1x256x30xf32, #tpu.memory_space<vmem>>, vector<1x256x1xf32>
    %swap3A_429 = vector.shape_cast %swap3A_428 : vector<1x256x1xf32> to vector<256x1xf32>
    %swap3A_430 = vector.shape_cast %mul3A_410 : vector<256x1xf32> to vector<1x256x1xf32>
    tpu.vector_store %arg16[%swap3A_425, %swap3A_426, %swap3A_427], %swap3A_430 {strides = array<i32>} : memref<1x256x30xf32, #tpu.memory_space<vmem>>, vector<1x256x1xf32>,
    %get3A_431 = arith.constant 0 : index
    %get3A_432 = arith.constant 0 : index
    %get3A_433 = vector.load %arg17[%get3A_431, %get3A_432] : memref<256x2048xf32, #tpu.memory_space<vmem>>, vector<256x2048xf32>
    %reduce_min3A_434 = arith.constant dense<0x7F800000> : vector<256xf32>
    %reduce_min3A_435 = vector.multi_reduction <minimumf>, %get3A_433, %reduce_min3A_434 [1] : vector<256x2048xf32> to vector<256xf32>
    %broadcast_in_dim3A_436 = vector.shape_cast %reduce_min3A_435 : vector<256xf32> to vector<256x1xf32>
    %eq3A_437 = vector.broadcast %broadcast_in_dim3A_436 : vector<256x1xf32> to vector<256x2048xf32>
    %eq3A_438 = arith.cmpf oeq, %get3A_433, %eq3A_437 : vector<256x2048xf32>
    %jit3A_439 = arith.constant 2048 : i32
    %broadcast_in_dim3A_440 = vector.broadcast %jit3A_439 : i32 to vector<256x2048xi32>
    %select_n3A_441 = arith.select %eq3A_438, %iota3A, %broadcast_in_dim3A_440 : vector<256x2048xi1>, vector<256x2048xi32>
    %reduce_min3A_442 = arith.constant dense<2147483647> : vector<256xi32>
    %reduce_min3A_443 = vector.multi_reduction <minsi>, %select_n3A_441, %reduce_min3A_442 [1] : vector<256x2048xi32> to vector<256xi32>
    %broadcast_in_dim3A_444 = vector.shape_cast %reduce_min3A_443 : vector<256xi32> to vector<256x1xi32>
    %eq3A_445 = vector.broadcast %broadcast_in_dim3A_444 : vector<256x1xi32> to vector<256x2048xi32>
    %eq3A_446 = arith.cmpi eq, %iota3A, %eq3A_445 : vector<256x2048xi32>
    %jit3A_447 = arith.constant 1.000000e+09 : f32
    %broadcast_in_dim3A_448 = vector.broadcast %jit3A_447 : f32 to vector<256x2048xf32>
    %select_n3A_449 = arith.select %eq3A_446, %broadcast_in_dim3A_448, %get3A_433 : vector<256x2048xi1>, vector<256x2048xf32>
    %swap3A_450 = arith.constant 0 : index
    %swap3A_451 = arith.constant 0 : index
    %swap3A_452 = vector.load %arg17[%swap3A_450, %swap3A_451] : memref<256x2048xf32, #tpu.memory_space<vmem>>, vector<256x2048xf32>
    tpu.vector_store %arg17[%swap3A_450, %swap3A_451], %select_n3A_449 {strides = array<i32>} : memref<256x2048xf32, #tpu.memory_space<vmem>>, vector<256x2048xf32>,
    %convert_element_type3A_453 = arith.extui %eq3A_446 : vector<256x2048xi1> to vector<256x2048xi32>
    %convert_element_type3A_454 = arith.sitofp %convert_element_type3A_453 : vector<256x2048xi32> to vector<256x2048xf32>
    %convert_element_type3A_455 = arith.truncf %convert_element_type3A_454 : vector<256x2048xf32> to vector<256x2048xbf16>
    %dot_general3A_456 = arith.constant dense<0.000000e+00> : vector<256x12xf32>
    %dot_general3A_457 = tpu.matmul %convert_element_type3A_455, %concatenate3A_100, %dot_general3A_456 {dimension_numbers = #tpu.dot_dimension_numbers<[1], [1], [0], [0], [0, 0, 1, 0], [], []>, transpose_lhs_hint = false} : vector<256x2048xbf16>, vector<12x2048xbf16>, vector<256x12xf32> -> vector<256x12xf32>
    %slice3A_458 = vector.extract_strided_slice %dot_general3A_457 {offsets = [0, 0], sizes = [256, 1], strides = [1, 1]} : vector<256x12xf32> to vector<256x1xf32>
    %slice3A_459 = vector.extract_strided_slice %dot_general3A_457 {offsets = [0, 4], sizes = [256, 1], strides = [1, 1]} : vector<256x12xf32> to vector<256x1xf32>
    %add3A_460 = arith.addf %slice3A_458, %slice3A_459 : vector<256x1xf32>
    %slice3A_461 = vector.extract_strided_slice %dot_general3A_457 {offsets = [0, 8], sizes = [256, 1], strides = [1, 1]} : vector<256x12xf32> to vector<256x1xf32>
    %add3A_462 = arith.addf %add3A_460, %slice3A_461 : vector<256x1xf32>
    %sub3A_463 = arith.subf %add3A_462, %mul3A_15 : vector<256x1xf32>
    %slice3A_464 = vector.extract_strided_slice %dot_general3A_457 {offsets = [0, 1], sizes = [256, 1], strides = [1, 1]} : vector<256x12xf32> to vector<256x1xf32>
    %slice3A_465 = vector.extract_strided_slice %dot_general3A_457 {offsets = [0, 5], sizes = [256, 1], strides = [1, 1]} : vector<256x12xf32> to vector<256x1xf32>
    %add3A_466 = arith.addf %slice3A_464, %slice3A_465 : vector<256x1xf32>
    %slice3A_467 = vector.extract_strided_slice %dot_general3A_457 {offsets = [0, 9], sizes = [256, 1], strides = [1, 1]} : vector<256x12xf32> to vector<256x1xf32>
    %add3A_468 = arith.addf %add3A_466, %slice3A_467 : vector<256x1xf32>
    %sub3A_469 = arith.subf %add3A_468, %mul3A_25 : vector<256x1xf32>
    %slice3A_470 = vector.extract_strided_slice %dot_general3A_457 {offsets = [0, 2], sizes = [256, 1], strides = [1, 1]} : vector<256x12xf32> to vector<256x1xf32>
    %slice3A_471 = vector.extract_strided_slice %dot_general3A_457 {offsets = [0, 6], sizes = [256, 1], strides = [1, 1]} : vector<256x12xf32> to vector<256x1xf32>
    %add3A_472 = arith.addf %slice3A_470, %slice3A_471 : vector<256x1xf32>
    %slice3A_473 = vector.extract_strided_slice %dot_general3A_457 {offsets = [0, 10], sizes = [256, 1], strides = [1, 1]} : vector<256x12xf32> to vector<256x1xf32>
    %add3A_474 = arith.addf %add3A_472, %slice3A_473 : vector<256x1xf32>
    %sub3A_475 = arith.subf %add3A_474, %mul3A_35 : vector<256x1xf32>
    %slice3A_476 = vector.extract_strided_slice %dot_general3A_457 {offsets = [0, 3], sizes = [256, 1], strides = [1, 1]} : vector<256x12xf32> to vector<256x1xf32>
    %add3A_477 = arith.constant 9.99999993E-9 : f32
    %add3A_478 = vector.broadcast %add3A_477 : f32 to vector<256x1xf32>
    %add3A_479 = arith.addf %broadcast_in_dim3A_436, %add3A_478 : vector<256x1xf32>
    %div3A_480 = arith.constant 1.000000e+00 : f32
    %div3A_481 = vector.broadcast %div3A_480 : f32 to vector<256x1xf32>
    %div3A_482 = arith.divf %div3A_481, %add3A_479 : vector<256x1xf32>
    %sub3A_483 = vector.broadcast %broadcast_in_dim3A_436 : vector<256x1xf32> to vector<256x32xf32>
    %sub3A_484 = vector.broadcast %get3A_108 : vector<1x32xf32> to vector<256x32xf32>
    %sub3A_485 = arith.subf %sub3A_483, %sub3A_484 : vector<256x32xf32>
    %div3A_486 = arith.constant 6.250000e-01 : f32
    %div3A_487 = vector.broadcast %div3A_486 : f32 to vector<256x32xf32>
    %div3A_488 = arith.divf %sub3A_485, %div3A_487 : vector<256x32xf32>
    %mul3A_489 = arith.mulf %div3A_488, %div3A_488 : vector<256x32xf32>
    %neg3A_490 = arith.constant 0.000000e+00 : f32
    %neg3A_491 = vector.broadcast %neg3A_490 : f32 to vector<256x32xf32>
    %neg3A_492 = arith.subf %neg3A_491, %mul3A_489 : vector<256x32xf32>
    %exp3A_493 = math.exp %neg3A_492 : vector<256x32xf32>
    %dot_general3A_494 = arith.constant dense<0.000000e+00> : vector<256x128xf32>
    %dot_general3A_495 = tpu.matmul %exp3A_493, %get3A_114, %dot_general3A_494 {dimension_numbers = #tpu.dot_dimension_numbers<[1], [0], [0], [1], [0, 0, 1, 1], [], []>, transpose_lhs_hint = false} : vector<256x32xf32>, vector<32x128xf32>, vector<256x128xf32> -> vector<256x128xf32>
    %mul3A_496 = arith.mulf %sub3A_463, %div3A_482 : vector<256x1xf32>
    %slice3A_497 = vector.extract_strided_slice %get3A_117 {offsets = [0, 0], sizes = [1, 128], strides = [1, 1]} : vector<3x128xf32> to vector<1x128xf32>
    %mul3A_498 = vector.broadcast %mul3A_496 : vector<256x1xf32> to vector<256x128xf32>
    %mul3A_499 = vector.broadcast %slice3A_497 : vector<1x128xf32> to vector<256x128xf32>
    %mul3A_500 = arith.mulf %mul3A_498, %mul3A_499 : vector<256x128xf32>
    %mul3A_501 = arith.mulf %sub3A_469, %div3A_482 : vector<256x1xf32>
    %slice3A_502 = vector.extract_strided_slice %get3A_117 {offsets = [1, 0], sizes = [1, 128], strides = [1, 1]} : vector<3x128xf32> to vector<1x128xf32>
    %mul3A_503 = vector.broadcast %mul3A_501 : vector<256x1xf32> to vector<256x128xf32>
    %mul3A_504 = vector.broadcast %slice3A_502 : vector<1x128xf32> to vector<256x128xf32>
    %mul3A_505 = arith.mulf %mul3A_503, %mul3A_504 : vector<256x128xf32>
    %add3A_506 = arith.addf %mul3A_500, %mul3A_505 : vector<256x128xf32>
    %mul3A_507 = arith.mulf %sub3A_475, %div3A_482 : vector<256x1xf32>
    %slice3A_508 = vector.extract_strided_slice %get3A_117 {offsets = [2, 0], sizes = [1, 128], strides = [1, 1]} : vector<3x128xf32> to vector<1x128xf32>
    %mul3A_509 = vector.broadcast %mul3A_507 : vector<256x1xf32> to vector<256x128xf32>
    %mul3A_510 = vector.broadcast %slice3A_508 : vector<1x128xf32> to vector<256x128xf32>
    %mul3A_511 = arith.mulf %mul3A_509, %mul3A_510 : vector<256x128xf32>
    %add3A_512 = arith.addf %add3A_506, %mul3A_511 : vector<256x128xf32>
    %add3A_513 = arith.addf %dot_general3A_495, %add3A_512 : vector<256x128xf32>
    %add3A_514 = vector.broadcast %get3A_111 : vector<1x128xf32> to vector<256x128xf32>
    %add3A_515 = arith.addf %add3A_513, %add3A_514 : vector<256x128xf32>
    %mul3A_516 = arith.mulf %get3A_105, %slice3A_476 : vector<256x1xf32>
    %mul3A_517 = vector.broadcast %mul3A_516 : vector<256x1xf32> to vector<256x128xf32>
    %mul3A_518 = arith.mulf %add3A_515, %mul3A_517 : vector<256x128xf32>
    %swap3A_519 = arith.constant 0 : index
    %swap3A_520 = arith.constant 0 : index
    %swap3A_521 = arith.constant 384 : index
    %swap3A_522 = vector.load %arg14[%swap3A_519, %swap3A_520, %swap3A_521] : memref<1x256x3840xf32, #tpu.memory_space<vmem>>, vector<1x256x128xf32>
    %swap3A_523 = vector.shape_cast %swap3A_522 : vector<1x256x128xf32> to vector<256x128xf32>
    %swap3A_524 = vector.shape_cast %mul3A_518 : vector<256x128xf32> to vector<1x256x128xf32>
    tpu.vector_store %arg14[%swap3A_519, %swap3A_520, %swap3A_521], %swap3A_524 {strides = array<i32>} : memref<1x256x3840xf32, #tpu.memory_space<vmem>>, vector<1x256x128xf32>,
    %swap3A_525 = arith.constant 0 : index
    %swap3A_526 = arith.constant 0 : index
    %swap3A_527 = arith.constant 3 : index
    %swap3A_528 = vector.load %arg15[%swap3A_525, %swap3A_526, %swap3A_527] : memref<1x256x30xi32, #tpu.memory_space<vmem>>, vector<1x256x1xi32>
    %swap3A_529 = vector.shape_cast %swap3A_528 : vector<1x256x1xi32> to vector<256x1xi32>
    %swap3A_530 = vector.shape_cast %broadcast_in_dim3A_444 : vector<256x1xi32> to vector<1x256x1xi32>
    tpu.vector_store %arg15[%swap3A_525, %swap3A_526, %swap3A_527], %swap3A_530 {strides = array<i32>} : memref<1x256x30xi32, #tpu.memory_space<vmem>>, vector<1x256x1xi32>,
    %swap3A_531 = arith.constant 0 : index
    %swap3A_532 = arith.constant 0 : index
    %swap3A_533 = arith.constant 3 : index
    %swap3A_534 = vector.load %arg16[%swap3A_531, %swap3A_532, %swap3A_533] : memref<1x256x30xf32, #tpu.memory_space<vmem>>, vector<1x256x1xf32>
    %swap3A_535 = vector.shape_cast %swap3A_534 : vector<1x256x1xf32> to vector<256x1xf32>
    %swap3A_536 = vector.shape_cast %mul3A_516 : vector<256x1xf32> to vector<1x256x1xf32>
    tpu.vector_store %arg16[%swap3A_531, %swap3A_532, %swap3A_533], %swap3A_536 {strides = array<i32>} : memref<1x256x30xf32, #tpu.memory_space<vmem>>, vector<1x256x1xf32>,
    %get3A_537 = arith.constant 0 : index
    %get3A_538 = arith.constant 0 : index
    %get3A_539 = vector.load %arg17[%get3A_537, %get3A_538] : memref<256x2048xf32, #tpu.memory_space<vmem>>, vector<256x2048xf32>
    %reduce_min3A_540 = arith.constant dense<0x7F800000> : vector<256xf32>
    %reduce_min3A_541 = vector.multi_reduction <minimumf>, %get3A_539, %reduce_min3A_540 [1] : vector<256x2048xf32> to vector<256xf32>
    %broadcast_in_dim3A_542 = vector.shape_cast %reduce_min3A_541 : vector<256xf32> to vector<256x1xf32>
    %eq3A_543 = vector.broadcast %broadcast_in_dim3A_542 : vector<256x1xf32> to vector<256x2048xf32>
    %eq3A_544 = arith.cmpf oeq, %get3A_539, %eq3A_543 : vector<256x2048xf32>
    %jit3A_545 = arith.constant 2048 : i32
    %broadcast_in_dim3A_546 = vector.broadcast %jit3A_545 : i32 to vector<256x2048xi32>
    %select_n3A_547 = arith.select %eq3A_544, %iota3A, %broadcast_in_dim3A_546 : vector<256x2048xi1>, vector<256x2048xi32>
    %reduce_min3A_548 = arith.constant dense<2147483647> : vector<256xi32>
    %reduce_min3A_549 = vector.multi_reduction <minsi>, %select_n3A_547, %reduce_min3A_548 [1] : vector<256x2048xi32> to vector<256xi32>
    %broadcast_in_dim3A_550 = vector.shape_cast %reduce_min3A_549 : vector<256xi32> to vector<256x1xi32>
    %eq3A_551 = vector.broadcast %broadcast_in_dim3A_550 : vector<256x1xi32> to vector<256x2048xi32>
    %eq3A_552 = arith.cmpi eq, %iota3A, %eq3A_551 : vector<256x2048xi32>
    %jit3A_553 = arith.constant 1.000000e+09 : f32
    %broadcast_in_dim3A_554 = vector.broadcast %jit3A_553 : f32 to vector<256x2048xf32>
    %select_n3A_555 = arith.select %eq3A_552, %broadcast_in_dim3A_554, %get3A_539 : vector<256x2048xi1>, vector<256x2048xf32>
    %swap3A_556 = arith.constant 0 : index
    %swap3A_557 = arith.constant 0 : index
    %swap3A_558 = vector.load %arg17[%swap3A_556, %swap3A_557] : memref<256x2048xf32, #tpu.memory_space<vmem>>, vector<256x2048xf32>
    tpu.vector_store %arg17[%swap3A_556, %swap3A_557], %select_n3A_555 {strides = array<i32>} : memref<256x2048xf32, #tpu.memory_space<vmem>>, vector<256x2048xf32>,
    %convert_element_type3A_559 = arith.extui %eq3A_552 : vector<256x2048xi1> to vector<256x2048xi32>
    %convert_element_type3A_560 = arith.sitofp %convert_element_type3A_559 : vector<256x2048xi32> to vector<256x2048xf32>
    %convert_element_type3A_561 = arith.truncf %convert_element_type3A_560 : vector<256x2048xf32> to vector<256x2048xbf16>
    %dot_general3A_562 = arith.constant dense<0.000000e+00> : vector<256x12xf32>
    %dot_general3A_563 = tpu.matmul %convert_element_type3A_561, %concatenate3A_100, %dot_general3A_562 {dimension_numbers = #tpu.dot_dimension_numbers<[1], [1], [0], [0], [0, 0, 1, 0], [], []>, transpose_lhs_hint = false} : vector<256x2048xbf16>, vector<12x2048xbf16>, vector<256x12xf32> -> vector<256x12xf32>
    %slice3A_564 = vector.extract_strided_slice %dot_general3A_563 {offsets = [0, 0], sizes = [256, 1], strides = [1, 1]} : vector<256x12xf32> to vector<256x1xf32>
    %slice3A_565 = vector.extract_strided_slice %dot_general3A_563 {offsets = [0, 4], sizes = [256, 1], strides = [1, 1]} : vector<256x12xf32> to vector<256x1xf32>
    %add3A_566 = arith.addf %slice3A_564, %slice3A_565 : vector<256x1xf32>
    %slice3A_567 = vector.extract_strided_slice %dot_general3A_563 {offsets = [0, 8], sizes = [256, 1], strides = [1, 1]} : vector<256x12xf32> to vector<256x1xf32>
    %add3A_568 = arith.addf %add3A_566, %slice3A_567 : vector<256x1xf32>
    %sub3A_569 = arith.subf %add3A_568, %mul3A_15 : vector<256x1xf32>
    %slice3A_570 = vector.extract_strided_slice %dot_general3A_563 {offsets = [0, 1], sizes = [256, 1], strides = [1, 1]} : vector<256x12xf32> to vector<256x1xf32>
    %slice3A_571 = vector.extract_strided_slice %dot_general3A_563 {offsets = [0, 5], sizes = [256, 1], strides = [1, 1]} : vector<256x12xf32> to vector<256x1xf32>
    %add3A_572 = arith.addf %slice3A_570, %slice3A_571 : vector<256x1xf32>
    %slice3A_573 = vector.extract_strided_slice %dot_general3A_563 {offsets = [0, 9], sizes = [256, 1], strides = [1, 1]} : vector<256x12xf32> to vector<256x1xf32>
    %add3A_574 = arith.addf %add3A_572, %slice3A_573 : vector<256x1xf32>
    %sub3A_575 = arith.subf %add3A_574, %mul3A_25 : vector<256x1xf32>
    %slice3A_576 = vector.extract_strided_slice %dot_general3A_563 {offsets = [0, 2], sizes = [256, 1], strides = [1, 1]} : vector<256x12xf32> to vector<256x1xf32>
    %slice3A_577 = vector.extract_strided_slice %dot_general3A_563 {offsets = [0, 6], sizes = [256, 1], strides = [1, 1]} : vector<256x12xf32> to vector<256x1xf32>
    %add3A_578 = arith.addf %slice3A_576, %slice3A_577 : vector<256x1xf32>
    %slice3A_579 = vector.extract_strided_slice %dot_general3A_563 {offsets = [0, 10], sizes = [256, 1], strides = [1, 1]} : vector<256x12xf32> to vector<256x1xf32>
    %add3A_580 = arith.addf %add3A_578, %slice3A_579 : vector<256x1xf32>
    %sub3A_581 = arith.subf %add3A_580, %mul3A_35 : vector<256x1xf32>
    %slice3A_582 = vector.extract_strided_slice %dot_general3A_563 {offsets = [0, 3], sizes = [256, 1], strides = [1, 1]} : vector<256x12xf32> to vector<256x1xf32>
    %add3A_583 = arith.constant 9.99999993E-9 : f32
    %add3A_584 = vector.broadcast %add3A_583 : f32 to vector<256x1xf32>
    %add3A_585 = arith.addf %broadcast_in_dim3A_542, %add3A_584 : vector<256x1xf32>
    %div3A_586 = arith.constant 1.000000e+00 : f32
    %div3A_587 = vector.broadcast %div3A_586 : f32 to vector<256x1xf32>
    %div3A_588 = arith.divf %div3A_587, %add3A_585 : vector<256x1xf32>
    %sub3A_589 = vector.broadcast %broadcast_in_dim3A_542 : vector<256x1xf32> to vector<256x32xf32>
    %sub3A_590 = vector.broadcast %get3A_108 : vector<1x32xf32> to vector<256x32xf32>
    %sub3A_591 = arith.subf %sub3A_589, %sub3A_590 : vector<256x32xf32>
    %div3A_592 = arith.constant 6.250000e-01 : f32
    %div3A_593 = vector.broadcast %div3A_592 : f32 to vector<256x32xf32>
    %div3A_594 = arith.divf %sub3A_591, %div3A_593 : vector<256x32xf32>
    %mul3A_595 = arith.mulf %div3A_594, %div3A_594 : vector<256x32xf32>
    %neg3A_596 = arith.constant 0.000000e+00 : f32
    %neg3A_597 = vector.broadcast %neg3A_596 : f32 to vector<256x32xf32>
    %neg3A_598 = arith.subf %neg3A_597, %mul3A_595 : vector<256x32xf32>
    %exp3A_599 = math.exp %neg3A_598 : vector<256x32xf32>
    %dot_general3A_600 = arith.constant dense<0.000000e+00> : vector<256x128xf32>
    %dot_general3A_601 = tpu.matmul %exp3A_599, %get3A_114, %dot_general3A_600 {dimension_numbers = #tpu.dot_dimension_numbers<[1], [0], [0], [1], [0, 0, 1, 1], [], []>, transpose_lhs_hint = false} : vector<256x32xf32>, vector<32x128xf32>, vector<256x128xf32> -> vector<256x128xf32>
    %mul3A_602 = arith.mulf %sub3A_569, %div3A_588 : vector<256x1xf32>
    %slice3A_603 = vector.extract_strided_slice %get3A_117 {offsets = [0, 0], sizes = [1, 128], strides = [1, 1]} : vector<3x128xf32> to vector<1x128xf32>
    %mul3A_604 = vector.broadcast %mul3A_602 : vector<256x1xf32> to vector<256x128xf32>
    %mul3A_605 = vector.broadcast %slice3A_603 : vector<1x128xf32> to vector<256x128xf32>
    %mul3A_606 = arith.mulf %mul3A_604, %mul3A_605 : vector<256x128xf32>
    %mul3A_607 = arith.mulf %sub3A_575, %div3A_588 : vector<256x1xf32>
    %slice3A_608 = vector.extract_strided_slice %get3A_117 {offsets = [1, 0], sizes = [1, 128], strides = [1, 1]} : vector<3x128xf32> to vector<1x128xf32>
    %mul3A_609 = vector.broadcast %mul3A_607 : vector<256x1xf32> to vector<256x128xf32>
    %mul3A_610 = vector.broadcast %slice3A_608 : vector<1x128xf32> to vector<256x128xf32>
    %mul3A_611 = arith.mulf %mul3A_609, %mul3A_610 : vector<256x128xf32>
    %add3A_612 = arith.addf %mul3A_606, %mul3A_611 : vector<256x128xf32>
    %mul3A_613 = arith.mulf %sub3A_581, %div3A_588 : vector<256x1xf32>
    %slice3A_614 = vector.extract_strided_slice %get3A_117 {offsets = [2, 0], sizes = [1, 128], strides = [1, 1]} : vector<3x128xf32> to vector<1x128xf32>
    %mul3A_615 = vector.broadcast %mul3A_613 : vector<256x1xf32> to vector<256x128xf32>
    %mul3A_616 = vector.broadcast %slice3A_614 : vector<1x128xf32> to vector<256x128xf32>
    %mul3A_617 = arith.mulf %mul3A_615, %mul3A_616 : vector<256x128xf32>
    %add3A_618 = arith.addf %add3A_612, %mul3A_617 : vector<256x128xf32>
    %add3A_619 = arith.addf %dot_general3A_601, %add3A_618 : vector<256x128xf32>
    %add3A_620 = vector.broadcast %get3A_111 : vector<1x128xf32> to vector<256x128xf32>
    %add3A_621 = arith.addf %add3A_619, %add3A_620 : vector<256x128xf32>
    %mul3A_622 = arith.mulf %get3A_105, %slice3A_582 : vector<256x1xf32>
    %mul3A_623 = vector.broadcast %mul3A_622 : vector<256x1xf32> to vector<256x128xf32>
    %mul3A_624 = arith.mulf %add3A_621, %mul3A_623 : vector<256x128xf32>
    %swap3A_625 = arith.constant 0 : index
    %swap3A_626 = arith.constant 0 : index
    %swap3A_627 = arith.constant 512 : index
    %swap3A_628 = vector.load %arg14[%swap3A_625, %swap3A_626, %swap3A_627] : memref<1x256x3840xf32, #tpu.memory_space<vmem>>, vector<1x256x128xf32>
    %swap3A_629 = vector.shape_cast %swap3A_628 : vector<1x256x128xf32> to vector<256x128xf32>
    %swap3A_630 = vector.shape_cast %mul3A_624 : vector<256x128xf32> to vector<1x256x128xf32>
    tpu.vector_store %arg14[%swap3A_625, %swap3A_626, %swap3A_627], %swap3A_630 {strides = array<i32>} : memref<1x256x3840xf32, #tpu.memory_space<vmem>>, vector<1x256x128xf32>,
    %swap3A_631 = arith.constant 0 : index
    %swap3A_632 = arith.constant 0 : index
    %swap3A_633 = arith.constant 4 : index
    %swap3A_634 = vector.load %arg15[%swap3A_631, %swap3A_632, %swap3A_633] : memref<1x256x30xi32, #tpu.memory_space<vmem>>, vector<1x256x1xi32>
    %swap3A_635 = vector.shape_cast %swap3A_634 : vector<1x256x1xi32> to vector<256x1xi32>
    %swap3A_636 = vector.shape_cast %broadcast_in_dim3A_550 : vector<256x1xi32> to vector<1x256x1xi32>
    tpu.vector_store %arg15[%swap3A_631, %swap3A_632, %swap3A_633], %swap3A_636 {strides = array<i32>} : memref<1x256x30xi32, #tpu.memory_space<vmem>>, vector<1x256x1xi32>,
    %swap3A_637 = arith.constant 0 : index
    %swap3A_638 = arith.constant 0 : index
    %swap3A_639 = arith.constant 4 : index
    %swap3A_640 = vector.load %arg16[%swap3A_637, %swap3A_638, %swap3A_639] : memref<1x256x30xf32, #tpu.memory_space<vmem>>, vector<1x256x1xf32>
    %swap3A_641 = vector.shape_cast %swap3A_640 : vector<1x256x1xf32> to vector<256x1xf32>
    %swap3A_642 = vector.shape_cast %mul3A_622 : vector<256x1xf32> to vector<1x256x1xf32>
    tpu.vector_store %arg16[%swap3A_637, %swap3A_638, %swap3A_639], %swap3A_642 {strides = array<i32>} : memref<1x256x30xf32, #tpu.memory_space<vmem>>, vector<1x256x1xf32>,
    %get3A_643 = arith.constant 0 : index
    %get3A_644 = arith.constant 0 : index
    %get3A_645 = vector.load %arg17[%get3A_643, %get3A_644] : memref<256x2048xf32, #tpu.memory_space<vmem>>, vector<256x2048xf32>
    %reduce_min3A_646 = arith.constant dense<0x7F800000> : vector<256xf32>
    %reduce_min3A_647 = vector.multi_reduction <minimumf>, %get3A_645, %reduce_min3A_646 [1] : vector<256x2048xf32> to vector<256xf32>
    %broadcast_in_dim3A_648 = vector.shape_cast %reduce_min3A_647 : vector<256xf32> to vector<256x1xf32>
    %eq3A_649 = vector.broadcast %broadcast_in_dim3A_648 : vector<256x1xf32> to vector<256x2048xf32>
    %eq3A_650 = arith.cmpf oeq, %get3A_645, %eq3A_649 : vector<256x2048xf32>
    %jit3A_651 = arith.constant 2048 : i32
    %broadcast_in_dim3A_652 = vector.broadcast %jit3A_651 : i32 to vector<256x2048xi32>
    %select_n3A_653 = arith.select %eq3A_650, %iota3A, %broadcast_in_dim3A_652 : vector<256x2048xi1>, vector<256x2048xi32>
    %reduce_min3A_654 = arith.constant dense<2147483647> : vector<256xi32>
    %reduce_min3A_655 = vector.multi_reduction <minsi>, %select_n3A_653, %reduce_min3A_654 [1] : vector<256x2048xi32> to vector<256xi32>
    %broadcast_in_dim3A_656 = vector.shape_cast %reduce_min3A_655 : vector<256xi32> to vector<256x1xi32>
    %eq3A_657 = vector.broadcast %broadcast_in_dim3A_656 : vector<256x1xi32> to vector<256x2048xi32>
    %eq3A_658 = arith.cmpi eq, %iota3A, %eq3A_657 : vector<256x2048xi32>
    %jit3A_659 = arith.constant 1.000000e+09 : f32
    %broadcast_in_dim3A_660 = vector.broadcast %jit3A_659 : f32 to vector<256x2048xf32>
    %select_n3A_661 = arith.select %eq3A_658, %broadcast_in_dim3A_660, %get3A_645 : vector<256x2048xi1>, vector<256x2048xf32>
    %swap3A_662 = arith.constant 0 : index
    %swap3A_663 = arith.constant 0 : index
    %swap3A_664 = vector.load %arg17[%swap3A_662, %swap3A_663] : memref<256x2048xf32, #tpu.memory_space<vmem>>, vector<256x2048xf32>
    tpu.vector_store %arg17[%swap3A_662, %swap3A_663], %select_n3A_661 {strides = array<i32>} : memref<256x2048xf32, #tpu.memory_space<vmem>>, vector<256x2048xf32>,
    %convert_element_type3A_665 = arith.extui %eq3A_658 : vector<256x2048xi1> to vector<256x2048xi32>
    %convert_element_type3A_666 = arith.sitofp %convert_element_type3A_665 : vector<256x2048xi32> to vector<256x2048xf32>
    %convert_element_type3A_667 = arith.truncf %convert_element_type3A_666 : vector<256x2048xf32> to vector<256x2048xbf16>
    %dot_general3A_668 = arith.constant dense<0.000000e+00> : vector<256x12xf32>
    %dot_general3A_669 = tpu.matmul %convert_element_type3A_667, %concatenate3A_100, %dot_general3A_668 {dimension_numbers = #tpu.dot_dimension_numbers<[1], [1], [0], [0], [0, 0, 1, 0], [], []>, transpose_lhs_hint = false} : vector<256x2048xbf16>, vector<12x2048xbf16>, vector<256x12xf32> -> vector<256x12xf32>
    %slice3A_670 = vector.extract_strided_slice %dot_general3A_669 {offsets = [0, 0], sizes = [256, 1], strides = [1, 1]} : vector<256x12xf32> to vector<256x1xf32>
    %slice3A_671 = vector.extract_strided_slice %dot_general3A_669 {offsets = [0, 4], sizes = [256, 1], strides = [1, 1]} : vector<256x12xf32> to vector<256x1xf32>
    %add3A_672 = arith.addf %slice3A_670, %slice3A_671 : vector<256x1xf32>
    %slice3A_673 = vector.extract_strided_slice %dot_general3A_669 {offsets = [0, 8], sizes = [256, 1], strides = [1, 1]} : vector<256x12xf32> to vector<256x1xf32>
    %add3A_674 = arith.addf %add3A_672, %slice3A_673 : vector<256x1xf32>
    %sub3A_675 = arith.subf %add3A_674, %mul3A_15 : vector<256x1xf32>
    %slice3A_676 = vector.extract_strided_slice %dot_general3A_669 {offsets = [0, 1], sizes = [256, 1], strides = [1, 1]} : vector<256x12xf32> to vector<256x1xf32>
    %slice3A_677 = vector.extract_strided_slice %dot_general3A_669 {offsets = [0, 5], sizes = [256, 1], strides = [1, 1]} : vector<256x12xf32> to vector<256x1xf32>
    %add3A_678 = arith.addf %slice3A_676, %slice3A_677 : vector<256x1xf32>
    %slice3A_679 = vector.extract_strided_slice %dot_general3A_669 {offsets = [0, 9], sizes = [256, 1], strides = [1, 1]} : vector<256x12xf32> to vector<256x1xf32>
    %add3A_680 = arith.addf %add3A_678, %slice3A_679 : vector<256x1xf32>
    %sub3A_681 = arith.subf %add3A_680, %mul3A_25 : vector<256x1xf32>
    %slice3A_682 = vector.extract_strided_slice %dot_general3A_669 {offsets = [0, 2], sizes = [256, 1], strides = [1, 1]} : vector<256x12xf32> to vector<256x1xf32>
    %slice3A_683 = vector.extract_strided_slice %dot_general3A_669 {offsets = [0, 6], sizes = [256, 1], strides = [1, 1]} : vector<256x12xf32> to vector<256x1xf32>
    %add3A_684 = arith.addf %slice3A_682, %slice3A_683 : vector<256x1xf32>
    %slice3A_685 = vector.extract_strided_slice %dot_general3A_669 {offsets = [0, 10], sizes = [256, 1], strides = [1, 1]} : vector<256x12xf32> to vector<256x1xf32>
    %add3A_686 = arith.addf %add3A_684, %slice3A_685 : vector<256x1xf32>
    %sub3A_687 = arith.subf %add3A_686, %mul3A_35 : vector<256x1xf32>
    %slice3A_688 = vector.extract_strided_slice %dot_general3A_669 {offsets = [0, 3], sizes = [256, 1], strides = [1, 1]} : vector<256x12xf32> to vector<256x1xf32>
    %add3A_689 = arith.constant 9.99999993E-9 : f32
    %add3A_690 = vector.broadcast %add3A_689 : f32 to vector<256x1xf32>
    %add3A_691 = arith.addf %broadcast_in_dim3A_648, %add3A_690 : vector<256x1xf32>
    %div3A_692 = arith.constant 1.000000e+00 : f32
    %div3A_693 = vector.broadcast %div3A_692 : f32 to vector<256x1xf32>
    %div3A_694 = arith.divf %div3A_693, %add3A_691 : vector<256x1xf32>
    %sub3A_695 = vector.broadcast %broadcast_in_dim3A_648 : vector<256x1xf32> to vector<256x32xf32>
    %sub3A_696 = vector.broadcast %get3A_108 : vector<1x32xf32> to vector<256x32xf32>
    %sub3A_697 = arith.subf %sub3A_695, %sub3A_696 : vector<256x32xf32>
    %div3A_698 = arith.constant 6.250000e-01 : f32
    %div3A_699 = vector.broadcast %div3A_698 : f32 to vector<256x32xf32>
    %div3A_700 = arith.divf %sub3A_697, %div3A_699 : vector<256x32xf32>
    %mul3A_701 = arith.mulf %div3A_700, %div3A_700 : vector<256x32xf32>
    %neg3A_702 = arith.constant 0.000000e+00 : f32
    %neg3A_703 = vector.broadcast %neg3A_702 : f32 to vector<256x32xf32>
    %neg3A_704 = arith.subf %neg3A_703, %mul3A_701 : vector<256x32xf32>
    %exp3A_705 = math.exp %neg3A_704 : vector<256x32xf32>
    %dot_general3A_706 = arith.constant dense<0.000000e+00> : vector<256x128xf32>
    %dot_general3A_707 = tpu.matmul %exp3A_705, %get3A_114, %dot_general3A_706 {dimension_numbers = #tpu.dot_dimension_numbers<[1], [0], [0], [1], [0, 0, 1, 1], [], []>, transpose_lhs_hint = false} : vector<256x32xf32>, vector<32x128xf32>, vector<256x128xf32> -> vector<256x128xf32>
    %mul3A_708 = arith.mulf %sub3A_675, %div3A_694 : vector<256x1xf32>
    %slice3A_709 = vector.extract_strided_slice %get3A_117 {offsets = [0, 0], sizes = [1, 128], strides = [1, 1]} : vector<3x128xf32> to vector<1x128xf32>
    %mul3A_710 = vector.broadcast %mul3A_708 : vector<256x1xf32> to vector<256x128xf32>
    %mul3A_711 = vector.broadcast %slice3A_709 : vector<1x128xf32> to vector<256x128xf32>
    %mul3A_712 = arith.mulf %mul3A_710, %mul3A_711 : vector<256x128xf32>
    %mul3A_713 = arith.mulf %sub3A_681, %div3A_694 : vector<256x1xf32>
    %slice3A_714 = vector.extract_strided_slice %get3A_117 {offsets = [1, 0], sizes = [1, 128], strides = [1, 1]} : vector<3x128xf32> to vector<1x128xf32>
    %mul3A_715 = vector.broadcast %mul3A_713 : vector<256x1xf32> to vector<256x128xf32>
    %mul3A_716 = vector.broadcast %slice3A_714 : vector<1x128xf32> to vector<256x128xf32>
    %mul3A_717 = arith.mulf %mul3A_715, %mul3A_716 : vector<256x128xf32>
    %add3A_718 = arith.addf %mul3A_712, %mul3A_717 : vector<256x128xf32>
    %mul3A_719 = arith.mulf %sub3A_687, %div3A_694 : vector<256x1xf32>
    %slice3A_720 = vector.extract_strided_slice %get3A_117 {offsets = [2, 0], sizes = [1, 128], strides = [1, 1]} : vector<3x128xf32> to vector<1x128xf32>
    %mul3A_721 = vector.broadcast %mul3A_719 : vector<256x1xf32> to vector<256x128xf32>
    %mul3A_722 = vector.broadcast %slice3A_720 : vector<1x128xf32> to vector<256x128xf32>
    %mul3A_723 = arith.mulf %mul3A_721, %mul3A_722 : vector<256x128xf32>
    %add3A_724 = arith.addf %add3A_718, %mul3A_723 : vector<256x128xf32>
    %add3A_725 = arith.addf %dot_general3A_707, %add3A_724 : vector<256x128xf32>
    %add3A_726 = vector.broadcast %get3A_111 : vector<1x128xf32> to vector<256x128xf32>
    %add3A_727 = arith.addf %add3A_725, %add3A_726 : vector<256x128xf32>
    %mul3A_728 = arith.mulf %get3A_105, %slice3A_688 : vector<256x1xf32>
    %mul3A_729 = vector.broadcast %mul3A_728 : vector<256x1xf32> to vector<256x128xf32>
    %mul3A_730 = arith.mulf %add3A_727, %mul3A_729 : vector<256x128xf32>
    %swap3A_731 = arith.constant 0 : index
    %swap3A_732 = arith.constant 0 : index
    %swap3A_733 = arith.constant 640 : index
    %swap3A_734 = vector.load %arg14[%swap3A_731, %swap3A_732, %swap3A_733] : memref<1x256x3840xf32, #tpu.memory_space<vmem>>, vector<1x256x128xf32>
    %swap3A_735 = vector.shape_cast %swap3A_734 : vector<1x256x128xf32> to vector<256x128xf32>
    %swap3A_736 = vector.shape_cast %mul3A_730 : vector<256x128xf32> to vector<1x256x128xf32>
    tpu.vector_store %arg14[%swap3A_731, %swap3A_732, %swap3A_733], %swap3A_736 {strides = array<i32>} : memref<1x256x3840xf32, #tpu.memory_space<vmem>>, vector<1x256x128xf32>,
    %swap3A_737 = arith.constant 0 : index
    %swap3A_738 = arith.constant 0 : index
    %swap3A_739 = arith.constant 5 : index
    %swap3A_740 = vector.load %arg15[%swap3A_737, %swap3A_738, %swap3A_739] : memref<1x256x30xi32, #tpu.memory_space<vmem>>, vector<1x256x1xi32>
    %swap3A_741 = vector.shape_cast %swap3A_740 : vector<1x256x1xi32> to vector<256x1xi32>
    %swap3A_742 = vector.shape_cast %broadcast_in_dim3A_656 : vector<256x1xi32> to vector<1x256x1xi32>
    tpu.vector_store %arg15[%swap3A_737, %swap3A_738, %swap3A_739], %swap3A_742 {strides = array<i32>} : memref<1x256x30xi32, #tpu.memory_space<vmem>>, vector<1x256x1xi32>,
    %swap3A_743 = arith.constant 0 : index
    %swap3A_744 = arith.constant 0 : index
    %swap3A_745 = arith.constant 5 : index
    %swap3A_746 = vector.load %arg16[%swap3A_743, %swap3A_744, %swap3A_745] : memref<1x256x30xf32, #tpu.memory_space<vmem>>, vector<1x256x1xf32>
    %swap3A_747 = vector.shape_cast %swap3A_746 : vector<1x256x1xf32> to vector<256x1xf32>
    %swap3A_748 = vector.shape_cast %mul3A_728 : vector<256x1xf32> to vector<1x256x1xf32>
    tpu.vector_store %arg16[%swap3A_743, %swap3A_744, %swap3A_745], %swap3A_748 {strides = array<i32>} : memref<1x256x30xf32, #tpu.memory_space<vmem>>, vector<1x256x1xf32>,
    %get3A_749 = arith.constant 0 : index
    %get3A_750 = arith.constant 0 : index
    %get3A_751 = vector.load %arg17[%get3A_749, %get3A_750] : memref<256x2048xf32, #tpu.memory_space<vmem>>, vector<256x2048xf32>
    %reduce_min3A_752 = arith.constant dense<0x7F800000> : vector<256xf32>
    %reduce_min3A_753 = vector.multi_reduction <minimumf>, %get3A_751, %reduce_min3A_752 [1] : vector<256x2048xf32> to vector<256xf32>
    %broadcast_in_dim3A_754 = vector.shape_cast %reduce_min3A_753 : vector<256xf32> to vector<256x1xf32>
    %eq3A_755 = vector.broadcast %broadcast_in_dim3A_754 : vector<256x1xf32> to vector<256x2048xf32>
    %eq3A_756 = arith.cmpf oeq, %get3A_751, %eq3A_755 : vector<256x2048xf32>
    %jit3A_757 = arith.constant 2048 : i32
    %broadcast_in_dim3A_758 = vector.broadcast %jit3A_757 : i32 to vector<256x2048xi32>
    %select_n3A_759 = arith.select %eq3A_756, %iota3A, %broadcast_in_dim3A_758 : vector<256x2048xi1>, vector<256x2048xi32>
    %reduce_min3A_760 = arith.constant dense<2147483647> : vector<256xi32>
    %reduce_min3A_761 = vector.multi_reduction <minsi>, %select_n3A_759, %reduce_min3A_760 [1] : vector<256x2048xi32> to vector<256xi32>
    %broadcast_in_dim3A_762 = vector.shape_cast %reduce_min3A_761 : vector<256xi32> to vector<256x1xi32>
    %eq3A_763 = vector.broadcast %broadcast_in_dim3A_762 : vector<256x1xi32> to vector<256x2048xi32>
    %eq3A_764 = arith.cmpi eq, %iota3A, %eq3A_763 : vector<256x2048xi32>
    %jit3A_765 = arith.constant 1.000000e+09 : f32
    %broadcast_in_dim3A_766 = vector.broadcast %jit3A_765 : f32 to vector<256x2048xf32>
    %select_n3A_767 = arith.select %eq3A_764, %broadcast_in_dim3A_766, %get3A_751 : vector<256x2048xi1>, vector<256x2048xf32>
    %swap3A_768 = arith.constant 0 : index
    %swap3A_769 = arith.constant 0 : index
    %swap3A_770 = vector.load %arg17[%swap3A_768, %swap3A_769] : memref<256x2048xf32, #tpu.memory_space<vmem>>, vector<256x2048xf32>
    tpu.vector_store %arg17[%swap3A_768, %swap3A_769], %select_n3A_767 {strides = array<i32>} : memref<256x2048xf32, #tpu.memory_space<vmem>>, vector<256x2048xf32>,
    %convert_element_type3A_771 = arith.extui %eq3A_764 : vector<256x2048xi1> to vector<256x2048xi32>
    %convert_element_type3A_772 = arith.sitofp %convert_element_type3A_771 : vector<256x2048xi32> to vector<256x2048xf32>
    %convert_element_type3A_773 = arith.truncf %convert_element_type3A_772 : vector<256x2048xf32> to vector<256x2048xbf16>
    %dot_general3A_774 = arith.constant dense<0.000000e+00> : vector<256x12xf32>
    %dot_general3A_775 = tpu.matmul %convert_element_type3A_773, %concatenate3A_100, %dot_general3A_774 {dimension_numbers = #tpu.dot_dimension_numbers<[1], [1], [0], [0], [0, 0, 1, 0], [], []>, transpose_lhs_hint = false} : vector<256x2048xbf16>, vector<12x2048xbf16>, vector<256x12xf32> -> vector<256x12xf32>
    %slice3A_776 = vector.extract_strided_slice %dot_general3A_775 {offsets = [0, 0], sizes = [256, 1], strides = [1, 1]} : vector<256x12xf32> to vector<256x1xf32>
    %slice3A_777 = vector.extract_strided_slice %dot_general3A_775 {offsets = [0, 4], sizes = [256, 1], strides = [1, 1]} : vector<256x12xf32> to vector<256x1xf32>
    %add3A_778 = arith.addf %slice3A_776, %slice3A_777 : vector<256x1xf32>
    %slice3A_779 = vector.extract_strided_slice %dot_general3A_775 {offsets = [0, 8], sizes = [256, 1], strides = [1, 1]} : vector<256x12xf32> to vector<256x1xf32>
    %add3A_780 = arith.addf %add3A_778, %slice3A_779 : vector<256x1xf32>
    %sub3A_781 = arith.subf %add3A_780, %mul3A_15 : vector<256x1xf32>
    %slice3A_782 = vector.extract_strided_slice %dot_general3A_775 {offsets = [0, 1], sizes = [256, 1], strides = [1, 1]} : vector<256x12xf32> to vector<256x1xf32>
    %slice3A_783 = vector.extract_strided_slice %dot_general3A_775 {offsets = [0, 5], sizes = [256, 1], strides = [1, 1]} : vector<256x12xf32> to vector<256x1xf32>
    %add3A_784 = arith.addf %slice3A_782, %slice3A_783 : vector<256x1xf32>
    %slice3A_785 = vector.extract_strided_slice %dot_general3A_775 {offsets = [0, 9], sizes = [256, 1], strides = [1, 1]} : vector<256x12xf32> to vector<256x1xf32>
    %add3A_786 = arith.addf %add3A_784, %slice3A_785 : vector<256x1xf32>
    %sub3A_787 = arith.subf %add3A_786, %mul3A_25 : vector<256x1xf32>
    %slice3A_788 = vector.extract_strided_slice %dot_general3A_775 {offsets = [0, 2], sizes = [256, 1], strides = [1, 1]} : vector<256x12xf32> to vector<256x1xf32>
    %slice3A_789 = vector.extract_strided_slice %dot_general3A_775 {offsets = [0, 6], sizes = [256, 1], strides = [1, 1]} : vector<256x12xf32> to vector<256x1xf32>
    %add3A_790 = arith.addf %slice3A_788, %slice3A_789 : vector<256x1xf32>
    %slice3A_791 = vector.extract_strided_slice %dot_general3A_775 {offsets = [0, 10], sizes = [256, 1], strides = [1, 1]} : vector<256x12xf32> to vector<256x1xf32>
    %add3A_792 = arith.addf %add3A_790, %slice3A_791 : vector<256x1xf32>
    %sub3A_793 = arith.subf %add3A_792, %mul3A_35 : vector<256x1xf32>
    %slice3A_794 = vector.extract_strided_slice %dot_general3A_775 {offsets = [0, 3], sizes = [256, 1], strides = [1, 1]} : vector<256x12xf32> to vector<256x1xf32>
    %add3A_795 = arith.constant 9.99999993E-9 : f32
    %add3A_796 = vector.broadcast %add3A_795 : f32 to vector<256x1xf32>
    %add3A_797 = arith.addf %broadcast_in_dim3A_754, %add3A_796 : vector<256x1xf32>
    %div3A_798 = arith.constant 1.000000e+00 : f32
    %div3A_799 = vector.broadcast %div3A_798 : f32 to vector<256x1xf32>
    %div3A_800 = arith.divf %div3A_799, %add3A_797 : vector<256x1xf32>
    %sub3A_801 = vector.broadcast %broadcast_in_dim3A_754 : vector<256x1xf32> to vector<256x32xf32>
    %sub3A_802 = vector.broadcast %get3A_108 : vector<1x32xf32> to vector<256x32xf32>
    %sub3A_803 = arith.subf %sub3A_801, %sub3A_802 : vector<256x32xf32>
    %div3A_804 = arith.constant 6.250000e-01 : f32
    %div3A_805 = vector.broadcast %div3A_804 : f32 to vector<256x32xf32>
    %div3A_806 = arith.divf %sub3A_803, %div3A_805 : vector<256x32xf32>
    %mul3A_807 = arith.mulf %div3A_806, %div3A_806 : vector<256x32xf32>
    %neg3A_808 = arith.constant 0.000000e+00 : f32
    %neg3A_809 = vector.broadcast %neg3A_808 : f32 to vector<256x32xf32>
    %neg3A_810 = arith.subf %neg3A_809, %mul3A_807 : vector<256x32xf32>
    %exp3A_811 = math.exp %neg3A_810 : vector<256x32xf32>
    %dot_general3A_812 = arith.constant dense<0.000000e+00> : vector<256x128xf32>
    %dot_general3A_813 = tpu.matmul %exp3A_811, %get3A_114, %dot_general3A_812 {dimension_numbers = #tpu.dot_dimension_numbers<[1], [0], [0], [1], [0, 0, 1, 1], [], []>, transpose_lhs_hint = false} : vector<256x32xf32>, vector<32x128xf32>, vector<256x128xf32> -> vector<256x128xf32>
    %mul3A_814 = arith.mulf %sub3A_781, %div3A_800 : vector<256x1xf32>
    %slice3A_815 = vector.extract_strided_slice %get3A_117 {offsets = [0, 0], sizes = [1, 128], strides = [1, 1]} : vector<3x128xf32> to vector<1x128xf32>
    %mul3A_816 = vector.broadcast %mul3A_814 : vector<256x1xf32> to vector<256x128xf32>
    %mul3A_817 = vector.broadcast %slice3A_815 : vector<1x128xf32> to vector<256x128xf32>
    %mul3A_818 = arith.mulf %mul3A_816, %mul3A_817 : vector<256x128xf32>
    %mul3A_819 = arith.mulf %sub3A_787, %div3A_800 : vector<256x1xf32>
    %slice3A_820 = vector.extract_strided_slice %get3A_117 {offsets = [1, 0], sizes = [1, 128], strides = [1, 1]} : vector<3x128xf32> to vector<1x128xf32>
    %mul3A_821 = vector.broadcast %mul3A_819 : vector<256x1xf32> to vector<256x128xf32>
    %mul3A_822 = vector.broadcast %slice3A_820 : vector<1x128xf32> to vector<256x128xf32>
    %mul3A_823 = arith.mulf %mul3A_821, %mul3A_822 : vector<256x128xf32>
    %add3A_824 = arith.addf %mul3A_818, %mul3A_823 : vector<256x128xf32>
    %mul3A_825 = arith.mulf %sub3A_793, %div3A_800 : vector<256x1xf32>
    %slice3A_826 = vector.extract_strided_slice %get3A_117 {offsets = [2, 0], sizes = [1, 128], strides = [1, 1]} : vector<3x128xf32> to vector<1x128xf32>
    %mul3A_827 = vector.broadcast %mul3A_825 : vector<256x1xf32> to vector<256x128xf32>
    %mul3A_828 = vector.broadcast %slice3A_826 : vector<1x128xf32> to vector<256x128xf32>
    %mul3A_829 = arith.mulf %mul3A_827, %mul3A_828 : vector<256x128xf32>
    %add3A_830 = arith.addf %add3A_824, %mul3A_829 : vector<256x128xf32>
    %add3A_831 = arith.addf %dot_general3A_813, %add3A_830 : vector<256x128xf32>
    %add3A_832 = vector.broadcast %get3A_111 : vector<1x128xf32> to vector<256x128xf32>
    %add3A_833 = arith.addf %add3A_831, %add3A_832 : vector<256x128xf32>
    %mul3A_834 = arith.mulf %get3A_105, %slice3A_794 : vector<256x1xf32>
    %mul3A_835 = vector.broadcast %mul3A_834 : vector<256x1xf32> to vector<256x128xf32>
    %mul3A_836 = arith.mulf %add3A_833, %mul3A_835 : vector<256x128xf32>
    %swap3A_837 = arith.constant 0 : index
    %swap3A_838 = arith.constant 0 : index
    %swap3A_839 = arith.constant 768 : index
    %swap3A_840 = vector.load %arg14[%swap3A_837, %swap3A_838, %swap3A_839] : memref<1x256x3840xf32, #tpu.memory_space<vmem>>, vector<1x256x128xf32>
    %swap3A_841 = vector.shape_cast %swap3A_840 : vector<1x256x128xf32> to vector<256x128xf32>
    %swap3A_842 = vector.shape_cast %mul3A_836 : vector<256x128xf32> to vector<1x256x128xf32>
    tpu.vector_store %arg14[%swap3A_837, %swap3A_838, %swap3A_839], %swap3A_842 {strides = array<i32>} : memref<1x256x3840xf32, #tpu.memory_space<vmem>>, vector<1x256x128xf32>,
    %swap3A_843 = arith.constant 0 : index
    %swap3A_844 = arith.constant 0 : index
    %swap3A_845 = arith.constant 6 : index
    %swap3A_846 = vector.load %arg15[%swap3A_843, %swap3A_844, %swap3A_845] : memref<1x256x30xi32, #tpu.memory_space<vmem>>, vector<1x256x1xi32>
    %swap3A_847 = vector.shape_cast %swap3A_846 : vector<1x256x1xi32> to vector<256x1xi32>
    %swap3A_848 = vector.shape_cast %broadcast_in_dim3A_762 : vector<256x1xi32> to vector<1x256x1xi32>
    tpu.vector_store %arg15[%swap3A_843, %swap3A_844, %swap3A_845], %swap3A_848 {strides = array<i32>} : memref<1x256x30xi32, #tpu.memory_space<vmem>>, vector<1x256x1xi32>,
    %swap3A_849 = arith.constant 0 : index
    %swap3A_850 = arith.constant 0 : index
    %swap3A_851 = arith.constant 6 : index
    %swap3A_852 = vector.load %arg16[%swap3A_849, %swap3A_850, %swap3A_851] : memref<1x256x30xf32, #tpu.memory_space<vmem>>, vector<1x256x1xf32>
    %swap3A_853 = vector.shape_cast %swap3A_852 : vector<1x256x1xf32> to vector<256x1xf32>
    %swap3A_854 = vector.shape_cast %mul3A_834 : vector<256x1xf32> to vector<1x256x1xf32>
    tpu.vector_store %arg16[%swap3A_849, %swap3A_850, %swap3A_851], %swap3A_854 {strides = array<i32>} : memref<1x256x30xf32, #tpu.memory_space<vmem>>, vector<1x256x1xf32>,
    %get3A_855 = arith.constant 0 : index
    %get3A_856 = arith.constant 0 : index
    %get3A_857 = vector.load %arg17[%get3A_855, %get3A_856] : memref<256x2048xf32, #tpu.memory_space<vmem>>, vector<256x2048xf32>
    %reduce_min3A_858 = arith.constant dense<0x7F800000> : vector<256xf32>
    %reduce_min3A_859 = vector.multi_reduction <minimumf>, %get3A_857, %reduce_min3A_858 [1] : vector<256x2048xf32> to vector<256xf32>
    %broadcast_in_dim3A_860 = vector.shape_cast %reduce_min3A_859 : vector<256xf32> to vector<256x1xf32>
    %eq3A_861 = vector.broadcast %broadcast_in_dim3A_860 : vector<256x1xf32> to vector<256x2048xf32>
    %eq3A_862 = arith.cmpf oeq, %get3A_857, %eq3A_861 : vector<256x2048xf32>
    %jit3A_863 = arith.constant 2048 : i32
    %broadcast_in_dim3A_864 = vector.broadcast %jit3A_863 : i32 to vector<256x2048xi32>
    %select_n3A_865 = arith.select %eq3A_862, %iota3A, %broadcast_in_dim3A_864 : vector<256x2048xi1>, vector<256x2048xi32>
    %reduce_min3A_866 = arith.constant dense<2147483647> : vector<256xi32>
    %reduce_min3A_867 = vector.multi_reduction <minsi>, %select_n3A_865, %reduce_min3A_866 [1] : vector<256x2048xi32> to vector<256xi32>
    %broadcast_in_dim3A_868 = vector.shape_cast %reduce_min3A_867 : vector<256xi32> to vector<256x1xi32>
    %eq3A_869 = vector.broadcast %broadcast_in_dim3A_868 : vector<256x1xi32> to vector<256x2048xi32>
    %eq3A_870 = arith.cmpi eq, %iota3A, %eq3A_869 : vector<256x2048xi32>
    %jit3A_871 = arith.constant 1.000000e+09 : f32
    %broadcast_in_dim3A_872 = vector.broadcast %jit3A_871 : f32 to vector<256x2048xf32>
    %select_n3A_873 = arith.select %eq3A_870, %broadcast_in_dim3A_872, %get3A_857 : vector<256x2048xi1>, vector<256x2048xf32>
    %swap3A_874 = arith.constant 0 : index
    %swap3A_875 = arith.constant 0 : index
    %swap3A_876 = vector.load %arg17[%swap3A_874, %swap3A_875] : memref<256x2048xf32, #tpu.memory_space<vmem>>, vector<256x2048xf32>
    tpu.vector_store %arg17[%swap3A_874, %swap3A_875], %select_n3A_873 {strides = array<i32>} : memref<256x2048xf32, #tpu.memory_space<vmem>>, vector<256x2048xf32>,
    %convert_element_type3A_877 = arith.extui %eq3A_870 : vector<256x2048xi1> to vector<256x2048xi32>
    %convert_element_type3A_878 = arith.sitofp %convert_element_type3A_877 : vector<256x2048xi32> to vector<256x2048xf32>
    %convert_element_type3A_879 = arith.truncf %convert_element_type3A_878 : vector<256x2048xf32> to vector<256x2048xbf16>
    %dot_general3A_880 = arith.constant dense<0.000000e+00> : vector<256x12xf32>
    %dot_general3A_881 = tpu.matmul %convert_element_type3A_879, %concatenate3A_100, %dot_general3A_880 {dimension_numbers = #tpu.dot_dimension_numbers<[1], [1], [0], [0], [0, 0, 1, 0], [], []>, transpose_lhs_hint = false} : vector<256x2048xbf16>, vector<12x2048xbf16>, vector<256x12xf32> -> vector<256x12xf32>
    %slice3A_882 = vector.extract_strided_slice %dot_general3A_881 {offsets = [0, 0], sizes = [256, 1], strides = [1, 1]} : vector<256x12xf32> to vector<256x1xf32>
    %slice3A_883 = vector.extract_strided_slice %dot_general3A_881 {offsets = [0, 4], sizes = [256, 1], strides = [1, 1]} : vector<256x12xf32> to vector<256x1xf32>
    %add3A_884 = arith.addf %slice3A_882, %slice3A_883 : vector<256x1xf32>
    %slice3A_885 = vector.extract_strided_slice %dot_general3A_881 {offsets = [0, 8], sizes = [256, 1], strides = [1, 1]} : vector<256x12xf32> to vector<256x1xf32>
    %add3A_886 = arith.addf %add3A_884, %slice3A_885 : vector<256x1xf32>
    %sub3A_887 = arith.subf %add3A_886, %mul3A_15 : vector<256x1xf32>
    %slice3A_888 = vector.extract_strided_slice %dot_general3A_881 {offsets = [0, 1], sizes = [256, 1], strides = [1, 1]} : vector<256x12xf32> to vector<256x1xf32>
    %slice3A_889 = vector.extract_strided_slice %dot_general3A_881 {offsets = [0, 5], sizes = [256, 1], strides = [1, 1]} : vector<256x12xf32> to vector<256x1xf32>
    %add3A_890 = arith.addf %slice3A_888, %slice3A_889 : vector<256x1xf32>
    %slice3A_891 = vector.extract_strided_slice %dot_general3A_881 {offsets = [0, 9], sizes = [256, 1], strides = [1, 1]} : vector<256x12xf32> to vector<256x1xf32>
    %add3A_892 = arith.addf %add3A_890, %slice3A_891 : vector<256x1xf32>
    %sub3A_893 = arith.subf %add3A_892, %mul3A_25 : vector<256x1xf32>
    %slice3A_894 = vector.extract_strided_slice %dot_general3A_881 {offsets = [0, 2], sizes = [256, 1], strides = [1, 1]} : vector<256x12xf32> to vector<256x1xf32>
    %slice3A_895 = vector.extract_strided_slice %dot_general3A_881 {offsets = [0, 6], sizes = [256, 1], strides = [1, 1]} : vector<256x12xf32> to vector<256x1xf32>
    %add3A_896 = arith.addf %slice3A_894, %slice3A_895 : vector<256x1xf32>
    %slice3A_897 = vector.extract_strided_slice %dot_general3A_881 {offsets = [0, 10], sizes = [256, 1], strides = [1, 1]} : vector<256x12xf32> to vector<256x1xf32>
    %add3A_898 = arith.addf %add3A_896, %slice3A_897 : vector<256x1xf32>
    %sub3A_899 = arith.subf %add3A_898, %mul3A_35 : vector<256x1xf32>
    %slice3A_900 = vector.extract_strided_slice %dot_general3A_881 {offsets = [0, 3], sizes = [256, 1], strides = [1, 1]} : vector<256x12xf32> to vector<256x1xf32>
    %add3A_901 = arith.constant 9.99999993E-9 : f32
    %add3A_902 = vector.broadcast %add3A_901 : f32 to vector<256x1xf32>
    %add3A_903 = arith.addf %broadcast_in_dim3A_860, %add3A_902 : vector<256x1xf32>
    %div3A_904 = arith.constant 1.000000e+00 : f32
    %div3A_905 = vector.broadcast %div3A_904 : f32 to vector<256x1xf32>
    %div3A_906 = arith.divf %div3A_905, %add3A_903 : vector<256x1xf32>
    %sub3A_907 = vector.broadcast %broadcast_in_dim3A_860 : vector<256x1xf32> to vector<256x32xf32>
    %sub3A_908 = vector.broadcast %get3A_108 : vector<1x32xf32> to vector<256x32xf32>
    %sub3A_909 = arith.subf %sub3A_907, %sub3A_908 : vector<256x32xf32>
    %div3A_910 = arith.constant 6.250000e-01 : f32
    %div3A_911 = vector.broadcast %div3A_910 : f32 to vector<256x32xf32>
    %div3A_912 = arith.divf %sub3A_909, %div3A_911 : vector<256x32xf32>
    %mul3A_913 = arith.mulf %div3A_912, %div3A_912 : vector<256x32xf32>
    %neg3A_914 = arith.constant 0.000000e+00 : f32
    %neg3A_915 = vector.broadcast %neg3A_914 : f32 to vector<256x32xf32>
    %neg3A_916 = arith.subf %neg3A_915, %mul3A_913 : vector<256x32xf32>
    %exp3A_917 = math.exp %neg3A_916 : vector<256x32xf32>
    %dot_general3A_918 = arith.constant dense<0.000000e+00> : vector<256x128xf32>
    %dot_general3A_919 = tpu.matmul %exp3A_917, %get3A_114, %dot_general3A_918 {dimension_numbers = #tpu.dot_dimension_numbers<[1], [0], [0], [1], [0, 0, 1, 1], [], []>, transpose_lhs_hint = false} : vector<256x32xf32>, vector<32x128xf32>, vector<256x128xf32> -> vector<256x128xf32>
    %mul3A_920 = arith.mulf %sub3A_887, %div3A_906 : vector<256x1xf32>
    %slice3A_921 = vector.extract_strided_slice %get3A_117 {offsets = [0, 0], sizes = [1, 128], strides = [1, 1]} : vector<3x128xf32> to vector<1x128xf32>
    %mul3A_922 = vector.broadcast %mul3A_920 : vector<256x1xf32> to vector<256x128xf32>
    %mul3A_923 = vector.broadcast %slice3A_921 : vector<1x128xf32> to vector<256x128xf32>
    %mul3A_924 = arith.mulf %mul3A_922, %mul3A_923 : vector<256x128xf32>
    %mul3A_925 = arith.mulf %sub3A_893, %div3A_906 : vector<256x1xf32>
    %slice3A_926 = vector.extract_strided_slice %get3A_117 {offsets = [1, 0], sizes = [1, 128], strides = [1, 1]} : vector<3x128xf32> to vector<1x128xf32>
    %mul3A_927 = vector.broadcast %mul3A_925 : vector<256x1xf32> to vector<256x128xf32>
    %mul3A_928 = vector.broadcast %slice3A_926 : vector<1x128xf32> to vector<256x128xf32>
    %mul3A_929 = arith.mulf %mul3A_927, %mul3A_928 : vector<256x128xf32>
    %add3A_930 = arith.addf %mul3A_924, %mul3A_929 : vector<256x128xf32>
    %mul3A_931 = arith.mulf %sub3A_899, %div3A_906 : vector<256x1xf32>
    %slice3A_932 = vector.extract_strided_slice %get3A_117 {offsets = [2, 0], sizes = [1, 128], strides = [1, 1]} : vector<3x128xf32> to vector<1x128xf32>
    %mul3A_933 = vector.broadcast %mul3A_931 : vector<256x1xf32> to vector<256x128xf32>
    %mul3A_934 = vector.broadcast %slice3A_932 : vector<1x128xf32> to vector<256x128xf32>
    %mul3A_935 = arith.mulf %mul3A_933, %mul3A_934 : vector<256x128xf32>
    %add3A_936 = arith.addf %add3A_930, %mul3A_935 : vector<256x128xf32>
    %add3A_937 = arith.addf %dot_general3A_919, %add3A_936 : vector<256x128xf32>
    %add3A_938 = vector.broadcast %get3A_111 : vector<1x128xf32> to vector<256x128xf32>
    %add3A_939 = arith.addf %add3A_937, %add3A_938 : vector<256x128xf32>
    %mul3A_940 = arith.mulf %get3A_105, %slice3A_900 : vector<256x1xf32>
    %mul3A_941 = vector.broadcast %mul3A_940 : vector<256x1xf32> to vector<256x128xf32>
    %mul3A_942 = arith.mulf %add3A_939, %mul3A_941 : vector<256x128xf32>
    %swap3A_943 = arith.constant 0 : index
    %swap3A_944 = arith.constant 0 : index
    %swap3A_945 = arith.constant 896 : index
    %swap3A_946 = vector.load %arg14[%swap3A_943, %swap3A_944, %swap3A_945] : memref<1x256x3840xf32, #tpu.memory_space<vmem>>, vector<1x256x128xf32>
    %swap3A_947 = vector.shape_cast %swap3A_946 : vector<1x256x128xf32> to vector<256x128xf32>
    %swap3A_948 = vector.shape_cast %mul3A_942 : vector<256x128xf32> to vector<1x256x128xf32>
    tpu.vector_store %arg14[%swap3A_943, %swap3A_944, %swap3A_945], %swap3A_948 {strides = array<i32>} : memref<1x256x3840xf32, #tpu.memory_space<vmem>>, vector<1x256x128xf32>,
    %swap3A_949 = arith.constant 0 : index
    %swap3A_950 = arith.constant 0 : index
    %swap3A_951 = arith.constant 7 : index
    %swap3A_952 = vector.load %arg15[%swap3A_949, %swap3A_950, %swap3A_951] : memref<1x256x30xi32, #tpu.memory_space<vmem>>, vector<1x256x1xi32>
    %swap3A_953 = vector.shape_cast %swap3A_952 : vector<1x256x1xi32> to vector<256x1xi32>
    %swap3A_954 = vector.shape_cast %broadcast_in_dim3A_868 : vector<256x1xi32> to vector<1x256x1xi32>
    tpu.vector_store %arg15[%swap3A_949, %swap3A_950, %swap3A_951], %swap3A_954 {strides = array<i32>} : memref<1x256x30xi32, #tpu.memory_space<vmem>>, vector<1x256x1xi32>,
    %swap3A_955 = arith.constant 0 : index
    %swap3A_956 = arith.constant 0 : index
    %swap3A_957 = arith.constant 7 : index
    %swap3A_958 = vector.load %arg16[%swap3A_955, %swap3A_956, %swap3A_957] : memref<1x256x30xf32, #tpu.memory_space<vmem>>, vector<1x256x1xf32>
    %swap3A_959 = vector.shape_cast %swap3A_958 : vector<1x256x1xf32> to vector<256x1xf32>
    %swap3A_960 = vector.shape_cast %mul3A_940 : vector<256x1xf32> to vector<1x256x1xf32>
    tpu.vector_store %arg16[%swap3A_955, %swap3A_956, %swap3A_957], %swap3A_960 {strides = array<i32>} : memref<1x256x30xf32, #tpu.memory_space<vmem>>, vector<1x256x1xf32>,
    %get3A_961 = arith.constant 0 : index
    %get3A_962 = arith.constant 0 : index
    %get3A_963 = vector.load %arg17[%get3A_961, %get3A_962] : memref<256x2048xf32, #tpu.memory_space<vmem>>, vector<256x2048xf32>
    %reduce_min3A_964 = arith.constant dense<0x7F800000> : vector<256xf32>
    %reduce_min3A_965 = vector.multi_reduction <minimumf>, %get3A_963, %reduce_min3A_964 [1] : vector<256x2048xf32> to vector<256xf32>
    %broadcast_in_dim3A_966 = vector.shape_cast %reduce_min3A_965 : vector<256xf32> to vector<256x1xf32>
    %eq3A_967 = vector.broadcast %broadcast_in_dim3A_966 : vector<256x1xf32> to vector<256x2048xf32>
    %eq3A_968 = arith.cmpf oeq, %get3A_963, %eq3A_967 : vector<256x2048xf32>
    %jit3A_969 = arith.constant 2048 : i32
    %broadcast_in_dim3A_970 = vector.broadcast %jit3A_969 : i32 to vector<256x2048xi32>
    %select_n3A_971 = arith.select %eq3A_968, %iota3A, %broadcast_in_dim3A_970 : vector<256x2048xi1>, vector<256x2048xi32>
    %reduce_min3A_972 = arith.constant dense<2147483647> : vector<256xi32>
    %reduce_min3A_973 = vector.multi_reduction <minsi>, %select_n3A_971, %reduce_min3A_972 [1] : vector<256x2048xi32> to vector<256xi32>
    %broadcast_in_dim3A_974 = vector.shape_cast %reduce_min3A_973 : vector<256xi32> to vector<256x1xi32>
    %eq3A_975 = vector.broadcast %broadcast_in_dim3A_974 : vector<256x1xi32> to vector<256x2048xi32>
    %eq3A_976 = arith.cmpi eq, %iota3A, %eq3A_975 : vector<256x2048xi32>
    %jit3A_977 = arith.constant 1.000000e+09 : f32
    %broadcast_in_dim3A_978 = vector.broadcast %jit3A_977 : f32 to vector<256x2048xf32>
    %select_n3A_979 = arith.select %eq3A_976, %broadcast_in_dim3A_978, %get3A_963 : vector<256x2048xi1>, vector<256x2048xf32>
    %swap3A_980 = arith.constant 0 : index
    %swap3A_981 = arith.constant 0 : index
    %swap3A_982 = vector.load %arg17[%swap3A_980, %swap3A_981] : memref<256x2048xf32, #tpu.memory_space<vmem>>, vector<256x2048xf32>
    tpu.vector_store %arg17[%swap3A_980, %swap3A_981], %select_n3A_979 {strides = array<i32>} : memref<256x2048xf32, #tpu.memory_space<vmem>>, vector<256x2048xf32>,
    %convert_element_type3A_983 = arith.extui %eq3A_976 : vector<256x2048xi1> to vector<256x2048xi32>
    %convert_element_type3A_984 = arith.sitofp %convert_element_type3A_983 : vector<256x2048xi32> to vector<256x2048xf32>
    %convert_element_type3A_985 = arith.truncf %convert_element_type3A_984 : vector<256x2048xf32> to vector<256x2048xbf16>
    %dot_general3A_986 = arith.constant dense<0.000000e+00> : vector<256x12xf32>
    %dot_general3A_987 = tpu.matmul %convert_element_type3A_985, %concatenate3A_100, %dot_general3A_986 {dimension_numbers = #tpu.dot_dimension_numbers<[1], [1], [0], [0], [0, 0, 1, 0], [], []>, transpose_lhs_hint = false} : vector<256x2048xbf16>, vector<12x2048xbf16>, vector<256x12xf32> -> vector<256x12xf32>
    %slice3A_988 = vector.extract_strided_slice %dot_general3A_987 {offsets = [0, 0], sizes = [256, 1], strides = [1, 1]} : vector<256x12xf32> to vector<256x1xf32>
    %slice3A_989 = vector.extract_strided_slice %dot_general3A_987 {offsets = [0, 4], sizes = [256, 1], strides = [1, 1]} : vector<256x12xf32> to vector<256x1xf32>
    %add3A_990 = arith.addf %slice3A_988, %slice3A_989 : vector<256x1xf32>
    %slice3A_991 = vector.extract_strided_slice %dot_general3A_987 {offsets = [0, 8], sizes = [256, 1], strides = [1, 1]} : vector<256x12xf32> to vector<256x1xf32>
    %add3A_992 = arith.addf %add3A_990, %slice3A_991 : vector<256x1xf32>
    %sub3A_993 = arith.subf %add3A_992, %mul3A_15 : vector<256x1xf32>
    %slice3A_994 = vector.extract_strided_slice %dot_general3A_987 {offsets = [0, 1], sizes = [256, 1], strides = [1, 1]} : vector<256x12xf32> to vector<256x1xf32>
    %slice3A_995 = vector.extract_strided_slice %dot_general3A_987 {offsets = [0, 5], sizes = [256, 1], strides = [1, 1]} : vector<256x12xf32> to vector<256x1xf32>
    %add3A_996 = arith.addf %slice3A_994, %slice3A_995 : vector<256x1xf32>
    %slice3A_997 = vector.extract_strided_slice %dot_general3A_987 {offsets = [0, 9], sizes = [256, 1], strides = [1, 1]} : vector<256x12xf32> to vector<256x1xf32>
    %add3A_998 = arith.addf %add3A_996, %slice3A_997 : vector<256x1xf32>
    %sub3A_999 = arith.subf %add3A_998, %mul3A_25 : vector<256x1xf32>
    %slice3A_1000 = vector.extract_strided_slice %dot_general3A_987 {offsets = [0, 2], sizes = [256, 1], strides = [1, 1]} : vector<256x12xf32> to vector<256x1xf32>
    %slice3A_1001 = vector.extract_strided_slice %dot_general3A_987 {offsets = [0, 6], sizes = [256, 1], strides = [1, 1]} : vector<256x12xf32> to vector<256x1xf32>
    %add3A_1002 = arith.addf %slice3A_1000, %slice3A_1001 : vector<256x1xf32>
    %slice3A_1003 = vector.extract_strided_slice %dot_general3A_987 {offsets = [0, 10], sizes = [256, 1], strides = [1, 1]} : vector<256x12xf32> to vector<256x1xf32>
    %add3A_1004 = arith.addf %add3A_1002, %slice3A_1003 : vector<256x1xf32>
    %sub3A_1005 = arith.subf %add3A_1004, %mul3A_35 : vector<256x1xf32>
    %slice3A_1006 = vector.extract_strided_slice %dot_general3A_987 {offsets = [0, 3], sizes = [256, 1], strides = [1, 1]} : vector<256x12xf32> to vector<256x1xf32>
    %add3A_1007 = arith.constant 9.99999993E-9 : f32
    %add3A_1008 = vector.broadcast %add3A_1007 : f32 to vector<256x1xf32>
    %add3A_1009 = arith.addf %broadcast_in_dim3A_966, %add3A_1008 : vector<256x1xf32>
    %div3A_1010 = arith.constant 1.000000e+00 : f32
    %div3A_1011 = vector.broadcast %div3A_1010 : f32 to vector<256x1xf32>
    %div3A_1012 = arith.divf %div3A_1011, %add3A_1009 : vector<256x1xf32>
    %sub3A_1013 = vector.broadcast %broadcast_in_dim3A_966 : vector<256x1xf32> to vector<256x32xf32>
    %sub3A_1014 = vector.broadcast %get3A_108 : vector<1x32xf32> to vector<256x32xf32>
    %sub3A_1015 = arith.subf %sub3A_1013, %sub3A_1014 : vector<256x32xf32>
    %div3A_1016 = arith.constant 6.250000e-01 : f32
    %div3A_1017 = vector.broadcast %div3A_1016 : f32 to vector<256x32xf32>
    %div3A_1018 = arith.divf %sub3A_1015, %div3A_1017 : vector<256x32xf32>
    %mul3A_1019 = arith.mulf %div3A_1018, %div3A_1018 : vector<256x32xf32>
    %neg3A_1020 = arith.constant 0.000000e+00 : f32
    %neg3A_1021 = vector.broadcast %neg3A_1020 : f32 to vector<256x32xf32>
    %neg3A_1022 = arith.subf %neg3A_1021, %mul3A_1019 : vector<256x32xf32>
    %exp3A_1023 = math.exp %neg3A_1022 : vector<256x32xf32>
    %dot_general3A_1024 = arith.constant dense<0.000000e+00> : vector<256x128xf32>
    %dot_general3A_1025 = tpu.matmul %exp3A_1023, %get3A_114, %dot_general3A_1024 {dimension_numbers = #tpu.dot_dimension_numbers<[1], [0], [0], [1], [0, 0, 1, 1], [], []>, transpose_lhs_hint = false} : vector<256x32xf32>, vector<32x128xf32>, vector<256x128xf32> -> vector<256x128xf32>
    %mul3A_1026 = arith.mulf %sub3A_993, %div3A_1012 : vector<256x1xf32>
    %slice3A_1027 = vector.extract_strided_slice %get3A_117 {offsets = [0, 0], sizes = [1, 128], strides = [1, 1]} : vector<3x128xf32> to vector<1x128xf32>
    %mul3A_1028 = vector.broadcast %mul3A_1026 : vector<256x1xf32> to vector<256x128xf32>
    %mul3A_1029 = vector.broadcast %slice3A_1027 : vector<1x128xf32> to vector<256x128xf32>
    %mul3A_1030 = arith.mulf %mul3A_1028, %mul3A_1029 : vector<256x128xf32>
    %mul3A_1031 = arith.mulf %sub3A_999, %div3A_1012 : vector<256x1xf32>
    %slice3A_1032 = vector.extract_strided_slice %get3A_117 {offsets = [1, 0], sizes = [1, 128], strides = [1, 1]} : vector<3x128xf32> to vector<1x128xf32>
    %mul3A_1033 = vector.broadcast %mul3A_1031 : vector<256x1xf32> to vector<256x128xf32>
    %mul3A_1034 = vector.broadcast %slice3A_1032 : vector<1x128xf32> to vector<256x128xf32>
    %mul3A_1035 = arith.mulf %mul3A_1033, %mul3A_1034 : vector<256x128xf32>
    %add3A_1036 = arith.addf %mul3A_1030, %mul3A_1035 : vector<256x128xf32>
    %mul3A_1037 = arith.mulf %sub3A_1005, %div3A_1012 : vector<256x1xf32>
    %slice3A_1038 = vector.extract_strided_slice %get3A_117 {offsets = [2, 0], sizes = [1, 128], strides = [1, 1]} : vector<3x128xf32> to vector<1x128xf32>
    %mul3A_1039 = vector.broadcast %mul3A_1037 : vector<256x1xf32> to vector<256x128xf32>
    %mul3A_1040 = vector.broadcast %slice3A_1038 : vector<1x128xf32> to vector<256x128xf32>
    %mul3A_1041 = arith.mulf %mul3A_1039, %mul3A_1040 : vector<256x128xf32>
    %add3A_1042 = arith.addf %add3A_1036, %mul3A_1041 : vector<256x128xf32>
    %add3A_1043 = arith.addf %dot_general3A_1025, %add3A_1042 : vector<256x128xf32>
    %add3A_1044 = vector.broadcast %get3A_111 : vector<1x128xf32> to vector<256x128xf32>
    %add3A_1045 = arith.addf %add3A_1043, %add3A_1044 : vector<256x128xf32>
    %mul3A_1046 = arith.mulf %get3A_105, %slice3A_1006 : vector<256x1xf32>
    %mul3A_1047 = vector.broadcast %mul3A_1046 : vector<256x1xf32> to vector<256x128xf32>
    %mul3A_1048 = arith.mulf %add3A_1045, %mul3A_1047 : vector<256x128xf32>
    %swap3A_1049 = arith.constant 0 : index
    %swap3A_1050 = arith.constant 0 : index
    %swap3A_1051 = arith.constant 1024 : index
    %swap3A_1052 = vector.load %arg14[%swap3A_1049, %swap3A_1050, %swap3A_1051] : memref<1x256x3840xf32, #tpu.memory_space<vmem>>, vector<1x256x128xf32>
    %swap3A_1053 = vector.shape_cast %swap3A_1052 : vector<1x256x128xf32> to vector<256x128xf32>
    %swap3A_1054 = vector.shape_cast %mul3A_1048 : vector<256x128xf32> to vector<1x256x128xf32>
    tpu.vector_store %arg14[%swap3A_1049, %swap3A_1050, %swap3A_1051], %swap3A_1054 {strides = array<i32>} : memref<1x256x3840xf32, #tpu.memory_space<vmem>>, vector<1x256x128xf32>,
    %swap3A_1055 = arith.constant 0 : index
    %swap3A_1056 = arith.constant 0 : index
    %swap3A_1057 = arith.constant 8 : index
    %swap3A_1058 = vector.load %arg15[%swap3A_1055, %swap3A_1056, %swap3A_1057] : memref<1x256x30xi32, #tpu.memory_space<vmem>>, vector<1x256x1xi32>
    %swap3A_1059 = vector.shape_cast %swap3A_1058 : vector<1x256x1xi32> to vector<256x1xi32>
    %swap3A_1060 = vector.shape_cast %broadcast_in_dim3A_974 : vector<256x1xi32> to vector<1x256x1xi32>
    tpu.vector_store %arg15[%swap3A_1055, %swap3A_1056, %swap3A_1057], %swap3A_1060 {strides = array<i32>} : memref<1x256x30xi32, #tpu.memory_space<vmem>>, vector<1x256x1xi32>,
    %swap3A_1061 = arith.constant 0 : index
    %swap3A_1062 = arith.constant 0 : index
    %swap3A_1063 = arith.constant 8 : index
    %swap3A_1064 = vector.load %arg16[%swap3A_1061, %swap3A_1062, %swap3A_1063] : memref<1x256x30xf32, #tpu.memory_space<vmem>>, vector<1x256x1xf32>
    %swap3A_1065 = vector.shape_cast %swap3A_1064 : vector<1x256x1xf32> to vector<256x1xf32>
    %swap3A_1066 = vector.shape_cast %mul3A_1046 : vector<256x1xf32> to vector<1x256x1xf32>
    tpu.vector_store %arg16[%swap3A_1061, %swap3A_1062, %swap3A_1063], %swap3A_1066 {strides = array<i32>} : memref<1x256x30xf32, #tpu.memory_space<vmem>>, vector<1x256x1xf32>,
    %get3A_1067 = arith.constant 0 : index
    %get3A_1068 = arith.constant 0 : index
    %get3A_1069 = vector.load %arg17[%get3A_1067, %get3A_1068] : memref<256x2048xf32, #tpu.memory_space<vmem>>, vector<256x2048xf32>
    %reduce_min3A_1070 = arith.constant dense<0x7F800000> : vector<256xf32>
    %reduce_min3A_1071 = vector.multi_reduction <minimumf>, %get3A_1069, %reduce_min3A_1070 [1] : vector<256x2048xf32> to vector<256xf32>
    %broadcast_in_dim3A_1072 = vector.shape_cast %reduce_min3A_1071 : vector<256xf32> to vector<256x1xf32>
    %eq3A_1073 = vector.broadcast %broadcast_in_dim3A_1072 : vector<256x1xf32> to vector<256x2048xf32>
    %eq3A_1074 = arith.cmpf oeq, %get3A_1069, %eq3A_1073 : vector<256x2048xf32>
    %jit3A_1075 = arith.constant 2048 : i32
    %broadcast_in_dim3A_1076 = vector.broadcast %jit3A_1075 : i32 to vector<256x2048xi32>
    %select_n3A_1077 = arith.select %eq3A_1074, %iota3A, %broadcast_in_dim3A_1076 : vector<256x2048xi1>, vector<256x2048xi32>
    %reduce_min3A_1078 = arith.constant dense<2147483647> : vector<256xi32>
    %reduce_min3A_1079 = vector.multi_reduction <minsi>, %select_n3A_1077, %reduce_min3A_1078 [1] : vector<256x2048xi32> to vector<256xi32>
    %broadcast_in_dim3A_1080 = vector.shape_cast %reduce_min3A_1079 : vector<256xi32> to vector<256x1xi32>
    %eq3A_1081 = vector.broadcast %broadcast_in_dim3A_1080 : vector<256x1xi32> to vector<256x2048xi32>
    %eq3A_1082 = arith.cmpi eq, %iota3A, %eq3A_1081 : vector<256x2048xi32>
    %jit3A_1083 = arith.constant 1.000000e+09 : f32
    %broadcast_in_dim3A_1084 = vector.broadcast %jit3A_1083 : f32 to vector<256x2048xf32>
    %select_n3A_1085 = arith.select %eq3A_1082, %broadcast_in_dim3A_1084, %get3A_1069 : vector<256x2048xi1>, vector<256x2048xf32>
    %swap3A_1086 = arith.constant 0 : index
    %swap3A_1087 = arith.constant 0 : index
    %swap3A_1088 = vector.load %arg17[%swap3A_1086, %swap3A_1087] : memref<256x2048xf32, #tpu.memory_space<vmem>>, vector<256x2048xf32>
    tpu.vector_store %arg17[%swap3A_1086, %swap3A_1087], %select_n3A_1085 {strides = array<i32>} : memref<256x2048xf32, #tpu.memory_space<vmem>>, vector<256x2048xf32>,
    %convert_element_type3A_1089 = arith.extui %eq3A_1082 : vector<256x2048xi1> to vector<256x2048xi32>
    %convert_element_type3A_1090 = arith.sitofp %convert_element_type3A_1089 : vector<256x2048xi32> to vector<256x2048xf32>
    %convert_element_type3A_1091 = arith.truncf %convert_element_type3A_1090 : vector<256x2048xf32> to vector<256x2048xbf16>
    %dot_general3A_1092 = arith.constant dense<0.000000e+00> : vector<256x12xf32>
    %dot_general3A_1093 = tpu.matmul %convert_element_type3A_1091, %concatenate3A_100, %dot_general3A_1092 {dimension_numbers = #tpu.dot_dimension_numbers<[1], [1], [0], [0], [0, 0, 1, 0], [], []>, transpose_lhs_hint = false} : vector<256x2048xbf16>, vector<12x2048xbf16>, vector<256x12xf32> -> vector<256x12xf32>
    %slice3A_1094 = vector.extract_strided_slice %dot_general3A_1093 {offsets = [0, 0], sizes = [256, 1], strides = [1, 1]} : vector<256x12xf32> to vector<256x1xf32>
    %slice3A_1095 = vector.extract_strided_slice %dot_general3A_1093 {offsets = [0, 4], sizes = [256, 1], strides = [1, 1]} : vector<256x12xf32> to vector<256x1xf32>
    %add3A_1096 = arith.addf %slice3A_1094, %slice3A_1095 : vector<256x1xf32>
    %slice3A_1097 = vector.extract_strided_slice %dot_general3A_1093 {offsets = [0, 8], sizes = [256, 1], strides = [1, 1]} : vector<256x12xf32> to vector<256x1xf32>
    %add3A_1098 = arith.addf %add3A_1096, %slice3A_1097 : vector<256x1xf32>
    %sub3A_1099 = arith.subf %add3A_1098, %mul3A_15 : vector<256x1xf32>
    %slice3A_1100 = vector.extract_strided_slice %dot_general3A_1093 {offsets = [0, 1], sizes = [256, 1], strides = [1, 1]} : vector<256x12xf32> to vector<256x1xf32>
    %slice3A_1101 = vector.extract_strided_slice %dot_general3A_1093 {offsets = [0, 5], sizes = [256, 1], strides = [1, 1]} : vector<256x12xf32> to vector<256x1xf32>
    %add3A_1102 = arith.addf %slice3A_1100, %slice3A_1101 : vector<256x1xf32>
    %slice3A_1103 = vector.extract_strided_slice %dot_general3A_1093 {offsets = [0, 9], sizes = [256, 1], strides = [1, 1]} : vector<256x12xf32> to vector<256x1xf32>
    %add3A_1104 = arith.addf %add3A_1102, %slice3A_1103 : vector<256x1xf32>
    %sub3A_1105 = arith.subf %add3A_1104, %mul3A_25 : vector<256x1xf32>
    %slice3A_1106 = vector.extract_strided_slice %dot_general3A_1093 {offsets = [0, 2], sizes = [256, 1], strides = [1, 1]} : vector<256x12xf32> to vector<256x1xf32>
    %slice3A_1107 = vector.extract_strided_slice %dot_general3A_1093 {offsets = [0, 6], sizes = [256, 1], strides = [1, 1]} : vector<256x12xf32> to vector<256x1xf32>
    %add3A_1108 = arith.addf %slice3A_1106, %slice3A_1107 : vector<256x1xf32>
    %slice3A_1109 = vector.extract_strided_slice %dot_general3A_1093 {offsets = [0, 10], sizes = [256, 1], strides = [1, 1]} : vector<256x12xf32> to vector<256x1xf32>
    %add3A_1110 = arith.addf %add3A_1108, %slice3A_1109 : vector<256x1xf32>
    %sub3A_1111 = arith.subf %add3A_1110, %mul3A_35 : vector<256x1xf32>
    %slice3A_1112 = vector.extract_strided_slice %dot_general3A_1093 {offsets = [0, 3], sizes = [256, 1], strides = [1, 1]} : vector<256x12xf32> to vector<256x1xf32>
    %add3A_1113 = arith.constant 9.99999993E-9 : f32
    %add3A_1114 = vector.broadcast %add3A_1113 : f32 to vector<256x1xf32>
    %add3A_1115 = arith.addf %broadcast_in_dim3A_1072, %add3A_1114 : vector<256x1xf32>
    %div3A_1116 = arith.constant 1.000000e+00 : f32
    %div3A_1117 = vector.broadcast %div3A_1116 : f32 to vector<256x1xf32>
    %div3A_1118 = arith.divf %div3A_1117, %add3A_1115 : vector<256x1xf32>
    %sub3A_1119 = vector.broadcast %broadcast_in_dim3A_1072 : vector<256x1xf32> to vector<256x32xf32>
    %sub3A_1120 = vector.broadcast %get3A_108 : vector<1x32xf32> to vector<256x32xf32>
    %sub3A_1121 = arith.subf %sub3A_1119, %sub3A_1120 : vector<256x32xf32>
    %div3A_1122 = arith.constant 6.250000e-01 : f32
    %div3A_1123 = vector.broadcast %div3A_1122 : f32 to vector<256x32xf32>
    %div3A_1124 = arith.divf %sub3A_1121, %div3A_1123 : vector<256x32xf32>
    %mul3A_1125 = arith.mulf %div3A_1124, %div3A_1124 : vector<256x32xf32>
    %neg3A_1126 = arith.constant 0.000000e+00 : f32
    %neg3A_1127 = vector.broadcast %neg3A_1126 : f32 to vector<256x32xf32>
    %neg3A_1128 = arith.subf %neg3A_1127, %mul3A_1125 : vector<256x32xf32>
    %exp3A_1129 = math.exp %neg3A_1128 : vector<256x32xf32>
    %dot_general3A_1130 = arith.constant dense<0.000000e+00> : vector<256x128xf32>
    %dot_general3A_1131 = tpu.matmul %exp3A_1129, %get3A_114, %dot_general3A_1130 {dimension_numbers = #tpu.dot_dimension_numbers<[1], [0], [0], [1], [0, 0, 1, 1], [], []>, transpose_lhs_hint = false} : vector<256x32xf32>, vector<32x128xf32>, vector<256x128xf32> -> vector<256x128xf32>
    %mul3A_1132 = arith.mulf %sub3A_1099, %div3A_1118 : vector<256x1xf32>
    %slice3A_1133 = vector.extract_strided_slice %get3A_117 {offsets = [0, 0], sizes = [1, 128], strides = [1, 1]} : vector<3x128xf32> to vector<1x128xf32>
    %mul3A_1134 = vector.broadcast %mul3A_1132 : vector<256x1xf32> to vector<256x128xf32>
    %mul3A_1135 = vector.broadcast %slice3A_1133 : vector<1x128xf32> to vector<256x128xf32>
    %mul3A_1136 = arith.mulf %mul3A_1134, %mul3A_1135 : vector<256x128xf32>
    %mul3A_1137 = arith.mulf %sub3A_1105, %div3A_1118 : vector<256x1xf32>
    %slice3A_1138 = vector.extract_strided_slice %get3A_117 {offsets = [1, 0], sizes = [1, 128], strides = [1, 1]} : vector<3x128xf32> to vector<1x128xf32>
    %mul3A_1139 = vector.broadcast %mul3A_1137 : vector<256x1xf32> to vector<256x128xf32>
    %mul3A_1140 = vector.broadcast %slice3A_1138 : vector<1x128xf32> to vector<256x128xf32>
    %mul3A_1141 = arith.mulf %mul3A_1139, %mul3A_1140 : vector<256x128xf32>
    %add3A_1142 = arith.addf %mul3A_1136, %mul3A_1141 : vector<256x128xf32>
    %mul3A_1143 = arith.mulf %sub3A_1111, %div3A_1118 : vector<256x1xf32>
    %slice3A_1144 = vector.extract_strided_slice %get3A_117 {offsets = [2, 0], sizes = [1, 128], strides = [1, 1]} : vector<3x128xf32> to vector<1x128xf32>
    %mul3A_1145 = vector.broadcast %mul3A_1143 : vector<256x1xf32> to vector<256x128xf32>
    %mul3A_1146 = vector.broadcast %slice3A_1144 : vector<1x128xf32> to vector<256x128xf32>
    %mul3A_1147 = arith.mulf %mul3A_1145, %mul3A_1146 : vector<256x128xf32>
    %add3A_1148 = arith.addf %add3A_1142, %mul3A_1147 : vector<256x128xf32>
    %add3A_1149 = arith.addf %dot_general3A_1131, %add3A_1148 : vector<256x128xf32>
    %add3A_1150 = vector.broadcast %get3A_111 : vector<1x128xf32> to vector<256x128xf32>
    %add3A_1151 = arith.addf %add3A_1149, %add3A_1150 : vector<256x128xf32>
    %mul3A_1152 = arith.mulf %get3A_105, %slice3A_1112 : vector<256x1xf32>
    %mul3A_1153 = vector.broadcast %mul3A_1152 : vector<256x1xf32> to vector<256x128xf32>
    %mul3A_1154 = arith.mulf %add3A_1151, %mul3A_1153 : vector<256x128xf32>
    %swap3A_1155 = arith.constant 0 : index
    %swap3A_1156 = arith.constant 0 : index
    %swap3A_1157 = arith.constant 1152 : index
    %swap3A_1158 = vector.load %arg14[%swap3A_1155, %swap3A_1156, %swap3A_1157] : memref<1x256x3840xf32, #tpu.memory_space<vmem>>, vector<1x256x128xf32>
    %swap3A_1159 = vector.shape_cast %swap3A_1158 : vector<1x256x128xf32> to vector<256x128xf32>
    %swap3A_1160 = vector.shape_cast %mul3A_1154 : vector<256x128xf32> to vector<1x256x128xf32>
    tpu.vector_store %arg14[%swap3A_1155, %swap3A_1156, %swap3A_1157], %swap3A_1160 {strides = array<i32>} : memref<1x256x3840xf32, #tpu.memory_space<vmem>>, vector<1x256x128xf32>,
    %swap3A_1161 = arith.constant 0 : index
    %swap3A_1162 = arith.constant 0 : index
    %swap3A_1163 = arith.constant 9 : index
    %swap3A_1164 = vector.load %arg15[%swap3A_1161, %swap3A_1162, %swap3A_1163] : memref<1x256x30xi32, #tpu.memory_space<vmem>>, vector<1x256x1xi32>
    %swap3A_1165 = vector.shape_cast %swap3A_1164 : vector<1x256x1xi32> to vector<256x1xi32>
    %swap3A_1166 = vector.shape_cast %broadcast_in_dim3A_1080 : vector<256x1xi32> to vector<1x256x1xi32>
    tpu.vector_store %arg15[%swap3A_1161, %swap3A_1162, %swap3A_1163], %swap3A_1166 {strides = array<i32>} : memref<1x256x30xi32, #tpu.memory_space<vmem>>, vector<1x256x1xi32>,
    %swap3A_1167 = arith.constant 0 : index
    %swap3A_1168 = arith.constant 0 : index
    %swap3A_1169 = arith.constant 9 : index
    %swap3A_1170 = vector.load %arg16[%swap3A_1167, %swap3A_1168, %swap3A_1169] : memref<1x256x30xf32, #tpu.memory_space<vmem>>, vector<1x256x1xf32>
    %swap3A_1171 = vector.shape_cast %swap3A_1170 : vector<1x256x1xf32> to vector<256x1xf32>
    %swap3A_1172 = vector.shape_cast %mul3A_1152 : vector<256x1xf32> to vector<1x256x1xf32>
    tpu.vector_store %arg16[%swap3A_1167, %swap3A_1168, %swap3A_1169], %swap3A_1172 {strides = array<i32>} : memref<1x256x30xf32, #tpu.memory_space<vmem>>, vector<1x256x1xf32>,
    %get3A_1173 = arith.constant 0 : index
    %get3A_1174 = arith.constant 0 : index
    %get3A_1175 = vector.load %arg17[%get3A_1173, %get3A_1174] : memref<256x2048xf32, #tpu.memory_space<vmem>>, vector<256x2048xf32>
    %reduce_min3A_1176 = arith.constant dense<0x7F800000> : vector<256xf32>
    %reduce_min3A_1177 = vector.multi_reduction <minimumf>, %get3A_1175, %reduce_min3A_1176 [1] : vector<256x2048xf32> to vector<256xf32>
    %broadcast_in_dim3A_1178 = vector.shape_cast %reduce_min3A_1177 : vector<256xf32> to vector<256x1xf32>
    %eq3A_1179 = vector.broadcast %broadcast_in_dim3A_1178 : vector<256x1xf32> to vector<256x2048xf32>
    %eq3A_1180 = arith.cmpf oeq, %get3A_1175, %eq3A_1179 : vector<256x2048xf32>
    %jit3A_1181 = arith.constant 2048 : i32
    %broadcast_in_dim3A_1182 = vector.broadcast %jit3A_1181 : i32 to vector<256x2048xi32>
    %select_n3A_1183 = arith.select %eq3A_1180, %iota3A, %broadcast_in_dim3A_1182 : vector<256x2048xi1>, vector<256x2048xi32>
    %reduce_min3A_1184 = arith.constant dense<2147483647> : vector<256xi32>
    %reduce_min3A_1185 = vector.multi_reduction <minsi>, %select_n3A_1183, %reduce_min3A_1184 [1] : vector<256x2048xi32> to vector<256xi32>
    %broadcast_in_dim3A_1186 = vector.shape_cast %reduce_min3A_1185 : vector<256xi32> to vector<256x1xi32>
    %eq3A_1187 = vector.broadcast %broadcast_in_dim3A_1186 : vector<256x1xi32> to vector<256x2048xi32>
    %eq3A_1188 = arith.cmpi eq, %iota3A, %eq3A_1187 : vector<256x2048xi32>
    %jit3A_1189 = arith.constant 1.000000e+09 : f32
    %broadcast_in_dim3A_1190 = vector.broadcast %jit3A_1189 : f32 to vector<256x2048xf32>
    %select_n3A_1191 = arith.select %eq3A_1188, %broadcast_in_dim3A_1190, %get3A_1175 : vector<256x2048xi1>, vector<256x2048xf32>
    %swap3A_1192 = arith.constant 0 : index
    %swap3A_1193 = arith.constant 0 : index
    %swap3A_1194 = vector.load %arg17[%swap3A_1192, %swap3A_1193] : memref<256x2048xf32, #tpu.memory_space<vmem>>, vector<256x2048xf32>
    tpu.vector_store %arg17[%swap3A_1192, %swap3A_1193], %select_n3A_1191 {strides = array<i32>} : memref<256x2048xf32, #tpu.memory_space<vmem>>, vector<256x2048xf32>,
    %convert_element_type3A_1195 = arith.extui %eq3A_1188 : vector<256x2048xi1> to vector<256x2048xi32>
    %convert_element_type3A_1196 = arith.sitofp %convert_element_type3A_1195 : vector<256x2048xi32> to vector<256x2048xf32>
    %convert_element_type3A_1197 = arith.truncf %convert_element_type3A_1196 : vector<256x2048xf32> to vector<256x2048xbf16>
    %dot_general3A_1198 = arith.constant dense<0.000000e+00> : vector<256x12xf32>
    %dot_general3A_1199 = tpu.matmul %convert_element_type3A_1197, %concatenate3A_100, %dot_general3A_1198 {dimension_numbers = #tpu.dot_dimension_numbers<[1], [1], [0], [0], [0, 0, 1, 0], [], []>, transpose_lhs_hint = false} : vector<256x2048xbf16>, vector<12x2048xbf16>, vector<256x12xf32> -> vector<256x12xf32>
    %slice3A_1200 = vector.extract_strided_slice %dot_general3A_1199 {offsets = [0, 0], sizes = [256, 1], strides = [1, 1]} : vector<256x12xf32> to vector<256x1xf32>
    %slice3A_1201 = vector.extract_strided_slice %dot_general3A_1199 {offsets = [0, 4], sizes = [256, 1], strides = [1, 1]} : vector<256x12xf32> to vector<256x1xf32>
    %add3A_1202 = arith.addf %slice3A_1200, %slice3A_1201 : vector<256x1xf32>
    %slice3A_1203 = vector.extract_strided_slice %dot_general3A_1199 {offsets = [0, 8], sizes = [256, 1], strides = [1, 1]} : vector<256x12xf32> to vector<256x1xf32>
    %add3A_1204 = arith.addf %add3A_1202, %slice3A_1203 : vector<256x1xf32>
    %sub3A_1205 = arith.subf %add3A_1204, %mul3A_15 : vector<256x1xf32>
    %slice3A_1206 = vector.extract_strided_slice %dot_general3A_1199 {offsets = [0, 1], sizes = [256, 1], strides = [1, 1]} : vector<256x12xf32> to vector<256x1xf32>
    %slice3A_1207 = vector.extract_strided_slice %dot_general3A_1199 {offsets = [0, 5], sizes = [256, 1], strides = [1, 1]} : vector<256x12xf32> to vector<256x1xf32>
    %add3A_1208 = arith.addf %slice3A_1206, %slice3A_1207 : vector<256x1xf32>
    %slice3A_1209 = vector.extract_strided_slice %dot_general3A_1199 {offsets = [0, 9], sizes = [256, 1], strides = [1, 1]} : vector<256x12xf32> to vector<256x1xf32>
    %add3A_1210 = arith.addf %add3A_1208, %slice3A_1209 : vector<256x1xf32>
    %sub3A_1211 = arith.subf %add3A_1210, %mul3A_25 : vector<256x1xf32>
    %slice3A_1212 = vector.extract_strided_slice %dot_general3A_1199 {offsets = [0, 2], sizes = [256, 1], strides = [1, 1]} : vector<256x12xf32> to vector<256x1xf32>
    %slice3A_1213 = vector.extract_strided_slice %dot_general3A_1199 {offsets = [0, 6], sizes = [256, 1], strides = [1, 1]} : vector<256x12xf32> to vector<256x1xf32>
    %add3A_1214 = arith.addf %slice3A_1212, %slice3A_1213 : vector<256x1xf32>
    %slice3A_1215 = vector.extract_strided_slice %dot_general3A_1199 {offsets = [0, 10], sizes = [256, 1], strides = [1, 1]} : vector<256x12xf32> to vector<256x1xf32>
    %add3A_1216 = arith.addf %add3A_1214, %slice3A_1215 : vector<256x1xf32>
    %sub3A_1217 = arith.subf %add3A_1216, %mul3A_35 : vector<256x1xf32>
    %slice3A_1218 = vector.extract_strided_slice %dot_general3A_1199 {offsets = [0, 3], sizes = [256, 1], strides = [1, 1]} : vector<256x12xf32> to vector<256x1xf32>
    %add3A_1219 = arith.constant 9.99999993E-9 : f32
    %add3A_1220 = vector.broadcast %add3A_1219 : f32 to vector<256x1xf32>
    %add3A_1221 = arith.addf %broadcast_in_dim3A_1178, %add3A_1220 : vector<256x1xf32>
    %div3A_1222 = arith.constant 1.000000e+00 : f32
    %div3A_1223 = vector.broadcast %div3A_1222 : f32 to vector<256x1xf32>
    %div3A_1224 = arith.divf %div3A_1223, %add3A_1221 : vector<256x1xf32>
    %sub3A_1225 = vector.broadcast %broadcast_in_dim3A_1178 : vector<256x1xf32> to vector<256x32xf32>
    %sub3A_1226 = vector.broadcast %get3A_108 : vector<1x32xf32> to vector<256x32xf32>
    %sub3A_1227 = arith.subf %sub3A_1225, %sub3A_1226 : vector<256x32xf32>
    %div3A_1228 = arith.constant 6.250000e-01 : f32
    %div3A_1229 = vector.broadcast %div3A_1228 : f32 to vector<256x32xf32>
    %div3A_1230 = arith.divf %sub3A_1227, %div3A_1229 : vector<256x32xf32>
    %mul3A_1231 = arith.mulf %div3A_1230, %div3A_1230 : vector<256x32xf32>
    %neg3A_1232 = arith.constant 0.000000e+00 : f32
    %neg3A_1233 = vector.broadcast %neg3A_1232 : f32 to vector<256x32xf32>
    %neg3A_1234 = arith.subf %neg3A_1233, %mul3A_1231 : vector<256x32xf32>
    %exp3A_1235 = math.exp %neg3A_1234 : vector<256x32xf32>
    %dot_general3A_1236 = arith.constant dense<0.000000e+00> : vector<256x128xf32>
    %dot_general3A_1237 = tpu.matmul %exp3A_1235, %get3A_114, %dot_general3A_1236 {dimension_numbers = #tpu.dot_dimension_numbers<[1], [0], [0], [1], [0, 0, 1, 1], [], []>, transpose_lhs_hint = false} : vector<256x32xf32>, vector<32x128xf32>, vector<256x128xf32> -> vector<256x128xf32>
    %mul3A_1238 = arith.mulf %sub3A_1205, %div3A_1224 : vector<256x1xf32>
    %slice3A_1239 = vector.extract_strided_slice %get3A_117 {offsets = [0, 0], sizes = [1, 128], strides = [1, 1]} : vector<3x128xf32> to vector<1x128xf32>
    %mul3A_1240 = vector.broadcast %mul3A_1238 : vector<256x1xf32> to vector<256x128xf32>
    %mul3A_1241 = vector.broadcast %slice3A_1239 : vector<1x128xf32> to vector<256x128xf32>
    %mul3A_1242 = arith.mulf %mul3A_1240, %mul3A_1241 : vector<256x128xf32>
    %mul3A_1243 = arith.mulf %sub3A_1211, %div3A_1224 : vector<256x1xf32>
    %slice3A_1244 = vector.extract_strided_slice %get3A_117 {offsets = [1, 0], sizes = [1, 128], strides = [1, 1]} : vector<3x128xf32> to vector<1x128xf32>
    %mul3A_1245 = vector.broadcast %mul3A_1243 : vector<256x1xf32> to vector<256x128xf32>
    %mul3A_1246 = vector.broadcast %slice3A_1244 : vector<1x128xf32> to vector<256x128xf32>
    %mul3A_1247 = arith.mulf %mul3A_1245, %mul3A_1246 : vector<256x128xf32>
    %add3A_1248 = arith.addf %mul3A_1242, %mul3A_1247 : vector<256x128xf32>
    %mul3A_1249 = arith.mulf %sub3A_1217, %div3A_1224 : vector<256x1xf32>
    %slice3A_1250 = vector.extract_strided_slice %get3A_117 {offsets = [2, 0], sizes = [1, 128], strides = [1, 1]} : vector<3x128xf32> to vector<1x128xf32>
    %mul3A_1251 = vector.broadcast %mul3A_1249 : vector<256x1xf32> to vector<256x128xf32>
    %mul3A_1252 = vector.broadcast %slice3A_1250 : vector<1x128xf32> to vector<256x128xf32>
    %mul3A_1253 = arith.mulf %mul3A_1251, %mul3A_1252 : vector<256x128xf32>
    %add3A_1254 = arith.addf %add3A_1248, %mul3A_1253 : vector<256x128xf32>
    %add3A_1255 = arith.addf %dot_general3A_1237, %add3A_1254 : vector<256x128xf32>
    %add3A_1256 = vector.broadcast %get3A_111 : vector<1x128xf32> to vector<256x128xf32>
    %add3A_1257 = arith.addf %add3A_1255, %add3A_1256 : vector<256x128xf32>
    %mul3A_1258 = arith.mulf %get3A_105, %slice3A_1218 : vector<256x1xf32>
    %mul3A_1259 = vector.broadcast %mul3A_1258 : vector<256x1xf32> to vector<256x128xf32>
    %mul3A_1260 = arith.mulf %add3A_1257, %mul3A_1259 : vector<256x128xf32>
    %swap3A_1261 = arith.constant 0 : index
    %swap3A_1262 = arith.constant 0 : index
    %swap3A_1263 = arith.constant 1280 : index
    %swap3A_1264 = vector.load %arg14[%swap3A_1261, %swap3A_1262, %swap3A_1263] : memref<1x256x3840xf32, #tpu.memory_space<vmem>>, vector<1x256x128xf32>
    %swap3A_1265 = vector.shape_cast %swap3A_1264 : vector<1x256x128xf32> to vector<256x128xf32>
    %swap3A_1266 = vector.shape_cast %mul3A_1260 : vector<256x128xf32> to vector<1x256x128xf32>
    tpu.vector_store %arg14[%swap3A_1261, %swap3A_1262, %swap3A_1263], %swap3A_1266 {strides = array<i32>} : memref<1x256x3840xf32, #tpu.memory_space<vmem>>, vector<1x256x128xf32>,
    %swap3A_1267 = arith.constant 0 : index
    %swap3A_1268 = arith.constant 0 : index
    %swap3A_1269 = arith.constant 10 : index
    %swap3A_1270 = vector.load %arg15[%swap3A_1267, %swap3A_1268, %swap3A_1269] : memref<1x256x30xi32, #tpu.memory_space<vmem>>, vector<1x256x1xi32>
    %swap3A_1271 = vector.shape_cast %swap3A_1270 : vector<1x256x1xi32> to vector<256x1xi32>
    %swap3A_1272 = vector.shape_cast %broadcast_in_dim3A_1186 : vector<256x1xi32> to vector<1x256x1xi32>
    tpu.vector_store %arg15[%swap3A_1267, %swap3A_1268, %swap3A_1269], %swap3A_1272 {strides = array<i32>} : memref<1x256x30xi32, #tpu.memory_space<vmem>>, vector<1x256x1xi32>,
    %swap3A_1273 = arith.constant 0 : index
    %swap3A_1274 = arith.constant 0 : index
    %swap3A_1275 = arith.constant 10 : index
    %swap3A_1276 = vector.load %arg16[%swap3A_1273, %swap3A_1274, %swap3A_1275] : memref<1x256x30xf32, #tpu.memory_space<vmem>>, vector<1x256x1xf32>
    %swap3A_1277 = vector.shape_cast %swap3A_1276 : vector<1x256x1xf32> to vector<256x1xf32>
    %swap3A_1278 = vector.shape_cast %mul3A_1258 : vector<256x1xf32> to vector<1x256x1xf32>
    tpu.vector_store %arg16[%swap3A_1273, %swap3A_1274, %swap3A_1275], %swap3A_1278 {strides = array<i32>} : memref<1x256x30xf32, #tpu.memory_space<vmem>>, vector<1x256x1xf32>,
    %get3A_1279 = arith.constant 0 : index
    %get3A_1280 = arith.constant 0 : index
    %get3A_1281 = vector.load %arg17[%get3A_1279, %get3A_1280] : memref<256x2048xf32, #tpu.memory_space<vmem>>, vector<256x2048xf32>
    %reduce_min3A_1282 = arith.constant dense<0x7F800000> : vector<256xf32>
    %reduce_min3A_1283 = vector.multi_reduction <minimumf>, %get3A_1281, %reduce_min3A_1282 [1] : vector<256x2048xf32> to vector<256xf32>
    %broadcast_in_dim3A_1284 = vector.shape_cast %reduce_min3A_1283 : vector<256xf32> to vector<256x1xf32>
    %eq3A_1285 = vector.broadcast %broadcast_in_dim3A_1284 : vector<256x1xf32> to vector<256x2048xf32>
    %eq3A_1286 = arith.cmpf oeq, %get3A_1281, %eq3A_1285 : vector<256x2048xf32>
    %jit3A_1287 = arith.constant 2048 : i32
    %broadcast_in_dim3A_1288 = vector.broadcast %jit3A_1287 : i32 to vector<256x2048xi32>
    %select_n3A_1289 = arith.select %eq3A_1286, %iota3A, %broadcast_in_dim3A_1288 : vector<256x2048xi1>, vector<256x2048xi32>
    %reduce_min3A_1290 = arith.constant dense<2147483647> : vector<256xi32>
    %reduce_min3A_1291 = vector.multi_reduction <minsi>, %select_n3A_1289, %reduce_min3A_1290 [1] : vector<256x2048xi32> to vector<256xi32>
    %broadcast_in_dim3A_1292 = vector.shape_cast %reduce_min3A_1291 : vector<256xi32> to vector<256x1xi32>
    %eq3A_1293 = vector.broadcast %broadcast_in_dim3A_1292 : vector<256x1xi32> to vector<256x2048xi32>
    %eq3A_1294 = arith.cmpi eq, %iota3A, %eq3A_1293 : vector<256x2048xi32>
    %jit3A_1295 = arith.constant 1.000000e+09 : f32
    %broadcast_in_dim3A_1296 = vector.broadcast %jit3A_1295 : f32 to vector<256x2048xf32>
    %select_n3A_1297 = arith.select %eq3A_1294, %broadcast_in_dim3A_1296, %get3A_1281 : vector<256x2048xi1>, vector<256x2048xf32>
    %swap3A_1298 = arith.constant 0 : index
    %swap3A_1299 = arith.constant 0 : index
    %swap3A_1300 = vector.load %arg17[%swap3A_1298, %swap3A_1299] : memref<256x2048xf32, #tpu.memory_space<vmem>>, vector<256x2048xf32>
    tpu.vector_store %arg17[%swap3A_1298, %swap3A_1299], %select_n3A_1297 {strides = array<i32>} : memref<256x2048xf32, #tpu.memory_space<vmem>>, vector<256x2048xf32>,
    %convert_element_type3A_1301 = arith.extui %eq3A_1294 : vector<256x2048xi1> to vector<256x2048xi32>
    %convert_element_type3A_1302 = arith.sitofp %convert_element_type3A_1301 : vector<256x2048xi32> to vector<256x2048xf32>
    %convert_element_type3A_1303 = arith.truncf %convert_element_type3A_1302 : vector<256x2048xf32> to vector<256x2048xbf16>
    %dot_general3A_1304 = arith.constant dense<0.000000e+00> : vector<256x12xf32>
    %dot_general3A_1305 = tpu.matmul %convert_element_type3A_1303, %concatenate3A_100, %dot_general3A_1304 {dimension_numbers = #tpu.dot_dimension_numbers<[1], [1], [0], [0], [0, 0, 1, 0], [], []>, transpose_lhs_hint = false} : vector<256x2048xbf16>, vector<12x2048xbf16>, vector<256x12xf32> -> vector<256x12xf32>
    %slice3A_1306 = vector.extract_strided_slice %dot_general3A_1305 {offsets = [0, 0], sizes = [256, 1], strides = [1, 1]} : vector<256x12xf32> to vector<256x1xf32>
    %slice3A_1307 = vector.extract_strided_slice %dot_general3A_1305 {offsets = [0, 4], sizes = [256, 1], strides = [1, 1]} : vector<256x12xf32> to vector<256x1xf32>
    %add3A_1308 = arith.addf %slice3A_1306, %slice3A_1307 : vector<256x1xf32>
    %slice3A_1309 = vector.extract_strided_slice %dot_general3A_1305 {offsets = [0, 8], sizes = [256, 1], strides = [1, 1]} : vector<256x12xf32> to vector<256x1xf32>
    %add3A_1310 = arith.addf %add3A_1308, %slice3A_1309 : vector<256x1xf32>
    %sub3A_1311 = arith.subf %add3A_1310, %mul3A_15 : vector<256x1xf32>
    %slice3A_1312 = vector.extract_strided_slice %dot_general3A_1305 {offsets = [0, 1], sizes = [256, 1], strides = [1, 1]} : vector<256x12xf32> to vector<256x1xf32>
    %slice3A_1313 = vector.extract_strided_slice %dot_general3A_1305 {offsets = [0, 5], sizes = [256, 1], strides = [1, 1]} : vector<256x12xf32> to vector<256x1xf32>
    %add3A_1314 = arith.addf %slice3A_1312, %slice3A_1313 : vector<256x1xf32>
    %slice3A_1315 = vector.extract_strided_slice %dot_general3A_1305 {offsets = [0, 9], sizes = [256, 1], strides = [1, 1]} : vector<256x12xf32> to vector<256x1xf32>
    %add3A_1316 = arith.addf %add3A_1314, %slice3A_1315 : vector<256x1xf32>
    %sub3A_1317 = arith.subf %add3A_1316, %mul3A_25 : vector<256x1xf32>
    %slice3A_1318 = vector.extract_strided_slice %dot_general3A_1305 {offsets = [0, 2], sizes = [256, 1], strides = [1, 1]} : vector<256x12xf32> to vector<256x1xf32>
    %slice3A_1319 = vector.extract_strided_slice %dot_general3A_1305 {offsets = [0, 6], sizes = [256, 1], strides = [1, 1]} : vector<256x12xf32> to vector<256x1xf32>
    %add3A_1320 = arith.addf %slice3A_1318, %slice3A_1319 : vector<256x1xf32>
    %slice3A_1321 = vector.extract_strided_slice %dot_general3A_1305 {offsets = [0, 10], sizes = [256, 1], strides = [1, 1]} : vector<256x12xf32> to vector<256x1xf32>
    %add3A_1322 = arith.addf %add3A_1320, %slice3A_1321 : vector<256x1xf32>
    %sub3A_1323 = arith.subf %add3A_1322, %mul3A_35 : vector<256x1xf32>
    %slice3A_1324 = vector.extract_strided_slice %dot_general3A_1305 {offsets = [0, 3], sizes = [256, 1], strides = [1, 1]} : vector<256x12xf32> to vector<256x1xf32>
    %add3A_1325 = arith.constant 9.99999993E-9 : f32
    %add3A_1326 = vector.broadcast %add3A_1325 : f32 to vector<256x1xf32>
    %add3A_1327 = arith.addf %broadcast_in_dim3A_1284, %add3A_1326 : vector<256x1xf32>
    %div3A_1328 = arith.constant 1.000000e+00 : f32
    %div3A_1329 = vector.broadcast %div3A_1328 : f32 to vector<256x1xf32>
    %div3A_1330 = arith.divf %div3A_1329, %add3A_1327 : vector<256x1xf32>
    %sub3A_1331 = vector.broadcast %broadcast_in_dim3A_1284 : vector<256x1xf32> to vector<256x32xf32>
    %sub3A_1332 = vector.broadcast %get3A_108 : vector<1x32xf32> to vector<256x32xf32>
    %sub3A_1333 = arith.subf %sub3A_1331, %sub3A_1332 : vector<256x32xf32>
    %div3A_1334 = arith.constant 6.250000e-01 : f32
    %div3A_1335 = vector.broadcast %div3A_1334 : f32 to vector<256x32xf32>
    %div3A_1336 = arith.divf %sub3A_1333, %div3A_1335 : vector<256x32xf32>
    %mul3A_1337 = arith.mulf %div3A_1336, %div3A_1336 : vector<256x32xf32>
    %neg3A_1338 = arith.constant 0.000000e+00 : f32
    %neg3A_1339 = vector.broadcast %neg3A_1338 : f32 to vector<256x32xf32>
    %neg3A_1340 = arith.subf %neg3A_1339, %mul3A_1337 : vector<256x32xf32>
    %exp3A_1341 = math.exp %neg3A_1340 : vector<256x32xf32>
    %dot_general3A_1342 = arith.constant dense<0.000000e+00> : vector<256x128xf32>
    %dot_general3A_1343 = tpu.matmul %exp3A_1341, %get3A_114, %dot_general3A_1342 {dimension_numbers = #tpu.dot_dimension_numbers<[1], [0], [0], [1], [0, 0, 1, 1], [], []>, transpose_lhs_hint = false} : vector<256x32xf32>, vector<32x128xf32>, vector<256x128xf32> -> vector<256x128xf32>
    %mul3A_1344 = arith.mulf %sub3A_1311, %div3A_1330 : vector<256x1xf32>
    %slice3A_1345 = vector.extract_strided_slice %get3A_117 {offsets = [0, 0], sizes = [1, 128], strides = [1, 1]} : vector<3x128xf32> to vector<1x128xf32>
    %mul3A_1346 = vector.broadcast %mul3A_1344 : vector<256x1xf32> to vector<256x128xf32>
    %mul3A_1347 = vector.broadcast %slice3A_1345 : vector<1x128xf32> to vector<256x128xf32>
    %mul3A_1348 = arith.mulf %mul3A_1346, %mul3A_1347 : vector<256x128xf32>
    %mul3A_1349 = arith.mulf %sub3A_1317, %div3A_1330 : vector<256x1xf32>
    %slice3A_1350 = vector.extract_strided_slice %get3A_117 {offsets = [1, 0], sizes = [1, 128], strides = [1, 1]} : vector<3x128xf32> to vector<1x128xf32>
    %mul3A_1351 = vector.broadcast %mul3A_1349 : vector<256x1xf32> to vector<256x128xf32>
    %mul3A_1352 = vector.broadcast %slice3A_1350 : vector<1x128xf32> to vector<256x128xf32>
    %mul3A_1353 = arith.mulf %mul3A_1351, %mul3A_1352 : vector<256x128xf32>
    %add3A_1354 = arith.addf %mul3A_1348, %mul3A_1353 : vector<256x128xf32>
    %mul3A_1355 = arith.mulf %sub3A_1323, %div3A_1330 : vector<256x1xf32>
    %slice3A_1356 = vector.extract_strided_slice %get3A_117 {offsets = [2, 0], sizes = [1, 128], strides = [1, 1]} : vector<3x128xf32> to vector<1x128xf32>
    %mul3A_1357 = vector.broadcast %mul3A_1355 : vector<256x1xf32> to vector<256x128xf32>
    %mul3A_1358 = vector.broadcast %slice3A_1356 : vector<1x128xf32> to vector<256x128xf32>
    %mul3A_1359 = arith.mulf %mul3A_1357, %mul3A_1358 : vector<256x128xf32>
    %add3A_1360 = arith.addf %add3A_1354, %mul3A_1359 : vector<256x128xf32>
    %add3A_1361 = arith.addf %dot_general3A_1343, %add3A_1360 : vector<256x128xf32>
    %add3A_1362 = vector.broadcast %get3A_111 : vector<1x128xf32> to vector<256x128xf32>
    %add3A_1363 = arith.addf %add3A_1361, %add3A_1362 : vector<256x128xf32>
    %mul3A_1364 = arith.mulf %get3A_105, %slice3A_1324 : vector<256x1xf32>
    %mul3A_1365 = vector.broadcast %mul3A_1364 : vector<256x1xf32> to vector<256x128xf32>
    %mul3A_1366 = arith.mulf %add3A_1363, %mul3A_1365 : vector<256x128xf32>
    %swap3A_1367 = arith.constant 0 : index
    %swap3A_1368 = arith.constant 0 : index
    %swap3A_1369 = arith.constant 1408 : index
    %swap3A_1370 = vector.load %arg14[%swap3A_1367, %swap3A_1368, %swap3A_1369] : memref<1x256x3840xf32, #tpu.memory_space<vmem>>, vector<1x256x128xf32>
    %swap3A_1371 = vector.shape_cast %swap3A_1370 : vector<1x256x128xf32> to vector<256x128xf32>
    %swap3A_1372 = vector.shape_cast %mul3A_1366 : vector<256x128xf32> to vector<1x256x128xf32>
    tpu.vector_store %arg14[%swap3A_1367, %swap3A_1368, %swap3A_1369], %swap3A_1372 {strides = array<i32>} : memref<1x256x3840xf32, #tpu.memory_space<vmem>>, vector<1x256x128xf32>,
    %swap3A_1373 = arith.constant 0 : index
    %swap3A_1374 = arith.constant 0 : index
    %swap3A_1375 = arith.constant 11 : index
    %swap3A_1376 = vector.load %arg15[%swap3A_1373, %swap3A_1374, %swap3A_1375] : memref<1x256x30xi32, #tpu.memory_space<vmem>>, vector<1x256x1xi32>
    %swap3A_1377 = vector.shape_cast %swap3A_1376 : vector<1x256x1xi32> to vector<256x1xi32>
    %swap3A_1378 = vector.shape_cast %broadcast_in_dim3A_1292 : vector<256x1xi32> to vector<1x256x1xi32>
    tpu.vector_store %arg15[%swap3A_1373, %swap3A_1374, %swap3A_1375], %swap3A_1378 {strides = array<i32>} : memref<1x256x30xi32, #tpu.memory_space<vmem>>, vector<1x256x1xi32>,
    %swap3A_1379 = arith.constant 0 : index
    %swap3A_1380 = arith.constant 0 : index
    %swap3A_1381 = arith.constant 11 : index
    %swap3A_1382 = vector.load %arg16[%swap3A_1379, %swap3A_1380, %swap3A_1381] : memref<1x256x30xf32, #tpu.memory_space<vmem>>, vector<1x256x1xf32>
    %swap3A_1383 = vector.shape_cast %swap3A_1382 : vector<1x256x1xf32> to vector<256x1xf32>
    %swap3A_1384 = vector.shape_cast %mul3A_1364 : vector<256x1xf32> to vector<1x256x1xf32>
    tpu.vector_store %arg16[%swap3A_1379, %swap3A_1380, %swap3A_1381], %swap3A_1384 {strides = array<i32>} : memref<1x256x30xf32, #tpu.memory_space<vmem>>, vector<1x256x1xf32>,
    %get3A_1385 = arith.constant 0 : index
    %get3A_1386 = arith.constant 0 : index
    %get3A_1387 = vector.load %arg17[%get3A_1385, %get3A_1386] : memref<256x2048xf32, #tpu.memory_space<vmem>>, vector<256x2048xf32>
    %reduce_min3A_1388 = arith.constant dense<0x7F800000> : vector<256xf32>
    %reduce_min3A_1389 = vector.multi_reduction <minimumf>, %get3A_1387, %reduce_min3A_1388 [1] : vector<256x2048xf32> to vector<256xf32>
    %broadcast_in_dim3A_1390 = vector.shape_cast %reduce_min3A_1389 : vector<256xf32> to vector<256x1xf32>
    %eq3A_1391 = vector.broadcast %broadcast_in_dim3A_1390 : vector<256x1xf32> to vector<256x2048xf32>
    %eq3A_1392 = arith.cmpf oeq, %get3A_1387, %eq3A_1391 : vector<256x2048xf32>
    %jit3A_1393 = arith.constant 2048 : i32
    %broadcast_in_dim3A_1394 = vector.broadcast %jit3A_1393 : i32 to vector<256x2048xi32>
    %select_n3A_1395 = arith.select %eq3A_1392, %iota3A, %broadcast_in_dim3A_1394 : vector<256x2048xi1>, vector<256x2048xi32>
    %reduce_min3A_1396 = arith.constant dense<2147483647> : vector<256xi32>
    %reduce_min3A_1397 = vector.multi_reduction <minsi>, %select_n3A_1395, %reduce_min3A_1396 [1] : vector<256x2048xi32> to vector<256xi32>
    %broadcast_in_dim3A_1398 = vector.shape_cast %reduce_min3A_1397 : vector<256xi32> to vector<256x1xi32>
    %eq3A_1399 = vector.broadcast %broadcast_in_dim3A_1398 : vector<256x1xi32> to vector<256x2048xi32>
    %eq3A_1400 = arith.cmpi eq, %iota3A, %eq3A_1399 : vector<256x2048xi32>
    %jit3A_1401 = arith.constant 1.000000e+09 : f32
    %broadcast_in_dim3A_1402 = vector.broadcast %jit3A_1401 : f32 to vector<256x2048xf32>
    %select_n3A_1403 = arith.select %eq3A_1400, %broadcast_in_dim3A_1402, %get3A_1387 : vector<256x2048xi1>, vector<256x2048xf32>
    %swap3A_1404 = arith.constant 0 : index
    %swap3A_1405 = arith.constant 0 : index
    %swap3A_1406 = vector.load %arg17[%swap3A_1404, %swap3A_1405] : memref<256x2048xf32, #tpu.memory_space<vmem>>, vector<256x2048xf32>
    tpu.vector_store %arg17[%swap3A_1404, %swap3A_1405], %select_n3A_1403 {strides = array<i32>} : memref<256x2048xf32, #tpu.memory_space<vmem>>, vector<256x2048xf32>,
    %convert_element_type3A_1407 = arith.extui %eq3A_1400 : vector<256x2048xi1> to vector<256x2048xi32>
    %convert_element_type3A_1408 = arith.sitofp %convert_element_type3A_1407 : vector<256x2048xi32> to vector<256x2048xf32>
    %convert_element_type3A_1409 = arith.truncf %convert_element_type3A_1408 : vector<256x2048xf32> to vector<256x2048xbf16>
    %dot_general3A_1410 = arith.constant dense<0.000000e+00> : vector<256x12xf32>
    %dot_general3A_1411 = tpu.matmul %convert_element_type3A_1409, %concatenate3A_100, %dot_general3A_1410 {dimension_numbers = #tpu.dot_dimension_numbers<[1], [1], [0], [0], [0, 0, 1, 0], [], []>, transpose_lhs_hint = false} : vector<256x2048xbf16>, vector<12x2048xbf16>, vector<256x12xf32> -> vector<256x12xf32>
    %slice3A_1412 = vector.extract_strided_slice %dot_general3A_1411 {offsets = [0, 0], sizes = [256, 1], strides = [1, 1]} : vector<256x12xf32> to vector<256x1xf32>
    %slice3A_1413 = vector.extract_strided_slice %dot_general3A_1411 {offsets = [0, 4], sizes = [256, 1], strides = [1, 1]} : vector<256x12xf32> to vector<256x1xf32>
    %add3A_1414 = arith.addf %slice3A_1412, %slice3A_1413 : vector<256x1xf32>
    %slice3A_1415 = vector.extract_strided_slice %dot_general3A_1411 {offsets = [0, 8], sizes = [256, 1], strides = [1, 1]} : vector<256x12xf32> to vector<256x1xf32>
    %add3A_1416 = arith.addf %add3A_1414, %slice3A_1415 : vector<256x1xf32>
    %sub3A_1417 = arith.subf %add3A_1416, %mul3A_15 : vector<256x1xf32>
    %slice3A_1418 = vector.extract_strided_slice %dot_general3A_1411 {offsets = [0, 1], sizes = [256, 1], strides = [1, 1]} : vector<256x12xf32> to vector<256x1xf32>
    %slice3A_1419 = vector.extract_strided_slice %dot_general3A_1411 {offsets = [0, 5], sizes = [256, 1], strides = [1, 1]} : vector<256x12xf32> to vector<256x1xf32>
    %add3A_1420 = arith.addf %slice3A_1418, %slice3A_1419 : vector<256x1xf32>
    %slice3A_1421 = vector.extract_strided_slice %dot_general3A_1411 {offsets = [0, 9], sizes = [256, 1], strides = [1, 1]} : vector<256x12xf32> to vector<256x1xf32>
    %add3A_1422 = arith.addf %add3A_1420, %slice3A_1421 : vector<256x1xf32>
    %sub3A_1423 = arith.subf %add3A_1422, %mul3A_25 : vector<256x1xf32>
    %slice3A_1424 = vector.extract_strided_slice %dot_general3A_1411 {offsets = [0, 2], sizes = [256, 1], strides = [1, 1]} : vector<256x12xf32> to vector<256x1xf32>
    %slice3A_1425 = vector.extract_strided_slice %dot_general3A_1411 {offsets = [0, 6], sizes = [256, 1], strides = [1, 1]} : vector<256x12xf32> to vector<256x1xf32>
    %add3A_1426 = arith.addf %slice3A_1424, %slice3A_1425 : vector<256x1xf32>
    %slice3A_1427 = vector.extract_strided_slice %dot_general3A_1411 {offsets = [0, 10], sizes = [256, 1], strides = [1, 1]} : vector<256x12xf32> to vector<256x1xf32>
    %add3A_1428 = arith.addf %add3A_1426, %slice3A_1427 : vector<256x1xf32>
    %sub3A_1429 = arith.subf %add3A_1428, %mul3A_35 : vector<256x1xf32>
    %slice3A_1430 = vector.extract_strided_slice %dot_general3A_1411 {offsets = [0, 3], sizes = [256, 1], strides = [1, 1]} : vector<256x12xf32> to vector<256x1xf32>
    %add3A_1431 = arith.constant 9.99999993E-9 : f32
    %add3A_1432 = vector.broadcast %add3A_1431 : f32 to vector<256x1xf32>
    %add3A_1433 = arith.addf %broadcast_in_dim3A_1390, %add3A_1432 : vector<256x1xf32>
    %div3A_1434 = arith.constant 1.000000e+00 : f32
    %div3A_1435 = vector.broadcast %div3A_1434 : f32 to vector<256x1xf32>
    %div3A_1436 = arith.divf %div3A_1435, %add3A_1433 : vector<256x1xf32>
    %sub3A_1437 = vector.broadcast %broadcast_in_dim3A_1390 : vector<256x1xf32> to vector<256x32xf32>
    %sub3A_1438 = vector.broadcast %get3A_108 : vector<1x32xf32> to vector<256x32xf32>
    %sub3A_1439 = arith.subf %sub3A_1437, %sub3A_1438 : vector<256x32xf32>
    %div3A_1440 = arith.constant 6.250000e-01 : f32
    %div3A_1441 = vector.broadcast %div3A_1440 : f32 to vector<256x32xf32>
    %div3A_1442 = arith.divf %sub3A_1439, %div3A_1441 : vector<256x32xf32>
    %mul3A_1443 = arith.mulf %div3A_1442, %div3A_1442 : vector<256x32xf32>
    %neg3A_1444 = arith.constant 0.000000e+00 : f32
    %neg3A_1445 = vector.broadcast %neg3A_1444 : f32 to vector<256x32xf32>
    %neg3A_1446 = arith.subf %neg3A_1445, %mul3A_1443 : vector<256x32xf32>
    %exp3A_1447 = math.exp %neg3A_1446 : vector<256x32xf32>
    %dot_general3A_1448 = arith.constant dense<0.000000e+00> : vector<256x128xf32>
    %dot_general3A_1449 = tpu.matmul %exp3A_1447, %get3A_114, %dot_general3A_1448 {dimension_numbers = #tpu.dot_dimension_numbers<[1], [0], [0], [1], [0, 0, 1, 1], [], []>, transpose_lhs_hint = false} : vector<256x32xf32>, vector<32x128xf32>, vector<256x128xf32> -> vector<256x128xf32>
    %mul3A_1450 = arith.mulf %sub3A_1417, %div3A_1436 : vector<256x1xf32>
    %slice3A_1451 = vector.extract_strided_slice %get3A_117 {offsets = [0, 0], sizes = [1, 128], strides = [1, 1]} : vector<3x128xf32> to vector<1x128xf32>
    %mul3A_1452 = vector.broadcast %mul3A_1450 : vector<256x1xf32> to vector<256x128xf32>
    %mul3A_1453 = vector.broadcast %slice3A_1451 : vector<1x128xf32> to vector<256x128xf32>
    %mul3A_1454 = arith.mulf %mul3A_1452, %mul3A_1453 : vector<256x128xf32>
    %mul3A_1455 = arith.mulf %sub3A_1423, %div3A_1436 : vector<256x1xf32>
    %slice3A_1456 = vector.extract_strided_slice %get3A_117 {offsets = [1, 0], sizes = [1, 128], strides = [1, 1]} : vector<3x128xf32> to vector<1x128xf32>
    %mul3A_1457 = vector.broadcast %mul3A_1455 : vector<256x1xf32> to vector<256x128xf32>
    %mul3A_1458 = vector.broadcast %slice3A_1456 : vector<1x128xf32> to vector<256x128xf32>
    %mul3A_1459 = arith.mulf %mul3A_1457, %mul3A_1458 : vector<256x128xf32>
    %add3A_1460 = arith.addf %mul3A_1454, %mul3A_1459 : vector<256x128xf32>
    %mul3A_1461 = arith.mulf %sub3A_1429, %div3A_1436 : vector<256x1xf32>
    %slice3A_1462 = vector.extract_strided_slice %get3A_117 {offsets = [2, 0], sizes = [1, 128], strides = [1, 1]} : vector<3x128xf32> to vector<1x128xf32>
    %mul3A_1463 = vector.broadcast %mul3A_1461 : vector<256x1xf32> to vector<256x128xf32>
    %mul3A_1464 = vector.broadcast %slice3A_1462 : vector<1x128xf32> to vector<256x128xf32>
    %mul3A_1465 = arith.mulf %mul3A_1463, %mul3A_1464 : vector<256x128xf32>
    %add3A_1466 = arith.addf %add3A_1460, %mul3A_1465 : vector<256x128xf32>
    %add3A_1467 = arith.addf %dot_general3A_1449, %add3A_1466 : vector<256x128xf32>
    %add3A_1468 = vector.broadcast %get3A_111 : vector<1x128xf32> to vector<256x128xf32>
    %add3A_1469 = arith.addf %add3A_1467, %add3A_1468 : vector<256x128xf32>
    %mul3A_1470 = arith.mulf %get3A_105, %slice3A_1430 : vector<256x1xf32>
    %mul3A_1471 = vector.broadcast %mul3A_1470 : vector<256x1xf32> to vector<256x128xf32>
    %mul3A_1472 = arith.mulf %add3A_1469, %mul3A_1471 : vector<256x128xf32>
    %swap3A_1473 = arith.constant 0 : index
    %swap3A_1474 = arith.constant 0 : index
    %swap3A_1475 = arith.constant 1536 : index
    %swap3A_1476 = vector.load %arg14[%swap3A_1473, %swap3A_1474, %swap3A_1475] : memref<1x256x3840xf32, #tpu.memory_space<vmem>>, vector<1x256x128xf32>
    %swap3A_1477 = vector.shape_cast %swap3A_1476 : vector<1x256x128xf32> to vector<256x128xf32>
    %swap3A_1478 = vector.shape_cast %mul3A_1472 : vector<256x128xf32> to vector<1x256x128xf32>
    tpu.vector_store %arg14[%swap3A_1473, %swap3A_1474, %swap3A_1475], %swap3A_1478 {strides = array<i32>} : memref<1x256x3840xf32, #tpu.memory_space<vmem>>, vector<1x256x128xf32>,
    %swap3A_1479 = arith.constant 0 : index
    %swap3A_1480 = arith.constant 0 : index
    %swap3A_1481 = arith.constant 12 : index
    %swap3A_1482 = vector.load %arg15[%swap3A_1479, %swap3A_1480, %swap3A_1481] : memref<1x256x30xi32, #tpu.memory_space<vmem>>, vector<1x256x1xi32>
    %swap3A_1483 = vector.shape_cast %swap3A_1482 : vector<1x256x1xi32> to vector<256x1xi32>
    %swap3A_1484 = vector.shape_cast %broadcast_in_dim3A_1398 : vector<256x1xi32> to vector<1x256x1xi32>
    tpu.vector_store %arg15[%swap3A_1479, %swap3A_1480, %swap3A_1481], %swap3A_1484 {strides = array<i32>} : memref<1x256x30xi32, #tpu.memory_space<vmem>>, vector<1x256x1xi32>,
    %swap3A_1485 = arith.constant 0 : index
    %swap3A_1486 = arith.constant 0 : index
    %swap3A_1487 = arith.constant 12 : index
    %swap3A_1488 = vector.load %arg16[%swap3A_1485, %swap3A_1486, %swap3A_1487] : memref<1x256x30xf32, #tpu.memory_space<vmem>>, vector<1x256x1xf32>
    %swap3A_1489 = vector.shape_cast %swap3A_1488 : vector<1x256x1xf32> to vector<256x1xf32>
    %swap3A_1490 = vector.shape_cast %mul3A_1470 : vector<256x1xf32> to vector<1x256x1xf32>
    tpu.vector_store %arg16[%swap3A_1485, %swap3A_1486, %swap3A_1487], %swap3A_1490 {strides = array<i32>} : memref<1x256x30xf32, #tpu.memory_space<vmem>>, vector<1x256x1xf32>,
    %get3A_1491 = arith.constant 0 : index
    %get3A_1492 = arith.constant 0 : index
    %get3A_1493 = vector.load %arg17[%get3A_1491, %get3A_1492] : memref<256x2048xf32, #tpu.memory_space<vmem>>, vector<256x2048xf32>
    %reduce_min3A_1494 = arith.constant dense<0x7F800000> : vector<256xf32>
    %reduce_min3A_1495 = vector.multi_reduction <minimumf>, %get3A_1493, %reduce_min3A_1494 [1] : vector<256x2048xf32> to vector<256xf32>
    %broadcast_in_dim3A_1496 = vector.shape_cast %reduce_min3A_1495 : vector<256xf32> to vector<256x1xf32>
    %eq3A_1497 = vector.broadcast %broadcast_in_dim3A_1496 : vector<256x1xf32> to vector<256x2048xf32>
    %eq3A_1498 = arith.cmpf oeq, %get3A_1493, %eq3A_1497 : vector<256x2048xf32>
    %jit3A_1499 = arith.constant 2048 : i32
    %broadcast_in_dim3A_1500 = vector.broadcast %jit3A_1499 : i32 to vector<256x2048xi32>
    %select_n3A_1501 = arith.select %eq3A_1498, %iota3A, %broadcast_in_dim3A_1500 : vector<256x2048xi1>, vector<256x2048xi32>
    %reduce_min3A_1502 = arith.constant dense<2147483647> : vector<256xi32>
    %reduce_min3A_1503 = vector.multi_reduction <minsi>, %select_n3A_1501, %reduce_min3A_1502 [1] : vector<256x2048xi32> to vector<256xi32>
    %broadcast_in_dim3A_1504 = vector.shape_cast %reduce_min3A_1503 : vector<256xi32> to vector<256x1xi32>
    %eq3A_1505 = vector.broadcast %broadcast_in_dim3A_1504 : vector<256x1xi32> to vector<256x2048xi32>
    %eq3A_1506 = arith.cmpi eq, %iota3A, %eq3A_1505 : vector<256x2048xi32>
    %jit3A_1507 = arith.constant 1.000000e+09 : f32
    %broadcast_in_dim3A_1508 = vector.broadcast %jit3A_1507 : f32 to vector<256x2048xf32>
    %select_n3A_1509 = arith.select %eq3A_1506, %broadcast_in_dim3A_1508, %get3A_1493 : vector<256x2048xi1>, vector<256x2048xf32>
    %swap3A_1510 = arith.constant 0 : index
    %swap3A_1511 = arith.constant 0 : index
    %swap3A_1512 = vector.load %arg17[%swap3A_1510, %swap3A_1511] : memref<256x2048xf32, #tpu.memory_space<vmem>>, vector<256x2048xf32>
    tpu.vector_store %arg17[%swap3A_1510, %swap3A_1511], %select_n3A_1509 {strides = array<i32>} : memref<256x2048xf32, #tpu.memory_space<vmem>>, vector<256x2048xf32>,
    %convert_element_type3A_1513 = arith.extui %eq3A_1506 : vector<256x2048xi1> to vector<256x2048xi32>
    %convert_element_type3A_1514 = arith.sitofp %convert_element_type3A_1513 : vector<256x2048xi32> to vector<256x2048xf32>
    %convert_element_type3A_1515 = arith.truncf %convert_element_type3A_1514 : vector<256x2048xf32> to vector<256x2048xbf16>
    %dot_general3A_1516 = arith.constant dense<0.000000e+00> : vector<256x12xf32>
    %dot_general3A_1517 = tpu.matmul %convert_element_type3A_1515, %concatenate3A_100, %dot_general3A_1516 {dimension_numbers = #tpu.dot_dimension_numbers<[1], [1], [0], [0], [0, 0, 1, 0], [], []>, transpose_lhs_hint = false} : vector<256x2048xbf16>, vector<12x2048xbf16>, vector<256x12xf32> -> vector<256x12xf32>
    %slice3A_1518 = vector.extract_strided_slice %dot_general3A_1517 {offsets = [0, 0], sizes = [256, 1], strides = [1, 1]} : vector<256x12xf32> to vector<256x1xf32>
    %slice3A_1519 = vector.extract_strided_slice %dot_general3A_1517 {offsets = [0, 4], sizes = [256, 1], strides = [1, 1]} : vector<256x12xf32> to vector<256x1xf32>
    %add3A_1520 = arith.addf %slice3A_1518, %slice3A_1519 : vector<256x1xf32>
    %slice3A_1521 = vector.extract_strided_slice %dot_general3A_1517 {offsets = [0, 8], sizes = [256, 1], strides = [1, 1]} : vector<256x12xf32> to vector<256x1xf32>
    %add3A_1522 = arith.addf %add3A_1520, %slice3A_1521 : vector<256x1xf32>
    %sub3A_1523 = arith.subf %add3A_1522, %mul3A_15 : vector<256x1xf32>
    %slice3A_1524 = vector.extract_strided_slice %dot_general3A_1517 {offsets = [0, 1], sizes = [256, 1], strides = [1, 1]} : vector<256x12xf32> to vector<256x1xf32>
    %slice3A_1525 = vector.extract_strided_slice %dot_general3A_1517 {offsets = [0, 5], sizes = [256, 1], strides = [1, 1]} : vector<256x12xf32> to vector<256x1xf32>
    %add3A_1526 = arith.addf %slice3A_1524, %slice3A_1525 : vector<256x1xf32>
    %slice3A_1527 = vector.extract_strided_slice %dot_general3A_1517 {offsets = [0, 9], sizes = [256, 1], strides = [1, 1]} : vector<256x12xf32> to vector<256x1xf32>
    %add3A_1528 = arith.addf %add3A_1526, %slice3A_1527 : vector<256x1xf32>
    %sub3A_1529 = arith.subf %add3A_1528, %mul3A_25 : vector<256x1xf32>
    %slice3A_1530 = vector.extract_strided_slice %dot_general3A_1517 {offsets = [0, 2], sizes = [256, 1], strides = [1, 1]} : vector<256x12xf32> to vector<256x1xf32>
    %slice3A_1531 = vector.extract_strided_slice %dot_general3A_1517 {offsets = [0, 6], sizes = [256, 1], strides = [1, 1]} : vector<256x12xf32> to vector<256x1xf32>
    %add3A_1532 = arith.addf %slice3A_1530, %slice3A_1531 : vector<256x1xf32>
    %slice3A_1533 = vector.extract_strided_slice %dot_general3A_1517 {offsets = [0, 10], sizes = [256, 1], strides = [1, 1]} : vector<256x12xf32> to vector<256x1xf32>
    %add3A_1534 = arith.addf %add3A_1532, %slice3A_1533 : vector<256x1xf32>
    %sub3A_1535 = arith.subf %add3A_1534, %mul3A_35 : vector<256x1xf32>
    %slice3A_1536 = vector.extract_strided_slice %dot_general3A_1517 {offsets = [0, 3], sizes = [256, 1], strides = [1, 1]} : vector<256x12xf32> to vector<256x1xf32>
    %add3A_1537 = arith.constant 9.99999993E-9 : f32
    %add3A_1538 = vector.broadcast %add3A_1537 : f32 to vector<256x1xf32>
    %add3A_1539 = arith.addf %broadcast_in_dim3A_1496, %add3A_1538 : vector<256x1xf32>
    %div3A_1540 = arith.constant 1.000000e+00 : f32
    %div3A_1541 = vector.broadcast %div3A_1540 : f32 to vector<256x1xf32>
    %div3A_1542 = arith.divf %div3A_1541, %add3A_1539 : vector<256x1xf32>
    %sub3A_1543 = vector.broadcast %broadcast_in_dim3A_1496 : vector<256x1xf32> to vector<256x32xf32>
    %sub3A_1544 = vector.broadcast %get3A_108 : vector<1x32xf32> to vector<256x32xf32>
    %sub3A_1545 = arith.subf %sub3A_1543, %sub3A_1544 : vector<256x32xf32>
    %div3A_1546 = arith.constant 6.250000e-01 : f32
    %div3A_1547 = vector.broadcast %div3A_1546 : f32 to vector<256x32xf32>
    %div3A_1548 = arith.divf %sub3A_1545, %div3A_1547 : vector<256x32xf32>
    %mul3A_1549 = arith.mulf %div3A_1548, %div3A_1548 : vector<256x32xf32>
    %neg3A_1550 = arith.constant 0.000000e+00 : f32
    %neg3A_1551 = vector.broadcast %neg3A_1550 : f32 to vector<256x32xf32>
    %neg3A_1552 = arith.subf %neg3A_1551, %mul3A_1549 : vector<256x32xf32>
    %exp3A_1553 = math.exp %neg3A_1552 : vector<256x32xf32>
    %dot_general3A_1554 = arith.constant dense<0.000000e+00> : vector<256x128xf32>
    %dot_general3A_1555 = tpu.matmul %exp3A_1553, %get3A_114, %dot_general3A_1554 {dimension_numbers = #tpu.dot_dimension_numbers<[1], [0], [0], [1], [0, 0, 1, 1], [], []>, transpose_lhs_hint = false} : vector<256x32xf32>, vector<32x128xf32>, vector<256x128xf32> -> vector<256x128xf32>
    %mul3A_1556 = arith.mulf %sub3A_1523, %div3A_1542 : vector<256x1xf32>
    %slice3A_1557 = vector.extract_strided_slice %get3A_117 {offsets = [0, 0], sizes = [1, 128], strides = [1, 1]} : vector<3x128xf32> to vector<1x128xf32>
    %mul3A_1558 = vector.broadcast %mul3A_1556 : vector<256x1xf32> to vector<256x128xf32>
    %mul3A_1559 = vector.broadcast %slice3A_1557 : vector<1x128xf32> to vector<256x128xf32>
    %mul3A_1560 = arith.mulf %mul3A_1558, %mul3A_1559 : vector<256x128xf32>
    %mul3A_1561 = arith.mulf %sub3A_1529, %div3A_1542 : vector<256x1xf32>
    %slice3A_1562 = vector.extract_strided_slice %get3A_117 {offsets = [1, 0], sizes = [1, 128], strides = [1, 1]} : vector<3x128xf32> to vector<1x128xf32>
    %mul3A_1563 = vector.broadcast %mul3A_1561 : vector<256x1xf32> to vector<256x128xf32>
    %mul3A_1564 = vector.broadcast %slice3A_1562 : vector<1x128xf32> to vector<256x128xf32>
    %mul3A_1565 = arith.mulf %mul3A_1563, %mul3A_1564 : vector<256x128xf32>
    %add3A_1566 = arith.addf %mul3A_1560, %mul3A_1565 : vector<256x128xf32>
    %mul3A_1567 = arith.mulf %sub3A_1535, %div3A_1542 : vector<256x1xf32>
    %slice3A_1568 = vector.extract_strided_slice %get3A_117 {offsets = [2, 0], sizes = [1, 128], strides = [1, 1]} : vector<3x128xf32> to vector<1x128xf32>
    %mul3A_1569 = vector.broadcast %mul3A_1567 : vector<256x1xf32> to vector<256x128xf32>
    %mul3A_1570 = vector.broadcast %slice3A_1568 : vector<1x128xf32> to vector<256x128xf32>
    %mul3A_1571 = arith.mulf %mul3A_1569, %mul3A_1570 : vector<256x128xf32>
    %add3A_1572 = arith.addf %add3A_1566, %mul3A_1571 : vector<256x128xf32>
    %add3A_1573 = arith.addf %dot_general3A_1555, %add3A_1572 : vector<256x128xf32>
    %add3A_1574 = vector.broadcast %get3A_111 : vector<1x128xf32> to vector<256x128xf32>
    %add3A_1575 = arith.addf %add3A_1573, %add3A_1574 : vector<256x128xf32>
    %mul3A_1576 = arith.mulf %get3A_105, %slice3A_1536 : vector<256x1xf32>
    %mul3A_1577 = vector.broadcast %mul3A_1576 : vector<256x1xf32> to vector<256x128xf32>
    %mul3A_1578 = arith.mulf %add3A_1575, %mul3A_1577 : vector<256x128xf32>
    %swap3A_1579 = arith.constant 0 : index
    %swap3A_1580 = arith.constant 0 : index
    %swap3A_1581 = arith.constant 1664 : index
    %swap3A_1582 = vector.load %arg14[%swap3A_1579, %swap3A_1580, %swap3A_1581] : memref<1x256x3840xf32, #tpu.memory_space<vmem>>, vector<1x256x128xf32>
    %swap3A_1583 = vector.shape_cast %swap3A_1582 : vector<1x256x128xf32> to vector<256x128xf32>
    %swap3A_1584 = vector.shape_cast %mul3A_1578 : vector<256x128xf32> to vector<1x256x128xf32>
    tpu.vector_store %arg14[%swap3A_1579, %swap3A_1580, %swap3A_1581], %swap3A_1584 {strides = array<i32>} : memref<1x256x3840xf32, #tpu.memory_space<vmem>>, vector<1x256x128xf32>,
    %swap3A_1585 = arith.constant 0 : index
    %swap3A_1586 = arith.constant 0 : index
    %swap3A_1587 = arith.constant 13 : index
    %swap3A_1588 = vector.load %arg15[%swap3A_1585, %swap3A_1586, %swap3A_1587] : memref<1x256x30xi32, #tpu.memory_space<vmem>>, vector<1x256x1xi32>
    %swap3A_1589 = vector.shape_cast %swap3A_1588 : vector<1x256x1xi32> to vector<256x1xi32>
    %swap3A_1590 = vector.shape_cast %broadcast_in_dim3A_1504 : vector<256x1xi32> to vector<1x256x1xi32>
    tpu.vector_store %arg15[%swap3A_1585, %swap3A_1586, %swap3A_1587], %swap3A_1590 {strides = array<i32>} : memref<1x256x30xi32, #tpu.memory_space<vmem>>, vector<1x256x1xi32>,
    %swap3A_1591 = arith.constant 0 : index
    %swap3A_1592 = arith.constant 0 : index
    %swap3A_1593 = arith.constant 13 : index
    %swap3A_1594 = vector.load %arg16[%swap3A_1591, %swap3A_1592, %swap3A_1593] : memref<1x256x30xf32, #tpu.memory_space<vmem>>, vector<1x256x1xf32>
    %swap3A_1595 = vector.shape_cast %swap3A_1594 : vector<1x256x1xf32> to vector<256x1xf32>
    %swap3A_1596 = vector.shape_cast %mul3A_1576 : vector<256x1xf32> to vector<1x256x1xf32>
    tpu.vector_store %arg16[%swap3A_1591, %swap3A_1592, %swap3A_1593], %swap3A_1596 {strides = array<i32>} : memref<1x256x30xf32, #tpu.memory_space<vmem>>, vector<1x256x1xf32>,
    %get3A_1597 = arith.constant 0 : index
    %get3A_1598 = arith.constant 0 : index
    %get3A_1599 = vector.load %arg17[%get3A_1597, %get3A_1598] : memref<256x2048xf32, #tpu.memory_space<vmem>>, vector<256x2048xf32>
    %reduce_min3A_1600 = arith.constant dense<0x7F800000> : vector<256xf32>
    %reduce_min3A_1601 = vector.multi_reduction <minimumf>, %get3A_1599, %reduce_min3A_1600 [1] : vector<256x2048xf32> to vector<256xf32>
    %broadcast_in_dim3A_1602 = vector.shape_cast %reduce_min3A_1601 : vector<256xf32> to vector<256x1xf32>
    %eq3A_1603 = vector.broadcast %broadcast_in_dim3A_1602 : vector<256x1xf32> to vector<256x2048xf32>
    %eq3A_1604 = arith.cmpf oeq, %get3A_1599, %eq3A_1603 : vector<256x2048xf32>
    %jit3A_1605 = arith.constant 2048 : i32
    %broadcast_in_dim3A_1606 = vector.broadcast %jit3A_1605 : i32 to vector<256x2048xi32>
    %select_n3A_1607 = arith.select %eq3A_1604, %iota3A, %broadcast_in_dim3A_1606 : vector<256x2048xi1>, vector<256x2048xi32>
    %reduce_min3A_1608 = arith.constant dense<2147483647> : vector<256xi32>
    %reduce_min3A_1609 = vector.multi_reduction <minsi>, %select_n3A_1607, %reduce_min3A_1608 [1] : vector<256x2048xi32> to vector<256xi32>
    %broadcast_in_dim3A_1610 = vector.shape_cast %reduce_min3A_1609 : vector<256xi32> to vector<256x1xi32>
    %eq3A_1611 = vector.broadcast %broadcast_in_dim3A_1610 : vector<256x1xi32> to vector<256x2048xi32>
    %eq3A_1612 = arith.cmpi eq, %iota3A, %eq3A_1611 : vector<256x2048xi32>
    %jit3A_1613 = arith.constant 1.000000e+09 : f32
    %broadcast_in_dim3A_1614 = vector.broadcast %jit3A_1613 : f32 to vector<256x2048xf32>
    %select_n3A_1615 = arith.select %eq3A_1612, %broadcast_in_dim3A_1614, %get3A_1599 : vector<256x2048xi1>, vector<256x2048xf32>
    %swap3A_1616 = arith.constant 0 : index
    %swap3A_1617 = arith.constant 0 : index
    %swap3A_1618 = vector.load %arg17[%swap3A_1616, %swap3A_1617] : memref<256x2048xf32, #tpu.memory_space<vmem>>, vector<256x2048xf32>
    tpu.vector_store %arg17[%swap3A_1616, %swap3A_1617], %select_n3A_1615 {strides = array<i32>} : memref<256x2048xf32, #tpu.memory_space<vmem>>, vector<256x2048xf32>,
    %convert_element_type3A_1619 = arith.extui %eq3A_1612 : vector<256x2048xi1> to vector<256x2048xi32>
    %convert_element_type3A_1620 = arith.sitofp %convert_element_type3A_1619 : vector<256x2048xi32> to vector<256x2048xf32>
    %convert_element_type3A_1621 = arith.truncf %convert_element_type3A_1620 : vector<256x2048xf32> to vector<256x2048xbf16>
    %dot_general3A_1622 = arith.constant dense<0.000000e+00> : vector<256x12xf32>
    %dot_general3A_1623 = tpu.matmul %convert_element_type3A_1621, %concatenate3A_100, %dot_general3A_1622 {dimension_numbers = #tpu.dot_dimension_numbers<[1], [1], [0], [0], [0, 0, 1, 0], [], []>, transpose_lhs_hint = false} : vector<256x2048xbf16>, vector<12x2048xbf16>, vector<256x12xf32> -> vector<256x12xf32>
    %slice3A_1624 = vector.extract_strided_slice %dot_general3A_1623 {offsets = [0, 0], sizes = [256, 1], strides = [1, 1]} : vector<256x12xf32> to vector<256x1xf32>
    %slice3A_1625 = vector.extract_strided_slice %dot_general3A_1623 {offsets = [0, 4], sizes = [256, 1], strides = [1, 1]} : vector<256x12xf32> to vector<256x1xf32>
    %add3A_1626 = arith.addf %slice3A_1624, %slice3A_1625 : vector<256x1xf32>
    %slice3A_1627 = vector.extract_strided_slice %dot_general3A_1623 {offsets = [0, 8], sizes = [256, 1], strides = [1, 1]} : vector<256x12xf32> to vector<256x1xf32>
    %add3A_1628 = arith.addf %add3A_1626, %slice3A_1627 : vector<256x1xf32>
    %sub3A_1629 = arith.subf %add3A_1628, %mul3A_15 : vector<256x1xf32>
    %slice3A_1630 = vector.extract_strided_slice %dot_general3A_1623 {offsets = [0, 1], sizes = [256, 1], strides = [1, 1]} : vector<256x12xf32> to vector<256x1xf32>
    %slice3A_1631 = vector.extract_strided_slice %dot_general3A_1623 {offsets = [0, 5], sizes = [256, 1], strides = [1, 1]} : vector<256x12xf32> to vector<256x1xf32>
    %add3A_1632 = arith.addf %slice3A_1630, %slice3A_1631 : vector<256x1xf32>
    %slice3A_1633 = vector.extract_strided_slice %dot_general3A_1623 {offsets = [0, 9], sizes = [256, 1], strides = [1, 1]} : vector<256x12xf32> to vector<256x1xf32>
    %add3A_1634 = arith.addf %add3A_1632, %slice3A_1633 : vector<256x1xf32>
    %sub3A_1635 = arith.subf %add3A_1634, %mul3A_25 : vector<256x1xf32>
    %slice3A_1636 = vector.extract_strided_slice %dot_general3A_1623 {offsets = [0, 2], sizes = [256, 1], strides = [1, 1]} : vector<256x12xf32> to vector<256x1xf32>
    %slice3A_1637 = vector.extract_strided_slice %dot_general3A_1623 {offsets = [0, 6], sizes = [256, 1], strides = [1, 1]} : vector<256x12xf32> to vector<256x1xf32>
    %add3A_1638 = arith.addf %slice3A_1636, %slice3A_1637 : vector<256x1xf32>
    %slice3A_1639 = vector.extract_strided_slice %dot_general3A_1623 {offsets = [0, 10], sizes = [256, 1], strides = [1, 1]} : vector<256x12xf32> to vector<256x1xf32>
    %add3A_1640 = arith.addf %add3A_1638, %slice3A_1639 : vector<256x1xf32>
    %sub3A_1641 = arith.subf %add3A_1640, %mul3A_35 : vector<256x1xf32>
    %slice3A_1642 = vector.extract_strided_slice %dot_general3A_1623 {offsets = [0, 3], sizes = [256, 1], strides = [1, 1]} : vector<256x12xf32> to vector<256x1xf32>
    %add3A_1643 = arith.constant 9.99999993E-9 : f32
    %add3A_1644 = vector.broadcast %add3A_1643 : f32 to vector<256x1xf32>
    %add3A_1645 = arith.addf %broadcast_in_dim3A_1602, %add3A_1644 : vector<256x1xf32>
    %div3A_1646 = arith.constant 1.000000e+00 : f32
    %div3A_1647 = vector.broadcast %div3A_1646 : f32 to vector<256x1xf32>
    %div3A_1648 = arith.divf %div3A_1647, %add3A_1645 : vector<256x1xf32>
    %sub3A_1649 = vector.broadcast %broadcast_in_dim3A_1602 : vector<256x1xf32> to vector<256x32xf32>
    %sub3A_1650 = vector.broadcast %get3A_108 : vector<1x32xf32> to vector<256x32xf32>
    %sub3A_1651 = arith.subf %sub3A_1649, %sub3A_1650 : vector<256x32xf32>
    %div3A_1652 = arith.constant 6.250000e-01 : f32
    %div3A_1653 = vector.broadcast %div3A_1652 : f32 to vector<256x32xf32>
    %div3A_1654 = arith.divf %sub3A_1651, %div3A_1653 : vector<256x32xf32>
    %mul3A_1655 = arith.mulf %div3A_1654, %div3A_1654 : vector<256x32xf32>
    %neg3A_1656 = arith.constant 0.000000e+00 : f32
    %neg3A_1657 = vector.broadcast %neg3A_1656 : f32 to vector<256x32xf32>
    %neg3A_1658 = arith.subf %neg3A_1657, %mul3A_1655 : vector<256x32xf32>
    %exp3A_1659 = math.exp %neg3A_1658 : vector<256x32xf32>
    %dot_general3A_1660 = arith.constant dense<0.000000e+00> : vector<256x128xf32>
    %dot_general3A_1661 = tpu.matmul %exp3A_1659, %get3A_114, %dot_general3A_1660 {dimension_numbers = #tpu.dot_dimension_numbers<[1], [0], [0], [1], [0, 0, 1, 1], [], []>, transpose_lhs_hint = false} : vector<256x32xf32>, vector<32x128xf32>, vector<256x128xf32> -> vector<256x128xf32>
    %mul3A_1662 = arith.mulf %sub3A_1629, %div3A_1648 : vector<256x1xf32>
    %slice3A_1663 = vector.extract_strided_slice %get3A_117 {offsets = [0, 0], sizes = [1, 128], strides = [1, 1]} : vector<3x128xf32> to vector<1x128xf32>
    %mul3A_1664 = vector.broadcast %mul3A_1662 : vector<256x1xf32> to vector<256x128xf32>
    %mul3A_1665 = vector.broadcast %slice3A_1663 : vector<1x128xf32> to vector<256x128xf32>
    %mul3A_1666 = arith.mulf %mul3A_1664, %mul3A_1665 : vector<256x128xf32>
    %mul3A_1667 = arith.mulf %sub3A_1635, %div3A_1648 : vector<256x1xf32>
    %slice3A_1668 = vector.extract_strided_slice %get3A_117 {offsets = [1, 0], sizes = [1, 128], strides = [1, 1]} : vector<3x128xf32> to vector<1x128xf32>
    %mul3A_1669 = vector.broadcast %mul3A_1667 : vector<256x1xf32> to vector<256x128xf32>
    %mul3A_1670 = vector.broadcast %slice3A_1668 : vector<1x128xf32> to vector<256x128xf32>
    %mul3A_1671 = arith.mulf %mul3A_1669, %mul3A_1670 : vector<256x128xf32>
    %add3A_1672 = arith.addf %mul3A_1666, %mul3A_1671 : vector<256x128xf32>
    %mul3A_1673 = arith.mulf %sub3A_1641, %div3A_1648 : vector<256x1xf32>
    %slice3A_1674 = vector.extract_strided_slice %get3A_117 {offsets = [2, 0], sizes = [1, 128], strides = [1, 1]} : vector<3x128xf32> to vector<1x128xf32>
    %mul3A_1675 = vector.broadcast %mul3A_1673 : vector<256x1xf32> to vector<256x128xf32>
    %mul3A_1676 = vector.broadcast %slice3A_1674 : vector<1x128xf32> to vector<256x128xf32>
    %mul3A_1677 = arith.mulf %mul3A_1675, %mul3A_1676 : vector<256x128xf32>
    %add3A_1678 = arith.addf %add3A_1672, %mul3A_1677 : vector<256x128xf32>
    %add3A_1679 = arith.addf %dot_general3A_1661, %add3A_1678 : vector<256x128xf32>
    %add3A_1680 = vector.broadcast %get3A_111 : vector<1x128xf32> to vector<256x128xf32>
    %add3A_1681 = arith.addf %add3A_1679, %add3A_1680 : vector<256x128xf32>
    %mul3A_1682 = arith.mulf %get3A_105, %slice3A_1642 : vector<256x1xf32>
    %mul3A_1683 = vector.broadcast %mul3A_1682 : vector<256x1xf32> to vector<256x128xf32>
    %mul3A_1684 = arith.mulf %add3A_1681, %mul3A_1683 : vector<256x128xf32>
    %swap3A_1685 = arith.constant 0 : index
    %swap3A_1686 = arith.constant 0 : index
    %swap3A_1687 = arith.constant 1792 : index
    %swap3A_1688 = vector.load %arg14[%swap3A_1685, %swap3A_1686, %swap3A_1687] : memref<1x256x3840xf32, #tpu.memory_space<vmem>>, vector<1x256x128xf32>
    %swap3A_1689 = vector.shape_cast %swap3A_1688 : vector<1x256x128xf32> to vector<256x128xf32>
    %swap3A_1690 = vector.shape_cast %mul3A_1684 : vector<256x128xf32> to vector<1x256x128xf32>
    tpu.vector_store %arg14[%swap3A_1685, %swap3A_1686, %swap3A_1687], %swap3A_1690 {strides = array<i32>} : memref<1x256x3840xf32, #tpu.memory_space<vmem>>, vector<1x256x128xf32>,
    %swap3A_1691 = arith.constant 0 : index
    %swap3A_1692 = arith.constant 0 : index
    %swap3A_1693 = arith.constant 14 : index
    %swap3A_1694 = vector.load %arg15[%swap3A_1691, %swap3A_1692, %swap3A_1693] : memref<1x256x30xi32, #tpu.memory_space<vmem>>, vector<1x256x1xi32>
    %swap3A_1695 = vector.shape_cast %swap3A_1694 : vector<1x256x1xi32> to vector<256x1xi32>
    %swap3A_1696 = vector.shape_cast %broadcast_in_dim3A_1610 : vector<256x1xi32> to vector<1x256x1xi32>
    tpu.vector_store %arg15[%swap3A_1691, %swap3A_1692, %swap3A_1693], %swap3A_1696 {strides = array<i32>} : memref<1x256x30xi32, #tpu.memory_space<vmem>>, vector<1x256x1xi32>,
    %swap3A_1697 = arith.constant 0 : index
    %swap3A_1698 = arith.constant 0 : index
    %swap3A_1699 = arith.constant 14 : index
    %swap3A_1700 = vector.load %arg16[%swap3A_1697, %swap3A_1698, %swap3A_1699] : memref<1x256x30xf32, #tpu.memory_space<vmem>>, vector<1x256x1xf32>
    %swap3A_1701 = vector.shape_cast %swap3A_1700 : vector<1x256x1xf32> to vector<256x1xf32>
    %swap3A_1702 = vector.shape_cast %mul3A_1682 : vector<256x1xf32> to vector<1x256x1xf32>
    tpu.vector_store %arg16[%swap3A_1697, %swap3A_1698, %swap3A_1699], %swap3A_1702 {strides = array<i32>} : memref<1x256x30xf32, #tpu.memory_space<vmem>>, vector<1x256x1xf32>,
    %get3A_1703 = arith.constant 0 : index
    %get3A_1704 = arith.constant 0 : index
    %get3A_1705 = vector.load %arg17[%get3A_1703, %get3A_1704] : memref<256x2048xf32, #tpu.memory_space<vmem>>, vector<256x2048xf32>
    %reduce_min3A_1706 = arith.constant dense<0x7F800000> : vector<256xf32>
    %reduce_min3A_1707 = vector.multi_reduction <minimumf>, %get3A_1705, %reduce_min3A_1706 [1] : vector<256x2048xf32> to vector<256xf32>
    %broadcast_in_dim3A_1708 = vector.shape_cast %reduce_min3A_1707 : vector<256xf32> to vector<256x1xf32>
    %eq3A_1709 = vector.broadcast %broadcast_in_dim3A_1708 : vector<256x1xf32> to vector<256x2048xf32>
    %eq3A_1710 = arith.cmpf oeq, %get3A_1705, %eq3A_1709 : vector<256x2048xf32>
    %jit3A_1711 = arith.constant 2048 : i32
    %broadcast_in_dim3A_1712 = vector.broadcast %jit3A_1711 : i32 to vector<256x2048xi32>
    %select_n3A_1713 = arith.select %eq3A_1710, %iota3A, %broadcast_in_dim3A_1712 : vector<256x2048xi1>, vector<256x2048xi32>
    %reduce_min3A_1714 = arith.constant dense<2147483647> : vector<256xi32>
    %reduce_min3A_1715 = vector.multi_reduction <minsi>, %select_n3A_1713, %reduce_min3A_1714 [1] : vector<256x2048xi32> to vector<256xi32>
    %broadcast_in_dim3A_1716 = vector.shape_cast %reduce_min3A_1715 : vector<256xi32> to vector<256x1xi32>
    %eq3A_1717 = vector.broadcast %broadcast_in_dim3A_1716 : vector<256x1xi32> to vector<256x2048xi32>
    %eq3A_1718 = arith.cmpi eq, %iota3A, %eq3A_1717 : vector<256x2048xi32>
    %jit3A_1719 = arith.constant 1.000000e+09 : f32
    %broadcast_in_dim3A_1720 = vector.broadcast %jit3A_1719 : f32 to vector<256x2048xf32>
    %select_n3A_1721 = arith.select %eq3A_1718, %broadcast_in_dim3A_1720, %get3A_1705 : vector<256x2048xi1>, vector<256x2048xf32>
    %swap3A_1722 = arith.constant 0 : index
    %swap3A_1723 = arith.constant 0 : index
    %swap3A_1724 = vector.load %arg17[%swap3A_1722, %swap3A_1723] : memref<256x2048xf32, #tpu.memory_space<vmem>>, vector<256x2048xf32>
    tpu.vector_store %arg17[%swap3A_1722, %swap3A_1723], %select_n3A_1721 {strides = array<i32>} : memref<256x2048xf32, #tpu.memory_space<vmem>>, vector<256x2048xf32>,
    %convert_element_type3A_1725 = arith.extui %eq3A_1718 : vector<256x2048xi1> to vector<256x2048xi32>
    %convert_element_type3A_1726 = arith.sitofp %convert_element_type3A_1725 : vector<256x2048xi32> to vector<256x2048xf32>
    %convert_element_type3A_1727 = arith.truncf %convert_element_type3A_1726 : vector<256x2048xf32> to vector<256x2048xbf16>
    %dot_general3A_1728 = arith.constant dense<0.000000e+00> : vector<256x12xf32>
    %dot_general3A_1729 = tpu.matmul %convert_element_type3A_1727, %concatenate3A_100, %dot_general3A_1728 {dimension_numbers = #tpu.dot_dimension_numbers<[1], [1], [0], [0], [0, 0, 1, 0], [], []>, transpose_lhs_hint = false} : vector<256x2048xbf16>, vector<12x2048xbf16>, vector<256x12xf32> -> vector<256x12xf32>
    %slice3A_1730 = vector.extract_strided_slice %dot_general3A_1729 {offsets = [0, 0], sizes = [256, 1], strides = [1, 1]} : vector<256x12xf32> to vector<256x1xf32>
    %slice3A_1731 = vector.extract_strided_slice %dot_general3A_1729 {offsets = [0, 4], sizes = [256, 1], strides = [1, 1]} : vector<256x12xf32> to vector<256x1xf32>
    %add3A_1732 = arith.addf %slice3A_1730, %slice3A_1731 : vector<256x1xf32>
    %slice3A_1733 = vector.extract_strided_slice %dot_general3A_1729 {offsets = [0, 8], sizes = [256, 1], strides = [1, 1]} : vector<256x12xf32> to vector<256x1xf32>
    %add3A_1734 = arith.addf %add3A_1732, %slice3A_1733 : vector<256x1xf32>
    %sub3A_1735 = arith.subf %add3A_1734, %mul3A_15 : vector<256x1xf32>
    %slice3A_1736 = vector.extract_strided_slice %dot_general3A_1729 {offsets = [0, 1], sizes = [256, 1], strides = [1, 1]} : vector<256x12xf32> to vector<256x1xf32>
    %slice3A_1737 = vector.extract_strided_slice %dot_general3A_1729 {offsets = [0, 5], sizes = [256, 1], strides = [1, 1]} : vector<256x12xf32> to vector<256x1xf32>
    %add3A_1738 = arith.addf %slice3A_1736, %slice3A_1737 : vector<256x1xf32>
    %slice3A_1739 = vector.extract_strided_slice %dot_general3A_1729 {offsets = [0, 9], sizes = [256, 1], strides = [1, 1]} : vector<256x12xf32> to vector<256x1xf32>
    %add3A_1740 = arith.addf %add3A_1738, %slice3A_1739 : vector<256x1xf32>
    %sub3A_1741 = arith.subf %add3A_1740, %mul3A_25 : vector<256x1xf32>
    %slice3A_1742 = vector.extract_strided_slice %dot_general3A_1729 {offsets = [0, 2], sizes = [256, 1], strides = [1, 1]} : vector<256x12xf32> to vector<256x1xf32>
    %slice3A_1743 = vector.extract_strided_slice %dot_general3A_1729 {offsets = [0, 6], sizes = [256, 1], strides = [1, 1]} : vector<256x12xf32> to vector<256x1xf32>
    %add3A_1744 = arith.addf %slice3A_1742, %slice3A_1743 : vector<256x1xf32>
    %slice3A_1745 = vector.extract_strided_slice %dot_general3A_1729 {offsets = [0, 10], sizes = [256, 1], strides = [1, 1]} : vector<256x12xf32> to vector<256x1xf32>
    %add3A_1746 = arith.addf %add3A_1744, %slice3A_1745 : vector<256x1xf32>
    %sub3A_1747 = arith.subf %add3A_1746, %mul3A_35 : vector<256x1xf32>
    %slice3A_1748 = vector.extract_strided_slice %dot_general3A_1729 {offsets = [0, 3], sizes = [256, 1], strides = [1, 1]} : vector<256x12xf32> to vector<256x1xf32>
    %add3A_1749 = arith.constant 9.99999993E-9 : f32
    %add3A_1750 = vector.broadcast %add3A_1749 : f32 to vector<256x1xf32>
    %add3A_1751 = arith.addf %broadcast_in_dim3A_1708, %add3A_1750 : vector<256x1xf32>
    %div3A_1752 = arith.constant 1.000000e+00 : f32
    %div3A_1753 = vector.broadcast %div3A_1752 : f32 to vector<256x1xf32>
    %div3A_1754 = arith.divf %div3A_1753, %add3A_1751 : vector<256x1xf32>
    %sub3A_1755 = vector.broadcast %broadcast_in_dim3A_1708 : vector<256x1xf32> to vector<256x32xf32>
    %sub3A_1756 = vector.broadcast %get3A_108 : vector<1x32xf32> to vector<256x32xf32>
    %sub3A_1757 = arith.subf %sub3A_1755, %sub3A_1756 : vector<256x32xf32>
    %div3A_1758 = arith.constant 6.250000e-01 : f32
    %div3A_1759 = vector.broadcast %div3A_1758 : f32 to vector<256x32xf32>
    %div3A_1760 = arith.divf %sub3A_1757, %div3A_1759 : vector<256x32xf32>
    %mul3A_1761 = arith.mulf %div3A_1760, %div3A_1760 : vector<256x32xf32>
    %neg3A_1762 = arith.constant 0.000000e+00 : f32
    %neg3A_1763 = vector.broadcast %neg3A_1762 : f32 to vector<256x32xf32>
    %neg3A_1764 = arith.subf %neg3A_1763, %mul3A_1761 : vector<256x32xf32>
    %exp3A_1765 = math.exp %neg3A_1764 : vector<256x32xf32>
    %dot_general3A_1766 = arith.constant dense<0.000000e+00> : vector<256x128xf32>
    %dot_general3A_1767 = tpu.matmul %exp3A_1765, %get3A_114, %dot_general3A_1766 {dimension_numbers = #tpu.dot_dimension_numbers<[1], [0], [0], [1], [0, 0, 1, 1], [], []>, transpose_lhs_hint = false} : vector<256x32xf32>, vector<32x128xf32>, vector<256x128xf32> -> vector<256x128xf32>
    %mul3A_1768 = arith.mulf %sub3A_1735, %div3A_1754 : vector<256x1xf32>
    %slice3A_1769 = vector.extract_strided_slice %get3A_117 {offsets = [0, 0], sizes = [1, 128], strides = [1, 1]} : vector<3x128xf32> to vector<1x128xf32>
    %mul3A_1770 = vector.broadcast %mul3A_1768 : vector<256x1xf32> to vector<256x128xf32>
    %mul3A_1771 = vector.broadcast %slice3A_1769 : vector<1x128xf32> to vector<256x128xf32>
    %mul3A_1772 = arith.mulf %mul3A_1770, %mul3A_1771 : vector<256x128xf32>
    %mul3A_1773 = arith.mulf %sub3A_1741, %div3A_1754 : vector<256x1xf32>
    %slice3A_1774 = vector.extract_strided_slice %get3A_117 {offsets = [1, 0], sizes = [1, 128], strides = [1, 1]} : vector<3x128xf32> to vector<1x128xf32>
    %mul3A_1775 = vector.broadcast %mul3A_1773 : vector<256x1xf32> to vector<256x128xf32>
    %mul3A_1776 = vector.broadcast %slice3A_1774 : vector<1x128xf32> to vector<256x128xf32>
    %mul3A_1777 = arith.mulf %mul3A_1775, %mul3A_1776 : vector<256x128xf32>
    %add3A_1778 = arith.addf %mul3A_1772, %mul3A_1777 : vector<256x128xf32>
    %mul3A_1779 = arith.mulf %sub3A_1747, %div3A_1754 : vector<256x1xf32>
    %slice3A_1780 = vector.extract_strided_slice %get3A_117 {offsets = [2, 0], sizes = [1, 128], strides = [1, 1]} : vector<3x128xf32> to vector<1x128xf32>
    %mul3A_1781 = vector.broadcast %mul3A_1779 : vector<256x1xf32> to vector<256x128xf32>
    %mul3A_1782 = vector.broadcast %slice3A_1780 : vector<1x128xf32> to vector<256x128xf32>
    %mul3A_1783 = arith.mulf %mul3A_1781, %mul3A_1782 : vector<256x128xf32>
    %add3A_1784 = arith.addf %add3A_1778, %mul3A_1783 : vector<256x128xf32>
    %add3A_1785 = arith.addf %dot_general3A_1767, %add3A_1784 : vector<256x128xf32>
    %add3A_1786 = vector.broadcast %get3A_111 : vector<1x128xf32> to vector<256x128xf32>
    %add3A_1787 = arith.addf %add3A_1785, %add3A_1786 : vector<256x128xf32>
    %mul3A_1788 = arith.mulf %get3A_105, %slice3A_1748 : vector<256x1xf32>
    %mul3A_1789 = vector.broadcast %mul3A_1788 : vector<256x1xf32> to vector<256x128xf32>
    %mul3A_1790 = arith.mulf %add3A_1787, %mul3A_1789 : vector<256x128xf32>
    %swap3A_1791 = arith.constant 0 : index
    %swap3A_1792 = arith.constant 0 : index
    %swap3A_1793 = arith.constant 1920 : index
    %swap3A_1794 = vector.load %arg14[%swap3A_1791, %swap3A_1792, %swap3A_1793] : memref<1x256x3840xf32, #tpu.memory_space<vmem>>, vector<1x256x128xf32>
    %swap3A_1795 = vector.shape_cast %swap3A_1794 : vector<1x256x128xf32> to vector<256x128xf32>
    %swap3A_1796 = vector.shape_cast %mul3A_1790 : vector<256x128xf32> to vector<1x256x128xf32>
    tpu.vector_store %arg14[%swap3A_1791, %swap3A_1792, %swap3A_1793], %swap3A_1796 {strides = array<i32>} : memref<1x256x3840xf32, #tpu.memory_space<vmem>>, vector<1x256x128xf32>,
    %swap3A_1797 = arith.constant 0 : index
    %swap3A_1798 = arith.constant 0 : index
    %swap3A_1799 = arith.constant 15 : index
    %swap3A_1800 = vector.load %arg15[%swap3A_1797, %swap3A_1798, %swap3A_1799] : memref<1x256x30xi32, #tpu.memory_space<vmem>>, vector<1x256x1xi32>
    %swap3A_1801 = vector.shape_cast %swap3A_1800 : vector<1x256x1xi32> to vector<256x1xi32>
    %swap3A_1802 = vector.shape_cast %broadcast_in_dim3A_1716 : vector<256x1xi32> to vector<1x256x1xi32>
    tpu.vector_store %arg15[%swap3A_1797, %swap3A_1798, %swap3A_1799], %swap3A_1802 {strides = array<i32>} : memref<1x256x30xi32, #tpu.memory_space<vmem>>, vector<1x256x1xi32>,
    %swap3A_1803 = arith.constant 0 : index
    %swap3A_1804 = arith.constant 0 : index
    %swap3A_1805 = arith.constant 15 : index
    %swap3A_1806 = vector.load %arg16[%swap3A_1803, %swap3A_1804, %swap3A_1805] : memref<1x256x30xf32, #tpu.memory_space<vmem>>, vector<1x256x1xf32>
    %swap3A_1807 = vector.shape_cast %swap3A_1806 : vector<1x256x1xf32> to vector<256x1xf32>
    %swap3A_1808 = vector.shape_cast %mul3A_1788 : vector<256x1xf32> to vector<1x256x1xf32>
    tpu.vector_store %arg16[%swap3A_1803, %swap3A_1804, %swap3A_1805], %swap3A_1808 {strides = array<i32>} : memref<1x256x30xf32, #tpu.memory_space<vmem>>, vector<1x256x1xf32>,
    %get3A_1809 = arith.constant 0 : index
    %get3A_1810 = arith.constant 0 : index
    %get3A_1811 = vector.load %arg17[%get3A_1809, %get3A_1810] : memref<256x2048xf32, #tpu.memory_space<vmem>>, vector<256x2048xf32>
    %reduce_min3A_1812 = arith.constant dense<0x7F800000> : vector<256xf32>
    %reduce_min3A_1813 = vector.multi_reduction <minimumf>, %get3A_1811, %reduce_min3A_1812 [1] : vector<256x2048xf32> to vector<256xf32>
    %broadcast_in_dim3A_1814 = vector.shape_cast %reduce_min3A_1813 : vector<256xf32> to vector<256x1xf32>
    %eq3A_1815 = vector.broadcast %broadcast_in_dim3A_1814 : vector<256x1xf32> to vector<256x2048xf32>
    %eq3A_1816 = arith.cmpf oeq, %get3A_1811, %eq3A_1815 : vector<256x2048xf32>
    %jit3A_1817 = arith.constant 2048 : i32
    %broadcast_in_dim3A_1818 = vector.broadcast %jit3A_1817 : i32 to vector<256x2048xi32>
    %select_n3A_1819 = arith.select %eq3A_1816, %iota3A, %broadcast_in_dim3A_1818 : vector<256x2048xi1>, vector<256x2048xi32>
    %reduce_min3A_1820 = arith.constant dense<2147483647> : vector<256xi32>
    %reduce_min3A_1821 = vector.multi_reduction <minsi>, %select_n3A_1819, %reduce_min3A_1820 [1] : vector<256x2048xi32> to vector<256xi32>
    %broadcast_in_dim3A_1822 = vector.shape_cast %reduce_min3A_1821 : vector<256xi32> to vector<256x1xi32>
    %eq3A_1823 = vector.broadcast %broadcast_in_dim3A_1822 : vector<256x1xi32> to vector<256x2048xi32>
    %eq3A_1824 = arith.cmpi eq, %iota3A, %eq3A_1823 : vector<256x2048xi32>
    %jit3A_1825 = arith.constant 1.000000e+09 : f32
    %broadcast_in_dim3A_1826 = vector.broadcast %jit3A_1825 : f32 to vector<256x2048xf32>
    %select_n3A_1827 = arith.select %eq3A_1824, %broadcast_in_dim3A_1826, %get3A_1811 : vector<256x2048xi1>, vector<256x2048xf32>
    %swap3A_1828 = arith.constant 0 : index
    %swap3A_1829 = arith.constant 0 : index
    %swap3A_1830 = vector.load %arg17[%swap3A_1828, %swap3A_1829] : memref<256x2048xf32, #tpu.memory_space<vmem>>, vector<256x2048xf32>
    tpu.vector_store %arg17[%swap3A_1828, %swap3A_1829], %select_n3A_1827 {strides = array<i32>} : memref<256x2048xf32, #tpu.memory_space<vmem>>, vector<256x2048xf32>,
    %convert_element_type3A_1831 = arith.extui %eq3A_1824 : vector<256x2048xi1> to vector<256x2048xi32>
    %convert_element_type3A_1832 = arith.sitofp %convert_element_type3A_1831 : vector<256x2048xi32> to vector<256x2048xf32>
    %convert_element_type3A_1833 = arith.truncf %convert_element_type3A_1832 : vector<256x2048xf32> to vector<256x2048xbf16>
    %dot_general3A_1834 = arith.constant dense<0.000000e+00> : vector<256x12xf32>
    %dot_general3A_1835 = tpu.matmul %convert_element_type3A_1833, %concatenate3A_100, %dot_general3A_1834 {dimension_numbers = #tpu.dot_dimension_numbers<[1], [1], [0], [0], [0, 0, 1, 0], [], []>, transpose_lhs_hint = false} : vector<256x2048xbf16>, vector<12x2048xbf16>, vector<256x12xf32> -> vector<256x12xf32>
    %slice3A_1836 = vector.extract_strided_slice %dot_general3A_1835 {offsets = [0, 0], sizes = [256, 1], strides = [1, 1]} : vector<256x12xf32> to vector<256x1xf32>
    %slice3A_1837 = vector.extract_strided_slice %dot_general3A_1835 {offsets = [0, 4], sizes = [256, 1], strides = [1, 1]} : vector<256x12xf32> to vector<256x1xf32>
    %add3A_1838 = arith.addf %slice3A_1836, %slice3A_1837 : vector<256x1xf32>
    %slice3A_1839 = vector.extract_strided_slice %dot_general3A_1835 {offsets = [0, 8], sizes = [256, 1], strides = [1, 1]} : vector<256x12xf32> to vector<256x1xf32>
    %add3A_1840 = arith.addf %add3A_1838, %slice3A_1839 : vector<256x1xf32>
    %sub3A_1841 = arith.subf %add3A_1840, %mul3A_15 : vector<256x1xf32>
    %slice3A_1842 = vector.extract_strided_slice %dot_general3A_1835 {offsets = [0, 1], sizes = [256, 1], strides = [1, 1]} : vector<256x12xf32> to vector<256x1xf32>
    %slice3A_1843 = vector.extract_strided_slice %dot_general3A_1835 {offsets = [0, 5], sizes = [256, 1], strides = [1, 1]} : vector<256x12xf32> to vector<256x1xf32>
    %add3A_1844 = arith.addf %slice3A_1842, %slice3A_1843 : vector<256x1xf32>
    %slice3A_1845 = vector.extract_strided_slice %dot_general3A_1835 {offsets = [0, 9], sizes = [256, 1], strides = [1, 1]} : vector<256x12xf32> to vector<256x1xf32>
    %add3A_1846 = arith.addf %add3A_1844, %slice3A_1845 : vector<256x1xf32>
    %sub3A_1847 = arith.subf %add3A_1846, %mul3A_25 : vector<256x1xf32>
    %slice3A_1848 = vector.extract_strided_slice %dot_general3A_1835 {offsets = [0, 2], sizes = [256, 1], strides = [1, 1]} : vector<256x12xf32> to vector<256x1xf32>
    %slice3A_1849 = vector.extract_strided_slice %dot_general3A_1835 {offsets = [0, 6], sizes = [256, 1], strides = [1, 1]} : vector<256x12xf32> to vector<256x1xf32>
    %add3A_1850 = arith.addf %slice3A_1848, %slice3A_1849 : vector<256x1xf32>
    %slice3A_1851 = vector.extract_strided_slice %dot_general3A_1835 {offsets = [0, 10], sizes = [256, 1], strides = [1, 1]} : vector<256x12xf32> to vector<256x1xf32>
    %add3A_1852 = arith.addf %add3A_1850, %slice3A_1851 : vector<256x1xf32>
    %sub3A_1853 = arith.subf %add3A_1852, %mul3A_35 : vector<256x1xf32>
    %slice3A_1854 = vector.extract_strided_slice %dot_general3A_1835 {offsets = [0, 3], sizes = [256, 1], strides = [1, 1]} : vector<256x12xf32> to vector<256x1xf32>
    %add3A_1855 = arith.constant 9.99999993E-9 : f32
    %add3A_1856 = vector.broadcast %add3A_1855 : f32 to vector<256x1xf32>
    %add3A_1857 = arith.addf %broadcast_in_dim3A_1814, %add3A_1856 : vector<256x1xf32>
    %div3A_1858 = arith.constant 1.000000e+00 : f32
    %div3A_1859 = vector.broadcast %div3A_1858 : f32 to vector<256x1xf32>
    %div3A_1860 = arith.divf %div3A_1859, %add3A_1857 : vector<256x1xf32>
    %sub3A_1861 = vector.broadcast %broadcast_in_dim3A_1814 : vector<256x1xf32> to vector<256x32xf32>
    %sub3A_1862 = vector.broadcast %get3A_108 : vector<1x32xf32> to vector<256x32xf32>
    %sub3A_1863 = arith.subf %sub3A_1861, %sub3A_1862 : vector<256x32xf32>
    %div3A_1864 = arith.constant 6.250000e-01 : f32
    %div3A_1865 = vector.broadcast %div3A_1864 : f32 to vector<256x32xf32>
    %div3A_1866 = arith.divf %sub3A_1863, %div3A_1865 : vector<256x32xf32>
    %mul3A_1867 = arith.mulf %div3A_1866, %div3A_1866 : vector<256x32xf32>
    %neg3A_1868 = arith.constant 0.000000e+00 : f32
    %neg3A_1869 = vector.broadcast %neg3A_1868 : f32 to vector<256x32xf32>
    %neg3A_1870 = arith.subf %neg3A_1869, %mul3A_1867 : vector<256x32xf32>
    %exp3A_1871 = math.exp %neg3A_1870 : vector<256x32xf32>
    %dot_general3A_1872 = arith.constant dense<0.000000e+00> : vector<256x128xf32>
    %dot_general3A_1873 = tpu.matmul %exp3A_1871, %get3A_114, %dot_general3A_1872 {dimension_numbers = #tpu.dot_dimension_numbers<[1], [0], [0], [1], [0, 0, 1, 1], [], []>, transpose_lhs_hint = false} : vector<256x32xf32>, vector<32x128xf32>, vector<256x128xf32> -> vector<256x128xf32>
    %mul3A_1874 = arith.mulf %sub3A_1841, %div3A_1860 : vector<256x1xf32>
    %slice3A_1875 = vector.extract_strided_slice %get3A_117 {offsets = [0, 0], sizes = [1, 128], strides = [1, 1]} : vector<3x128xf32> to vector<1x128xf32>
    %mul3A_1876 = vector.broadcast %mul3A_1874 : vector<256x1xf32> to vector<256x128xf32>
    %mul3A_1877 = vector.broadcast %slice3A_1875 : vector<1x128xf32> to vector<256x128xf32>
    %mul3A_1878 = arith.mulf %mul3A_1876, %mul3A_1877 : vector<256x128xf32>
    %mul3A_1879 = arith.mulf %sub3A_1847, %div3A_1860 : vector<256x1xf32>
    %slice3A_1880 = vector.extract_strided_slice %get3A_117 {offsets = [1, 0], sizes = [1, 128], strides = [1, 1]} : vector<3x128xf32> to vector<1x128xf32>
    %mul3A_1881 = vector.broadcast %mul3A_1879 : vector<256x1xf32> to vector<256x128xf32>
    %mul3A_1882 = vector.broadcast %slice3A_1880 : vector<1x128xf32> to vector<256x128xf32>
    %mul3A_1883 = arith.mulf %mul3A_1881, %mul3A_1882 : vector<256x128xf32>
    %add3A_1884 = arith.addf %mul3A_1878, %mul3A_1883 : vector<256x128xf32>
    %mul3A_1885 = arith.mulf %sub3A_1853, %div3A_1860 : vector<256x1xf32>
    %slice3A_1886 = vector.extract_strided_slice %get3A_117 {offsets = [2, 0], sizes = [1, 128], strides = [1, 1]} : vector<3x128xf32> to vector<1x128xf32>
    %mul3A_1887 = vector.broadcast %mul3A_1885 : vector<256x1xf32> to vector<256x128xf32>
    %mul3A_1888 = vector.broadcast %slice3A_1886 : vector<1x128xf32> to vector<256x128xf32>
    %mul3A_1889 = arith.mulf %mul3A_1887, %mul3A_1888 : vector<256x128xf32>
    %add3A_1890 = arith.addf %add3A_1884, %mul3A_1889 : vector<256x128xf32>
    %add3A_1891 = arith.addf %dot_general3A_1873, %add3A_1890 : vector<256x128xf32>
    %add3A_1892 = vector.broadcast %get3A_111 : vector<1x128xf32> to vector<256x128xf32>
    %add3A_1893 = arith.addf %add3A_1891, %add3A_1892 : vector<256x128xf32>
    %mul3A_1894 = arith.mulf %get3A_105, %slice3A_1854 : vector<256x1xf32>
    %mul3A_1895 = vector.broadcast %mul3A_1894 : vector<256x1xf32> to vector<256x128xf32>
    %mul3A_1896 = arith.mulf %add3A_1893, %mul3A_1895 : vector<256x128xf32>
    %swap3A_1897 = arith.constant 0 : index
    %swap3A_1898 = arith.constant 0 : index
    %swap3A_1899 = arith.constant 2048 : index
    %swap3A_1900 = vector.load %arg14[%swap3A_1897, %swap3A_1898, %swap3A_1899] : memref<1x256x3840xf32, #tpu.memory_space<vmem>>, vector<1x256x128xf32>
    %swap3A_1901 = vector.shape_cast %swap3A_1900 : vector<1x256x128xf32> to vector<256x128xf32>
    %swap3A_1902 = vector.shape_cast %mul3A_1896 : vector<256x128xf32> to vector<1x256x128xf32>
    tpu.vector_store %arg14[%swap3A_1897, %swap3A_1898, %swap3A_1899], %swap3A_1902 {strides = array<i32>} : memref<1x256x3840xf32, #tpu.memory_space<vmem>>, vector<1x256x128xf32>,
    %swap3A_1903 = arith.constant 0 : index
    %swap3A_1904 = arith.constant 0 : index
    %swap3A_1905 = arith.constant 16 : index
    %swap3A_1906 = vector.load %arg15[%swap3A_1903, %swap3A_1904, %swap3A_1905] : memref<1x256x30xi32, #tpu.memory_space<vmem>>, vector<1x256x1xi32>
    %swap3A_1907 = vector.shape_cast %swap3A_1906 : vector<1x256x1xi32> to vector<256x1xi32>
    %swap3A_1908 = vector.shape_cast %broadcast_in_dim3A_1822 : vector<256x1xi32> to vector<1x256x1xi32>
    tpu.vector_store %arg15[%swap3A_1903, %swap3A_1904, %swap3A_1905], %swap3A_1908 {strides = array<i32>} : memref<1x256x30xi32, #tpu.memory_space<vmem>>, vector<1x256x1xi32>,
    %swap3A_1909 = arith.constant 0 : index
    %swap3A_1910 = arith.constant 0 : index
    %swap3A_1911 = arith.constant 16 : index
    %swap3A_1912 = vector.load %arg16[%swap3A_1909, %swap3A_1910, %swap3A_1911] : memref<1x256x30xf32, #tpu.memory_space<vmem>>, vector<1x256x1xf32>
    %swap3A_1913 = vector.shape_cast %swap3A_1912 : vector<1x256x1xf32> to vector<256x1xf32>
    %swap3A_1914 = vector.shape_cast %mul3A_1894 : vector<256x1xf32> to vector<1x256x1xf32>
    tpu.vector_store %arg16[%swap3A_1909, %swap3A_1910, %swap3A_1911], %swap3A_1914 {strides = array<i32>} : memref<1x256x30xf32, #tpu.memory_space<vmem>>, vector<1x256x1xf32>,
    %get3A_1915 = arith.constant 0 : index
    %get3A_1916 = arith.constant 0 : index
    %get3A_1917 = vector.load %arg17[%get3A_1915, %get3A_1916] : memref<256x2048xf32, #tpu.memory_space<vmem>>, vector<256x2048xf32>
    %reduce_min3A_1918 = arith.constant dense<0x7F800000> : vector<256xf32>
    %reduce_min3A_1919 = vector.multi_reduction <minimumf>, %get3A_1917, %reduce_min3A_1918 [1] : vector<256x2048xf32> to vector<256xf32>
    %broadcast_in_dim3A_1920 = vector.shape_cast %reduce_min3A_1919 : vector<256xf32> to vector<256x1xf32>
    %eq3A_1921 = vector.broadcast %broadcast_in_dim3A_1920 : vector<256x1xf32> to vector<256x2048xf32>
    %eq3A_1922 = arith.cmpf oeq, %get3A_1917, %eq3A_1921 : vector<256x2048xf32>
    %jit3A_1923 = arith.constant 2048 : i32
    %broadcast_in_dim3A_1924 = vector.broadcast %jit3A_1923 : i32 to vector<256x2048xi32>
    %select_n3A_1925 = arith.select %eq3A_1922, %iota3A, %broadcast_in_dim3A_1924 : vector<256x2048xi1>, vector<256x2048xi32>
    %reduce_min3A_1926 = arith.constant dense<2147483647> : vector<256xi32>
    %reduce_min3A_1927 = vector.multi_reduction <minsi>, %select_n3A_1925, %reduce_min3A_1926 [1] : vector<256x2048xi32> to vector<256xi32>
    %broadcast_in_dim3A_1928 = vector.shape_cast %reduce_min3A_1927 : vector<256xi32> to vector<256x1xi32>
    %eq3A_1929 = vector.broadcast %broadcast_in_dim3A_1928 : vector<256x1xi32> to vector<256x2048xi32>
    %eq3A_1930 = arith.cmpi eq, %iota3A, %eq3A_1929 : vector<256x2048xi32>
    %jit3A_1931 = arith.constant 1.000000e+09 : f32
    %broadcast_in_dim3A_1932 = vector.broadcast %jit3A_1931 : f32 to vector<256x2048xf32>
    %select_n3A_1933 = arith.select %eq3A_1930, %broadcast_in_dim3A_1932, %get3A_1917 : vector<256x2048xi1>, vector<256x2048xf32>
    %swap3A_1934 = arith.constant 0 : index
    %swap3A_1935 = arith.constant 0 : index
    %swap3A_1936 = vector.load %arg17[%swap3A_1934, %swap3A_1935] : memref<256x2048xf32, #tpu.memory_space<vmem>>, vector<256x2048xf32>
    tpu.vector_store %arg17[%swap3A_1934, %swap3A_1935], %select_n3A_1933 {strides = array<i32>} : memref<256x2048xf32, #tpu.memory_space<vmem>>, vector<256x2048xf32>,
    %convert_element_type3A_1937 = arith.extui %eq3A_1930 : vector<256x2048xi1> to vector<256x2048xi32>
    %convert_element_type3A_1938 = arith.sitofp %convert_element_type3A_1937 : vector<256x2048xi32> to vector<256x2048xf32>
    %convert_element_type3A_1939 = arith.truncf %convert_element_type3A_1938 : vector<256x2048xf32> to vector<256x2048xbf16>
    %dot_general3A_1940 = arith.constant dense<0.000000e+00> : vector<256x12xf32>
    %dot_general3A_1941 = tpu.matmul %convert_element_type3A_1939, %concatenate3A_100, %dot_general3A_1940 {dimension_numbers = #tpu.dot_dimension_numbers<[1], [1], [0], [0], [0, 0, 1, 0], [], []>, transpose_lhs_hint = false} : vector<256x2048xbf16>, vector<12x2048xbf16>, vector<256x12xf32> -> vector<256x12xf32>
    %slice3A_1942 = vector.extract_strided_slice %dot_general3A_1941 {offsets = [0, 0], sizes = [256, 1], strides = [1, 1]} : vector<256x12xf32> to vector<256x1xf32>
    %slice3A_1943 = vector.extract_strided_slice %dot_general3A_1941 {offsets = [0, 4], sizes = [256, 1], strides = [1, 1]} : vector<256x12xf32> to vector<256x1xf32>
    %add3A_1944 = arith.addf %slice3A_1942, %slice3A_1943 : vector<256x1xf32>
    %slice3A_1945 = vector.extract_strided_slice %dot_general3A_1941 {offsets = [0, 8], sizes = [256, 1], strides = [1, 1]} : vector<256x12xf32> to vector<256x1xf32>
    %add3A_1946 = arith.addf %add3A_1944, %slice3A_1945 : vector<256x1xf32>
    %sub3A_1947 = arith.subf %add3A_1946, %mul3A_15 : vector<256x1xf32>
    %slice3A_1948 = vector.extract_strided_slice %dot_general3A_1941 {offsets = [0, 1], sizes = [256, 1], strides = [1, 1]} : vector<256x12xf32> to vector<256x1xf32>
    %slice3A_1949 = vector.extract_strided_slice %dot_general3A_1941 {offsets = [0, 5], sizes = [256, 1], strides = [1, 1]} : vector<256x12xf32> to vector<256x1xf32>
    %add3A_1950 = arith.addf %slice3A_1948, %slice3A_1949 : vector<256x1xf32>
    %slice3A_1951 = vector.extract_strided_slice %dot_general3A_1941 {offsets = [0, 9], sizes = [256, 1], strides = [1, 1]} : vector<256x12xf32> to vector<256x1xf32>
    %add3A_1952 = arith.addf %add3A_1950, %slice3A_1951 : vector<256x1xf32>
    %sub3A_1953 = arith.subf %add3A_1952, %mul3A_25 : vector<256x1xf32>
    %slice3A_1954 = vector.extract_strided_slice %dot_general3A_1941 {offsets = [0, 2], sizes = [256, 1], strides = [1, 1]} : vector<256x12xf32> to vector<256x1xf32>
    %slice3A_1955 = vector.extract_strided_slice %dot_general3A_1941 {offsets = [0, 6], sizes = [256, 1], strides = [1, 1]} : vector<256x12xf32> to vector<256x1xf32>
    %add3A_1956 = arith.addf %slice3A_1954, %slice3A_1955 : vector<256x1xf32>
    %slice3A_1957 = vector.extract_strided_slice %dot_general3A_1941 {offsets = [0, 10], sizes = [256, 1], strides = [1, 1]} : vector<256x12xf32> to vector<256x1xf32>
    %add3A_1958 = arith.addf %add3A_1956, %slice3A_1957 : vector<256x1xf32>
    %sub3A_1959 = arith.subf %add3A_1958, %mul3A_35 : vector<256x1xf32>
    %slice3A_1960 = vector.extract_strided_slice %dot_general3A_1941 {offsets = [0, 3], sizes = [256, 1], strides = [1, 1]} : vector<256x12xf32> to vector<256x1xf32>
    %add3A_1961 = arith.constant 9.99999993E-9 : f32
    %add3A_1962 = vector.broadcast %add3A_1961 : f32 to vector<256x1xf32>
    %add3A_1963 = arith.addf %broadcast_in_dim3A_1920, %add3A_1962 : vector<256x1xf32>
    %div3A_1964 = arith.constant 1.000000e+00 : f32
    %div3A_1965 = vector.broadcast %div3A_1964 : f32 to vector<256x1xf32>
    %div3A_1966 = arith.divf %div3A_1965, %add3A_1963 : vector<256x1xf32>
    %sub3A_1967 = vector.broadcast %broadcast_in_dim3A_1920 : vector<256x1xf32> to vector<256x32xf32>
    %sub3A_1968 = vector.broadcast %get3A_108 : vector<1x32xf32> to vector<256x32xf32>
    %sub3A_1969 = arith.subf %sub3A_1967, %sub3A_1968 : vector<256x32xf32>
    %div3A_1970 = arith.constant 6.250000e-01 : f32
    %div3A_1971 = vector.broadcast %div3A_1970 : f32 to vector<256x32xf32>
    %div3A_1972 = arith.divf %sub3A_1969, %div3A_1971 : vector<256x32xf32>
    %mul3A_1973 = arith.mulf %div3A_1972, %div3A_1972 : vector<256x32xf32>
    %neg3A_1974 = arith.constant 0.000000e+00 : f32
    %neg3A_1975 = vector.broadcast %neg3A_1974 : f32 to vector<256x32xf32>
    %neg3A_1976 = arith.subf %neg3A_1975, %mul3A_1973 : vector<256x32xf32>
    %exp3A_1977 = math.exp %neg3A_1976 : vector<256x32xf32>
    %dot_general3A_1978 = arith.constant dense<0.000000e+00> : vector<256x128xf32>
    %dot_general3A_1979 = tpu.matmul %exp3A_1977, %get3A_114, %dot_general3A_1978 {dimension_numbers = #tpu.dot_dimension_numbers<[1], [0], [0], [1], [0, 0, 1, 1], [], []>, transpose_lhs_hint = false} : vector<256x32xf32>, vector<32x128xf32>, vector<256x128xf32> -> vector<256x128xf32>
    %mul3A_1980 = arith.mulf %sub3A_1947, %div3A_1966 : vector<256x1xf32>
    %slice3A_1981 = vector.extract_strided_slice %get3A_117 {offsets = [0, 0], sizes = [1, 128], strides = [1, 1]} : vector<3x128xf32> to vector<1x128xf32>
    %mul3A_1982 = vector.broadcast %mul3A_1980 : vector<256x1xf32> to vector<256x128xf32>
    %mul3A_1983 = vector.broadcast %slice3A_1981 : vector<1x128xf32> to vector<256x128xf32>
    %mul3A_1984 = arith.mulf %mul3A_1982, %mul3A_1983 : vector<256x128xf32>
    %mul3A_1985 = arith.mulf %sub3A_1953, %div3A_1966 : vector<256x1xf32>
    %slice3A_1986 = vector.extract_strided_slice %get3A_117 {offsets = [1, 0], sizes = [1, 128], strides = [1, 1]} : vector<3x128xf32> to vector<1x128xf32>
    %mul3A_1987 = vector.broadcast %mul3A_1985 : vector<256x1xf32> to vector<256x128xf32>
    %mul3A_1988 = vector.broadcast %slice3A_1986 : vector<1x128xf32> to vector<256x128xf32>
    %mul3A_1989 = arith.mulf %mul3A_1987, %mul3A_1988 : vector<256x128xf32>
    %add3A_1990 = arith.addf %mul3A_1984, %mul3A_1989 : vector<256x128xf32>
    %mul3A_1991 = arith.mulf %sub3A_1959, %div3A_1966 : vector<256x1xf32>
    %slice3A_1992 = vector.extract_strided_slice %get3A_117 {offsets = [2, 0], sizes = [1, 128], strides = [1, 1]} : vector<3x128xf32> to vector<1x128xf32>
    %mul3A_1993 = vector.broadcast %mul3A_1991 : vector<256x1xf32> to vector<256x128xf32>
    %mul3A_1994 = vector.broadcast %slice3A_1992 : vector<1x128xf32> to vector<256x128xf32>
    %mul3A_1995 = arith.mulf %mul3A_1993, %mul3A_1994 : vector<256x128xf32>
    %add3A_1996 = arith.addf %add3A_1990, %mul3A_1995 : vector<256x128xf32>
    %add3A_1997 = arith.addf %dot_general3A_1979, %add3A_1996 : vector<256x128xf32>
    %add3A_1998 = vector.broadcast %get3A_111 : vector<1x128xf32> to vector<256x128xf32>
    %add3A_1999 = arith.addf %add3A_1997, %add3A_1998 : vector<256x128xf32>
    %mul3A_2000 = arith.mulf %get3A_105, %slice3A_1960 : vector<256x1xf32>
    %mul3A_2001 = vector.broadcast %mul3A_2000 : vector<256x1xf32> to vector<256x128xf32>
    %mul3A_2002 = arith.mulf %add3A_1999, %mul3A_2001 : vector<256x128xf32>
    %swap3A_2003 = arith.constant 0 : index
    %swap3A_2004 = arith.constant 0 : index
    %swap3A_2005 = arith.constant 2176 : index
    %swap3A_2006 = vector.load %arg14[%swap3A_2003, %swap3A_2004, %swap3A_2005] : memref<1x256x3840xf32, #tpu.memory_space<vmem>>, vector<1x256x128xf32>
    %swap3A_2007 = vector.shape_cast %swap3A_2006 : vector<1x256x128xf32> to vector<256x128xf32>
    %swap3A_2008 = vector.shape_cast %mul3A_2002 : vector<256x128xf32> to vector<1x256x128xf32>
    tpu.vector_store %arg14[%swap3A_2003, %swap3A_2004, %swap3A_2005], %swap3A_2008 {strides = array<i32>} : memref<1x256x3840xf32, #tpu.memory_space<vmem>>, vector<1x256x128xf32>,
    %swap3A_2009 = arith.constant 0 : index
    %swap3A_2010 = arith.constant 0 : index
    %swap3A_2011 = arith.constant 17 : index
    %swap3A_2012 = vector.load %arg15[%swap3A_2009, %swap3A_2010, %swap3A_2011] : memref<1x256x30xi32, #tpu.memory_space<vmem>>, vector<1x256x1xi32>
    %swap3A_2013 = vector.shape_cast %swap3A_2012 : vector<1x256x1xi32> to vector<256x1xi32>
    %swap3A_2014 = vector.shape_cast %broadcast_in_dim3A_1928 : vector<256x1xi32> to vector<1x256x1xi32>
    tpu.vector_store %arg15[%swap3A_2009, %swap3A_2010, %swap3A_2011], %swap3A_2014 {strides = array<i32>} : memref<1x256x30xi32, #tpu.memory_space<vmem>>, vector<1x256x1xi32>,
    %swap3A_2015 = arith.constant 0 : index
    %swap3A_2016 = arith.constant 0 : index
    %swap3A_2017 = arith.constant 17 : index
    %swap3A_2018 = vector.load %arg16[%swap3A_2015, %swap3A_2016, %swap3A_2017] : memref<1x256x30xf32, #tpu.memory_space<vmem>>, vector<1x256x1xf32>
    %swap3A_2019 = vector.shape_cast %swap3A_2018 : vector<1x256x1xf32> to vector<256x1xf32>
    %swap3A_2020 = vector.shape_cast %mul3A_2000 : vector<256x1xf32> to vector<1x256x1xf32>
    tpu.vector_store %arg16[%swap3A_2015, %swap3A_2016, %swap3A_2017], %swap3A_2020 {strides = array<i32>} : memref<1x256x30xf32, #tpu.memory_space<vmem>>, vector<1x256x1xf32>,
    %get3A_2021 = arith.constant 0 : index
    %get3A_2022 = arith.constant 0 : index
    %get3A_2023 = vector.load %arg17[%get3A_2021, %get3A_2022] : memref<256x2048xf32, #tpu.memory_space<vmem>>, vector<256x2048xf32>
    %reduce_min3A_2024 = arith.constant dense<0x7F800000> : vector<256xf32>
    %reduce_min3A_2025 = vector.multi_reduction <minimumf>, %get3A_2023, %reduce_min3A_2024 [1] : vector<256x2048xf32> to vector<256xf32>
    %broadcast_in_dim3A_2026 = vector.shape_cast %reduce_min3A_2025 : vector<256xf32> to vector<256x1xf32>
    %eq3A_2027 = vector.broadcast %broadcast_in_dim3A_2026 : vector<256x1xf32> to vector<256x2048xf32>
    %eq3A_2028 = arith.cmpf oeq, %get3A_2023, %eq3A_2027 : vector<256x2048xf32>
    %jit3A_2029 = arith.constant 2048 : i32
    %broadcast_in_dim3A_2030 = vector.broadcast %jit3A_2029 : i32 to vector<256x2048xi32>
    %select_n3A_2031 = arith.select %eq3A_2028, %iota3A, %broadcast_in_dim3A_2030 : vector<256x2048xi1>, vector<256x2048xi32>
    %reduce_min3A_2032 = arith.constant dense<2147483647> : vector<256xi32>
    %reduce_min3A_2033 = vector.multi_reduction <minsi>, %select_n3A_2031, %reduce_min3A_2032 [1] : vector<256x2048xi32> to vector<256xi32>
    %broadcast_in_dim3A_2034 = vector.shape_cast %reduce_min3A_2033 : vector<256xi32> to vector<256x1xi32>
    %eq3A_2035 = vector.broadcast %broadcast_in_dim3A_2034 : vector<256x1xi32> to vector<256x2048xi32>
    %eq3A_2036 = arith.cmpi eq, %iota3A, %eq3A_2035 : vector<256x2048xi32>
    %jit3A_2037 = arith.constant 1.000000e+09 : f32
    %broadcast_in_dim3A_2038 = vector.broadcast %jit3A_2037 : f32 to vector<256x2048xf32>
    %select_n3A_2039 = arith.select %eq3A_2036, %broadcast_in_dim3A_2038, %get3A_2023 : vector<256x2048xi1>, vector<256x2048xf32>
    %swap3A_2040 = arith.constant 0 : index
    %swap3A_2041 = arith.constant 0 : index
    %swap3A_2042 = vector.load %arg17[%swap3A_2040, %swap3A_2041] : memref<256x2048xf32, #tpu.memory_space<vmem>>, vector<256x2048xf32>
    tpu.vector_store %arg17[%swap3A_2040, %swap3A_2041], %select_n3A_2039 {strides = array<i32>} : memref<256x2048xf32, #tpu.memory_space<vmem>>, vector<256x2048xf32>,
    %convert_element_type3A_2043 = arith.extui %eq3A_2036 : vector<256x2048xi1> to vector<256x2048xi32>
    %convert_element_type3A_2044 = arith.sitofp %convert_element_type3A_2043 : vector<256x2048xi32> to vector<256x2048xf32>
    %convert_element_type3A_2045 = arith.truncf %convert_element_type3A_2044 : vector<256x2048xf32> to vector<256x2048xbf16>
    %dot_general3A_2046 = arith.constant dense<0.000000e+00> : vector<256x12xf32>
    %dot_general3A_2047 = tpu.matmul %convert_element_type3A_2045, %concatenate3A_100, %dot_general3A_2046 {dimension_numbers = #tpu.dot_dimension_numbers<[1], [1], [0], [0], [0, 0, 1, 0], [], []>, transpose_lhs_hint = false} : vector<256x2048xbf16>, vector<12x2048xbf16>, vector<256x12xf32> -> vector<256x12xf32>
    %slice3A_2048 = vector.extract_strided_slice %dot_general3A_2047 {offsets = [0, 0], sizes = [256, 1], strides = [1, 1]} : vector<256x12xf32> to vector<256x1xf32>
    %slice3A_2049 = vector.extract_strided_slice %dot_general3A_2047 {offsets = [0, 4], sizes = [256, 1], strides = [1, 1]} : vector<256x12xf32> to vector<256x1xf32>
    %add3A_2050 = arith.addf %slice3A_2048, %slice3A_2049 : vector<256x1xf32>
    %slice3A_2051 = vector.extract_strided_slice %dot_general3A_2047 {offsets = [0, 8], sizes = [256, 1], strides = [1, 1]} : vector<256x12xf32> to vector<256x1xf32>
    %add3A_2052 = arith.addf %add3A_2050, %slice3A_2051 : vector<256x1xf32>
    %sub3A_2053 = arith.subf %add3A_2052, %mul3A_15 : vector<256x1xf32>
    %slice3A_2054 = vector.extract_strided_slice %dot_general3A_2047 {offsets = [0, 1], sizes = [256, 1], strides = [1, 1]} : vector<256x12xf32> to vector<256x1xf32>
    %slice3A_2055 = vector.extract_strided_slice %dot_general3A_2047 {offsets = [0, 5], sizes = [256, 1], strides = [1, 1]} : vector<256x12xf32> to vector<256x1xf32>
    %add3A_2056 = arith.addf %slice3A_2054, %slice3A_2055 : vector<256x1xf32>
    %slice3A_2057 = vector.extract_strided_slice %dot_general3A_2047 {offsets = [0, 9], sizes = [256, 1], strides = [1, 1]} : vector<256x12xf32> to vector<256x1xf32>
    %add3A_2058 = arith.addf %add3A_2056, %slice3A_2057 : vector<256x1xf32>
    %sub3A_2059 = arith.subf %add3A_2058, %mul3A_25 : vector<256x1xf32>
    %slice3A_2060 = vector.extract_strided_slice %dot_general3A_2047 {offsets = [0, 2], sizes = [256, 1], strides = [1, 1]} : vector<256x12xf32> to vector<256x1xf32>
    %slice3A_2061 = vector.extract_strided_slice %dot_general3A_2047 {offsets = [0, 6], sizes = [256, 1], strides = [1, 1]} : vector<256x12xf32> to vector<256x1xf32>
    %add3A_2062 = arith.addf %slice3A_2060, %slice3A_2061 : vector<256x1xf32>
    %slice3A_2063 = vector.extract_strided_slice %dot_general3A_2047 {offsets = [0, 10], sizes = [256, 1], strides = [1, 1]} : vector<256x12xf32> to vector<256x1xf32>
    %add3A_2064 = arith.addf %add3A_2062, %slice3A_2063 : vector<256x1xf32>
    %sub3A_2065 = arith.subf %add3A_2064, %mul3A_35 : vector<256x1xf32>
    %slice3A_2066 = vector.extract_strided_slice %dot_general3A_2047 {offsets = [0, 3], sizes = [256, 1], strides = [1, 1]} : vector<256x12xf32> to vector<256x1xf32>
    %add3A_2067 = arith.constant 9.99999993E-9 : f32
    %add3A_2068 = vector.broadcast %add3A_2067 : f32 to vector<256x1xf32>
    %add3A_2069 = arith.addf %broadcast_in_dim3A_2026, %add3A_2068 : vector<256x1xf32>
    %div3A_2070 = arith.constant 1.000000e+00 : f32
    %div3A_2071 = vector.broadcast %div3A_2070 : f32 to vector<256x1xf32>
    %div3A_2072 = arith.divf %div3A_2071, %add3A_2069 : vector<256x1xf32>
    %sub3A_2073 = vector.broadcast %broadcast_in_dim3A_2026 : vector<256x1xf32> to vector<256x32xf32>
    %sub3A_2074 = vector.broadcast %get3A_108 : vector<1x32xf32> to vector<256x32xf32>
    %sub3A_2075 = arith.subf %sub3A_2073, %sub3A_2074 : vector<256x32xf32>
    %div3A_2076 = arith.constant 6.250000e-01 : f32
    %div3A_2077 = vector.broadcast %div3A_2076 : f32 to vector<256x32xf32>
    %div3A_2078 = arith.divf %sub3A_2075, %div3A_2077 : vector<256x32xf32>
    %mul3A_2079 = arith.mulf %div3A_2078, %div3A_2078 : vector<256x32xf32>
    %neg3A_2080 = arith.constant 0.000000e+00 : f32
    %neg3A_2081 = vector.broadcast %neg3A_2080 : f32 to vector<256x32xf32>
    %neg3A_2082 = arith.subf %neg3A_2081, %mul3A_2079 : vector<256x32xf32>
    %exp3A_2083 = math.exp %neg3A_2082 : vector<256x32xf32>
    %dot_general3A_2084 = arith.constant dense<0.000000e+00> : vector<256x128xf32>
    %dot_general3A_2085 = tpu.matmul %exp3A_2083, %get3A_114, %dot_general3A_2084 {dimension_numbers = #tpu.dot_dimension_numbers<[1], [0], [0], [1], [0, 0, 1, 1], [], []>, transpose_lhs_hint = false} : vector<256x32xf32>, vector<32x128xf32>, vector<256x128xf32> -> vector<256x128xf32>
    %mul3A_2086 = arith.mulf %sub3A_2053, %div3A_2072 : vector<256x1xf32>
    %slice3A_2087 = vector.extract_strided_slice %get3A_117 {offsets = [0, 0], sizes = [1, 128], strides = [1, 1]} : vector<3x128xf32> to vector<1x128xf32>
    %mul3A_2088 = vector.broadcast %mul3A_2086 : vector<256x1xf32> to vector<256x128xf32>
    %mul3A_2089 = vector.broadcast %slice3A_2087 : vector<1x128xf32> to vector<256x128xf32>
    %mul3A_2090 = arith.mulf %mul3A_2088, %mul3A_2089 : vector<256x128xf32>
    %mul3A_2091 = arith.mulf %sub3A_2059, %div3A_2072 : vector<256x1xf32>
    %slice3A_2092 = vector.extract_strided_slice %get3A_117 {offsets = [1, 0], sizes = [1, 128], strides = [1, 1]} : vector<3x128xf32> to vector<1x128xf32>
    %mul3A_2093 = vector.broadcast %mul3A_2091 : vector<256x1xf32> to vector<256x128xf32>
    %mul3A_2094 = vector.broadcast %slice3A_2092 : vector<1x128xf32> to vector<256x128xf32>
    %mul3A_2095 = arith.mulf %mul3A_2093, %mul3A_2094 : vector<256x128xf32>
    %add3A_2096 = arith.addf %mul3A_2090, %mul3A_2095 : vector<256x128xf32>
    %mul3A_2097 = arith.mulf %sub3A_2065, %div3A_2072 : vector<256x1xf32>
    %slice3A_2098 = vector.extract_strided_slice %get3A_117 {offsets = [2, 0], sizes = [1, 128], strides = [1, 1]} : vector<3x128xf32> to vector<1x128xf32>
    %mul3A_2099 = vector.broadcast %mul3A_2097 : vector<256x1xf32> to vector<256x128xf32>
    %mul3A_2100 = vector.broadcast %slice3A_2098 : vector<1x128xf32> to vector<256x128xf32>
    %mul3A_2101 = arith.mulf %mul3A_2099, %mul3A_2100 : vector<256x128xf32>
    %add3A_2102 = arith.addf %add3A_2096, %mul3A_2101 : vector<256x128xf32>
    %add3A_2103 = arith.addf %dot_general3A_2085, %add3A_2102 : vector<256x128xf32>
    %add3A_2104 = vector.broadcast %get3A_111 : vector<1x128xf32> to vector<256x128xf32>
    %add3A_2105 = arith.addf %add3A_2103, %add3A_2104 : vector<256x128xf32>
    %mul3A_2106 = arith.mulf %get3A_105, %slice3A_2066 : vector<256x1xf32>
    %mul3A_2107 = vector.broadcast %mul3A_2106 : vector<256x1xf32> to vector<256x128xf32>
    %mul3A_2108 = arith.mulf %add3A_2105, %mul3A_2107 : vector<256x128xf32>
    %swap3A_2109 = arith.constant 0 : index
    %swap3A_2110 = arith.constant 0 : index
    %swap3A_2111 = arith.constant 2304 : index
    %swap3A_2112 = vector.load %arg14[%swap3A_2109, %swap3A_2110, %swap3A_2111] : memref<1x256x3840xf32, #tpu.memory_space<vmem>>, vector<1x256x128xf32>
    %swap3A_2113 = vector.shape_cast %swap3A_2112 : vector<1x256x128xf32> to vector<256x128xf32>
    %swap3A_2114 = vector.shape_cast %mul3A_2108 : vector<256x128xf32> to vector<1x256x128xf32>
    tpu.vector_store %arg14[%swap3A_2109, %swap3A_2110, %swap3A_2111], %swap3A_2114 {strides = array<i32>} : memref<1x256x3840xf32, #tpu.memory_space<vmem>>, vector<1x256x128xf32>,
    %swap3A_2115 = arith.constant 0 : index
    %swap3A_2116 = arith.constant 0 : index
    %swap3A_2117 = arith.constant 18 : index
    %swap3A_2118 = vector.load %arg15[%swap3A_2115, %swap3A_2116, %swap3A_2117] : memref<1x256x30xi32, #tpu.memory_space<vmem>>, vector<1x256x1xi32>
    %swap3A_2119 = vector.shape_cast %swap3A_2118 : vector<1x256x1xi32> to vector<256x1xi32>
    %swap3A_2120 = vector.shape_cast %broadcast_in_dim3A_2034 : vector<256x1xi32> to vector<1x256x1xi32>
    tpu.vector_store %arg15[%swap3A_2115, %swap3A_2116, %swap3A_2117], %swap3A_2120 {strides = array<i32>} : memref<1x256x30xi32, #tpu.memory_space<vmem>>, vector<1x256x1xi32>,
    %swap3A_2121 = arith.constant 0 : index
    %swap3A_2122 = arith.constant 0 : index
    %swap3A_2123 = arith.constant 18 : index
    %swap3A_2124 = vector.load %arg16[%swap3A_2121, %swap3A_2122, %swap3A_2123] : memref<1x256x30xf32, #tpu.memory_space<vmem>>, vector<1x256x1xf32>
    %swap3A_2125 = vector.shape_cast %swap3A_2124 : vector<1x256x1xf32> to vector<256x1xf32>
    %swap3A_2126 = vector.shape_cast %mul3A_2106 : vector<256x1xf32> to vector<1x256x1xf32>
    tpu.vector_store %arg16[%swap3A_2121, %swap3A_2122, %swap3A_2123], %swap3A_2126 {strides = array<i32>} : memref<1x256x30xf32, #tpu.memory_space<vmem>>, vector<1x256x1xf32>,
    %get3A_2127 = arith.constant 0 : index
    %get3A_2128 = arith.constant 0 : index
    %get3A_2129 = vector.load %arg17[%get3A_2127, %get3A_2128] : memref<256x2048xf32, #tpu.memory_space<vmem>>, vector<256x2048xf32>
    %reduce_min3A_2130 = arith.constant dense<0x7F800000> : vector<256xf32>
    %reduce_min3A_2131 = vector.multi_reduction <minimumf>, %get3A_2129, %reduce_min3A_2130 [1] : vector<256x2048xf32> to vector<256xf32>
    %broadcast_in_dim3A_2132 = vector.shape_cast %reduce_min3A_2131 : vector<256xf32> to vector<256x1xf32>
    %eq3A_2133 = vector.broadcast %broadcast_in_dim3A_2132 : vector<256x1xf32> to vector<256x2048xf32>
    %eq3A_2134 = arith.cmpf oeq, %get3A_2129, %eq3A_2133 : vector<256x2048xf32>
    %jit3A_2135 = arith.constant 2048 : i32
    %broadcast_in_dim3A_2136 = vector.broadcast %jit3A_2135 : i32 to vector<256x2048xi32>
    %select_n3A_2137 = arith.select %eq3A_2134, %iota3A, %broadcast_in_dim3A_2136 : vector<256x2048xi1>, vector<256x2048xi32>
    %reduce_min3A_2138 = arith.constant dense<2147483647> : vector<256xi32>
    %reduce_min3A_2139 = vector.multi_reduction <minsi>, %select_n3A_2137, %reduce_min3A_2138 [1] : vector<256x2048xi32> to vector<256xi32>
    %broadcast_in_dim3A_2140 = vector.shape_cast %reduce_min3A_2139 : vector<256xi32> to vector<256x1xi32>
    %eq3A_2141 = vector.broadcast %broadcast_in_dim3A_2140 : vector<256x1xi32> to vector<256x2048xi32>
    %eq3A_2142 = arith.cmpi eq, %iota3A, %eq3A_2141 : vector<256x2048xi32>
    %jit3A_2143 = arith.constant 1.000000e+09 : f32
    %broadcast_in_dim3A_2144 = vector.broadcast %jit3A_2143 : f32 to vector<256x2048xf32>
    %select_n3A_2145 = arith.select %eq3A_2142, %broadcast_in_dim3A_2144, %get3A_2129 : vector<256x2048xi1>, vector<256x2048xf32>
    %swap3A_2146 = arith.constant 0 : index
    %swap3A_2147 = arith.constant 0 : index
    %swap3A_2148 = vector.load %arg17[%swap3A_2146, %swap3A_2147] : memref<256x2048xf32, #tpu.memory_space<vmem>>, vector<256x2048xf32>
    tpu.vector_store %arg17[%swap3A_2146, %swap3A_2147], %select_n3A_2145 {strides = array<i32>} : memref<256x2048xf32, #tpu.memory_space<vmem>>, vector<256x2048xf32>,
    %convert_element_type3A_2149 = arith.extui %eq3A_2142 : vector<256x2048xi1> to vector<256x2048xi32>
    %convert_element_type3A_2150 = arith.sitofp %convert_element_type3A_2149 : vector<256x2048xi32> to vector<256x2048xf32>
    %convert_element_type3A_2151 = arith.truncf %convert_element_type3A_2150 : vector<256x2048xf32> to vector<256x2048xbf16>
    %dot_general3A_2152 = arith.constant dense<0.000000e+00> : vector<256x12xf32>
    %dot_general3A_2153 = tpu.matmul %convert_element_type3A_2151, %concatenate3A_100, %dot_general3A_2152 {dimension_numbers = #tpu.dot_dimension_numbers<[1], [1], [0], [0], [0, 0, 1, 0], [], []>, transpose_lhs_hint = false} : vector<256x2048xbf16>, vector<12x2048xbf16>, vector<256x12xf32> -> vector<256x12xf32>
    %slice3A_2154 = vector.extract_strided_slice %dot_general3A_2153 {offsets = [0, 0], sizes = [256, 1], strides = [1, 1]} : vector<256x12xf32> to vector<256x1xf32>
    %slice3A_2155 = vector.extract_strided_slice %dot_general3A_2153 {offsets = [0, 4], sizes = [256, 1], strides = [1, 1]} : vector<256x12xf32> to vector<256x1xf32>
    %add3A_2156 = arith.addf %slice3A_2154, %slice3A_2155 : vector<256x1xf32>
    %slice3A_2157 = vector.extract_strided_slice %dot_general3A_2153 {offsets = [0, 8], sizes = [256, 1], strides = [1, 1]} : vector<256x12xf32> to vector<256x1xf32>
    %add3A_2158 = arith.addf %add3A_2156, %slice3A_2157 : vector<256x1xf32>
    %sub3A_2159 = arith.subf %add3A_2158, %mul3A_15 : vector<256x1xf32>
    %slice3A_2160 = vector.extract_strided_slice %dot_general3A_2153 {offsets = [0, 1], sizes = [256, 1], strides = [1, 1]} : vector<256x12xf32> to vector<256x1xf32>
    %slice3A_2161 = vector.extract_strided_slice %dot_general3A_2153 {offsets = [0, 5], sizes = [256, 1], strides = [1, 1]} : vector<256x12xf32> to vector<256x1xf32>
    %add3A_2162 = arith.addf %slice3A_2160, %slice3A_2161 : vector<256x1xf32>
    %slice3A_2163 = vector.extract_strided_slice %dot_general3A_2153 {offsets = [0, 9], sizes = [256, 1], strides = [1, 1]} : vector<256x12xf32> to vector<256x1xf32>
    %add3A_2164 = arith.addf %add3A_2162, %slice3A_2163 : vector<256x1xf32>
    %sub3A_2165 = arith.subf %add3A_2164, %mul3A_25 : vector<256x1xf32>
    %slice3A_2166 = vector.extract_strided_slice %dot_general3A_2153 {offsets = [0, 2], sizes = [256, 1], strides = [1, 1]} : vector<256x12xf32> to vector<256x1xf32>
    %slice3A_2167 = vector.extract_strided_slice %dot_general3A_2153 {offsets = [0, 6], sizes = [256, 1], strides = [1, 1]} : vector<256x12xf32> to vector<256x1xf32>
    %add3A_2168 = arith.addf %slice3A_2166, %slice3A_2167 : vector<256x1xf32>
    %slice3A_2169 = vector.extract_strided_slice %dot_general3A_2153 {offsets = [0, 10], sizes = [256, 1], strides = [1, 1]} : vector<256x12xf32> to vector<256x1xf32>
    %add3A_2170 = arith.addf %add3A_2168, %slice3A_2169 : vector<256x1xf32>
    %sub3A_2171 = arith.subf %add3A_2170, %mul3A_35 : vector<256x1xf32>
    %slice3A_2172 = vector.extract_strided_slice %dot_general3A_2153 {offsets = [0, 3], sizes = [256, 1], strides = [1, 1]} : vector<256x12xf32> to vector<256x1xf32>
    %add3A_2173 = arith.constant 9.99999993E-9 : f32
    %add3A_2174 = vector.broadcast %add3A_2173 : f32 to vector<256x1xf32>
    %add3A_2175 = arith.addf %broadcast_in_dim3A_2132, %add3A_2174 : vector<256x1xf32>
    %div3A_2176 = arith.constant 1.000000e+00 : f32
    %div3A_2177 = vector.broadcast %div3A_2176 : f32 to vector<256x1xf32>
    %div3A_2178 = arith.divf %div3A_2177, %add3A_2175 : vector<256x1xf32>
    %sub3A_2179 = vector.broadcast %broadcast_in_dim3A_2132 : vector<256x1xf32> to vector<256x32xf32>
    %sub3A_2180 = vector.broadcast %get3A_108 : vector<1x32xf32> to vector<256x32xf32>
    %sub3A_2181 = arith.subf %sub3A_2179, %sub3A_2180 : vector<256x32xf32>
    %div3A_2182 = arith.constant 6.250000e-01 : f32
    %div3A_2183 = vector.broadcast %div3A_2182 : f32 to vector<256x32xf32>
    %div3A_2184 = arith.divf %sub3A_2181, %div3A_2183 : vector<256x32xf32>
    %mul3A_2185 = arith.mulf %div3A_2184, %div3A_2184 : vector<256x32xf32>
    %neg3A_2186 = arith.constant 0.000000e+00 : f32
    %neg3A_2187 = vector.broadcast %neg3A_2186 : f32 to vector<256x32xf32>
    %neg3A_2188 = arith.subf %neg3A_2187, %mul3A_2185 : vector<256x32xf32>
    %exp3A_2189 = math.exp %neg3A_2188 : vector<256x32xf32>
    %dot_general3A_2190 = arith.constant dense<0.000000e+00> : vector<256x128xf32>
    %dot_general3A_2191 = tpu.matmul %exp3A_2189, %get3A_114, %dot_general3A_2190 {dimension_numbers = #tpu.dot_dimension_numbers<[1], [0], [0], [1], [0, 0, 1, 1], [], []>, transpose_lhs_hint = false} : vector<256x32xf32>, vector<32x128xf32>, vector<256x128xf32> -> vector<256x128xf32>
    %mul3A_2192 = arith.mulf %sub3A_2159, %div3A_2178 : vector<256x1xf32>
    %slice3A_2193 = vector.extract_strided_slice %get3A_117 {offsets = [0, 0], sizes = [1, 128], strides = [1, 1]} : vector<3x128xf32> to vector<1x128xf32>
    %mul3A_2194 = vector.broadcast %mul3A_2192 : vector<256x1xf32> to vector<256x128xf32>
    %mul3A_2195 = vector.broadcast %slice3A_2193 : vector<1x128xf32> to vector<256x128xf32>
    %mul3A_2196 = arith.mulf %mul3A_2194, %mul3A_2195 : vector<256x128xf32>
    %mul3A_2197 = arith.mulf %sub3A_2165, %div3A_2178 : vector<256x1xf32>
    %slice3A_2198 = vector.extract_strided_slice %get3A_117 {offsets = [1, 0], sizes = [1, 128], strides = [1, 1]} : vector<3x128xf32> to vector<1x128xf32>
    %mul3A_2199 = vector.broadcast %mul3A_2197 : vector<256x1xf32> to vector<256x128xf32>
    %mul3A_2200 = vector.broadcast %slice3A_2198 : vector<1x128xf32> to vector<256x128xf32>
    %mul3A_2201 = arith.mulf %mul3A_2199, %mul3A_2200 : vector<256x128xf32>
    %add3A_2202 = arith.addf %mul3A_2196, %mul3A_2201 : vector<256x128xf32>
    %mul3A_2203 = arith.mulf %sub3A_2171, %div3A_2178 : vector<256x1xf32>
    %slice3A_2204 = vector.extract_strided_slice %get3A_117 {offsets = [2, 0], sizes = [1, 128], strides = [1, 1]} : vector<3x128xf32> to vector<1x128xf32>
    %mul3A_2205 = vector.broadcast %mul3A_2203 : vector<256x1xf32> to vector<256x128xf32>
    %mul3A_2206 = vector.broadcast %slice3A_2204 : vector<1x128xf32> to vector<256x128xf32>
    %mul3A_2207 = arith.mulf %mul3A_2205, %mul3A_2206 : vector<256x128xf32>
    %add3A_2208 = arith.addf %add3A_2202, %mul3A_2207 : vector<256x128xf32>
    %add3A_2209 = arith.addf %dot_general3A_2191, %add3A_2208 : vector<256x128xf32>
    %add3A_2210 = vector.broadcast %get3A_111 : vector<1x128xf32> to vector<256x128xf32>
    %add3A_2211 = arith.addf %add3A_2209, %add3A_2210 : vector<256x128xf32>
    %mul3A_2212 = arith.mulf %get3A_105, %slice3A_2172 : vector<256x1xf32>
    %mul3A_2213 = vector.broadcast %mul3A_2212 : vector<256x1xf32> to vector<256x128xf32>
    %mul3A_2214 = arith.mulf %add3A_2211, %mul3A_2213 : vector<256x128xf32>
    %swap3A_2215 = arith.constant 0 : index
    %swap3A_2216 = arith.constant 0 : index
    %swap3A_2217 = arith.constant 2432 : index
    %swap3A_2218 = vector.load %arg14[%swap3A_2215, %swap3A_2216, %swap3A_2217] : memref<1x256x3840xf32, #tpu.memory_space<vmem>>, vector<1x256x128xf32>
    %swap3A_2219 = vector.shape_cast %swap3A_2218 : vector<1x256x128xf32> to vector<256x128xf32>
    %swap3A_2220 = vector.shape_cast %mul3A_2214 : vector<256x128xf32> to vector<1x256x128xf32>
    tpu.vector_store %arg14[%swap3A_2215, %swap3A_2216, %swap3A_2217], %swap3A_2220 {strides = array<i32>} : memref<1x256x3840xf32, #tpu.memory_space<vmem>>, vector<1x256x128xf32>,
    %swap3A_2221 = arith.constant 0 : index
    %swap3A_2222 = arith.constant 0 : index
    %swap3A_2223 = arith.constant 19 : index
    %swap3A_2224 = vector.load %arg15[%swap3A_2221, %swap3A_2222, %swap3A_2223] : memref<1x256x30xi32, #tpu.memory_space<vmem>>, vector<1x256x1xi32>
    %swap3A_2225 = vector.shape_cast %swap3A_2224 : vector<1x256x1xi32> to vector<256x1xi32>
    %swap3A_2226 = vector.shape_cast %broadcast_in_dim3A_2140 : vector<256x1xi32> to vector<1x256x1xi32>
    tpu.vector_store %arg15[%swap3A_2221, %swap3A_2222, %swap3A_2223], %swap3A_2226 {strides = array<i32>} : memref<1x256x30xi32, #tpu.memory_space<vmem>>, vector<1x256x1xi32>,
    %swap3A_2227 = arith.constant 0 : index
    %swap3A_2228 = arith.constant 0 : index
    %swap3A_2229 = arith.constant 19 : index
    %swap3A_2230 = vector.load %arg16[%swap3A_2227, %swap3A_2228, %swap3A_2229] : memref<1x256x30xf32, #tpu.memory_space<vmem>>, vector<1x256x1xf32>
    %swap3A_2231 = vector.shape_cast %swap3A_2230 : vector<1x256x1xf32> to vector<256x1xf32>
    %swap3A_2232 = vector.shape_cast %mul3A_2212 : vector<256x1xf32> to vector<1x256x1xf32>
    tpu.vector_store %arg16[%swap3A_2227, %swap3A_2228, %swap3A_2229], %swap3A_2232 {strides = array<i32>} : memref<1x256x30xf32, #tpu.memory_space<vmem>>, vector<1x256x1xf32>,
    %get3A_2233 = arith.constant 0 : index
    %get3A_2234 = arith.constant 0 : index
    %get3A_2235 = vector.load %arg17[%get3A_2233, %get3A_2234] : memref<256x2048xf32, #tpu.memory_space<vmem>>, vector<256x2048xf32>
    %reduce_min3A_2236 = arith.constant dense<0x7F800000> : vector<256xf32>
    %reduce_min3A_2237 = vector.multi_reduction <minimumf>, %get3A_2235, %reduce_min3A_2236 [1] : vector<256x2048xf32> to vector<256xf32>
    %broadcast_in_dim3A_2238 = vector.shape_cast %reduce_min3A_2237 : vector<256xf32> to vector<256x1xf32>
    %eq3A_2239 = vector.broadcast %broadcast_in_dim3A_2238 : vector<256x1xf32> to vector<256x2048xf32>
    %eq3A_2240 = arith.cmpf oeq, %get3A_2235, %eq3A_2239 : vector<256x2048xf32>
    %jit3A_2241 = arith.constant 2048 : i32
    %broadcast_in_dim3A_2242 = vector.broadcast %jit3A_2241 : i32 to vector<256x2048xi32>
    %select_n3A_2243 = arith.select %eq3A_2240, %iota3A, %broadcast_in_dim3A_2242 : vector<256x2048xi1>, vector<256x2048xi32>
    %reduce_min3A_2244 = arith.constant dense<2147483647> : vector<256xi32>
    %reduce_min3A_2245 = vector.multi_reduction <minsi>, %select_n3A_2243, %reduce_min3A_2244 [1] : vector<256x2048xi32> to vector<256xi32>
    %broadcast_in_dim3A_2246 = vector.shape_cast %reduce_min3A_2245 : vector<256xi32> to vector<256x1xi32>
    %eq3A_2247 = vector.broadcast %broadcast_in_dim3A_2246 : vector<256x1xi32> to vector<256x2048xi32>
    %eq3A_2248 = arith.cmpi eq, %iota3A, %eq3A_2247 : vector<256x2048xi32>
    %jit3A_2249 = arith.constant 1.000000e+09 : f32
    %broadcast_in_dim3A_2250 = vector.broadcast %jit3A_2249 : f32 to vector<256x2048xf32>
    %select_n3A_2251 = arith.select %eq3A_2248, %broadcast_in_dim3A_2250, %get3A_2235 : vector<256x2048xi1>, vector<256x2048xf32>
    %swap3A_2252 = arith.constant 0 : index
    %swap3A_2253 = arith.constant 0 : index
    %swap3A_2254 = vector.load %arg17[%swap3A_2252, %swap3A_2253] : memref<256x2048xf32, #tpu.memory_space<vmem>>, vector<256x2048xf32>
    tpu.vector_store %arg17[%swap3A_2252, %swap3A_2253], %select_n3A_2251 {strides = array<i32>} : memref<256x2048xf32, #tpu.memory_space<vmem>>, vector<256x2048xf32>,
    %convert_element_type3A_2255 = arith.extui %eq3A_2248 : vector<256x2048xi1> to vector<256x2048xi32>
    %convert_element_type3A_2256 = arith.sitofp %convert_element_type3A_2255 : vector<256x2048xi32> to vector<256x2048xf32>
    %convert_element_type3A_2257 = arith.truncf %convert_element_type3A_2256 : vector<256x2048xf32> to vector<256x2048xbf16>
    %dot_general3A_2258 = arith.constant dense<0.000000e+00> : vector<256x12xf32>
    %dot_general3A_2259 = tpu.matmul %convert_element_type3A_2257, %concatenate3A_100, %dot_general3A_2258 {dimension_numbers = #tpu.dot_dimension_numbers<[1], [1], [0], [0], [0, 0, 1, 0], [], []>, transpose_lhs_hint = false} : vector<256x2048xbf16>, vector<12x2048xbf16>, vector<256x12xf32> -> vector<256x12xf32>
    %slice3A_2260 = vector.extract_strided_slice %dot_general3A_2259 {offsets = [0, 0], sizes = [256, 1], strides = [1, 1]} : vector<256x12xf32> to vector<256x1xf32>
    %slice3A_2261 = vector.extract_strided_slice %dot_general3A_2259 {offsets = [0, 4], sizes = [256, 1], strides = [1, 1]} : vector<256x12xf32> to vector<256x1xf32>
    %add3A_2262 = arith.addf %slice3A_2260, %slice3A_2261 : vector<256x1xf32>
    %slice3A_2263 = vector.extract_strided_slice %dot_general3A_2259 {offsets = [0, 8], sizes = [256, 1], strides = [1, 1]} : vector<256x12xf32> to vector<256x1xf32>
    %add3A_2264 = arith.addf %add3A_2262, %slice3A_2263 : vector<256x1xf32>
    %sub3A_2265 = arith.subf %add3A_2264, %mul3A_15 : vector<256x1xf32>
    %slice3A_2266 = vector.extract_strided_slice %dot_general3A_2259 {offsets = [0, 1], sizes = [256, 1], strides = [1, 1]} : vector<256x12xf32> to vector<256x1xf32>
    %slice3A_2267 = vector.extract_strided_slice %dot_general3A_2259 {offsets = [0, 5], sizes = [256, 1], strides = [1, 1]} : vector<256x12xf32> to vector<256x1xf32>
    %add3A_2268 = arith.addf %slice3A_2266, %slice3A_2267 : vector<256x1xf32>
    %slice3A_2269 = vector.extract_strided_slice %dot_general3A_2259 {offsets = [0, 9], sizes = [256, 1], strides = [1, 1]} : vector<256x12xf32> to vector<256x1xf32>
    %add3A_2270 = arith.addf %add3A_2268, %slice3A_2269 : vector<256x1xf32>
    %sub3A_2271 = arith.subf %add3A_2270, %mul3A_25 : vector<256x1xf32>
    %slice3A_2272 = vector.extract_strided_slice %dot_general3A_2259 {offsets = [0, 2], sizes = [256, 1], strides = [1, 1]} : vector<256x12xf32> to vector<256x1xf32>
    %slice3A_2273 = vector.extract_strided_slice %dot_general3A_2259 {offsets = [0, 6], sizes = [256, 1], strides = [1, 1]} : vector<256x12xf32> to vector<256x1xf32>
    %add3A_2274 = arith.addf %slice3A_2272, %slice3A_2273 : vector<256x1xf32>
    %slice3A_2275 = vector.extract_strided_slice %dot_general3A_2259 {offsets = [0, 10], sizes = [256, 1], strides = [1, 1]} : vector<256x12xf32> to vector<256x1xf32>
    %add3A_2276 = arith.addf %add3A_2274, %slice3A_2275 : vector<256x1xf32>
    %sub3A_2277 = arith.subf %add3A_2276, %mul3A_35 : vector<256x1xf32>
    %slice3A_2278 = vector.extract_strided_slice %dot_general3A_2259 {offsets = [0, 3], sizes = [256, 1], strides = [1, 1]} : vector<256x12xf32> to vector<256x1xf32>
    %add3A_2279 = arith.constant 9.99999993E-9 : f32
    %add3A_2280 = vector.broadcast %add3A_2279 : f32 to vector<256x1xf32>
    %add3A_2281 = arith.addf %broadcast_in_dim3A_2238, %add3A_2280 : vector<256x1xf32>
    %div3A_2282 = arith.constant 1.000000e+00 : f32
    %div3A_2283 = vector.broadcast %div3A_2282 : f32 to vector<256x1xf32>
    %div3A_2284 = arith.divf %div3A_2283, %add3A_2281 : vector<256x1xf32>
    %sub3A_2285 = vector.broadcast %broadcast_in_dim3A_2238 : vector<256x1xf32> to vector<256x32xf32>
    %sub3A_2286 = vector.broadcast %get3A_108 : vector<1x32xf32> to vector<256x32xf32>
    %sub3A_2287 = arith.subf %sub3A_2285, %sub3A_2286 : vector<256x32xf32>
    %div3A_2288 = arith.constant 6.250000e-01 : f32
    %div3A_2289 = vector.broadcast %div3A_2288 : f32 to vector<256x32xf32>
    %div3A_2290 = arith.divf %sub3A_2287, %div3A_2289 : vector<256x32xf32>
    %mul3A_2291 = arith.mulf %div3A_2290, %div3A_2290 : vector<256x32xf32>
    %neg3A_2292 = arith.constant 0.000000e+00 : f32
    %neg3A_2293 = vector.broadcast %neg3A_2292 : f32 to vector<256x32xf32>
    %neg3A_2294 = arith.subf %neg3A_2293, %mul3A_2291 : vector<256x32xf32>
    %exp3A_2295 = math.exp %neg3A_2294 : vector<256x32xf32>
    %dot_general3A_2296 = arith.constant dense<0.000000e+00> : vector<256x128xf32>
    %dot_general3A_2297 = tpu.matmul %exp3A_2295, %get3A_114, %dot_general3A_2296 {dimension_numbers = #tpu.dot_dimension_numbers<[1], [0], [0], [1], [0, 0, 1, 1], [], []>, transpose_lhs_hint = false} : vector<256x32xf32>, vector<32x128xf32>, vector<256x128xf32> -> vector<256x128xf32>
    %mul3A_2298 = arith.mulf %sub3A_2265, %div3A_2284 : vector<256x1xf32>
    %slice3A_2299 = vector.extract_strided_slice %get3A_117 {offsets = [0, 0], sizes = [1, 128], strides = [1, 1]} : vector<3x128xf32> to vector<1x128xf32>
    %mul3A_2300 = vector.broadcast %mul3A_2298 : vector<256x1xf32> to vector<256x128xf32>
    %mul3A_2301 = vector.broadcast %slice3A_2299 : vector<1x128xf32> to vector<256x128xf32>
    %mul3A_2302 = arith.mulf %mul3A_2300, %mul3A_2301 : vector<256x128xf32>
    %mul3A_2303 = arith.mulf %sub3A_2271, %div3A_2284 : vector<256x1xf32>
    %slice3A_2304 = vector.extract_strided_slice %get3A_117 {offsets = [1, 0], sizes = [1, 128], strides = [1, 1]} : vector<3x128xf32> to vector<1x128xf32>
    %mul3A_2305 = vector.broadcast %mul3A_2303 : vector<256x1xf32> to vector<256x128xf32>
    %mul3A_2306 = vector.broadcast %slice3A_2304 : vector<1x128xf32> to vector<256x128xf32>
    %mul3A_2307 = arith.mulf %mul3A_2305, %mul3A_2306 : vector<256x128xf32>
    %add3A_2308 = arith.addf %mul3A_2302, %mul3A_2307 : vector<256x128xf32>
    %mul3A_2309 = arith.mulf %sub3A_2277, %div3A_2284 : vector<256x1xf32>
    %slice3A_2310 = vector.extract_strided_slice %get3A_117 {offsets = [2, 0], sizes = [1, 128], strides = [1, 1]} : vector<3x128xf32> to vector<1x128xf32>
    %mul3A_2311 = vector.broadcast %mul3A_2309 : vector<256x1xf32> to vector<256x128xf32>
    %mul3A_2312 = vector.broadcast %slice3A_2310 : vector<1x128xf32> to vector<256x128xf32>
    %mul3A_2313 = arith.mulf %mul3A_2311, %mul3A_2312 : vector<256x128xf32>
    %add3A_2314 = arith.addf %add3A_2308, %mul3A_2313 : vector<256x128xf32>
    %add3A_2315 = arith.addf %dot_general3A_2297, %add3A_2314 : vector<256x128xf32>
    %add3A_2316 = vector.broadcast %get3A_111 : vector<1x128xf32> to vector<256x128xf32>
    %add3A_2317 = arith.addf %add3A_2315, %add3A_2316 : vector<256x128xf32>
    %mul3A_2318 = arith.mulf %get3A_105, %slice3A_2278 : vector<256x1xf32>
    %mul3A_2319 = vector.broadcast %mul3A_2318 : vector<256x1xf32> to vector<256x128xf32>
    %mul3A_2320 = arith.mulf %add3A_2317, %mul3A_2319 : vector<256x128xf32>
    %swap3A_2321 = arith.constant 0 : index
    %swap3A_2322 = arith.constant 0 : index
    %swap3A_2323 = arith.constant 2560 : index
    %swap3A_2324 = vector.load %arg14[%swap3A_2321, %swap3A_2322, %swap3A_2323] : memref<1x256x3840xf32, #tpu.memory_space<vmem>>, vector<1x256x128xf32>
    %swap3A_2325 = vector.shape_cast %swap3A_2324 : vector<1x256x128xf32> to vector<256x128xf32>
    %swap3A_2326 = vector.shape_cast %mul3A_2320 : vector<256x128xf32> to vector<1x256x128xf32>
    tpu.vector_store %arg14[%swap3A_2321, %swap3A_2322, %swap3A_2323], %swap3A_2326 {strides = array<i32>} : memref<1x256x3840xf32, #tpu.memory_space<vmem>>, vector<1x256x128xf32>,
    %swap3A_2327 = arith.constant 0 : index
    %swap3A_2328 = arith.constant 0 : index
    %swap3A_2329 = arith.constant 20 : index
    %swap3A_2330 = vector.load %arg15[%swap3A_2327, %swap3A_2328, %swap3A_2329] : memref<1x256x30xi32, #tpu.memory_space<vmem>>, vector<1x256x1xi32>
    %swap3A_2331 = vector.shape_cast %swap3A_2330 : vector<1x256x1xi32> to vector<256x1xi32>
    %swap3A_2332 = vector.shape_cast %broadcast_in_dim3A_2246 : vector<256x1xi32> to vector<1x256x1xi32>
    tpu.vector_store %arg15[%swap3A_2327, %swap3A_2328, %swap3A_2329], %swap3A_2332 {strides = array<i32>} : memref<1x256x30xi32, #tpu.memory_space<vmem>>, vector<1x256x1xi32>,
    %swap3A_2333 = arith.constant 0 : index
    %swap3A_2334 = arith.constant 0 : index
    %swap3A_2335 = arith.constant 20 : index
    %swap3A_2336 = vector.load %arg16[%swap3A_2333, %swap3A_2334, %swap3A_2335] : memref<1x256x30xf32, #tpu.memory_space<vmem>>, vector<1x256x1xf32>
    %swap3A_2337 = vector.shape_cast %swap3A_2336 : vector<1x256x1xf32> to vector<256x1xf32>
    %swap3A_2338 = vector.shape_cast %mul3A_2318 : vector<256x1xf32> to vector<1x256x1xf32>
    tpu.vector_store %arg16[%swap3A_2333, %swap3A_2334, %swap3A_2335], %swap3A_2338 {strides = array<i32>} : memref<1x256x30xf32, #tpu.memory_space<vmem>>, vector<1x256x1xf32>,
    %get3A_2339 = arith.constant 0 : index
    %get3A_2340 = arith.constant 0 : index
    %get3A_2341 = vector.load %arg17[%get3A_2339, %get3A_2340] : memref<256x2048xf32, #tpu.memory_space<vmem>>, vector<256x2048xf32>
    %reduce_min3A_2342 = arith.constant dense<0x7F800000> : vector<256xf32>
    %reduce_min3A_2343 = vector.multi_reduction <minimumf>, %get3A_2341, %reduce_min3A_2342 [1] : vector<256x2048xf32> to vector<256xf32>
    %broadcast_in_dim3A_2344 = vector.shape_cast %reduce_min3A_2343 : vector<256xf32> to vector<256x1xf32>
    %eq3A_2345 = vector.broadcast %broadcast_in_dim3A_2344 : vector<256x1xf32> to vector<256x2048xf32>
    %eq3A_2346 = arith.cmpf oeq, %get3A_2341, %eq3A_2345 : vector<256x2048xf32>
    %jit3A_2347 = arith.constant 2048 : i32
    %broadcast_in_dim3A_2348 = vector.broadcast %jit3A_2347 : i32 to vector<256x2048xi32>
    %select_n3A_2349 = arith.select %eq3A_2346, %iota3A, %broadcast_in_dim3A_2348 : vector<256x2048xi1>, vector<256x2048xi32>
    %reduce_min3A_2350 = arith.constant dense<2147483647> : vector<256xi32>
    %reduce_min3A_2351 = vector.multi_reduction <minsi>, %select_n3A_2349, %reduce_min3A_2350 [1] : vector<256x2048xi32> to vector<256xi32>
    %broadcast_in_dim3A_2352 = vector.shape_cast %reduce_min3A_2351 : vector<256xi32> to vector<256x1xi32>
    %eq3A_2353 = vector.broadcast %broadcast_in_dim3A_2352 : vector<256x1xi32> to vector<256x2048xi32>
    %eq3A_2354 = arith.cmpi eq, %iota3A, %eq3A_2353 : vector<256x2048xi32>
    %jit3A_2355 = arith.constant 1.000000e+09 : f32
    %broadcast_in_dim3A_2356 = vector.broadcast %jit3A_2355 : f32 to vector<256x2048xf32>
    %select_n3A_2357 = arith.select %eq3A_2354, %broadcast_in_dim3A_2356, %get3A_2341 : vector<256x2048xi1>, vector<256x2048xf32>
    %swap3A_2358 = arith.constant 0 : index
    %swap3A_2359 = arith.constant 0 : index
    %swap3A_2360 = vector.load %arg17[%swap3A_2358, %swap3A_2359] : memref<256x2048xf32, #tpu.memory_space<vmem>>, vector<256x2048xf32>
    tpu.vector_store %arg17[%swap3A_2358, %swap3A_2359], %select_n3A_2357 {strides = array<i32>} : memref<256x2048xf32, #tpu.memory_space<vmem>>, vector<256x2048xf32>,
    %convert_element_type3A_2361 = arith.extui %eq3A_2354 : vector<256x2048xi1> to vector<256x2048xi32>
    %convert_element_type3A_2362 = arith.sitofp %convert_element_type3A_2361 : vector<256x2048xi32> to vector<256x2048xf32>
    %convert_element_type3A_2363 = arith.truncf %convert_element_type3A_2362 : vector<256x2048xf32> to vector<256x2048xbf16>
    %dot_general3A_2364 = arith.constant dense<0.000000e+00> : vector<256x12xf32>
    %dot_general3A_2365 = tpu.matmul %convert_element_type3A_2363, %concatenate3A_100, %dot_general3A_2364 {dimension_numbers = #tpu.dot_dimension_numbers<[1], [1], [0], [0], [0, 0, 1, 0], [], []>, transpose_lhs_hint = false} : vector<256x2048xbf16>, vector<12x2048xbf16>, vector<256x12xf32> -> vector<256x12xf32>
    %slice3A_2366 = vector.extract_strided_slice %dot_general3A_2365 {offsets = [0, 0], sizes = [256, 1], strides = [1, 1]} : vector<256x12xf32> to vector<256x1xf32>
    %slice3A_2367 = vector.extract_strided_slice %dot_general3A_2365 {offsets = [0, 4], sizes = [256, 1], strides = [1, 1]} : vector<256x12xf32> to vector<256x1xf32>
    %add3A_2368 = arith.addf %slice3A_2366, %slice3A_2367 : vector<256x1xf32>
    %slice3A_2369 = vector.extract_strided_slice %dot_general3A_2365 {offsets = [0, 8], sizes = [256, 1], strides = [1, 1]} : vector<256x12xf32> to vector<256x1xf32>
    %add3A_2370 = arith.addf %add3A_2368, %slice3A_2369 : vector<256x1xf32>
    %sub3A_2371 = arith.subf %add3A_2370, %mul3A_15 : vector<256x1xf32>
    %slice3A_2372 = vector.extract_strided_slice %dot_general3A_2365 {offsets = [0, 1], sizes = [256, 1], strides = [1, 1]} : vector<256x12xf32> to vector<256x1xf32>
    %slice3A_2373 = vector.extract_strided_slice %dot_general3A_2365 {offsets = [0, 5], sizes = [256, 1], strides = [1, 1]} : vector<256x12xf32> to vector<256x1xf32>
    %add3A_2374 = arith.addf %slice3A_2372, %slice3A_2373 : vector<256x1xf32>
    %slice3A_2375 = vector.extract_strided_slice %dot_general3A_2365 {offsets = [0, 9], sizes = [256, 1], strides = [1, 1]} : vector<256x12xf32> to vector<256x1xf32>
    %add3A_2376 = arith.addf %add3A_2374, %slice3A_2375 : vector<256x1xf32>
    %sub3A_2377 = arith.subf %add3A_2376, %mul3A_25 : vector<256x1xf32>
    %slice3A_2378 = vector.extract_strided_slice %dot_general3A_2365 {offsets = [0, 2], sizes = [256, 1], strides = [1, 1]} : vector<256x12xf32> to vector<256x1xf32>
    %slice3A_2379 = vector.extract_strided_slice %dot_general3A_2365 {offsets = [0, 6], sizes = [256, 1], strides = [1, 1]} : vector<256x12xf32> to vector<256x1xf32>
    %add3A_2380 = arith.addf %slice3A_2378, %slice3A_2379 : vector<256x1xf32>
    %slice3A_2381 = vector.extract_strided_slice %dot_general3A_2365 {offsets = [0, 10], sizes = [256, 1], strides = [1, 1]} : vector<256x12xf32> to vector<256x1xf32>
    %add3A_2382 = arith.addf %add3A_2380, %slice3A_2381 : vector<256x1xf32>
    %sub3A_2383 = arith.subf %add3A_2382, %mul3A_35 : vector<256x1xf32>
    %slice3A_2384 = vector.extract_strided_slice %dot_general3A_2365 {offsets = [0, 3], sizes = [256, 1], strides = [1, 1]} : vector<256x12xf32> to vector<256x1xf32>
    %add3A_2385 = arith.constant 9.99999993E-9 : f32
    %add3A_2386 = vector.broadcast %add3A_2385 : f32 to vector<256x1xf32>
    %add3A_2387 = arith.addf %broadcast_in_dim3A_2344, %add3A_2386 : vector<256x1xf32>
    %div3A_2388 = arith.constant 1.000000e+00 : f32
    %div3A_2389 = vector.broadcast %div3A_2388 : f32 to vector<256x1xf32>
    %div3A_2390 = arith.divf %div3A_2389, %add3A_2387 : vector<256x1xf32>
    %sub3A_2391 = vector.broadcast %broadcast_in_dim3A_2344 : vector<256x1xf32> to vector<256x32xf32>
    %sub3A_2392 = vector.broadcast %get3A_108 : vector<1x32xf32> to vector<256x32xf32>
    %sub3A_2393 = arith.subf %sub3A_2391, %sub3A_2392 : vector<256x32xf32>
    %div3A_2394 = arith.constant 6.250000e-01 : f32
    %div3A_2395 = vector.broadcast %div3A_2394 : f32 to vector<256x32xf32>
    %div3A_2396 = arith.divf %sub3A_2393, %div3A_2395 : vector<256x32xf32>
    %mul3A_2397 = arith.mulf %div3A_2396, %div3A_2396 : vector<256x32xf32>
    %neg3A_2398 = arith.constant 0.000000e+00 : f32
    %neg3A_2399 = vector.broadcast %neg3A_2398 : f32 to vector<256x32xf32>
    %neg3A_2400 = arith.subf %neg3A_2399, %mul3A_2397 : vector<256x32xf32>
    %exp3A_2401 = math.exp %neg3A_2400 : vector<256x32xf32>
    %dot_general3A_2402 = arith.constant dense<0.000000e+00> : vector<256x128xf32>
    %dot_general3A_2403 = tpu.matmul %exp3A_2401, %get3A_114, %dot_general3A_2402 {dimension_numbers = #tpu.dot_dimension_numbers<[1], [0], [0], [1], [0, 0, 1, 1], [], []>, transpose_lhs_hint = false} : vector<256x32xf32>, vector<32x128xf32>, vector<256x128xf32> -> vector<256x128xf32>
    %mul3A_2404 = arith.mulf %sub3A_2371, %div3A_2390 : vector<256x1xf32>
    %slice3A_2405 = vector.extract_strided_slice %get3A_117 {offsets = [0, 0], sizes = [1, 128], strides = [1, 1]} : vector<3x128xf32> to vector<1x128xf32>
    %mul3A_2406 = vector.broadcast %mul3A_2404 : vector<256x1xf32> to vector<256x128xf32>
    %mul3A_2407 = vector.broadcast %slice3A_2405 : vector<1x128xf32> to vector<256x128xf32>
    %mul3A_2408 = arith.mulf %mul3A_2406, %mul3A_2407 : vector<256x128xf32>
    %mul3A_2409 = arith.mulf %sub3A_2377, %div3A_2390 : vector<256x1xf32>
    %slice3A_2410 = vector.extract_strided_slice %get3A_117 {offsets = [1, 0], sizes = [1, 128], strides = [1, 1]} : vector<3x128xf32> to vector<1x128xf32>
    %mul3A_2411 = vector.broadcast %mul3A_2409 : vector<256x1xf32> to vector<256x128xf32>
    %mul3A_2412 = vector.broadcast %slice3A_2410 : vector<1x128xf32> to vector<256x128xf32>
    %mul3A_2413 = arith.mulf %mul3A_2411, %mul3A_2412 : vector<256x128xf32>
    %add3A_2414 = arith.addf %mul3A_2408, %mul3A_2413 : vector<256x128xf32>
    %mul3A_2415 = arith.mulf %sub3A_2383, %div3A_2390 : vector<256x1xf32>
    %slice3A_2416 = vector.extract_strided_slice %get3A_117 {offsets = [2, 0], sizes = [1, 128], strides = [1, 1]} : vector<3x128xf32> to vector<1x128xf32>
    %mul3A_2417 = vector.broadcast %mul3A_2415 : vector<256x1xf32> to vector<256x128xf32>
    %mul3A_2418 = vector.broadcast %slice3A_2416 : vector<1x128xf32> to vector<256x128xf32>
    %mul3A_2419 = arith.mulf %mul3A_2417, %mul3A_2418 : vector<256x128xf32>
    %add3A_2420 = arith.addf %add3A_2414, %mul3A_2419 : vector<256x128xf32>
    %add3A_2421 = arith.addf %dot_general3A_2403, %add3A_2420 : vector<256x128xf32>
    %add3A_2422 = vector.broadcast %get3A_111 : vector<1x128xf32> to vector<256x128xf32>
    %add3A_2423 = arith.addf %add3A_2421, %add3A_2422 : vector<256x128xf32>
    %mul3A_2424 = arith.mulf %get3A_105, %slice3A_2384 : vector<256x1xf32>
    %mul3A_2425 = vector.broadcast %mul3A_2424 : vector<256x1xf32> to vector<256x128xf32>
    %mul3A_2426 = arith.mulf %add3A_2423, %mul3A_2425 : vector<256x128xf32>
    %swap3A_2427 = arith.constant 0 : index
    %swap3A_2428 = arith.constant 0 : index
    %swap3A_2429 = arith.constant 2688 : index
    %swap3A_2430 = vector.load %arg14[%swap3A_2427, %swap3A_2428, %swap3A_2429] : memref<1x256x3840xf32, #tpu.memory_space<vmem>>, vector<1x256x128xf32>
    %swap3A_2431 = vector.shape_cast %swap3A_2430 : vector<1x256x128xf32> to vector<256x128xf32>
    %swap3A_2432 = vector.shape_cast %mul3A_2426 : vector<256x128xf32> to vector<1x256x128xf32>
    tpu.vector_store %arg14[%swap3A_2427, %swap3A_2428, %swap3A_2429], %swap3A_2432 {strides = array<i32>} : memref<1x256x3840xf32, #tpu.memory_space<vmem>>, vector<1x256x128xf32>,
    %swap3A_2433 = arith.constant 0 : index
    %swap3A_2434 = arith.constant 0 : index
    %swap3A_2435 = arith.constant 21 : index
    %swap3A_2436 = vector.load %arg15[%swap3A_2433, %swap3A_2434, %swap3A_2435] : memref<1x256x30xi32, #tpu.memory_space<vmem>>, vector<1x256x1xi32>
    %swap3A_2437 = vector.shape_cast %swap3A_2436 : vector<1x256x1xi32> to vector<256x1xi32>
    %swap3A_2438 = vector.shape_cast %broadcast_in_dim3A_2352 : vector<256x1xi32> to vector<1x256x1xi32>
    tpu.vector_store %arg15[%swap3A_2433, %swap3A_2434, %swap3A_2435], %swap3A_2438 {strides = array<i32>} : memref<1x256x30xi32, #tpu.memory_space<vmem>>, vector<1x256x1xi32>,
    %swap3A_2439 = arith.constant 0 : index
    %swap3A_2440 = arith.constant 0 : index
    %swap3A_2441 = arith.constant 21 : index
    %swap3A_2442 = vector.load %arg16[%swap3A_2439, %swap3A_2440, %swap3A_2441] : memref<1x256x30xf32, #tpu.memory_space<vmem>>, vector<1x256x1xf32>
    %swap3A_2443 = vector.shape_cast %swap3A_2442 : vector<1x256x1xf32> to vector<256x1xf32>
    %swap3A_2444 = vector.shape_cast %mul3A_2424 : vector<256x1xf32> to vector<1x256x1xf32>
    tpu.vector_store %arg16[%swap3A_2439, %swap3A_2440, %swap3A_2441], %swap3A_2444 {strides = array<i32>} : memref<1x256x30xf32, #tpu.memory_space<vmem>>, vector<1x256x1xf32>,
    %get3A_2445 = arith.constant 0 : index
    %get3A_2446 = arith.constant 0 : index
    %get3A_2447 = vector.load %arg17[%get3A_2445, %get3A_2446] : memref<256x2048xf32, #tpu.memory_space<vmem>>, vector<256x2048xf32>
    %reduce_min3A_2448 = arith.constant dense<0x7F800000> : vector<256xf32>
    %reduce_min3A_2449 = vector.multi_reduction <minimumf>, %get3A_2447, %reduce_min3A_2448 [1] : vector<256x2048xf32> to vector<256xf32>
    %broadcast_in_dim3A_2450 = vector.shape_cast %reduce_min3A_2449 : vector<256xf32> to vector<256x1xf32>
    %eq3A_2451 = vector.broadcast %broadcast_in_dim3A_2450 : vector<256x1xf32> to vector<256x2048xf32>
    %eq3A_2452 = arith.cmpf oeq, %get3A_2447, %eq3A_2451 : vector<256x2048xf32>
    %jit3A_2453 = arith.constant 2048 : i32
    %broadcast_in_dim3A_2454 = vector.broadcast %jit3A_2453 : i32 to vector<256x2048xi32>
    %select_n3A_2455 = arith.select %eq3A_2452, %iota3A, %broadcast_in_dim3A_2454 : vector<256x2048xi1>, vector<256x2048xi32>
    %reduce_min3A_2456 = arith.constant dense<2147483647> : vector<256xi32>
    %reduce_min3A_2457 = vector.multi_reduction <minsi>, %select_n3A_2455, %reduce_min3A_2456 [1] : vector<256x2048xi32> to vector<256xi32>
    %broadcast_in_dim3A_2458 = vector.shape_cast %reduce_min3A_2457 : vector<256xi32> to vector<256x1xi32>
    %eq3A_2459 = vector.broadcast %broadcast_in_dim3A_2458 : vector<256x1xi32> to vector<256x2048xi32>
    %eq3A_2460 = arith.cmpi eq, %iota3A, %eq3A_2459 : vector<256x2048xi32>
    %jit3A_2461 = arith.constant 1.000000e+09 : f32
    %broadcast_in_dim3A_2462 = vector.broadcast %jit3A_2461 : f32 to vector<256x2048xf32>
    %select_n3A_2463 = arith.select %eq3A_2460, %broadcast_in_dim3A_2462, %get3A_2447 : vector<256x2048xi1>, vector<256x2048xf32>
    %swap3A_2464 = arith.constant 0 : index
    %swap3A_2465 = arith.constant 0 : index
    %swap3A_2466 = vector.load %arg17[%swap3A_2464, %swap3A_2465] : memref<256x2048xf32, #tpu.memory_space<vmem>>, vector<256x2048xf32>
    tpu.vector_store %arg17[%swap3A_2464, %swap3A_2465], %select_n3A_2463 {strides = array<i32>} : memref<256x2048xf32, #tpu.memory_space<vmem>>, vector<256x2048xf32>,
    %convert_element_type3A_2467 = arith.extui %eq3A_2460 : vector<256x2048xi1> to vector<256x2048xi32>
    %convert_element_type3A_2468 = arith.sitofp %convert_element_type3A_2467 : vector<256x2048xi32> to vector<256x2048xf32>
    %convert_element_type3A_2469 = arith.truncf %convert_element_type3A_2468 : vector<256x2048xf32> to vector<256x2048xbf16>
    %dot_general3A_2470 = arith.constant dense<0.000000e+00> : vector<256x12xf32>
    %dot_general3A_2471 = tpu.matmul %convert_element_type3A_2469, %concatenate3A_100, %dot_general3A_2470 {dimension_numbers = #tpu.dot_dimension_numbers<[1], [1], [0], [0], [0, 0, 1, 0], [], []>, transpose_lhs_hint = false} : vector<256x2048xbf16>, vector<12x2048xbf16>, vector<256x12xf32> -> vector<256x12xf32>
    %slice3A_2472 = vector.extract_strided_slice %dot_general3A_2471 {offsets = [0, 0], sizes = [256, 1], strides = [1, 1]} : vector<256x12xf32> to vector<256x1xf32>
    %slice3A_2473 = vector.extract_strided_slice %dot_general3A_2471 {offsets = [0, 4], sizes = [256, 1], strides = [1, 1]} : vector<256x12xf32> to vector<256x1xf32>
    %add3A_2474 = arith.addf %slice3A_2472, %slice3A_2473 : vector<256x1xf32>
    %slice3A_2475 = vector.extract_strided_slice %dot_general3A_2471 {offsets = [0, 8], sizes = [256, 1], strides = [1, 1]} : vector<256x12xf32> to vector<256x1xf32>
    %add3A_2476 = arith.addf %add3A_2474, %slice3A_2475 : vector<256x1xf32>
    %sub3A_2477 = arith.subf %add3A_2476, %mul3A_15 : vector<256x1xf32>
    %slice3A_2478 = vector.extract_strided_slice %dot_general3A_2471 {offsets = [0, 1], sizes = [256, 1], strides = [1, 1]} : vector<256x12xf32> to vector<256x1xf32>
    %slice3A_2479 = vector.extract_strided_slice %dot_general3A_2471 {offsets = [0, 5], sizes = [256, 1], strides = [1, 1]} : vector<256x12xf32> to vector<256x1xf32>
    %add3A_2480 = arith.addf %slice3A_2478, %slice3A_2479 : vector<256x1xf32>
    %slice3A_2481 = vector.extract_strided_slice %dot_general3A_2471 {offsets = [0, 9], sizes = [256, 1], strides = [1, 1]} : vector<256x12xf32> to vector<256x1xf32>
    %add3A_2482 = arith.addf %add3A_2480, %slice3A_2481 : vector<256x1xf32>
    %sub3A_2483 = arith.subf %add3A_2482, %mul3A_25 : vector<256x1xf32>
    %slice3A_2484 = vector.extract_strided_slice %dot_general3A_2471 {offsets = [0, 2], sizes = [256, 1], strides = [1, 1]} : vector<256x12xf32> to vector<256x1xf32>
    %slice3A_2485 = vector.extract_strided_slice %dot_general3A_2471 {offsets = [0, 6], sizes = [256, 1], strides = [1, 1]} : vector<256x12xf32> to vector<256x1xf32>
    %add3A_2486 = arith.addf %slice3A_2484, %slice3A_2485 : vector<256x1xf32>
    %slice3A_2487 = vector.extract_strided_slice %dot_general3A_2471 {offsets = [0, 10], sizes = [256, 1], strides = [1, 1]} : vector<256x12xf32> to vector<256x1xf32>
    %add3A_2488 = arith.addf %add3A_2486, %slice3A_2487 : vector<256x1xf32>
    %sub3A_2489 = arith.subf %add3A_2488, %mul3A_35 : vector<256x1xf32>
    %slice3A_2490 = vector.extract_strided_slice %dot_general3A_2471 {offsets = [0, 3], sizes = [256, 1], strides = [1, 1]} : vector<256x12xf32> to vector<256x1xf32>
    %add3A_2491 = arith.constant 9.99999993E-9 : f32
    %add3A_2492 = vector.broadcast %add3A_2491 : f32 to vector<256x1xf32>
    %add3A_2493 = arith.addf %broadcast_in_dim3A_2450, %add3A_2492 : vector<256x1xf32>
    %div3A_2494 = arith.constant 1.000000e+00 : f32
    %div3A_2495 = vector.broadcast %div3A_2494 : f32 to vector<256x1xf32>
    %div3A_2496 = arith.divf %div3A_2495, %add3A_2493 : vector<256x1xf32>
    %sub3A_2497 = vector.broadcast %broadcast_in_dim3A_2450 : vector<256x1xf32> to vector<256x32xf32>
    %sub3A_2498 = vector.broadcast %get3A_108 : vector<1x32xf32> to vector<256x32xf32>
    %sub3A_2499 = arith.subf %sub3A_2497, %sub3A_2498 : vector<256x32xf32>
    %div3A_2500 = arith.constant 6.250000e-01 : f32
    %div3A_2501 = vector.broadcast %div3A_2500 : f32 to vector<256x32xf32>
    %div3A_2502 = arith.divf %sub3A_2499, %div3A_2501 : vector<256x32xf32>
    %mul3A_2503 = arith.mulf %div3A_2502, %div3A_2502 : vector<256x32xf32>
    %neg3A_2504 = arith.constant 0.000000e+00 : f32
    %neg3A_2505 = vector.broadcast %neg3A_2504 : f32 to vector<256x32xf32>
    %neg3A_2506 = arith.subf %neg3A_2505, %mul3A_2503 : vector<256x32xf32>
    %exp3A_2507 = math.exp %neg3A_2506 : vector<256x32xf32>
    %dot_general3A_2508 = arith.constant dense<0.000000e+00> : vector<256x128xf32>
    %dot_general3A_2509 = tpu.matmul %exp3A_2507, %get3A_114, %dot_general3A_2508 {dimension_numbers = #tpu.dot_dimension_numbers<[1], [0], [0], [1], [0, 0, 1, 1], [], []>, transpose_lhs_hint = false} : vector<256x32xf32>, vector<32x128xf32>, vector<256x128xf32> -> vector<256x128xf32>
    %mul3A_2510 = arith.mulf %sub3A_2477, %div3A_2496 : vector<256x1xf32>
    %slice3A_2511 = vector.extract_strided_slice %get3A_117 {offsets = [0, 0], sizes = [1, 128], strides = [1, 1]} : vector<3x128xf32> to vector<1x128xf32>
    %mul3A_2512 = vector.broadcast %mul3A_2510 : vector<256x1xf32> to vector<256x128xf32>
    %mul3A_2513 = vector.broadcast %slice3A_2511 : vector<1x128xf32> to vector<256x128xf32>
    %mul3A_2514 = arith.mulf %mul3A_2512, %mul3A_2513 : vector<256x128xf32>
    %mul3A_2515 = arith.mulf %sub3A_2483, %div3A_2496 : vector<256x1xf32>
    %slice3A_2516 = vector.extract_strided_slice %get3A_117 {offsets = [1, 0], sizes = [1, 128], strides = [1, 1]} : vector<3x128xf32> to vector<1x128xf32>
    %mul3A_2517 = vector.broadcast %mul3A_2515 : vector<256x1xf32> to vector<256x128xf32>
    %mul3A_2518 = vector.broadcast %slice3A_2516 : vector<1x128xf32> to vector<256x128xf32>
    %mul3A_2519 = arith.mulf %mul3A_2517, %mul3A_2518 : vector<256x128xf32>
    %add3A_2520 = arith.addf %mul3A_2514, %mul3A_2519 : vector<256x128xf32>
    %mul3A_2521 = arith.mulf %sub3A_2489, %div3A_2496 : vector<256x1xf32>
    %slice3A_2522 = vector.extract_strided_slice %get3A_117 {offsets = [2, 0], sizes = [1, 128], strides = [1, 1]} : vector<3x128xf32> to vector<1x128xf32>
    %mul3A_2523 = vector.broadcast %mul3A_2521 : vector<256x1xf32> to vector<256x128xf32>
    %mul3A_2524 = vector.broadcast %slice3A_2522 : vector<1x128xf32> to vector<256x128xf32>
    %mul3A_2525 = arith.mulf %mul3A_2523, %mul3A_2524 : vector<256x128xf32>
    %add3A_2526 = arith.addf %add3A_2520, %mul3A_2525 : vector<256x128xf32>
    %add3A_2527 = arith.addf %dot_general3A_2509, %add3A_2526 : vector<256x128xf32>
    %add3A_2528 = vector.broadcast %get3A_111 : vector<1x128xf32> to vector<256x128xf32>
    %add3A_2529 = arith.addf %add3A_2527, %add3A_2528 : vector<256x128xf32>
    %mul3A_2530 = arith.mulf %get3A_105, %slice3A_2490 : vector<256x1xf32>
    %mul3A_2531 = vector.broadcast %mul3A_2530 : vector<256x1xf32> to vector<256x128xf32>
    %mul3A_2532 = arith.mulf %add3A_2529, %mul3A_2531 : vector<256x128xf32>
    %swap3A_2533 = arith.constant 0 : index
    %swap3A_2534 = arith.constant 0 : index
    %swap3A_2535 = arith.constant 2816 : index
    %swap3A_2536 = vector.load %arg14[%swap3A_2533, %swap3A_2534, %swap3A_2535] : memref<1x256x3840xf32, #tpu.memory_space<vmem>>, vector<1x256x128xf32>
    %swap3A_2537 = vector.shape_cast %swap3A_2536 : vector<1x256x128xf32> to vector<256x128xf32>
    %swap3A_2538 = vector.shape_cast %mul3A_2532 : vector<256x128xf32> to vector<1x256x128xf32>
    tpu.vector_store %arg14[%swap3A_2533, %swap3A_2534, %swap3A_2535], %swap3A_2538 {strides = array<i32>} : memref<1x256x3840xf32, #tpu.memory_space<vmem>>, vector<1x256x128xf32>,
    %swap3A_2539 = arith.constant 0 : index
    %swap3A_2540 = arith.constant 0 : index
    %swap3A_2541 = arith.constant 22 : index
    %swap3A_2542 = vector.load %arg15[%swap3A_2539, %swap3A_2540, %swap3A_2541] : memref<1x256x30xi32, #tpu.memory_space<vmem>>, vector<1x256x1xi32>
    %swap3A_2543 = vector.shape_cast %swap3A_2542 : vector<1x256x1xi32> to vector<256x1xi32>
    %swap3A_2544 = vector.shape_cast %broadcast_in_dim3A_2458 : vector<256x1xi32> to vector<1x256x1xi32>
    tpu.vector_store %arg15[%swap3A_2539, %swap3A_2540, %swap3A_2541], %swap3A_2544 {strides = array<i32>} : memref<1x256x30xi32, #tpu.memory_space<vmem>>, vector<1x256x1xi32>,
    %swap3A_2545 = arith.constant 0 : index
    %swap3A_2546 = arith.constant 0 : index
    %swap3A_2547 = arith.constant 22 : index
    %swap3A_2548 = vector.load %arg16[%swap3A_2545, %swap3A_2546, %swap3A_2547] : memref<1x256x30xf32, #tpu.memory_space<vmem>>, vector<1x256x1xf32>
    %swap3A_2549 = vector.shape_cast %swap3A_2548 : vector<1x256x1xf32> to vector<256x1xf32>
    %swap3A_2550 = vector.shape_cast %mul3A_2530 : vector<256x1xf32> to vector<1x256x1xf32>
    tpu.vector_store %arg16[%swap3A_2545, %swap3A_2546, %swap3A_2547], %swap3A_2550 {strides = array<i32>} : memref<1x256x30xf32, #tpu.memory_space<vmem>>, vector<1x256x1xf32>,
    %get3A_2551 = arith.constant 0 : index
    %get3A_2552 = arith.constant 0 : index
    %get3A_2553 = vector.load %arg17[%get3A_2551, %get3A_2552] : memref<256x2048xf32, #tpu.memory_space<vmem>>, vector<256x2048xf32>
    %reduce_min3A_2554 = arith.constant dense<0x7F800000> : vector<256xf32>
    %reduce_min3A_2555 = vector.multi_reduction <minimumf>, %get3A_2553, %reduce_min3A_2554 [1] : vector<256x2048xf32> to vector<256xf32>
    %broadcast_in_dim3A_2556 = vector.shape_cast %reduce_min3A_2555 : vector<256xf32> to vector<256x1xf32>
    %eq3A_2557 = vector.broadcast %broadcast_in_dim3A_2556 : vector<256x1xf32> to vector<256x2048xf32>
    %eq3A_2558 = arith.cmpf oeq, %get3A_2553, %eq3A_2557 : vector<256x2048xf32>
    %jit3A_2559 = arith.constant 2048 : i32
    %broadcast_in_dim3A_2560 = vector.broadcast %jit3A_2559 : i32 to vector<256x2048xi32>
    %select_n3A_2561 = arith.select %eq3A_2558, %iota3A, %broadcast_in_dim3A_2560 : vector<256x2048xi1>, vector<256x2048xi32>
    %reduce_min3A_2562 = arith.constant dense<2147483647> : vector<256xi32>
    %reduce_min3A_2563 = vector.multi_reduction <minsi>, %select_n3A_2561, %reduce_min3A_2562 [1] : vector<256x2048xi32> to vector<256xi32>
    %broadcast_in_dim3A_2564 = vector.shape_cast %reduce_min3A_2563 : vector<256xi32> to vector<256x1xi32>
    %eq3A_2565 = vector.broadcast %broadcast_in_dim3A_2564 : vector<256x1xi32> to vector<256x2048xi32>
    %eq3A_2566 = arith.cmpi eq, %iota3A, %eq3A_2565 : vector<256x2048xi32>
    %jit3A_2567 = arith.constant 1.000000e+09 : f32
    %broadcast_in_dim3A_2568 = vector.broadcast %jit3A_2567 : f32 to vector<256x2048xf32>
    %select_n3A_2569 = arith.select %eq3A_2566, %broadcast_in_dim3A_2568, %get3A_2553 : vector<256x2048xi1>, vector<256x2048xf32>
    %swap3A_2570 = arith.constant 0 : index
    %swap3A_2571 = arith.constant 0 : index
    %swap3A_2572 = vector.load %arg17[%swap3A_2570, %swap3A_2571] : memref<256x2048xf32, #tpu.memory_space<vmem>>, vector<256x2048xf32>
    tpu.vector_store %arg17[%swap3A_2570, %swap3A_2571], %select_n3A_2569 {strides = array<i32>} : memref<256x2048xf32, #tpu.memory_space<vmem>>, vector<256x2048xf32>,
    %convert_element_type3A_2573 = arith.extui %eq3A_2566 : vector<256x2048xi1> to vector<256x2048xi32>
    %convert_element_type3A_2574 = arith.sitofp %convert_element_type3A_2573 : vector<256x2048xi32> to vector<256x2048xf32>
    %convert_element_type3A_2575 = arith.truncf %convert_element_type3A_2574 : vector<256x2048xf32> to vector<256x2048xbf16>
    %dot_general3A_2576 = arith.constant dense<0.000000e+00> : vector<256x12xf32>
    %dot_general3A_2577 = tpu.matmul %convert_element_type3A_2575, %concatenate3A_100, %dot_general3A_2576 {dimension_numbers = #tpu.dot_dimension_numbers<[1], [1], [0], [0], [0, 0, 1, 0], [], []>, transpose_lhs_hint = false} : vector<256x2048xbf16>, vector<12x2048xbf16>, vector<256x12xf32> -> vector<256x12xf32>
    %slice3A_2578 = vector.extract_strided_slice %dot_general3A_2577 {offsets = [0, 0], sizes = [256, 1], strides = [1, 1]} : vector<256x12xf32> to vector<256x1xf32>
    %slice3A_2579 = vector.extract_strided_slice %dot_general3A_2577 {offsets = [0, 4], sizes = [256, 1], strides = [1, 1]} : vector<256x12xf32> to vector<256x1xf32>
    %add3A_2580 = arith.addf %slice3A_2578, %slice3A_2579 : vector<256x1xf32>
    %slice3A_2581 = vector.extract_strided_slice %dot_general3A_2577 {offsets = [0, 8], sizes = [256, 1], strides = [1, 1]} : vector<256x12xf32> to vector<256x1xf32>
    %add3A_2582 = arith.addf %add3A_2580, %slice3A_2581 : vector<256x1xf32>
    %sub3A_2583 = arith.subf %add3A_2582, %mul3A_15 : vector<256x1xf32>
    %slice3A_2584 = vector.extract_strided_slice %dot_general3A_2577 {offsets = [0, 1], sizes = [256, 1], strides = [1, 1]} : vector<256x12xf32> to vector<256x1xf32>
    %slice3A_2585 = vector.extract_strided_slice %dot_general3A_2577 {offsets = [0, 5], sizes = [256, 1], strides = [1, 1]} : vector<256x12xf32> to vector<256x1xf32>
    %add3A_2586 = arith.addf %slice3A_2584, %slice3A_2585 : vector<256x1xf32>
    %slice3A_2587 = vector.extract_strided_slice %dot_general3A_2577 {offsets = [0, 9], sizes = [256, 1], strides = [1, 1]} : vector<256x12xf32> to vector<256x1xf32>
    %add3A_2588 = arith.addf %add3A_2586, %slice3A_2587 : vector<256x1xf32>
    %sub3A_2589 = arith.subf %add3A_2588, %mul3A_25 : vector<256x1xf32>
    %slice3A_2590 = vector.extract_strided_slice %dot_general3A_2577 {offsets = [0, 2], sizes = [256, 1], strides = [1, 1]} : vector<256x12xf32> to vector<256x1xf32>
    %slice3A_2591 = vector.extract_strided_slice %dot_general3A_2577 {offsets = [0, 6], sizes = [256, 1], strides = [1, 1]} : vector<256x12xf32> to vector<256x1xf32>
    %add3A_2592 = arith.addf %slice3A_2590, %slice3A_2591 : vector<256x1xf32>
    %slice3A_2593 = vector.extract_strided_slice %dot_general3A_2577 {offsets = [0, 10], sizes = [256, 1], strides = [1, 1]} : vector<256x12xf32> to vector<256x1xf32>
    %add3A_2594 = arith.addf %add3A_2592, %slice3A_2593 : vector<256x1xf32>
    %sub3A_2595 = arith.subf %add3A_2594, %mul3A_35 : vector<256x1xf32>
    %slice3A_2596 = vector.extract_strided_slice %dot_general3A_2577 {offsets = [0, 3], sizes = [256, 1], strides = [1, 1]} : vector<256x12xf32> to vector<256x1xf32>
    %add3A_2597 = arith.constant 9.99999993E-9 : f32
    %add3A_2598 = vector.broadcast %add3A_2597 : f32 to vector<256x1xf32>
    %add3A_2599 = arith.addf %broadcast_in_dim3A_2556, %add3A_2598 : vector<256x1xf32>
    %div3A_2600 = arith.constant 1.000000e+00 : f32
    %div3A_2601 = vector.broadcast %div3A_2600 : f32 to vector<256x1xf32>
    %div3A_2602 = arith.divf %div3A_2601, %add3A_2599 : vector<256x1xf32>
    %sub3A_2603 = vector.broadcast %broadcast_in_dim3A_2556 : vector<256x1xf32> to vector<256x32xf32>
    %sub3A_2604 = vector.broadcast %get3A_108 : vector<1x32xf32> to vector<256x32xf32>
    %sub3A_2605 = arith.subf %sub3A_2603, %sub3A_2604 : vector<256x32xf32>
    %div3A_2606 = arith.constant 6.250000e-01 : f32
    %div3A_2607 = vector.broadcast %div3A_2606 : f32 to vector<256x32xf32>
    %div3A_2608 = arith.divf %sub3A_2605, %div3A_2607 : vector<256x32xf32>
    %mul3A_2609 = arith.mulf %div3A_2608, %div3A_2608 : vector<256x32xf32>
    %neg3A_2610 = arith.constant 0.000000e+00 : f32
    %neg3A_2611 = vector.broadcast %neg3A_2610 : f32 to vector<256x32xf32>
    %neg3A_2612 = arith.subf %neg3A_2611, %mul3A_2609 : vector<256x32xf32>
    %exp3A_2613 = math.exp %neg3A_2612 : vector<256x32xf32>
    %dot_general3A_2614 = arith.constant dense<0.000000e+00> : vector<256x128xf32>
    %dot_general3A_2615 = tpu.matmul %exp3A_2613, %get3A_114, %dot_general3A_2614 {dimension_numbers = #tpu.dot_dimension_numbers<[1], [0], [0], [1], [0, 0, 1, 1], [], []>, transpose_lhs_hint = false} : vector<256x32xf32>, vector<32x128xf32>, vector<256x128xf32> -> vector<256x128xf32>
    %mul3A_2616 = arith.mulf %sub3A_2583, %div3A_2602 : vector<256x1xf32>
    %slice3A_2617 = vector.extract_strided_slice %get3A_117 {offsets = [0, 0], sizes = [1, 128], strides = [1, 1]} : vector<3x128xf32> to vector<1x128xf32>
    %mul3A_2618 = vector.broadcast %mul3A_2616 : vector<256x1xf32> to vector<256x128xf32>
    %mul3A_2619 = vector.broadcast %slice3A_2617 : vector<1x128xf32> to vector<256x128xf32>
    %mul3A_2620 = arith.mulf %mul3A_2618, %mul3A_2619 : vector<256x128xf32>
    %mul3A_2621 = arith.mulf %sub3A_2589, %div3A_2602 : vector<256x1xf32>
    %slice3A_2622 = vector.extract_strided_slice %get3A_117 {offsets = [1, 0], sizes = [1, 128], strides = [1, 1]} : vector<3x128xf32> to vector<1x128xf32>
    %mul3A_2623 = vector.broadcast %mul3A_2621 : vector<256x1xf32> to vector<256x128xf32>
    %mul3A_2624 = vector.broadcast %slice3A_2622 : vector<1x128xf32> to vector<256x128xf32>
    %mul3A_2625 = arith.mulf %mul3A_2623, %mul3A_2624 : vector<256x128xf32>
    %add3A_2626 = arith.addf %mul3A_2620, %mul3A_2625 : vector<256x128xf32>
    %mul3A_2627 = arith.mulf %sub3A_2595, %div3A_2602 : vector<256x1xf32>
    %slice3A_2628 = vector.extract_strided_slice %get3A_117 {offsets = [2, 0], sizes = [1, 128], strides = [1, 1]} : vector<3x128xf32> to vector<1x128xf32>
    %mul3A_2629 = vector.broadcast %mul3A_2627 : vector<256x1xf32> to vector<256x128xf32>
    %mul3A_2630 = vector.broadcast %slice3A_2628 : vector<1x128xf32> to vector<256x128xf32>
    %mul3A_2631 = arith.mulf %mul3A_2629, %mul3A_2630 : vector<256x128xf32>
    %add3A_2632 = arith.addf %add3A_2626, %mul3A_2631 : vector<256x128xf32>
    %add3A_2633 = arith.addf %dot_general3A_2615, %add3A_2632 : vector<256x128xf32>
    %add3A_2634 = vector.broadcast %get3A_111 : vector<1x128xf32> to vector<256x128xf32>
    %add3A_2635 = arith.addf %add3A_2633, %add3A_2634 : vector<256x128xf32>
    %mul3A_2636 = arith.mulf %get3A_105, %slice3A_2596 : vector<256x1xf32>
    %mul3A_2637 = vector.broadcast %mul3A_2636 : vector<256x1xf32> to vector<256x128xf32>
    %mul3A_2638 = arith.mulf %add3A_2635, %mul3A_2637 : vector<256x128xf32>
    %swap3A_2639 = arith.constant 0 : index
    %swap3A_2640 = arith.constant 0 : index
    %swap3A_2641 = arith.constant 2944 : index
    %swap3A_2642 = vector.load %arg14[%swap3A_2639, %swap3A_2640, %swap3A_2641] : memref<1x256x3840xf32, #tpu.memory_space<vmem>>, vector<1x256x128xf32>
    %swap3A_2643 = vector.shape_cast %swap3A_2642 : vector<1x256x128xf32> to vector<256x128xf32>
    %swap3A_2644 = vector.shape_cast %mul3A_2638 : vector<256x128xf32> to vector<1x256x128xf32>
    tpu.vector_store %arg14[%swap3A_2639, %swap3A_2640, %swap3A_2641], %swap3A_2644 {strides = array<i32>} : memref<1x256x3840xf32, #tpu.memory_space<vmem>>, vector<1x256x128xf32>,
    %swap3A_2645 = arith.constant 0 : index
    %swap3A_2646 = arith.constant 0 : index
    %swap3A_2647 = arith.constant 23 : index
    %swap3A_2648 = vector.load %arg15[%swap3A_2645, %swap3A_2646, %swap3A_2647] : memref<1x256x30xi32, #tpu.memory_space<vmem>>, vector<1x256x1xi32>
    %swap3A_2649 = vector.shape_cast %swap3A_2648 : vector<1x256x1xi32> to vector<256x1xi32>
    %swap3A_2650 = vector.shape_cast %broadcast_in_dim3A_2564 : vector<256x1xi32> to vector<1x256x1xi32>
    tpu.vector_store %arg15[%swap3A_2645, %swap3A_2646, %swap3A_2647], %swap3A_2650 {strides = array<i32>} : memref<1x256x30xi32, #tpu.memory_space<vmem>>, vector<1x256x1xi32>,
    %swap3A_2651 = arith.constant 0 : index
    %swap3A_2652 = arith.constant 0 : index
    %swap3A_2653 = arith.constant 23 : index
    %swap3A_2654 = vector.load %arg16[%swap3A_2651, %swap3A_2652, %swap3A_2653] : memref<1x256x30xf32, #tpu.memory_space<vmem>>, vector<1x256x1xf32>
    %swap3A_2655 = vector.shape_cast %swap3A_2654 : vector<1x256x1xf32> to vector<256x1xf32>
    %swap3A_2656 = vector.shape_cast %mul3A_2636 : vector<256x1xf32> to vector<1x256x1xf32>
    tpu.vector_store %arg16[%swap3A_2651, %swap3A_2652, %swap3A_2653], %swap3A_2656 {strides = array<i32>} : memref<1x256x30xf32, #tpu.memory_space<vmem>>, vector<1x256x1xf32>,
    %get3A_2657 = arith.constant 0 : index
    %get3A_2658 = arith.constant 0 : index
    %get3A_2659 = vector.load %arg17[%get3A_2657, %get3A_2658] : memref<256x2048xf32, #tpu.memory_space<vmem>>, vector<256x2048xf32>
    %reduce_min3A_2660 = arith.constant dense<0x7F800000> : vector<256xf32>
    %reduce_min3A_2661 = vector.multi_reduction <minimumf>, %get3A_2659, %reduce_min3A_2660 [1] : vector<256x2048xf32> to vector<256xf32>
    %broadcast_in_dim3A_2662 = vector.shape_cast %reduce_min3A_2661 : vector<256xf32> to vector<256x1xf32>
    %eq3A_2663 = vector.broadcast %broadcast_in_dim3A_2662 : vector<256x1xf32> to vector<256x2048xf32>
    %eq3A_2664 = arith.cmpf oeq, %get3A_2659, %eq3A_2663 : vector<256x2048xf32>
    %jit3A_2665 = arith.constant 2048 : i32
    %broadcast_in_dim3A_2666 = vector.broadcast %jit3A_2665 : i32 to vector<256x2048xi32>
    %select_n3A_2667 = arith.select %eq3A_2664, %iota3A, %broadcast_in_dim3A_2666 : vector<256x2048xi1>, vector<256x2048xi32>
    %reduce_min3A_2668 = arith.constant dense<2147483647> : vector<256xi32>
    %reduce_min3A_2669 = vector.multi_reduction <minsi>, %select_n3A_2667, %reduce_min3A_2668 [1] : vector<256x2048xi32> to vector<256xi32>
    %broadcast_in_dim3A_2670 = vector.shape_cast %reduce_min3A_2669 : vector<256xi32> to vector<256x1xi32>
    %eq3A_2671 = vector.broadcast %broadcast_in_dim3A_2670 : vector<256x1xi32> to vector<256x2048xi32>
    %eq3A_2672 = arith.cmpi eq, %iota3A, %eq3A_2671 : vector<256x2048xi32>
    %jit3A_2673 = arith.constant 1.000000e+09 : f32
    %broadcast_in_dim3A_2674 = vector.broadcast %jit3A_2673 : f32 to vector<256x2048xf32>
    %select_n3A_2675 = arith.select %eq3A_2672, %broadcast_in_dim3A_2674, %get3A_2659 : vector<256x2048xi1>, vector<256x2048xf32>
    %swap3A_2676 = arith.constant 0 : index
    %swap3A_2677 = arith.constant 0 : index
    %swap3A_2678 = vector.load %arg17[%swap3A_2676, %swap3A_2677] : memref<256x2048xf32, #tpu.memory_space<vmem>>, vector<256x2048xf32>
    tpu.vector_store %arg17[%swap3A_2676, %swap3A_2677], %select_n3A_2675 {strides = array<i32>} : memref<256x2048xf32, #tpu.memory_space<vmem>>, vector<256x2048xf32>,
    %convert_element_type3A_2679 = arith.extui %eq3A_2672 : vector<256x2048xi1> to vector<256x2048xi32>
    %convert_element_type3A_2680 = arith.sitofp %convert_element_type3A_2679 : vector<256x2048xi32> to vector<256x2048xf32>
    %convert_element_type3A_2681 = arith.truncf %convert_element_type3A_2680 : vector<256x2048xf32> to vector<256x2048xbf16>
    %dot_general3A_2682 = arith.constant dense<0.000000e+00> : vector<256x12xf32>
    %dot_general3A_2683 = tpu.matmul %convert_element_type3A_2681, %concatenate3A_100, %dot_general3A_2682 {dimension_numbers = #tpu.dot_dimension_numbers<[1], [1], [0], [0], [0, 0, 1, 0], [], []>, transpose_lhs_hint = false} : vector<256x2048xbf16>, vector<12x2048xbf16>, vector<256x12xf32> -> vector<256x12xf32>
    %slice3A_2684 = vector.extract_strided_slice %dot_general3A_2683 {offsets = [0, 0], sizes = [256, 1], strides = [1, 1]} : vector<256x12xf32> to vector<256x1xf32>
    %slice3A_2685 = vector.extract_strided_slice %dot_general3A_2683 {offsets = [0, 4], sizes = [256, 1], strides = [1, 1]} : vector<256x12xf32> to vector<256x1xf32>
    %add3A_2686 = arith.addf %slice3A_2684, %slice3A_2685 : vector<256x1xf32>
    %slice3A_2687 = vector.extract_strided_slice %dot_general3A_2683 {offsets = [0, 8], sizes = [256, 1], strides = [1, 1]} : vector<256x12xf32> to vector<256x1xf32>
    %add3A_2688 = arith.addf %add3A_2686, %slice3A_2687 : vector<256x1xf32>
    %sub3A_2689 = arith.subf %add3A_2688, %mul3A_15 : vector<256x1xf32>
    %slice3A_2690 = vector.extract_strided_slice %dot_general3A_2683 {offsets = [0, 1], sizes = [256, 1], strides = [1, 1]} : vector<256x12xf32> to vector<256x1xf32>
    %slice3A_2691 = vector.extract_strided_slice %dot_general3A_2683 {offsets = [0, 5], sizes = [256, 1], strides = [1, 1]} : vector<256x12xf32> to vector<256x1xf32>
    %add3A_2692 = arith.addf %slice3A_2690, %slice3A_2691 : vector<256x1xf32>
    %slice3A_2693 = vector.extract_strided_slice %dot_general3A_2683 {offsets = [0, 9], sizes = [256, 1], strides = [1, 1]} : vector<256x12xf32> to vector<256x1xf32>
    %add3A_2694 = arith.addf %add3A_2692, %slice3A_2693 : vector<256x1xf32>
    %sub3A_2695 = arith.subf %add3A_2694, %mul3A_25 : vector<256x1xf32>
    %slice3A_2696 = vector.extract_strided_slice %dot_general3A_2683 {offsets = [0, 2], sizes = [256, 1], strides = [1, 1]} : vector<256x12xf32> to vector<256x1xf32>
    %slice3A_2697 = vector.extract_strided_slice %dot_general3A_2683 {offsets = [0, 6], sizes = [256, 1], strides = [1, 1]} : vector<256x12xf32> to vector<256x1xf32>
    %add3A_2698 = arith.addf %slice3A_2696, %slice3A_2697 : vector<256x1xf32>
    %slice3A_2699 = vector.extract_strided_slice %dot_general3A_2683 {offsets = [0, 10], sizes = [256, 1], strides = [1, 1]} : vector<256x12xf32> to vector<256x1xf32>
    %add3A_2700 = arith.addf %add3A_2698, %slice3A_2699 : vector<256x1xf32>
    %sub3A_2701 = arith.subf %add3A_2700, %mul3A_35 : vector<256x1xf32>
    %slice3A_2702 = vector.extract_strided_slice %dot_general3A_2683 {offsets = [0, 3], sizes = [256, 1], strides = [1, 1]} : vector<256x12xf32> to vector<256x1xf32>
    %add3A_2703 = arith.constant 9.99999993E-9 : f32
    %add3A_2704 = vector.broadcast %add3A_2703 : f32 to vector<256x1xf32>
    %add3A_2705 = arith.addf %broadcast_in_dim3A_2662, %add3A_2704 : vector<256x1xf32>
    %div3A_2706 = arith.constant 1.000000e+00 : f32
    %div3A_2707 = vector.broadcast %div3A_2706 : f32 to vector<256x1xf32>
    %div3A_2708 = arith.divf %div3A_2707, %add3A_2705 : vector<256x1xf32>
    %sub3A_2709 = vector.broadcast %broadcast_in_dim3A_2662 : vector<256x1xf32> to vector<256x32xf32>
    %sub3A_2710 = vector.broadcast %get3A_108 : vector<1x32xf32> to vector<256x32xf32>
    %sub3A_2711 = arith.subf %sub3A_2709, %sub3A_2710 : vector<256x32xf32>
    %div3A_2712 = arith.constant 6.250000e-01 : f32
    %div3A_2713 = vector.broadcast %div3A_2712 : f32 to vector<256x32xf32>
    %div3A_2714 = arith.divf %sub3A_2711, %div3A_2713 : vector<256x32xf32>
    %mul3A_2715 = arith.mulf %div3A_2714, %div3A_2714 : vector<256x32xf32>
    %neg3A_2716 = arith.constant 0.000000e+00 : f32
    %neg3A_2717 = vector.broadcast %neg3A_2716 : f32 to vector<256x32xf32>
    %neg3A_2718 = arith.subf %neg3A_2717, %mul3A_2715 : vector<256x32xf32>
    %exp3A_2719 = math.exp %neg3A_2718 : vector<256x32xf32>
    %dot_general3A_2720 = arith.constant dense<0.000000e+00> : vector<256x128xf32>
    %dot_general3A_2721 = tpu.matmul %exp3A_2719, %get3A_114, %dot_general3A_2720 {dimension_numbers = #tpu.dot_dimension_numbers<[1], [0], [0], [1], [0, 0, 1, 1], [], []>, transpose_lhs_hint = false} : vector<256x32xf32>, vector<32x128xf32>, vector<256x128xf32> -> vector<256x128xf32>
    %mul3A_2722 = arith.mulf %sub3A_2689, %div3A_2708 : vector<256x1xf32>
    %slice3A_2723 = vector.extract_strided_slice %get3A_117 {offsets = [0, 0], sizes = [1, 128], strides = [1, 1]} : vector<3x128xf32> to vector<1x128xf32>
    %mul3A_2724 = vector.broadcast %mul3A_2722 : vector<256x1xf32> to vector<256x128xf32>
    %mul3A_2725 = vector.broadcast %slice3A_2723 : vector<1x128xf32> to vector<256x128xf32>
    %mul3A_2726 = arith.mulf %mul3A_2724, %mul3A_2725 : vector<256x128xf32>
    %mul3A_2727 = arith.mulf %sub3A_2695, %div3A_2708 : vector<256x1xf32>
    %slice3A_2728 = vector.extract_strided_slice %get3A_117 {offsets = [1, 0], sizes = [1, 128], strides = [1, 1]} : vector<3x128xf32> to vector<1x128xf32>
    %mul3A_2729 = vector.broadcast %mul3A_2727 : vector<256x1xf32> to vector<256x128xf32>
    %mul3A_2730 = vector.broadcast %slice3A_2728 : vector<1x128xf32> to vector<256x128xf32>
    %mul3A_2731 = arith.mulf %mul3A_2729, %mul3A_2730 : vector<256x128xf32>
    %add3A_2732 = arith.addf %mul3A_2726, %mul3A_2731 : vector<256x128xf32>
    %mul3A_2733 = arith.mulf %sub3A_2701, %div3A_2708 : vector<256x1xf32>
    %slice3A_2734 = vector.extract_strided_slice %get3A_117 {offsets = [2, 0], sizes = [1, 128], strides = [1, 1]} : vector<3x128xf32> to vector<1x128xf32>
    %mul3A_2735 = vector.broadcast %mul3A_2733 : vector<256x1xf32> to vector<256x128xf32>
    %mul3A_2736 = vector.broadcast %slice3A_2734 : vector<1x128xf32> to vector<256x128xf32>
    %mul3A_2737 = arith.mulf %mul3A_2735, %mul3A_2736 : vector<256x128xf32>
    %add3A_2738 = arith.addf %add3A_2732, %mul3A_2737 : vector<256x128xf32>
    %add3A_2739 = arith.addf %dot_general3A_2721, %add3A_2738 : vector<256x128xf32>
    %add3A_2740 = vector.broadcast %get3A_111 : vector<1x128xf32> to vector<256x128xf32>
    %add3A_2741 = arith.addf %add3A_2739, %add3A_2740 : vector<256x128xf32>
    %mul3A_2742 = arith.mulf %get3A_105, %slice3A_2702 : vector<256x1xf32>
    %mul3A_2743 = vector.broadcast %mul3A_2742 : vector<256x1xf32> to vector<256x128xf32>
    %mul3A_2744 = arith.mulf %add3A_2741, %mul3A_2743 : vector<256x128xf32>
    %swap3A_2745 = arith.constant 0 : index
    %swap3A_2746 = arith.constant 0 : index
    %swap3A_2747 = arith.constant 3072 : index
    %swap3A_2748 = vector.load %arg14[%swap3A_2745, %swap3A_2746, %swap3A_2747] : memref<1x256x3840xf32, #tpu.memory_space<vmem>>, vector<1x256x128xf32>
    %swap3A_2749 = vector.shape_cast %swap3A_2748 : vector<1x256x128xf32> to vector<256x128xf32>
    %swap3A_2750 = vector.shape_cast %mul3A_2744 : vector<256x128xf32> to vector<1x256x128xf32>
    tpu.vector_store %arg14[%swap3A_2745, %swap3A_2746, %swap3A_2747], %swap3A_2750 {strides = array<i32>} : memref<1x256x3840xf32, #tpu.memory_space<vmem>>, vector<1x256x128xf32>,
    %swap3A_2751 = arith.constant 0 : index
    %swap3A_2752 = arith.constant 0 : index
    %swap3A_2753 = arith.constant 24 : index
    %swap3A_2754 = vector.load %arg15[%swap3A_2751, %swap3A_2752, %swap3A_2753] : memref<1x256x30xi32, #tpu.memory_space<vmem>>, vector<1x256x1xi32>
    %swap3A_2755 = vector.shape_cast %swap3A_2754 : vector<1x256x1xi32> to vector<256x1xi32>
    %swap3A_2756 = vector.shape_cast %broadcast_in_dim3A_2670 : vector<256x1xi32> to vector<1x256x1xi32>
    tpu.vector_store %arg15[%swap3A_2751, %swap3A_2752, %swap3A_2753], %swap3A_2756 {strides = array<i32>} : memref<1x256x30xi32, #tpu.memory_space<vmem>>, vector<1x256x1xi32>,
    %swap3A_2757 = arith.constant 0 : index
    %swap3A_2758 = arith.constant 0 : index
    %swap3A_2759 = arith.constant 24 : index
    %swap3A_2760 = vector.load %arg16[%swap3A_2757, %swap3A_2758, %swap3A_2759] : memref<1x256x30xf32, #tpu.memory_space<vmem>>, vector<1x256x1xf32>
    %swap3A_2761 = vector.shape_cast %swap3A_2760 : vector<1x256x1xf32> to vector<256x1xf32>
    %swap3A_2762 = vector.shape_cast %mul3A_2742 : vector<256x1xf32> to vector<1x256x1xf32>
    tpu.vector_store %arg16[%swap3A_2757, %swap3A_2758, %swap3A_2759], %swap3A_2762 {strides = array<i32>} : memref<1x256x30xf32, #tpu.memory_space<vmem>>, vector<1x256x1xf32>,
    %get3A_2763 = arith.constant 0 : index
    %get3A_2764 = arith.constant 0 : index
    %get3A_2765 = vector.load %arg17[%get3A_2763, %get3A_2764] : memref<256x2048xf32, #tpu.memory_space<vmem>>, vector<256x2048xf32>
    %reduce_min3A_2766 = arith.constant dense<0x7F800000> : vector<256xf32>
    %reduce_min3A_2767 = vector.multi_reduction <minimumf>, %get3A_2765, %reduce_min3A_2766 [1] : vector<256x2048xf32> to vector<256xf32>
    %broadcast_in_dim3A_2768 = vector.shape_cast %reduce_min3A_2767 : vector<256xf32> to vector<256x1xf32>
    %eq3A_2769 = vector.broadcast %broadcast_in_dim3A_2768 : vector<256x1xf32> to vector<256x2048xf32>
    %eq3A_2770 = arith.cmpf oeq, %get3A_2765, %eq3A_2769 : vector<256x2048xf32>
    %jit3A_2771 = arith.constant 2048 : i32
    %broadcast_in_dim3A_2772 = vector.broadcast %jit3A_2771 : i32 to vector<256x2048xi32>
    %select_n3A_2773 = arith.select %eq3A_2770, %iota3A, %broadcast_in_dim3A_2772 : vector<256x2048xi1>, vector<256x2048xi32>
    %reduce_min3A_2774 = arith.constant dense<2147483647> : vector<256xi32>
    %reduce_min3A_2775 = vector.multi_reduction <minsi>, %select_n3A_2773, %reduce_min3A_2774 [1] : vector<256x2048xi32> to vector<256xi32>
    %broadcast_in_dim3A_2776 = vector.shape_cast %reduce_min3A_2775 : vector<256xi32> to vector<256x1xi32>
    %eq3A_2777 = vector.broadcast %broadcast_in_dim3A_2776 : vector<256x1xi32> to vector<256x2048xi32>
    %eq3A_2778 = arith.cmpi eq, %iota3A, %eq3A_2777 : vector<256x2048xi32>
    %jit3A_2779 = arith.constant 1.000000e+09 : f32
    %broadcast_in_dim3A_2780 = vector.broadcast %jit3A_2779 : f32 to vector<256x2048xf32>
    %select_n3A_2781 = arith.select %eq3A_2778, %broadcast_in_dim3A_2780, %get3A_2765 : vector<256x2048xi1>, vector<256x2048xf32>
    %swap3A_2782 = arith.constant 0 : index
    %swap3A_2783 = arith.constant 0 : index
    %swap3A_2784 = vector.load %arg17[%swap3A_2782, %swap3A_2783] : memref<256x2048xf32, #tpu.memory_space<vmem>>, vector<256x2048xf32>
    tpu.vector_store %arg17[%swap3A_2782, %swap3A_2783], %select_n3A_2781 {strides = array<i32>} : memref<256x2048xf32, #tpu.memory_space<vmem>>, vector<256x2048xf32>,
    %convert_element_type3A_2785 = arith.extui %eq3A_2778 : vector<256x2048xi1> to vector<256x2048xi32>
    %convert_element_type3A_2786 = arith.sitofp %convert_element_type3A_2785 : vector<256x2048xi32> to vector<256x2048xf32>
    %convert_element_type3A_2787 = arith.truncf %convert_element_type3A_2786 : vector<256x2048xf32> to vector<256x2048xbf16>
    %dot_general3A_2788 = arith.constant dense<0.000000e+00> : vector<256x12xf32>
    %dot_general3A_2789 = tpu.matmul %convert_element_type3A_2787, %concatenate3A_100, %dot_general3A_2788 {dimension_numbers = #tpu.dot_dimension_numbers<[1], [1], [0], [0], [0, 0, 1, 0], [], []>, transpose_lhs_hint = false} : vector<256x2048xbf16>, vector<12x2048xbf16>, vector<256x12xf32> -> vector<256x12xf32>
    %slice3A_2790 = vector.extract_strided_slice %dot_general3A_2789 {offsets = [0, 0], sizes = [256, 1], strides = [1, 1]} : vector<256x12xf32> to vector<256x1xf32>
    %slice3A_2791 = vector.extract_strided_slice %dot_general3A_2789 {offsets = [0, 4], sizes = [256, 1], strides = [1, 1]} : vector<256x12xf32> to vector<256x1xf32>
    %add3A_2792 = arith.addf %slice3A_2790, %slice3A_2791 : vector<256x1xf32>
    %slice3A_2793 = vector.extract_strided_slice %dot_general3A_2789 {offsets = [0, 8], sizes = [256, 1], strides = [1, 1]} : vector<256x12xf32> to vector<256x1xf32>
    %add3A_2794 = arith.addf %add3A_2792, %slice3A_2793 : vector<256x1xf32>
    %sub3A_2795 = arith.subf %add3A_2794, %mul3A_15 : vector<256x1xf32>
    %slice3A_2796 = vector.extract_strided_slice %dot_general3A_2789 {offsets = [0, 1], sizes = [256, 1], strides = [1, 1]} : vector<256x12xf32> to vector<256x1xf32>
    %slice3A_2797 = vector.extract_strided_slice %dot_general3A_2789 {offsets = [0, 5], sizes = [256, 1], strides = [1, 1]} : vector<256x12xf32> to vector<256x1xf32>
    %add3A_2798 = arith.addf %slice3A_2796, %slice3A_2797 : vector<256x1xf32>
    %slice3A_2799 = vector.extract_strided_slice %dot_general3A_2789 {offsets = [0, 9], sizes = [256, 1], strides = [1, 1]} : vector<256x12xf32> to vector<256x1xf32>
    %add3A_2800 = arith.addf %add3A_2798, %slice3A_2799 : vector<256x1xf32>
    %sub3A_2801 = arith.subf %add3A_2800, %mul3A_25 : vector<256x1xf32>
    %slice3A_2802 = vector.extract_strided_slice %dot_general3A_2789 {offsets = [0, 2], sizes = [256, 1], strides = [1, 1]} : vector<256x12xf32> to vector<256x1xf32>
    %slice3A_2803 = vector.extract_strided_slice %dot_general3A_2789 {offsets = [0, 6], sizes = [256, 1], strides = [1, 1]} : vector<256x12xf32> to vector<256x1xf32>
    %add3A_2804 = arith.addf %slice3A_2802, %slice3A_2803 : vector<256x1xf32>
    %slice3A_2805 = vector.extract_strided_slice %dot_general3A_2789 {offsets = [0, 10], sizes = [256, 1], strides = [1, 1]} : vector<256x12xf32> to vector<256x1xf32>
    %add3A_2806 = arith.addf %add3A_2804, %slice3A_2805 : vector<256x1xf32>
    %sub3A_2807 = arith.subf %add3A_2806, %mul3A_35 : vector<256x1xf32>
    %slice3A_2808 = vector.extract_strided_slice %dot_general3A_2789 {offsets = [0, 3], sizes = [256, 1], strides = [1, 1]} : vector<256x12xf32> to vector<256x1xf32>
    %add3A_2809 = arith.constant 9.99999993E-9 : f32
    %add3A_2810 = vector.broadcast %add3A_2809 : f32 to vector<256x1xf32>
    %add3A_2811 = arith.addf %broadcast_in_dim3A_2768, %add3A_2810 : vector<256x1xf32>
    %div3A_2812 = arith.constant 1.000000e+00 : f32
    %div3A_2813 = vector.broadcast %div3A_2812 : f32 to vector<256x1xf32>
    %div3A_2814 = arith.divf %div3A_2813, %add3A_2811 : vector<256x1xf32>
    %sub3A_2815 = vector.broadcast %broadcast_in_dim3A_2768 : vector<256x1xf32> to vector<256x32xf32>
    %sub3A_2816 = vector.broadcast %get3A_108 : vector<1x32xf32> to vector<256x32xf32>
    %sub3A_2817 = arith.subf %sub3A_2815, %sub3A_2816 : vector<256x32xf32>
    %div3A_2818 = arith.constant 6.250000e-01 : f32
    %div3A_2819 = vector.broadcast %div3A_2818 : f32 to vector<256x32xf32>
    %div3A_2820 = arith.divf %sub3A_2817, %div3A_2819 : vector<256x32xf32>
    %mul3A_2821 = arith.mulf %div3A_2820, %div3A_2820 : vector<256x32xf32>
    %neg3A_2822 = arith.constant 0.000000e+00 : f32
    %neg3A_2823 = vector.broadcast %neg3A_2822 : f32 to vector<256x32xf32>
    %neg3A_2824 = arith.subf %neg3A_2823, %mul3A_2821 : vector<256x32xf32>
    %exp3A_2825 = math.exp %neg3A_2824 : vector<256x32xf32>
    %dot_general3A_2826 = arith.constant dense<0.000000e+00> : vector<256x128xf32>
    %dot_general3A_2827 = tpu.matmul %exp3A_2825, %get3A_114, %dot_general3A_2826 {dimension_numbers = #tpu.dot_dimension_numbers<[1], [0], [0], [1], [0, 0, 1, 1], [], []>, transpose_lhs_hint = false} : vector<256x32xf32>, vector<32x128xf32>, vector<256x128xf32> -> vector<256x128xf32>
    %mul3A_2828 = arith.mulf %sub3A_2795, %div3A_2814 : vector<256x1xf32>
    %slice3A_2829 = vector.extract_strided_slice %get3A_117 {offsets = [0, 0], sizes = [1, 128], strides = [1, 1]} : vector<3x128xf32> to vector<1x128xf32>
    %mul3A_2830 = vector.broadcast %mul3A_2828 : vector<256x1xf32> to vector<256x128xf32>
    %mul3A_2831 = vector.broadcast %slice3A_2829 : vector<1x128xf32> to vector<256x128xf32>
    %mul3A_2832 = arith.mulf %mul3A_2830, %mul3A_2831 : vector<256x128xf32>
    %mul3A_2833 = arith.mulf %sub3A_2801, %div3A_2814 : vector<256x1xf32>
    %slice3A_2834 = vector.extract_strided_slice %get3A_117 {offsets = [1, 0], sizes = [1, 128], strides = [1, 1]} : vector<3x128xf32> to vector<1x128xf32>
    %mul3A_2835 = vector.broadcast %mul3A_2833 : vector<256x1xf32> to vector<256x128xf32>
    %mul3A_2836 = vector.broadcast %slice3A_2834 : vector<1x128xf32> to vector<256x128xf32>
    %mul3A_2837 = arith.mulf %mul3A_2835, %mul3A_2836 : vector<256x128xf32>
    %add3A_2838 = arith.addf %mul3A_2832, %mul3A_2837 : vector<256x128xf32>
    %mul3A_2839 = arith.mulf %sub3A_2807, %div3A_2814 : vector<256x1xf32>
    %slice3A_2840 = vector.extract_strided_slice %get3A_117 {offsets = [2, 0], sizes = [1, 128], strides = [1, 1]} : vector<3x128xf32> to vector<1x128xf32>
    %mul3A_2841 = vector.broadcast %mul3A_2839 : vector<256x1xf32> to vector<256x128xf32>
    %mul3A_2842 = vector.broadcast %slice3A_2840 : vector<1x128xf32> to vector<256x128xf32>
    %mul3A_2843 = arith.mulf %mul3A_2841, %mul3A_2842 : vector<256x128xf32>
    %add3A_2844 = arith.addf %add3A_2838, %mul3A_2843 : vector<256x128xf32>
    %add3A_2845 = arith.addf %dot_general3A_2827, %add3A_2844 : vector<256x128xf32>
    %add3A_2846 = vector.broadcast %get3A_111 : vector<1x128xf32> to vector<256x128xf32>
    %add3A_2847 = arith.addf %add3A_2845, %add3A_2846 : vector<256x128xf32>
    %mul3A_2848 = arith.mulf %get3A_105, %slice3A_2808 : vector<256x1xf32>
    %mul3A_2849 = vector.broadcast %mul3A_2848 : vector<256x1xf32> to vector<256x128xf32>
    %mul3A_2850 = arith.mulf %add3A_2847, %mul3A_2849 : vector<256x128xf32>
    %swap3A_2851 = arith.constant 0 : index
    %swap3A_2852 = arith.constant 0 : index
    %swap3A_2853 = arith.constant 3200 : index
    %swap3A_2854 = vector.load %arg14[%swap3A_2851, %swap3A_2852, %swap3A_2853] : memref<1x256x3840xf32, #tpu.memory_space<vmem>>, vector<1x256x128xf32>
    %swap3A_2855 = vector.shape_cast %swap3A_2854 : vector<1x256x128xf32> to vector<256x128xf32>
    %swap3A_2856 = vector.shape_cast %mul3A_2850 : vector<256x128xf32> to vector<1x256x128xf32>
    tpu.vector_store %arg14[%swap3A_2851, %swap3A_2852, %swap3A_2853], %swap3A_2856 {strides = array<i32>} : memref<1x256x3840xf32, #tpu.memory_space<vmem>>, vector<1x256x128xf32>,
    %swap3A_2857 = arith.constant 0 : index
    %swap3A_2858 = arith.constant 0 : index
    %swap3A_2859 = arith.constant 25 : index
    %swap3A_2860 = vector.load %arg15[%swap3A_2857, %swap3A_2858, %swap3A_2859] : memref<1x256x30xi32, #tpu.memory_space<vmem>>, vector<1x256x1xi32>
    %swap3A_2861 = vector.shape_cast %swap3A_2860 : vector<1x256x1xi32> to vector<256x1xi32>
    %swap3A_2862 = vector.shape_cast %broadcast_in_dim3A_2776 : vector<256x1xi32> to vector<1x256x1xi32>
    tpu.vector_store %arg15[%swap3A_2857, %swap3A_2858, %swap3A_2859], %swap3A_2862 {strides = array<i32>} : memref<1x256x30xi32, #tpu.memory_space<vmem>>, vector<1x256x1xi32>,
    %swap3A_2863 = arith.constant 0 : index
    %swap3A_2864 = arith.constant 0 : index
    %swap3A_2865 = arith.constant 25 : index
    %swap3A_2866 = vector.load %arg16[%swap3A_2863, %swap3A_2864, %swap3A_2865] : memref<1x256x30xf32, #tpu.memory_space<vmem>>, vector<1x256x1xf32>
    %swap3A_2867 = vector.shape_cast %swap3A_2866 : vector<1x256x1xf32> to vector<256x1xf32>
    %swap3A_2868 = vector.shape_cast %mul3A_2848 : vector<256x1xf32> to vector<1x256x1xf32>
    tpu.vector_store %arg16[%swap3A_2863, %swap3A_2864, %swap3A_2865], %swap3A_2868 {strides = array<i32>} : memref<1x256x30xf32, #tpu.memory_space<vmem>>, vector<1x256x1xf32>,
    %get3A_2869 = arith.constant 0 : index
    %get3A_2870 = arith.constant 0 : index
    %get3A_2871 = vector.load %arg17[%get3A_2869, %get3A_2870] : memref<256x2048xf32, #tpu.memory_space<vmem>>, vector<256x2048xf32>
    %reduce_min3A_2872 = arith.constant dense<0x7F800000> : vector<256xf32>
    %reduce_min3A_2873 = vector.multi_reduction <minimumf>, %get3A_2871, %reduce_min3A_2872 [1] : vector<256x2048xf32> to vector<256xf32>
    %broadcast_in_dim3A_2874 = vector.shape_cast %reduce_min3A_2873 : vector<256xf32> to vector<256x1xf32>
    %eq3A_2875 = vector.broadcast %broadcast_in_dim3A_2874 : vector<256x1xf32> to vector<256x2048xf32>
    %eq3A_2876 = arith.cmpf oeq, %get3A_2871, %eq3A_2875 : vector<256x2048xf32>
    %jit3A_2877 = arith.constant 2048 : i32
    %broadcast_in_dim3A_2878 = vector.broadcast %jit3A_2877 : i32 to vector<256x2048xi32>
    %select_n3A_2879 = arith.select %eq3A_2876, %iota3A, %broadcast_in_dim3A_2878 : vector<256x2048xi1>, vector<256x2048xi32>
    %reduce_min3A_2880 = arith.constant dense<2147483647> : vector<256xi32>
    %reduce_min3A_2881 = vector.multi_reduction <minsi>, %select_n3A_2879, %reduce_min3A_2880 [1] : vector<256x2048xi32> to vector<256xi32>
    %broadcast_in_dim3A_2882 = vector.shape_cast %reduce_min3A_2881 : vector<256xi32> to vector<256x1xi32>
    %eq3A_2883 = vector.broadcast %broadcast_in_dim3A_2882 : vector<256x1xi32> to vector<256x2048xi32>
    %eq3A_2884 = arith.cmpi eq, %iota3A, %eq3A_2883 : vector<256x2048xi32>
    %jit3A_2885 = arith.constant 1.000000e+09 : f32
    %broadcast_in_dim3A_2886 = vector.broadcast %jit3A_2885 : f32 to vector<256x2048xf32>
    %select_n3A_2887 = arith.select %eq3A_2884, %broadcast_in_dim3A_2886, %get3A_2871 : vector<256x2048xi1>, vector<256x2048xf32>
    %swap3A_2888 = arith.constant 0 : index
    %swap3A_2889 = arith.constant 0 : index
    %swap3A_2890 = vector.load %arg17[%swap3A_2888, %swap3A_2889] : memref<256x2048xf32, #tpu.memory_space<vmem>>, vector<256x2048xf32>
    tpu.vector_store %arg17[%swap3A_2888, %swap3A_2889], %select_n3A_2887 {strides = array<i32>} : memref<256x2048xf32, #tpu.memory_space<vmem>>, vector<256x2048xf32>,
    %convert_element_type3A_2891 = arith.extui %eq3A_2884 : vector<256x2048xi1> to vector<256x2048xi32>
    %convert_element_type3A_2892 = arith.sitofp %convert_element_type3A_2891 : vector<256x2048xi32> to vector<256x2048xf32>
    %convert_element_type3A_2893 = arith.truncf %convert_element_type3A_2892 : vector<256x2048xf32> to vector<256x2048xbf16>
    %dot_general3A_2894 = arith.constant dense<0.000000e+00> : vector<256x12xf32>
    %dot_general3A_2895 = tpu.matmul %convert_element_type3A_2893, %concatenate3A_100, %dot_general3A_2894 {dimension_numbers = #tpu.dot_dimension_numbers<[1], [1], [0], [0], [0, 0, 1, 0], [], []>, transpose_lhs_hint = false} : vector<256x2048xbf16>, vector<12x2048xbf16>, vector<256x12xf32> -> vector<256x12xf32>
    %slice3A_2896 = vector.extract_strided_slice %dot_general3A_2895 {offsets = [0, 0], sizes = [256, 1], strides = [1, 1]} : vector<256x12xf32> to vector<256x1xf32>
    %slice3A_2897 = vector.extract_strided_slice %dot_general3A_2895 {offsets = [0, 4], sizes = [256, 1], strides = [1, 1]} : vector<256x12xf32> to vector<256x1xf32>
    %add3A_2898 = arith.addf %slice3A_2896, %slice3A_2897 : vector<256x1xf32>
    %slice3A_2899 = vector.extract_strided_slice %dot_general3A_2895 {offsets = [0, 8], sizes = [256, 1], strides = [1, 1]} : vector<256x12xf32> to vector<256x1xf32>
    %add3A_2900 = arith.addf %add3A_2898, %slice3A_2899 : vector<256x1xf32>
    %sub3A_2901 = arith.subf %add3A_2900, %mul3A_15 : vector<256x1xf32>
    %slice3A_2902 = vector.extract_strided_slice %dot_general3A_2895 {offsets = [0, 1], sizes = [256, 1], strides = [1, 1]} : vector<256x12xf32> to vector<256x1xf32>
    %slice3A_2903 = vector.extract_strided_slice %dot_general3A_2895 {offsets = [0, 5], sizes = [256, 1], strides = [1, 1]} : vector<256x12xf32> to vector<256x1xf32>
    %add3A_2904 = arith.addf %slice3A_2902, %slice3A_2903 : vector<256x1xf32>
    %slice3A_2905 = vector.extract_strided_slice %dot_general3A_2895 {offsets = [0, 9], sizes = [256, 1], strides = [1, 1]} : vector<256x12xf32> to vector<256x1xf32>
    %add3A_2906 = arith.addf %add3A_2904, %slice3A_2905 : vector<256x1xf32>
    %sub3A_2907 = arith.subf %add3A_2906, %mul3A_25 : vector<256x1xf32>
    %slice3A_2908 = vector.extract_strided_slice %dot_general3A_2895 {offsets = [0, 2], sizes = [256, 1], strides = [1, 1]} : vector<256x12xf32> to vector<256x1xf32>
    %slice3A_2909 = vector.extract_strided_slice %dot_general3A_2895 {offsets = [0, 6], sizes = [256, 1], strides = [1, 1]} : vector<256x12xf32> to vector<256x1xf32>
    %add3A_2910 = arith.addf %slice3A_2908, %slice3A_2909 : vector<256x1xf32>
    %slice3A_2911 = vector.extract_strided_slice %dot_general3A_2895 {offsets = [0, 10], sizes = [256, 1], strides = [1, 1]} : vector<256x12xf32> to vector<256x1xf32>
    %add3A_2912 = arith.addf %add3A_2910, %slice3A_2911 : vector<256x1xf32>
    %sub3A_2913 = arith.subf %add3A_2912, %mul3A_35 : vector<256x1xf32>
    %slice3A_2914 = vector.extract_strided_slice %dot_general3A_2895 {offsets = [0, 3], sizes = [256, 1], strides = [1, 1]} : vector<256x12xf32> to vector<256x1xf32>
    %add3A_2915 = arith.constant 9.99999993E-9 : f32
    %add3A_2916 = vector.broadcast %add3A_2915 : f32 to vector<256x1xf32>
    %add3A_2917 = arith.addf %broadcast_in_dim3A_2874, %add3A_2916 : vector<256x1xf32>
    %div3A_2918 = arith.constant 1.000000e+00 : f32
    %div3A_2919 = vector.broadcast %div3A_2918 : f32 to vector<256x1xf32>
    %div3A_2920 = arith.divf %div3A_2919, %add3A_2917 : vector<256x1xf32>
    %sub3A_2921 = vector.broadcast %broadcast_in_dim3A_2874 : vector<256x1xf32> to vector<256x32xf32>
    %sub3A_2922 = vector.broadcast %get3A_108 : vector<1x32xf32> to vector<256x32xf32>
    %sub3A_2923 = arith.subf %sub3A_2921, %sub3A_2922 : vector<256x32xf32>
    %div3A_2924 = arith.constant 6.250000e-01 : f32
    %div3A_2925 = vector.broadcast %div3A_2924 : f32 to vector<256x32xf32>
    %div3A_2926 = arith.divf %sub3A_2923, %div3A_2925 : vector<256x32xf32>
    %mul3A_2927 = arith.mulf %div3A_2926, %div3A_2926 : vector<256x32xf32>
    %neg3A_2928 = arith.constant 0.000000e+00 : f32
    %neg3A_2929 = vector.broadcast %neg3A_2928 : f32 to vector<256x32xf32>
    %neg3A_2930 = arith.subf %neg3A_2929, %mul3A_2927 : vector<256x32xf32>
    %exp3A_2931 = math.exp %neg3A_2930 : vector<256x32xf32>
    %dot_general3A_2932 = arith.constant dense<0.000000e+00> : vector<256x128xf32>
    %dot_general3A_2933 = tpu.matmul %exp3A_2931, %get3A_114, %dot_general3A_2932 {dimension_numbers = #tpu.dot_dimension_numbers<[1], [0], [0], [1], [0, 0, 1, 1], [], []>, transpose_lhs_hint = false} : vector<256x32xf32>, vector<32x128xf32>, vector<256x128xf32> -> vector<256x128xf32>
    %mul3A_2934 = arith.mulf %sub3A_2901, %div3A_2920 : vector<256x1xf32>
    %slice3A_2935 = vector.extract_strided_slice %get3A_117 {offsets = [0, 0], sizes = [1, 128], strides = [1, 1]} : vector<3x128xf32> to vector<1x128xf32>
    %mul3A_2936 = vector.broadcast %mul3A_2934 : vector<256x1xf32> to vector<256x128xf32>
    %mul3A_2937 = vector.broadcast %slice3A_2935 : vector<1x128xf32> to vector<256x128xf32>
    %mul3A_2938 = arith.mulf %mul3A_2936, %mul3A_2937 : vector<256x128xf32>
    %mul3A_2939 = arith.mulf %sub3A_2907, %div3A_2920 : vector<256x1xf32>
    %slice3A_2940 = vector.extract_strided_slice %get3A_117 {offsets = [1, 0], sizes = [1, 128], strides = [1, 1]} : vector<3x128xf32> to vector<1x128xf32>
    %mul3A_2941 = vector.broadcast %mul3A_2939 : vector<256x1xf32> to vector<256x128xf32>
    %mul3A_2942 = vector.broadcast %slice3A_2940 : vector<1x128xf32> to vector<256x128xf32>
    %mul3A_2943 = arith.mulf %mul3A_2941, %mul3A_2942 : vector<256x128xf32>
    %add3A_2944 = arith.addf %mul3A_2938, %mul3A_2943 : vector<256x128xf32>
    %mul3A_2945 = arith.mulf %sub3A_2913, %div3A_2920 : vector<256x1xf32>
    %slice3A_2946 = vector.extract_strided_slice %get3A_117 {offsets = [2, 0], sizes = [1, 128], strides = [1, 1]} : vector<3x128xf32> to vector<1x128xf32>
    %mul3A_2947 = vector.broadcast %mul3A_2945 : vector<256x1xf32> to vector<256x128xf32>
    %mul3A_2948 = vector.broadcast %slice3A_2946 : vector<1x128xf32> to vector<256x128xf32>
    %mul3A_2949 = arith.mulf %mul3A_2947, %mul3A_2948 : vector<256x128xf32>
    %add3A_2950 = arith.addf %add3A_2944, %mul3A_2949 : vector<256x128xf32>
    %add3A_2951 = arith.addf %dot_general3A_2933, %add3A_2950 : vector<256x128xf32>
    %add3A_2952 = vector.broadcast %get3A_111 : vector<1x128xf32> to vector<256x128xf32>
    %add3A_2953 = arith.addf %add3A_2951, %add3A_2952 : vector<256x128xf32>
    %mul3A_2954 = arith.mulf %get3A_105, %slice3A_2914 : vector<256x1xf32>
    %mul3A_2955 = vector.broadcast %mul3A_2954 : vector<256x1xf32> to vector<256x128xf32>
    %mul3A_2956 = arith.mulf %add3A_2953, %mul3A_2955 : vector<256x128xf32>
    %swap3A_2957 = arith.constant 0 : index
    %swap3A_2958 = arith.constant 0 : index
    %swap3A_2959 = arith.constant 3328 : index
    %swap3A_2960 = vector.load %arg14[%swap3A_2957, %swap3A_2958, %swap3A_2959] : memref<1x256x3840xf32, #tpu.memory_space<vmem>>, vector<1x256x128xf32>
    %swap3A_2961 = vector.shape_cast %swap3A_2960 : vector<1x256x128xf32> to vector<256x128xf32>
    %swap3A_2962 = vector.shape_cast %mul3A_2956 : vector<256x128xf32> to vector<1x256x128xf32>
    tpu.vector_store %arg14[%swap3A_2957, %swap3A_2958, %swap3A_2959], %swap3A_2962 {strides = array<i32>} : memref<1x256x3840xf32, #tpu.memory_space<vmem>>, vector<1x256x128xf32>,
    %swap3A_2963 = arith.constant 0 : index
    %swap3A_2964 = arith.constant 0 : index
    %swap3A_2965 = arith.constant 26 : index
    %swap3A_2966 = vector.load %arg15[%swap3A_2963, %swap3A_2964, %swap3A_2965] : memref<1x256x30xi32, #tpu.memory_space<vmem>>, vector<1x256x1xi32>
    %swap3A_2967 = vector.shape_cast %swap3A_2966 : vector<1x256x1xi32> to vector<256x1xi32>
    %swap3A_2968 = vector.shape_cast %broadcast_in_dim3A_2882 : vector<256x1xi32> to vector<1x256x1xi32>
    tpu.vector_store %arg15[%swap3A_2963, %swap3A_2964, %swap3A_2965], %swap3A_2968 {strides = array<i32>} : memref<1x256x30xi32, #tpu.memory_space<vmem>>, vector<1x256x1xi32>,
    %swap3A_2969 = arith.constant 0 : index
    %swap3A_2970 = arith.constant 0 : index
    %swap3A_2971 = arith.constant 26 : index
    %swap3A_2972 = vector.load %arg16[%swap3A_2969, %swap3A_2970, %swap3A_2971] : memref<1x256x30xf32, #tpu.memory_space<vmem>>, vector<1x256x1xf32>
    %swap3A_2973 = vector.shape_cast %swap3A_2972 : vector<1x256x1xf32> to vector<256x1xf32>
    %swap3A_2974 = vector.shape_cast %mul3A_2954 : vector<256x1xf32> to vector<1x256x1xf32>
    tpu.vector_store %arg16[%swap3A_2969, %swap3A_2970, %swap3A_2971], %swap3A_2974 {strides = array<i32>} : memref<1x256x30xf32, #tpu.memory_space<vmem>>, vector<1x256x1xf32>,
    %get3A_2975 = arith.constant 0 : index
    %get3A_2976 = arith.constant 0 : index
    %get3A_2977 = vector.load %arg17[%get3A_2975, %get3A_2976] : memref<256x2048xf32, #tpu.memory_space<vmem>>, vector<256x2048xf32>
    %reduce_min3A_2978 = arith.constant dense<0x7F800000> : vector<256xf32>
    %reduce_min3A_2979 = vector.multi_reduction <minimumf>, %get3A_2977, %reduce_min3A_2978 [1] : vector<256x2048xf32> to vector<256xf32>
    %broadcast_in_dim3A_2980 = vector.shape_cast %reduce_min3A_2979 : vector<256xf32> to vector<256x1xf32>
    %eq3A_2981 = vector.broadcast %broadcast_in_dim3A_2980 : vector<256x1xf32> to vector<256x2048xf32>
    %eq3A_2982 = arith.cmpf oeq, %get3A_2977, %eq3A_2981 : vector<256x2048xf32>
    %jit3A_2983 = arith.constant 2048 : i32
    %broadcast_in_dim3A_2984 = vector.broadcast %jit3A_2983 : i32 to vector<256x2048xi32>
    %select_n3A_2985 = arith.select %eq3A_2982, %iota3A, %broadcast_in_dim3A_2984 : vector<256x2048xi1>, vector<256x2048xi32>
    %reduce_min3A_2986 = arith.constant dense<2147483647> : vector<256xi32>
    %reduce_min3A_2987 = vector.multi_reduction <minsi>, %select_n3A_2985, %reduce_min3A_2986 [1] : vector<256x2048xi32> to vector<256xi32>
    %broadcast_in_dim3A_2988 = vector.shape_cast %reduce_min3A_2987 : vector<256xi32> to vector<256x1xi32>
    %eq3A_2989 = vector.broadcast %broadcast_in_dim3A_2988 : vector<256x1xi32> to vector<256x2048xi32>
    %eq3A_2990 = arith.cmpi eq, %iota3A, %eq3A_2989 : vector<256x2048xi32>
    %jit3A_2991 = arith.constant 1.000000e+09 : f32
    %broadcast_in_dim3A_2992 = vector.broadcast %jit3A_2991 : f32 to vector<256x2048xf32>
    %select_n3A_2993 = arith.select %eq3A_2990, %broadcast_in_dim3A_2992, %get3A_2977 : vector<256x2048xi1>, vector<256x2048xf32>
    %swap3A_2994 = arith.constant 0 : index
    %swap3A_2995 = arith.constant 0 : index
    %swap3A_2996 = vector.load %arg17[%swap3A_2994, %swap3A_2995] : memref<256x2048xf32, #tpu.memory_space<vmem>>, vector<256x2048xf32>
    tpu.vector_store %arg17[%swap3A_2994, %swap3A_2995], %select_n3A_2993 {strides = array<i32>} : memref<256x2048xf32, #tpu.memory_space<vmem>>, vector<256x2048xf32>,
    %convert_element_type3A_2997 = arith.extui %eq3A_2990 : vector<256x2048xi1> to vector<256x2048xi32>
    %convert_element_type3A_2998 = arith.sitofp %convert_element_type3A_2997 : vector<256x2048xi32> to vector<256x2048xf32>
    %convert_element_type3A_2999 = arith.truncf %convert_element_type3A_2998 : vector<256x2048xf32> to vector<256x2048xbf16>
    %dot_general3A_3000 = arith.constant dense<0.000000e+00> : vector<256x12xf32>
    %dot_general3A_3001 = tpu.matmul %convert_element_type3A_2999, %concatenate3A_100, %dot_general3A_3000 {dimension_numbers = #tpu.dot_dimension_numbers<[1], [1], [0], [0], [0, 0, 1, 0], [], []>, transpose_lhs_hint = false} : vector<256x2048xbf16>, vector<12x2048xbf16>, vector<256x12xf32> -> vector<256x12xf32>
    %slice3A_3002 = vector.extract_strided_slice %dot_general3A_3001 {offsets = [0, 0], sizes = [256, 1], strides = [1, 1]} : vector<256x12xf32> to vector<256x1xf32>
    %slice3A_3003 = vector.extract_strided_slice %dot_general3A_3001 {offsets = [0, 4], sizes = [256, 1], strides = [1, 1]} : vector<256x12xf32> to vector<256x1xf32>
    %add3A_3004 = arith.addf %slice3A_3002, %slice3A_3003 : vector<256x1xf32>
    %slice3A_3005 = vector.extract_strided_slice %dot_general3A_3001 {offsets = [0, 8], sizes = [256, 1], strides = [1, 1]} : vector<256x12xf32> to vector<256x1xf32>
    %add3A_3006 = arith.addf %add3A_3004, %slice3A_3005 : vector<256x1xf32>
    %sub3A_3007 = arith.subf %add3A_3006, %mul3A_15 : vector<256x1xf32>
    %slice3A_3008 = vector.extract_strided_slice %dot_general3A_3001 {offsets = [0, 1], sizes = [256, 1], strides = [1, 1]} : vector<256x12xf32> to vector<256x1xf32>
    %slice3A_3009 = vector.extract_strided_slice %dot_general3A_3001 {offsets = [0, 5], sizes = [256, 1], strides = [1, 1]} : vector<256x12xf32> to vector<256x1xf32>
    %add3A_3010 = arith.addf %slice3A_3008, %slice3A_3009 : vector<256x1xf32>
    %slice3A_3011 = vector.extract_strided_slice %dot_general3A_3001 {offsets = [0, 9], sizes = [256, 1], strides = [1, 1]} : vector<256x12xf32> to vector<256x1xf32>
    %add3A_3012 = arith.addf %add3A_3010, %slice3A_3011 : vector<256x1xf32>
    %sub3A_3013 = arith.subf %add3A_3012, %mul3A_25 : vector<256x1xf32>
    %slice3A_3014 = vector.extract_strided_slice %dot_general3A_3001 {offsets = [0, 2], sizes = [256, 1], strides = [1, 1]} : vector<256x12xf32> to vector<256x1xf32>
    %slice3A_3015 = vector.extract_strided_slice %dot_general3A_3001 {offsets = [0, 6], sizes = [256, 1], strides = [1, 1]} : vector<256x12xf32> to vector<256x1xf32>
    %add3A_3016 = arith.addf %slice3A_3014, %slice3A_3015 : vector<256x1xf32>
    %slice3A_3017 = vector.extract_strided_slice %dot_general3A_3001 {offsets = [0, 10], sizes = [256, 1], strides = [1, 1]} : vector<256x12xf32> to vector<256x1xf32>
    %add3A_3018 = arith.addf %add3A_3016, %slice3A_3017 : vector<256x1xf32>
    %sub3A_3019 = arith.subf %add3A_3018, %mul3A_35 : vector<256x1xf32>
    %slice3A_3020 = vector.extract_strided_slice %dot_general3A_3001 {offsets = [0, 3], sizes = [256, 1], strides = [1, 1]} : vector<256x12xf32> to vector<256x1xf32>
    %add3A_3021 = arith.constant 9.99999993E-9 : f32
    %add3A_3022 = vector.broadcast %add3A_3021 : f32 to vector<256x1xf32>
    %add3A_3023 = arith.addf %broadcast_in_dim3A_2980, %add3A_3022 : vector<256x1xf32>
    %div3A_3024 = arith.constant 1.000000e+00 : f32
    %div3A_3025 = vector.broadcast %div3A_3024 : f32 to vector<256x1xf32>
    %div3A_3026 = arith.divf %div3A_3025, %add3A_3023 : vector<256x1xf32>
    %sub3A_3027 = vector.broadcast %broadcast_in_dim3A_2980 : vector<256x1xf32> to vector<256x32xf32>
    %sub3A_3028 = vector.broadcast %get3A_108 : vector<1x32xf32> to vector<256x32xf32>
    %sub3A_3029 = arith.subf %sub3A_3027, %sub3A_3028 : vector<256x32xf32>
    %div3A_3030 = arith.constant 6.250000e-01 : f32
    %div3A_3031 = vector.broadcast %div3A_3030 : f32 to vector<256x32xf32>
    %div3A_3032 = arith.divf %sub3A_3029, %div3A_3031 : vector<256x32xf32>
    %mul3A_3033 = arith.mulf %div3A_3032, %div3A_3032 : vector<256x32xf32>
    %neg3A_3034 = arith.constant 0.000000e+00 : f32
    %neg3A_3035 = vector.broadcast %neg3A_3034 : f32 to vector<256x32xf32>
    %neg3A_3036 = arith.subf %neg3A_3035, %mul3A_3033 : vector<256x32xf32>
    %exp3A_3037 = math.exp %neg3A_3036 : vector<256x32xf32>
    %dot_general3A_3038 = arith.constant dense<0.000000e+00> : vector<256x128xf32>
    %dot_general3A_3039 = tpu.matmul %exp3A_3037, %get3A_114, %dot_general3A_3038 {dimension_numbers = #tpu.dot_dimension_numbers<[1], [0], [0], [1], [0, 0, 1, 1], [], []>, transpose_lhs_hint = false} : vector<256x32xf32>, vector<32x128xf32>, vector<256x128xf32> -> vector<256x128xf32>
    %mul3A_3040 = arith.mulf %sub3A_3007, %div3A_3026 : vector<256x1xf32>
    %slice3A_3041 = vector.extract_strided_slice %get3A_117 {offsets = [0, 0], sizes = [1, 128], strides = [1, 1]} : vector<3x128xf32> to vector<1x128xf32>
    %mul3A_3042 = vector.broadcast %mul3A_3040 : vector<256x1xf32> to vector<256x128xf32>
    %mul3A_3043 = vector.broadcast %slice3A_3041 : vector<1x128xf32> to vector<256x128xf32>
    %mul3A_3044 = arith.mulf %mul3A_3042, %mul3A_3043 : vector<256x128xf32>
    %mul3A_3045 = arith.mulf %sub3A_3013, %div3A_3026 : vector<256x1xf32>
    %slice3A_3046 = vector.extract_strided_slice %get3A_117 {offsets = [1, 0], sizes = [1, 128], strides = [1, 1]} : vector<3x128xf32> to vector<1x128xf32>
    %mul3A_3047 = vector.broadcast %mul3A_3045 : vector<256x1xf32> to vector<256x128xf32>
    %mul3A_3048 = vector.broadcast %slice3A_3046 : vector<1x128xf32> to vector<256x128xf32>
    %mul3A_3049 = arith.mulf %mul3A_3047, %mul3A_3048 : vector<256x128xf32>
    %add3A_3050 = arith.addf %mul3A_3044, %mul3A_3049 : vector<256x128xf32>
    %mul3A_3051 = arith.mulf %sub3A_3019, %div3A_3026 : vector<256x1xf32>
    %slice3A_3052 = vector.extract_strided_slice %get3A_117 {offsets = [2, 0], sizes = [1, 128], strides = [1, 1]} : vector<3x128xf32> to vector<1x128xf32>
    %mul3A_3053 = vector.broadcast %mul3A_3051 : vector<256x1xf32> to vector<256x128xf32>
    %mul3A_3054 = vector.broadcast %slice3A_3052 : vector<1x128xf32> to vector<256x128xf32>
    %mul3A_3055 = arith.mulf %mul3A_3053, %mul3A_3054 : vector<256x128xf32>
    %add3A_3056 = arith.addf %add3A_3050, %mul3A_3055 : vector<256x128xf32>
    %add3A_3057 = arith.addf %dot_general3A_3039, %add3A_3056 : vector<256x128xf32>
    %add3A_3058 = vector.broadcast %get3A_111 : vector<1x128xf32> to vector<256x128xf32>
    %add3A_3059 = arith.addf %add3A_3057, %add3A_3058 : vector<256x128xf32>
    %mul3A_3060 = arith.mulf %get3A_105, %slice3A_3020 : vector<256x1xf32>
    %mul3A_3061 = vector.broadcast %mul3A_3060 : vector<256x1xf32> to vector<256x128xf32>
    %mul3A_3062 = arith.mulf %add3A_3059, %mul3A_3061 : vector<256x128xf32>
    %swap3A_3063 = arith.constant 0 : index
    %swap3A_3064 = arith.constant 0 : index
    %swap3A_3065 = arith.constant 3456 : index
    %swap3A_3066 = vector.load %arg14[%swap3A_3063, %swap3A_3064, %swap3A_3065] : memref<1x256x3840xf32, #tpu.memory_space<vmem>>, vector<1x256x128xf32>
    %swap3A_3067 = vector.shape_cast %swap3A_3066 : vector<1x256x128xf32> to vector<256x128xf32>
    %swap3A_3068 = vector.shape_cast %mul3A_3062 : vector<256x128xf32> to vector<1x256x128xf32>
    tpu.vector_store %arg14[%swap3A_3063, %swap3A_3064, %swap3A_3065], %swap3A_3068 {strides = array<i32>} : memref<1x256x3840xf32, #tpu.memory_space<vmem>>, vector<1x256x128xf32>,
    %swap3A_3069 = arith.constant 0 : index
    %swap3A_3070 = arith.constant 0 : index
    %swap3A_3071 = arith.constant 27 : index
    %swap3A_3072 = vector.load %arg15[%swap3A_3069, %swap3A_3070, %swap3A_3071] : memref<1x256x30xi32, #tpu.memory_space<vmem>>, vector<1x256x1xi32>
    %swap3A_3073 = vector.shape_cast %swap3A_3072 : vector<1x256x1xi32> to vector<256x1xi32>
    %swap3A_3074 = vector.shape_cast %broadcast_in_dim3A_2988 : vector<256x1xi32> to vector<1x256x1xi32>
    tpu.vector_store %arg15[%swap3A_3069, %swap3A_3070, %swap3A_3071], %swap3A_3074 {strides = array<i32>} : memref<1x256x30xi32, #tpu.memory_space<vmem>>, vector<1x256x1xi32>,
    %swap3A_3075 = arith.constant 0 : index
    %swap3A_3076 = arith.constant 0 : index
    %swap3A_3077 = arith.constant 27 : index
    %swap3A_3078 = vector.load %arg16[%swap3A_3075, %swap3A_3076, %swap3A_3077] : memref<1x256x30xf32, #tpu.memory_space<vmem>>, vector<1x256x1xf32>
    %swap3A_3079 = vector.shape_cast %swap3A_3078 : vector<1x256x1xf32> to vector<256x1xf32>
    %swap3A_3080 = vector.shape_cast %mul3A_3060 : vector<256x1xf32> to vector<1x256x1xf32>
    tpu.vector_store %arg16[%swap3A_3075, %swap3A_3076, %swap3A_3077], %swap3A_3080 {strides = array<i32>} : memref<1x256x30xf32, #tpu.memory_space<vmem>>, vector<1x256x1xf32>,
    %get3A_3081 = arith.constant 0 : index
    %get3A_3082 = arith.constant 0 : index
    %get3A_3083 = vector.load %arg17[%get3A_3081, %get3A_3082] : memref<256x2048xf32, #tpu.memory_space<vmem>>, vector<256x2048xf32>
    %reduce_min3A_3084 = arith.constant dense<0x7F800000> : vector<256xf32>
    %reduce_min3A_3085 = vector.multi_reduction <minimumf>, %get3A_3083, %reduce_min3A_3084 [1] : vector<256x2048xf32> to vector<256xf32>
    %broadcast_in_dim3A_3086 = vector.shape_cast %reduce_min3A_3085 : vector<256xf32> to vector<256x1xf32>
    %eq3A_3087 = vector.broadcast %broadcast_in_dim3A_3086 : vector<256x1xf32> to vector<256x2048xf32>
    %eq3A_3088 = arith.cmpf oeq, %get3A_3083, %eq3A_3087 : vector<256x2048xf32>
    %jit3A_3089 = arith.constant 2048 : i32
    %broadcast_in_dim3A_3090 = vector.broadcast %jit3A_3089 : i32 to vector<256x2048xi32>
    %select_n3A_3091 = arith.select %eq3A_3088, %iota3A, %broadcast_in_dim3A_3090 : vector<256x2048xi1>, vector<256x2048xi32>
    %reduce_min3A_3092 = arith.constant dense<2147483647> : vector<256xi32>
    %reduce_min3A_3093 = vector.multi_reduction <minsi>, %select_n3A_3091, %reduce_min3A_3092 [1] : vector<256x2048xi32> to vector<256xi32>
    %broadcast_in_dim3A_3094 = vector.shape_cast %reduce_min3A_3093 : vector<256xi32> to vector<256x1xi32>
    %eq3A_3095 = vector.broadcast %broadcast_in_dim3A_3094 : vector<256x1xi32> to vector<256x2048xi32>
    %eq3A_3096 = arith.cmpi eq, %iota3A, %eq3A_3095 : vector<256x2048xi32>
    %jit3A_3097 = arith.constant 1.000000e+09 : f32
    %broadcast_in_dim3A_3098 = vector.broadcast %jit3A_3097 : f32 to vector<256x2048xf32>
    %select_n3A_3099 = arith.select %eq3A_3096, %broadcast_in_dim3A_3098, %get3A_3083 : vector<256x2048xi1>, vector<256x2048xf32>
    %swap3A_3100 = arith.constant 0 : index
    %swap3A_3101 = arith.constant 0 : index
    %swap3A_3102 = vector.load %arg17[%swap3A_3100, %swap3A_3101] : memref<256x2048xf32, #tpu.memory_space<vmem>>, vector<256x2048xf32>
    tpu.vector_store %arg17[%swap3A_3100, %swap3A_3101], %select_n3A_3099 {strides = array<i32>} : memref<256x2048xf32, #tpu.memory_space<vmem>>, vector<256x2048xf32>,
    %convert_element_type3A_3103 = arith.extui %eq3A_3096 : vector<256x2048xi1> to vector<256x2048xi32>
    %convert_element_type3A_3104 = arith.sitofp %convert_element_type3A_3103 : vector<256x2048xi32> to vector<256x2048xf32>
    %convert_element_type3A_3105 = arith.truncf %convert_element_type3A_3104 : vector<256x2048xf32> to vector<256x2048xbf16>
    %dot_general3A_3106 = arith.constant dense<0.000000e+00> : vector<256x12xf32>
    %dot_general3A_3107 = tpu.matmul %convert_element_type3A_3105, %concatenate3A_100, %dot_general3A_3106 {dimension_numbers = #tpu.dot_dimension_numbers<[1], [1], [0], [0], [0, 0, 1, 0], [], []>, transpose_lhs_hint = false} : vector<256x2048xbf16>, vector<12x2048xbf16>, vector<256x12xf32> -> vector<256x12xf32>
    %slice3A_3108 = vector.extract_strided_slice %dot_general3A_3107 {offsets = [0, 0], sizes = [256, 1], strides = [1, 1]} : vector<256x12xf32> to vector<256x1xf32>
    %slice3A_3109 = vector.extract_strided_slice %dot_general3A_3107 {offsets = [0, 4], sizes = [256, 1], strides = [1, 1]} : vector<256x12xf32> to vector<256x1xf32>
    %add3A_3110 = arith.addf %slice3A_3108, %slice3A_3109 : vector<256x1xf32>
    %slice3A_3111 = vector.extract_strided_slice %dot_general3A_3107 {offsets = [0, 8], sizes = [256, 1], strides = [1, 1]} : vector<256x12xf32> to vector<256x1xf32>
    %add3A_3112 = arith.addf %add3A_3110, %slice3A_3111 : vector<256x1xf32>
    %sub3A_3113 = arith.subf %add3A_3112, %mul3A_15 : vector<256x1xf32>
    %slice3A_3114 = vector.extract_strided_slice %dot_general3A_3107 {offsets = [0, 1], sizes = [256, 1], strides = [1, 1]} : vector<256x12xf32> to vector<256x1xf32>
    %slice3A_3115 = vector.extract_strided_slice %dot_general3A_3107 {offsets = [0, 5], sizes = [256, 1], strides = [1, 1]} : vector<256x12xf32> to vector<256x1xf32>
    %add3A_3116 = arith.addf %slice3A_3114, %slice3A_3115 : vector<256x1xf32>
    %slice3A_3117 = vector.extract_strided_slice %dot_general3A_3107 {offsets = [0, 9], sizes = [256, 1], strides = [1, 1]} : vector<256x12xf32> to vector<256x1xf32>
    %add3A_3118 = arith.addf %add3A_3116, %slice3A_3117 : vector<256x1xf32>
    %sub3A_3119 = arith.subf %add3A_3118, %mul3A_25 : vector<256x1xf32>
    %slice3A_3120 = vector.extract_strided_slice %dot_general3A_3107 {offsets = [0, 2], sizes = [256, 1], strides = [1, 1]} : vector<256x12xf32> to vector<256x1xf32>
    %slice3A_3121 = vector.extract_strided_slice %dot_general3A_3107 {offsets = [0, 6], sizes = [256, 1], strides = [1, 1]} : vector<256x12xf32> to vector<256x1xf32>
    %add3A_3122 = arith.addf %slice3A_3120, %slice3A_3121 : vector<256x1xf32>
    %slice3A_3123 = vector.extract_strided_slice %dot_general3A_3107 {offsets = [0, 10], sizes = [256, 1], strides = [1, 1]} : vector<256x12xf32> to vector<256x1xf32>
    %add3A_3124 = arith.addf %add3A_3122, %slice3A_3123 : vector<256x1xf32>
    %sub3A_3125 = arith.subf %add3A_3124, %mul3A_35 : vector<256x1xf32>
    %slice3A_3126 = vector.extract_strided_slice %dot_general3A_3107 {offsets = [0, 3], sizes = [256, 1], strides = [1, 1]} : vector<256x12xf32> to vector<256x1xf32>
    %add3A_3127 = arith.constant 9.99999993E-9 : f32
    %add3A_3128 = vector.broadcast %add3A_3127 : f32 to vector<256x1xf32>
    %add3A_3129 = arith.addf %broadcast_in_dim3A_3086, %add3A_3128 : vector<256x1xf32>
    %div3A_3130 = arith.constant 1.000000e+00 : f32
    %div3A_3131 = vector.broadcast %div3A_3130 : f32 to vector<256x1xf32>
    %div3A_3132 = arith.divf %div3A_3131, %add3A_3129 : vector<256x1xf32>
    %sub3A_3133 = vector.broadcast %broadcast_in_dim3A_3086 : vector<256x1xf32> to vector<256x32xf32>
    %sub3A_3134 = vector.broadcast %get3A_108 : vector<1x32xf32> to vector<256x32xf32>
    %sub3A_3135 = arith.subf %sub3A_3133, %sub3A_3134 : vector<256x32xf32>
    %div3A_3136 = arith.constant 6.250000e-01 : f32
    %div3A_3137 = vector.broadcast %div3A_3136 : f32 to vector<256x32xf32>
    %div3A_3138 = arith.divf %sub3A_3135, %div3A_3137 : vector<256x32xf32>
    %mul3A_3139 = arith.mulf %div3A_3138, %div3A_3138 : vector<256x32xf32>
    %neg3A_3140 = arith.constant 0.000000e+00 : f32
    %neg3A_3141 = vector.broadcast %neg3A_3140 : f32 to vector<256x32xf32>
    %neg3A_3142 = arith.subf %neg3A_3141, %mul3A_3139 : vector<256x32xf32>
    %exp3A_3143 = math.exp %neg3A_3142 : vector<256x32xf32>
    %dot_general3A_3144 = arith.constant dense<0.000000e+00> : vector<256x128xf32>
    %dot_general3A_3145 = tpu.matmul %exp3A_3143, %get3A_114, %dot_general3A_3144 {dimension_numbers = #tpu.dot_dimension_numbers<[1], [0], [0], [1], [0, 0, 1, 1], [], []>, transpose_lhs_hint = false} : vector<256x32xf32>, vector<32x128xf32>, vector<256x128xf32> -> vector<256x128xf32>
    %mul3A_3146 = arith.mulf %sub3A_3113, %div3A_3132 : vector<256x1xf32>
    %slice3A_3147 = vector.extract_strided_slice %get3A_117 {offsets = [0, 0], sizes = [1, 128], strides = [1, 1]} : vector<3x128xf32> to vector<1x128xf32>
    %mul3A_3148 = vector.broadcast %mul3A_3146 : vector<256x1xf32> to vector<256x128xf32>
    %mul3A_3149 = vector.broadcast %slice3A_3147 : vector<1x128xf32> to vector<256x128xf32>
    %mul3A_3150 = arith.mulf %mul3A_3148, %mul3A_3149 : vector<256x128xf32>
    %mul3A_3151 = arith.mulf %sub3A_3119, %div3A_3132 : vector<256x1xf32>
    %slice3A_3152 = vector.extract_strided_slice %get3A_117 {offsets = [1, 0], sizes = [1, 128], strides = [1, 1]} : vector<3x128xf32> to vector<1x128xf32>
    %mul3A_3153 = vector.broadcast %mul3A_3151 : vector<256x1xf32> to vector<256x128xf32>
    %mul3A_3154 = vector.broadcast %slice3A_3152 : vector<1x128xf32> to vector<256x128xf32>
    %mul3A_3155 = arith.mulf %mul3A_3153, %mul3A_3154 : vector<256x128xf32>
    %add3A_3156 = arith.addf %mul3A_3150, %mul3A_3155 : vector<256x128xf32>
    %mul3A_3157 = arith.mulf %sub3A_3125, %div3A_3132 : vector<256x1xf32>
    %slice3A_3158 = vector.extract_strided_slice %get3A_117 {offsets = [2, 0], sizes = [1, 128], strides = [1, 1]} : vector<3x128xf32> to vector<1x128xf32>
    %mul3A_3159 = vector.broadcast %mul3A_3157 : vector<256x1xf32> to vector<256x128xf32>
    %mul3A_3160 = vector.broadcast %slice3A_3158 : vector<1x128xf32> to vector<256x128xf32>
    %mul3A_3161 = arith.mulf %mul3A_3159, %mul3A_3160 : vector<256x128xf32>
    %add3A_3162 = arith.addf %add3A_3156, %mul3A_3161 : vector<256x128xf32>
    %add3A_3163 = arith.addf %dot_general3A_3145, %add3A_3162 : vector<256x128xf32>
    %add3A_3164 = vector.broadcast %get3A_111 : vector<1x128xf32> to vector<256x128xf32>
    %add3A_3165 = arith.addf %add3A_3163, %add3A_3164 : vector<256x128xf32>
    %mul3A_3166 = arith.mulf %get3A_105, %slice3A_3126 : vector<256x1xf32>
    %mul3A_3167 = vector.broadcast %mul3A_3166 : vector<256x1xf32> to vector<256x128xf32>
    %mul3A_3168 = arith.mulf %add3A_3165, %mul3A_3167 : vector<256x128xf32>
    %swap3A_3169 = arith.constant 0 : index
    %swap3A_3170 = arith.constant 0 : index
    %swap3A_3171 = arith.constant 3584 : index
    %swap3A_3172 = vector.load %arg14[%swap3A_3169, %swap3A_3170, %swap3A_3171] : memref<1x256x3840xf32, #tpu.memory_space<vmem>>, vector<1x256x128xf32>
    %swap3A_3173 = vector.shape_cast %swap3A_3172 : vector<1x256x128xf32> to vector<256x128xf32>
    %swap3A_3174 = vector.shape_cast %mul3A_3168 : vector<256x128xf32> to vector<1x256x128xf32>
    tpu.vector_store %arg14[%swap3A_3169, %swap3A_3170, %swap3A_3171], %swap3A_3174 {strides = array<i32>} : memref<1x256x3840xf32, #tpu.memory_space<vmem>>, vector<1x256x128xf32>,
    %swap3A_3175 = arith.constant 0 : index
    %swap3A_3176 = arith.constant 0 : index
    %swap3A_3177 = arith.constant 28 : index
    %swap3A_3178 = vector.load %arg15[%swap3A_3175, %swap3A_3176, %swap3A_3177] : memref<1x256x30xi32, #tpu.memory_space<vmem>>, vector<1x256x1xi32>
    %swap3A_3179 = vector.shape_cast %swap3A_3178 : vector<1x256x1xi32> to vector<256x1xi32>
    %swap3A_3180 = vector.shape_cast %broadcast_in_dim3A_3094 : vector<256x1xi32> to vector<1x256x1xi32>
    tpu.vector_store %arg15[%swap3A_3175, %swap3A_3176, %swap3A_3177], %swap3A_3180 {strides = array<i32>} : memref<1x256x30xi32, #tpu.memory_space<vmem>>, vector<1x256x1xi32>,
    %swap3A_3181 = arith.constant 0 : index
    %swap3A_3182 = arith.constant 0 : index
    %swap3A_3183 = arith.constant 28 : index
    %swap3A_3184 = vector.load %arg16[%swap3A_3181, %swap3A_3182, %swap3A_3183] : memref<1x256x30xf32, #tpu.memory_space<vmem>>, vector<1x256x1xf32>
    %swap3A_3185 = vector.shape_cast %swap3A_3184 : vector<1x256x1xf32> to vector<256x1xf32>
    %swap3A_3186 = vector.shape_cast %mul3A_3166 : vector<256x1xf32> to vector<1x256x1xf32>
    tpu.vector_store %arg16[%swap3A_3181, %swap3A_3182, %swap3A_3183], %swap3A_3186 {strides = array<i32>} : memref<1x256x30xf32, #tpu.memory_space<vmem>>, vector<1x256x1xf32>,
    %get3A_3187 = arith.constant 0 : index
    %get3A_3188 = arith.constant 0 : index
    %get3A_3189 = vector.load %arg17[%get3A_3187, %get3A_3188] : memref<256x2048xf32, #tpu.memory_space<vmem>>, vector<256x2048xf32>
    %reduce_min3A_3190 = arith.constant dense<0x7F800000> : vector<256xf32>
    %reduce_min3A_3191 = vector.multi_reduction <minimumf>, %get3A_3189, %reduce_min3A_3190 [1] : vector<256x2048xf32> to vector<256xf32>
    %broadcast_in_dim3A_3192 = vector.shape_cast %reduce_min3A_3191 : vector<256xf32> to vector<256x1xf32>
    %eq3A_3193 = vector.broadcast %broadcast_in_dim3A_3192 : vector<256x1xf32> to vector<256x2048xf32>
    %eq3A_3194 = arith.cmpf oeq, %get3A_3189, %eq3A_3193 : vector<256x2048xf32>
    %jit3A_3195 = arith.constant 2048 : i32
    %broadcast_in_dim3A_3196 = vector.broadcast %jit3A_3195 : i32 to vector<256x2048xi32>
    %select_n3A_3197 = arith.select %eq3A_3194, %iota3A, %broadcast_in_dim3A_3196 : vector<256x2048xi1>, vector<256x2048xi32>
    %reduce_min3A_3198 = arith.constant dense<2147483647> : vector<256xi32>
    %reduce_min3A_3199 = vector.multi_reduction <minsi>, %select_n3A_3197, %reduce_min3A_3198 [1] : vector<256x2048xi32> to vector<256xi32>
    %broadcast_in_dim3A_3200 = vector.shape_cast %reduce_min3A_3199 : vector<256xi32> to vector<256x1xi32>
    %eq3A_3201 = vector.broadcast %broadcast_in_dim3A_3200 : vector<256x1xi32> to vector<256x2048xi32>
    %eq3A_3202 = arith.cmpi eq, %iota3A, %eq3A_3201 : vector<256x2048xi32>
    %jit3A_3203 = arith.constant 1.000000e+09 : f32
    %broadcast_in_dim3A_3204 = vector.broadcast %jit3A_3203 : f32 to vector<256x2048xf32>
    %select_n3A_3205 = arith.select %eq3A_3202, %broadcast_in_dim3A_3204, %get3A_3189 : vector<256x2048xi1>, vector<256x2048xf32>
    %swap3A_3206 = arith.constant 0 : index
    %swap3A_3207 = arith.constant 0 : index
    %swap3A_3208 = vector.load %arg17[%swap3A_3206, %swap3A_3207] : memref<256x2048xf32, #tpu.memory_space<vmem>>, vector<256x2048xf32>
    tpu.vector_store %arg17[%swap3A_3206, %swap3A_3207], %select_n3A_3205 {strides = array<i32>} : memref<256x2048xf32, #tpu.memory_space<vmem>>, vector<256x2048xf32>,
    %convert_element_type3A_3209 = arith.extui %eq3A_3202 : vector<256x2048xi1> to vector<256x2048xi32>
    %convert_element_type3A_3210 = arith.sitofp %convert_element_type3A_3209 : vector<256x2048xi32> to vector<256x2048xf32>
    %convert_element_type3A_3211 = arith.truncf %convert_element_type3A_3210 : vector<256x2048xf32> to vector<256x2048xbf16>
    %dot_general3A_3212 = arith.constant dense<0.000000e+00> : vector<256x12xf32>
    %dot_general3A_3213 = tpu.matmul %convert_element_type3A_3211, %concatenate3A_100, %dot_general3A_3212 {dimension_numbers = #tpu.dot_dimension_numbers<[1], [1], [0], [0], [0, 0, 1, 0], [], []>, transpose_lhs_hint = false} : vector<256x2048xbf16>, vector<12x2048xbf16>, vector<256x12xf32> -> vector<256x12xf32>
    %slice3A_3214 = vector.extract_strided_slice %dot_general3A_3213 {offsets = [0, 0], sizes = [256, 1], strides = [1, 1]} : vector<256x12xf32> to vector<256x1xf32>
    %slice3A_3215 = vector.extract_strided_slice %dot_general3A_3213 {offsets = [0, 4], sizes = [256, 1], strides = [1, 1]} : vector<256x12xf32> to vector<256x1xf32>
    %add3A_3216 = arith.addf %slice3A_3214, %slice3A_3215 : vector<256x1xf32>
    %slice3A_3217 = vector.extract_strided_slice %dot_general3A_3213 {offsets = [0, 8], sizes = [256, 1], strides = [1, 1]} : vector<256x12xf32> to vector<256x1xf32>
    %add3A_3218 = arith.addf %add3A_3216, %slice3A_3217 : vector<256x1xf32>
    %sub3A_3219 = arith.subf %add3A_3218, %mul3A_15 : vector<256x1xf32>
    %slice3A_3220 = vector.extract_strided_slice %dot_general3A_3213 {offsets = [0, 1], sizes = [256, 1], strides = [1, 1]} : vector<256x12xf32> to vector<256x1xf32>
    %slice3A_3221 = vector.extract_strided_slice %dot_general3A_3213 {offsets = [0, 5], sizes = [256, 1], strides = [1, 1]} : vector<256x12xf32> to vector<256x1xf32>
    %add3A_3222 = arith.addf %slice3A_3220, %slice3A_3221 : vector<256x1xf32>
    %slice3A_3223 = vector.extract_strided_slice %dot_general3A_3213 {offsets = [0, 9], sizes = [256, 1], strides = [1, 1]} : vector<256x12xf32> to vector<256x1xf32>
    %add3A_3224 = arith.addf %add3A_3222, %slice3A_3223 : vector<256x1xf32>
    %sub3A_3225 = arith.subf %add3A_3224, %mul3A_25 : vector<256x1xf32>
    %slice3A_3226 = vector.extract_strided_slice %dot_general3A_3213 {offsets = [0, 2], sizes = [256, 1], strides = [1, 1]} : vector<256x12xf32> to vector<256x1xf32>
    %slice3A_3227 = vector.extract_strided_slice %dot_general3A_3213 {offsets = [0, 6], sizes = [256, 1], strides = [1, 1]} : vector<256x12xf32> to vector<256x1xf32>
    %add3A_3228 = arith.addf %slice3A_3226, %slice3A_3227 : vector<256x1xf32>
    %slice3A_3229 = vector.extract_strided_slice %dot_general3A_3213 {offsets = [0, 10], sizes = [256, 1], strides = [1, 1]} : vector<256x12xf32> to vector<256x1xf32>
    %add3A_3230 = arith.addf %add3A_3228, %slice3A_3229 : vector<256x1xf32>
    %sub3A_3231 = arith.subf %add3A_3230, %mul3A_35 : vector<256x1xf32>
    %slice3A_3232 = vector.extract_strided_slice %dot_general3A_3213 {offsets = [0, 3], sizes = [256, 1], strides = [1, 1]} : vector<256x12xf32> to vector<256x1xf32>
    %add3A_3233 = arith.constant 9.99999993E-9 : f32
    %add3A_3234 = vector.broadcast %add3A_3233 : f32 to vector<256x1xf32>
    %add3A_3235 = arith.addf %broadcast_in_dim3A_3192, %add3A_3234 : vector<256x1xf32>
    %div3A_3236 = arith.constant 1.000000e+00 : f32
    %div3A_3237 = vector.broadcast %div3A_3236 : f32 to vector<256x1xf32>
    %div3A_3238 = arith.divf %div3A_3237, %add3A_3235 : vector<256x1xf32>
    %sub3A_3239 = vector.broadcast %broadcast_in_dim3A_3192 : vector<256x1xf32> to vector<256x32xf32>
    %sub3A_3240 = vector.broadcast %get3A_108 : vector<1x32xf32> to vector<256x32xf32>
    %sub3A_3241 = arith.subf %sub3A_3239, %sub3A_3240 : vector<256x32xf32>
    %div3A_3242 = arith.constant 6.250000e-01 : f32
    %div3A_3243 = vector.broadcast %div3A_3242 : f32 to vector<256x32xf32>
    %div3A_3244 = arith.divf %sub3A_3241, %div3A_3243 : vector<256x32xf32>
    %mul3A_3245 = arith.mulf %div3A_3244, %div3A_3244 : vector<256x32xf32>
    %neg3A_3246 = arith.constant 0.000000e+00 : f32
    %neg3A_3247 = vector.broadcast %neg3A_3246 : f32 to vector<256x32xf32>
    %neg3A_3248 = arith.subf %neg3A_3247, %mul3A_3245 : vector<256x32xf32>
    %exp3A_3249 = math.exp %neg3A_3248 : vector<256x32xf32>
    %dot_general3A_3250 = arith.constant dense<0.000000e+00> : vector<256x128xf32>
    %dot_general3A_3251 = tpu.matmul %exp3A_3249, %get3A_114, %dot_general3A_3250 {dimension_numbers = #tpu.dot_dimension_numbers<[1], [0], [0], [1], [0, 0, 1, 1], [], []>, transpose_lhs_hint = false} : vector<256x32xf32>, vector<32x128xf32>, vector<256x128xf32> -> vector<256x128xf32>
    %mul3A_3252 = arith.mulf %sub3A_3219, %div3A_3238 : vector<256x1xf32>
    %slice3A_3253 = vector.extract_strided_slice %get3A_117 {offsets = [0, 0], sizes = [1, 128], strides = [1, 1]} : vector<3x128xf32> to vector<1x128xf32>
    %mul3A_3254 = vector.broadcast %mul3A_3252 : vector<256x1xf32> to vector<256x128xf32>
    %mul3A_3255 = vector.broadcast %slice3A_3253 : vector<1x128xf32> to vector<256x128xf32>
    %mul3A_3256 = arith.mulf %mul3A_3254, %mul3A_3255 : vector<256x128xf32>
    %mul3A_3257 = arith.mulf %sub3A_3225, %div3A_3238 : vector<256x1xf32>
    %slice3A_3258 = vector.extract_strided_slice %get3A_117 {offsets = [1, 0], sizes = [1, 128], strides = [1, 1]} : vector<3x128xf32> to vector<1x128xf32>
    %mul3A_3259 = vector.broadcast %mul3A_3257 : vector<256x1xf32> to vector<256x128xf32>
    %mul3A_3260 = vector.broadcast %slice3A_3258 : vector<1x128xf32> to vector<256x128xf32>
    %mul3A_3261 = arith.mulf %mul3A_3259, %mul3A_3260 : vector<256x128xf32>
    %add3A_3262 = arith.addf %mul3A_3256, %mul3A_3261 : vector<256x128xf32>
    %mul3A_3263 = arith.mulf %sub3A_3231, %div3A_3238 : vector<256x1xf32>
    %slice3A_3264 = vector.extract_strided_slice %get3A_117 {offsets = [2, 0], sizes = [1, 128], strides = [1, 1]} : vector<3x128xf32> to vector<1x128xf32>
    %mul3A_3265 = vector.broadcast %mul3A_3263 : vector<256x1xf32> to vector<256x128xf32>
    %mul3A_3266 = vector.broadcast %slice3A_3264 : vector<1x128xf32> to vector<256x128xf32>
    %mul3A_3267 = arith.mulf %mul3A_3265, %mul3A_3266 : vector<256x128xf32>
    %add3A_3268 = arith.addf %add3A_3262, %mul3A_3267 : vector<256x128xf32>
    %add3A_3269 = arith.addf %dot_general3A_3251, %add3A_3268 : vector<256x128xf32>
    %add3A_3270 = vector.broadcast %get3A_111 : vector<1x128xf32> to vector<256x128xf32>
    %add3A_3271 = arith.addf %add3A_3269, %add3A_3270 : vector<256x128xf32>
    %mul3A_3272 = arith.mulf %get3A_105, %slice3A_3232 : vector<256x1xf32>
    %mul3A_3273 = vector.broadcast %mul3A_3272 : vector<256x1xf32> to vector<256x128xf32>
    %mul3A_3274 = arith.mulf %add3A_3271, %mul3A_3273 : vector<256x128xf32>
    %swap3A_3275 = arith.constant 0 : index
    %swap3A_3276 = arith.constant 0 : index
    %swap3A_3277 = arith.constant 3712 : index
    %swap3A_3278 = vector.load %arg14[%swap3A_3275, %swap3A_3276, %swap3A_3277] : memref<1x256x3840xf32, #tpu.memory_space<vmem>>, vector<1x256x128xf32>
    %swap3A_3279 = vector.shape_cast %swap3A_3278 : vector<1x256x128xf32> to vector<256x128xf32>
    %swap3A_3280 = vector.shape_cast %mul3A_3274 : vector<256x128xf32> to vector<1x256x128xf32>
    tpu.vector_store %arg14[%swap3A_3275, %swap3A_3276, %swap3A_3277], %swap3A_3280 {strides = array<i32>} : memref<1x256x3840xf32, #tpu.memory_space<vmem>>, vector<1x256x128xf32>,
    %swap3A_3281 = arith.constant 0 : index
    %swap3A_3282 = arith.constant 0 : index
    %swap3A_3283 = arith.constant 29 : index
    %swap3A_3284 = vector.load %arg15[%swap3A_3281, %swap3A_3282, %swap3A_3283] : memref<1x256x30xi32, #tpu.memory_space<vmem>>, vector<1x256x1xi32>
    %swap3A_3285 = vector.shape_cast %swap3A_3284 : vector<1x256x1xi32> to vector<256x1xi32>
    %swap3A_3286 = vector.shape_cast %broadcast_in_dim3A_3200 : vector<256x1xi32> to vector<1x256x1xi32>
    tpu.vector_store %arg15[%swap3A_3281, %swap3A_3282, %swap3A_3283], %swap3A_3286 {strides = array<i32>} : memref<1x256x30xi32, #tpu.memory_space<vmem>>, vector<1x256x1xi32>,
    %swap3A_3287 = arith.constant 0 : index
    %swap3A_3288 = arith.constant 0 : index
    %swap3A_3289 = arith.constant 29 : index
    %swap3A_3290 = vector.load %arg16[%swap3A_3287, %swap3A_3288, %swap3A_3289] : memref<1x256x30xf32, #tpu.memory_space<vmem>>, vector<1x256x1xf32>
    %swap3A_3291 = vector.shape_cast %swap3A_3290 : vector<1x256x1xf32> to vector<256x1xf32>
    %swap3A_3292 = vector.shape_cast %mul3A_3272 : vector<256x1xf32> to vector<1x256x1xf32>
    tpu.vector_store %arg16[%swap3A_3287, %swap3A_3288, %swap3A_3289], %swap3A_3292 {strides = array<i32>} : memref<1x256x30xf32, #tpu.memory_space<vmem>>, vector<1x256x1xf32>,
    %concatenate3A_3293 = tpu.concatenate %mul3A_15, %mul3A_25, %mul3A_35 in 1 : vector<256x1xf32>, vector<256x1xf32>, vector<256x1xf32> -> vector<256x3xf32>
    %concatenate3A_3294 = tpu.concatenate %concatenate3A_3293, %concatenate3A_3293, %concatenate3A_3293, %concatenate3A_3293 in 1 : vector<256x3xf32>, vector<256x3xf32>, vector<256x3xf32>, vector<256x3xf32> -> vector<256x12xf32>
    %sub3A_3295 = arith.subf %get3A_3, %concatenate3A_3294 : vector<256x12xf32>
    %slice3A_3296 = vector.extract_strided_slice %sub3A_3295 {offsets = [0, 0], sizes = [256, 3], strides = [1, 1]} : vector<256x12xf32> to vector<256x3xf32>
    %mul3A_3297 = arith.mulf %slice3A_3296, %slice3A_3296 : vector<256x3xf32>
    %reduce_sum3A = arith.constant dense<0.000000e+00> : vector<256xf32>
    %reduce_sum3A_3298 = vector.multi_reduction <add>, %mul3A_3297, %reduce_sum3A [1] : vector<256x3xf32> to vector<256xf32>
    %broadcast_in_dim3A_3299 = vector.shape_cast %reduce_sum3A_3298 : vector<256xf32> to vector<256x1xf32>
    %sqrt3A_3300 = math.sqrt %broadcast_in_dim3A_3299 : vector<256x1xf32>
    %slice3A_3301 = vector.extract_strided_slice %sub3A_3295 {offsets = [0, 3], sizes = [256, 3], strides = [1, 1]} : vector<256x12xf32> to vector<256x3xf32>
    %mul3A_3302 = arith.mulf %slice3A_3301, %slice3A_3301 : vector<256x3xf32>
    %reduce_sum3A_3303 = arith.constant dense<0.000000e+00> : vector<256xf32>
    %reduce_sum3A_3304 = vector.multi_reduction <add>, %mul3A_3302, %reduce_sum3A_3303 [1] : vector<256x3xf32> to vector<256xf32>
    %broadcast_in_dim3A_3305 = vector.shape_cast %reduce_sum3A_3304 : vector<256xf32> to vector<256x1xf32>
    %sqrt3A_3306 = math.sqrt %broadcast_in_dim3A_3305 : vector<256x1xf32>
    %slice3A_3307 = vector.extract_strided_slice %sub3A_3295 {offsets = [0, 6], sizes = [256, 3], strides = [1, 1]} : vector<256x12xf32> to vector<256x3xf32>
    %mul3A_3308 = arith.mulf %slice3A_3307, %slice3A_3307 : vector<256x3xf32>
    %reduce_sum3A_3309 = arith.constant dense<0.000000e+00> : vector<256xf32>
    %reduce_sum3A_3310 = vector.multi_reduction <add>, %mul3A_3308, %reduce_sum3A_3309 [1] : vector<256x3xf32> to vector<256xf32>
    %broadcast_in_dim3A_3311 = vector.shape_cast %reduce_sum3A_3310 : vector<256xf32> to vector<256x1xf32>
    %sqrt3A_3312 = math.sqrt %broadcast_in_dim3A_3311 : vector<256x1xf32>
    %slice3A_3313 = vector.extract_strided_slice %sub3A_3295 {offsets = [0, 9], sizes = [256, 3], strides = [1, 1]} : vector<256x12xf32> to vector<256x3xf32>
    %mul3A_3314 = arith.mulf %slice3A_3313, %slice3A_3313 : vector<256x3xf32>
    %reduce_sum3A_3315 = arith.constant dense<0.000000e+00> : vector<256xf32>
    %reduce_sum3A_3316 = vector.multi_reduction <add>, %mul3A_3314, %reduce_sum3A_3315 [1] : vector<256x3xf32> to vector<256xf32>
    %broadcast_in_dim3A_3317 = vector.shape_cast %reduce_sum3A_3316 : vector<256xf32> to vector<256x1xf32>
    %sqrt3A_3318 = math.sqrt %broadcast_in_dim3A_3317 : vector<256x1xf32>
    %concatenate3A_3319 = tpu.concatenate %sqrt3A_3300, %sqrt3A_3306, %sqrt3A_3312, %sqrt3A_3318 in 1 : vector<256x1xf32>, vector<256x1xf32>, vector<256x1xf32>, vector<256x1xf32> -> vector<256x4xf32>
    %add3A_3320 = arith.constant 9.99999997E-7 : f32
    %add3A_3321 = vector.broadcast %add3A_3320 : f32 to vector<256x4xf32>
    %add3A_3322 = arith.addf %concatenate3A_3319, %add3A_3321 : vector<256x4xf32>
    %log3A = math.log %add3A_3322 : vector<256x4xf32>
    %get3A_3323 = arith.constant 0 : index
    %get3A_3324 = arith.constant 0 : index
    %get3A_3325 = vector.load %arg6[%get3A_3323, %get3A_3324] : memref<12x256xf32, #tpu.memory_space<vmem>>, vector<12x256xf32>
    %dot_general3A_3326 = arith.constant dense<0.000000e+00> : vector<256x256xf32>
    %dot_general3A_3327 = tpu.matmul %sub3A_3295, %get3A_3325, %dot_general3A_3326 {dimension_numbers = #tpu.dot_dimension_numbers<[1], [0], [0], [1], [0, 0, 1, 1], [], []>, transpose_lhs_hint = false} : vector<256x12xf32>, vector<12x256xf32>, vector<256x256xf32> -> vector<256x256xf32>
    %get3A_3328 = arith.constant 0 : index
    %get3A_3329 = arith.constant 0 : index
    %get3A_3330 = vector.load %arg7[%get3A_3328, %get3A_3329] : memref<4x256xf32, #tpu.memory_space<vmem>>, vector<4x256xf32>
    %dot_general3A_3331 = arith.constant dense<0.000000e+00> : vector<256x256xf32>
    %dot_general3A_3332 = tpu.matmul %log3A, %get3A_3330, %dot_general3A_3331 {dimension_numbers = #tpu.dot_dimension_numbers<[1], [0], [0], [1], [0, 0, 1, 1], [], []>, transpose_lhs_hint = false} : vector<256x4xf32>, vector<4x256xf32>, vector<256x256xf32> -> vector<256x256xf32>
    %add3A_3333 = arith.addf %dot_general3A_3327, %dot_general3A_3332 : vector<256x256xf32>
    %get3A_3334 = arith.constant 0 : index
    %get3A_3335 = arith.constant 0 : index
    %get3A_3336 = vector.load %arg10[%get3A_3334, %get3A_3335] : memref<1x256xf32, #tpu.memory_space<vmem>>, vector<1x256xf32>
    %add3A_3337 = vector.broadcast %get3A_3336 : vector<1x256xf32> to vector<256x256xf32>
    %add3A_3338 = arith.addf %add3A_3333, %add3A_3337 : vector<256x256xf32>
    %mul3A_3339 = vector.broadcast %get3A_105 : vector<256x1xf32> to vector<256x256xf32>
    %mul3A_3340 = arith.mulf %add3A_3338, %mul3A_3339 : vector<256x256xf32>
    %swap3A_3341 = arith.constant 0 : index
    %swap3A_3342 = arith.constant 0 : index
    %swap3A_3343 = arith.constant 0 : index
    %swap3A_3344 = vector.load %arg13[%swap3A_3341, %swap3A_3342, %swap3A_3343] : memref<1x256x256xf32, #tpu.memory_space<vmem>>, vector<1x256x256xf32>
    %swap3A_3345 = vector.shape_cast %swap3A_3344 : vector<1x256x256xf32> to vector<256x256xf32>
    %swap3A_3346 = vector.shape_cast %mul3A_3340 : vector<256x256xf32> to vector<1x256x256xf32>
    tpu.vector_store %arg13[%swap3A_3341, %swap3A_3342, %swap3A_3343], %swap3A_3346 {strides = array<i32>} : memref<1x256x256xf32, #tpu.memory_space<vmem>>, vector<1x256x256xf32>,
    return
  }
  func.func @transform_0(%arg0: i32, %arg1: i32) -> (i32, i32, i32) {
    %c0_i32 = arith.constant 0 : i32
    %c0_i32_0 = arith.constant 0 : i32
    return %arg0, %arg1, %c0_i32 : i32, i32, i32
  }
  func.func @transform_1(%arg0: i32, %arg1: i32) -> (i32, i32, i32) {
    %c0_i32 = arith.constant 0 : i32
    %c0_i32_0 = arith.constant 0 : i32
    %c0_i32_1 = arith.constant 0 : i32
    return %arg0, %c0_i32, %c0_i32_0 : i32, i32, i32
  }
  func.func @transform_2(%arg0: i32, %arg1: i32) -> (i32, i32, i32) {
    %c0_i32 = arith.constant 0 : i32
    %c0_i32_0 = arith.constant 0 : i32
    %c0_i32_1 = arith.constant 0 : i32
    return %arg0, %c0_i32, %c0_i32_0 : i32, i32, i32
  }
  func.func @transform_3(%arg0: i32, %arg1: i32) -> (i32, i32, i32) {
    %c0_i32 = arith.constant 0 : i32
    %c0_i32_0 = arith.constant 0 : i32
    return %arg0, %arg1, %c0_i32 : i32, i32, i32
  }
  func.func @transform_4(%arg0: i32, %arg1: i32) -> (i32, i32) {
    %c0_i32 = arith.constant 0 : i32
    %c0_i32_0 = arith.constant 0 : i32
    %c0_i32_1 = arith.constant 0 : i32
    return %c0_i32, %c0_i32_0 : i32, i32
  }
  func.func @transform_5(%arg0: i32, %arg1: i32) -> (i32, i32) {
    %c0_i32 = arith.constant 0 : i32
    %c0_i32_0 = arith.constant 0 : i32
    %c0_i32_1 = arith.constant 0 : i32
    return %c0_i32, %c0_i32_0 : i32, i32
  }
  func.func @transform_6(%arg0: i32, %arg1: i32) -> (i32, i32) {
    %c0_i32 = arith.constant 0 : i32
    %c0_i32_0 = arith.constant 0 : i32
    %c0_i32_1 = arith.constant 0 : i32
    return %c0_i32, %c0_i32_0 : i32, i32
  }
  func.func @transform_7(%arg0: i32, %arg1: i32) -> (i32, i32) {
    %c0_i32 = arith.constant 0 : i32
    %c0_i32_0 = arith.constant 0 : i32
    %c0_i32_1 = arith.constant 0 : i32
    return %c0_i32, %c0_i32_0 : i32, i32
  }
  func.func @transform_8(%arg0: i32, %arg1: i32) -> (i32, i32) {
    %c0_i32 = arith.constant 0 : i32
    %c0_i32_0 = arith.constant 0 : i32
    %c0_i32_1 = arith.constant 0 : i32
    return %c0_i32, %c0_i32_0 : i32, i32
  }
  func.func @transform_9(%arg0: i32, %arg1: i32) -> (i32, i32) {
    %c0_i32 = arith.constant 0 : i32
    %c0_i32_0 = arith.constant 0 : i32
    %c0_i32_1 = arith.constant 0 : i32
    return %c0_i32, %c0_i32_0 : i32, i32
  }
  func.func @transform_10(%arg0: i32, %arg1: i32) -> (i32, i32) {
    %c0_i32 = arith.constant 0 : i32
    %c0_i32_0 = arith.constant 0 : i32
    %c0_i32_1 = arith.constant 0 : i32
    return %c0_i32, %c0_i32_0 : i32, i32
  }
  func.func @transform_11(%arg0: i32, %arg1: i32) -> (i32, i32, i32) {
    %c0_i32 = arith.constant 0 : i32
    %c0_i32_0 = arith.constant 0 : i32
    return %arg0, %arg1, %c0_i32 : i32, i32, i32
  }
  func.func @transform_12(%arg0: i32, %arg1: i32) -> (i32, i32, i32) {
    %c0_i32 = arith.constant 0 : i32
    %c0_i32_0 = arith.constant 0 : i32
    return %arg0, %arg1, %c0_i32 : i32, i32, i32
  }
  func.func @transform_13(%arg0: i32, %arg1: i32) -> (i32, i32, i32) {
    %c0_i32 = arith.constant 0 : i32
    %c0_i32_0 = arith.constant 0 : i32
    return %arg0, %arg1, %c0_i32 : i32, i32, i32
  }
  func.func @transform_14(%arg0: i32, %arg1: i32) -> (i32, i32, i32) {
    %c0_i32 = arith.constant 0 : i32
    %c0_i32_0 = arith.constant 0 : i32
    return %arg0, %arg1, %c0_i32 : i32, i32, i32
  }
}

</mosaic_0001>

<sc_bundles>
// kernel: sparse-core-data-format-call.cloned.1.call-start
scs
called_computation_lowered:
.L_overlay_start_0:
0x0: {  	s2 =	sld [smem:$0x3FD9]  }
0x1: {  	s3 =	sld [smem:$0x3FFE];
	_ =	sdelay $0x1  }
0x2: {  	s1 =	srdreg.scid  }
0x3: {  	s0 =	sand.u32 $0x1, s1  }
0x4: {  	s15 =	sshll.u32 s0, $0xA;
	s2 =	sadd.s32 s3, s2  }
0x5: {  	s2 =	sadd.s32 s2, s15  }
0x6: {  	[smem:$0x3FC2] =	sst s2  }
0x7: {  	_ = 	snop  }
0x8: {  	s2 =	sld [smem:$0x3FD0];
	_ =	sdelay $0x2  }
0x9: {  	s16 =	simm.s32 $0xA;
	s4 =	simm.s32 $0x10  }
0xa: {  	[smem:s4], [sflag:s16] =	dma.local [hbm:s2], $0x1  }
0xb: {  	_ =	swait.eq [sflag:s16], $0x1  }
0xc: {  	[sflag:s16] =	ssyncset.done $0x0  }
0xd: {  	[sflag:s16] =	ssyncadd.s32 $0xFFFFFFFF  }
0xe: {  	s17 =	sld [smem:$0x11];
	(tm) =	ssettm $0x1  }
0xf: {  	s18 =	sld [smem:$0x3FFB];
	_ =	sdelay $0x3  }
0x10: {  	_ =	strace s18  }
0x11: {  	s3 =	sld [smem:$0x3FFC];
	_ =	sdelay $0x3  }
0x12: {  	_ =	strace s3  }
0x13: {  	s3 =	sld [smem:$0x3FFD];
	_ =	sdelay $0x3  }
0x14: {  	_ =	strace s3  }
0x15: {  	_ =	strace $0x8FFFFFFF  }
0x16: {  	s19 =	sld [smem:$0x3FDB];
	_ =	sdelay $0x1  }
0x17: {  	s20 =	simm.s32 $_scs_section_size  }
0x18: {  	s5 =	simm.s32 $_size__tile_overlayer_lowered;
	s6 =	simm.s32 $_tile_overlayer_lowered  }
0x19: {  	s23 =	simm.s32 $0x1BFF;
	s22 =	sshll.u32 s6, $0x1;
	s3 =	sadd.s32 s20, s19  }
0x1a: {  	s7 =	simm.s32 $0x0;
	s21 =	sshll.u32 s5, $0x1;
	s5 =	sadd.s32 s22, s3  }
0x1b: {  	[timem:s7], [sflag:s23] =	dma.local [hbm:s5], s21  }
0x1c: {  	_ =	swait.ge [sflag:s23], s21  }
0x1d: {  	s4 =	ssub.s32 $0x0, s21;
	[sflag:s23] =	ssyncset.done $0x0  }
0x1e: {  	[sflag:s23] =	ssyncadd.s32 s4;
	_ =	sdelay $0x1  }
0x1f: {  	s24 =	simm.s32 $0x1B8B  }
0x20: {  	_ =	swait.ge [sflag:s24], $0x1  }
0x21: {  	[sflag:s24] =	ssyncset.done $0x0  }
0x22: {  	s26 =	simm.s32 $0x1B8E;
	s25 =	sld [smem:$0x3FFE];
	[sflag:s24] =	ssyncadd.s32 $0xFFFFFFFF  }
0x23: {  	s27 =	simm.s32 $execute0_lowered;
	[smem:$0x3FD2] =	sst s26  }
0x24: {  	s5 =	sshll.u32 s27, $0x1;
	_ =	strace $0x80000046;
	[dreg:$0x1] =	wrdreg $0xFFFFFFFF  }
0x25: {  	s28 =	simm.s32 $_size_execute0_lowered;
	s3 =	sadd.s32 s3, s5;
	[dreg:$0x0] =	wrdreg $0x0  }
0x26: {  	s5 =	sshll.u32 s28, $0x1;
	[dreg:$0x2] =	wrdreg s3  }
0x27: {  	[dreg:$0x3] =	wrdreg s5  }
0x28: {  	[dreg:$0x4] =	wrdreg $0xC0  }
0x29: {  	_ =	task [dreg:s7], $0x5FFFF  }
0x2a: {  	[dreg:$0x1] =	wrdreg $0xFFFFFFFF  }
0x2b: {  	[dreg:$0x0] =	wrdreg $0x60  }
0x2c: {  	[dreg:$0x2] =	wrdreg s25  }
0x2d: {  	[dreg:$0x3] =	wrdreg s17  }
0x2e: {  	[dreg:$0x4] =	wrdreg $0x9  }
0x2f: {  	_ =	task.clear_ibuf [dreg:s7], $0x5FFFF;
	_ =	strace $0x90000046  }
0x30: {  	s29 =	simm.s32 $0x9;
	_ =	strace $0x80000048  }
0x31: {  	_ =	swait.ge [sflag:s29], $0x1  }
0x32: {  	[sflag:s29] =	ssyncadd.s32 $0xFFFFFFFF  }
0x33: {  	_ =	strace $0x90000048  }
0x34: {  	_ =	sfence  }
0x35: {  	s30 =	sld [smem:$0x0];
	_ =	sdelay $0x2  }
0x36: {  	s31 =	sshll.u32 s1, $0xD;
	s1 =	sshrl.u32 s1, $0x2  }
0x37: {  	s3 =	sand.u32 $0x4000, s31;
	s1 =	sadd.s32 s1, s30  }
0x38: {  	s0 =	sor.u32 s3, s0;
	s1 =	sshll.u32 s1, $0x11  }
0x39: {  	s0 =	sor.u32 s1, s0  }
0x3a: {  	s0 =	sadd.s32 $0x8F2B, s0  }
0x3b: {  	[sflag:s0] =	ssyncadd.remote.s32 $0x1  }
0x3c: {  	_ =	sfence.sel $0xFFFF  }
0x3d: {  	[dreg:$0x0] =	wrdreg $0xFFFFFFFF;
	(pc) =	sbr.abs _section_cstart, $3  }
0x3e: {  	[dreg:$0x1] =	wrdreg $0xFFFFFFFF  }
0x3f: {  	_ =	task.clear_ibuf [dreg:s7], $0x2FFFF;
	_ =	strace $0x9FFFFFFF  }
0x40: {  	(tm) =	ssettm $0x7FFFFFFF  }
0x41: {  	_ =	shalt  }
tec
execute0_lowered:
.L_overlay_start_1:
0x0: {  	(tag) =	ssettag $0x1  }
0x1: {  	s0 =	stileid.u32  }
0x2: {  	s1 =	srdreg.scid;
	s6 =	rddreg [dreg:$0x0]  }
0x3: {  	s3 =	rddreg [dreg:$0x1];
	s2 =	sshll.u32 s0, $0x5;
	s1 =	sshll.u32 s1, $0x9  }
0x4: {  	s5 =	simm.s32 $0x1;
	s8 =	simm.s32 $0x2;
	s1 =	sor.u32 s2, s1  }
0x5: {  	s17 =	simm.s32 $0x0;
	s14 =	simm.s32 $0x0;
	s2 =	sand.u32 $0x380, s1  }
0x6: {  	s15 =	simm.s32 $0x0;
	s16 =	simm.s32 $0x0;
	s4 =	ssub.s32 $0x800, s2  }
0x7: {  	s10 =	simm.s32 $0x0;
	s11 =	simm.s32 $0x0;
	s31 =	sand.u32 $0x380, s4  }
0x8: {  	s13 =	simm.s32 $0x0;
	s1 =	rddreg [dreg:$0x2];
	p0 =	sne.s32 s31, $0x0  }
.Ltmp0:
0x9: {  	s7 =	sshrl.u32 s4, $0xA;
	s5 =	simm.s32 @!p0 $0x0;
	(pc) =	sbr.rel .LBB1_1-.Ltmp0, $4  }
0xa: {  	_ =	strace $0x80000047;
	s4 =	simm.s32 $0x1;
	s5 =	sadd.s32 s5, s7  }
0xb: {  	s6 =	sadd.s32 $0x41600, s6;
	[sflag:s4] =	ssyncpa.u1 $0x0;
	s5 =	smul.u32 $0x1E, s5  }
0xc: {  	s9 =	smov.u32 s2;
	[sflag:s8] =	ssyncpa.u1 $0x0;
	s7 =	sand.u32 $0x3, s0  }
0xd: {  	p0 =	por $0x0, $0x0;
	s12 =	smov.u32 s7;
	s8 =	sor.u32 $0x1, s5  }
.LBB1_4:
0xe: {  	v5 =	vld [tilespmem:s20+$0xFFFFFFD0];
	[tilespmem:s21+$0x2040 ss:$0x81] =	vst.msk $0xffff, v1  }
0xf: {  	v58 =	vld [tilespmem:s20+$0xFFFFFFE0];
	[tilespmem:s21+$0x2850 ss:$0x81] =	vst.msk $0xffff, v2  }
0x10: {  	s22 =	sshra.s32 s22, $0x2;
	v59 =	vld [tilespmem:s20+$0xFFFFFFF0];
	[tilespmem:s21+$0x3060 ss:$0x81] =	vst.msk $0xffff, v3  }
0x11: {  	v60 =	vld [tilespmem:s20+$0x0];
	[tilespmem:s21+$0x0 ss:$0x81] =	vst.msk $0xffff, v0;
	s19 =	sadd.s32 s22, s19  }
0x12: {  	v61 =	vld [tilespmem:s20+$0x10];
	[tilespmem:s19+$0x3870 ss:$0x81] =	vst.msk $0xffff, v4  }
0x13: {  	s17 =	sshll.u32 s17, $0x7;
	s26 =	sshll.u32 s14, $0x3;
	v62 =	vld [tilespmem:s20+$0x20];
	[tilespmem:s19+$0x810 ss:$0x81] =	vst.msk $0xffff, v5  }
0x14: {  	v63 =	vld [tilespmem:s20+$0xFFFFFFC0];
	s16 =	smul.u32 $0xF0000, s16;
	s27 =	sand.u32 $0x3FC00, s17;
	s21 =	sand.u32 $0x3FC00, s26;
	[tilespmem:s19+$0x1020 ss:$0x81] =	vst.msk $0xffff, v58  }
0x15: {  	s15 =	sshll.u32 s15, $0xF;
	s17 =	sand.u32 $0x380, s17;
	s28 =	sadd.s32 s21, s27;
	[tilespmem:s19+$0x1830 ss:$0x81] =	vst.msk $0xffff, v59  }
0x16: {  	s29 =	sshrl.u32 s14, $0x3;
	s16 =	sadd.s32 s3, s16;
	s17 =	sor.u32 s17, s28;
	[tilespmem:s19+$0x2040 ss:$0x81] =	vst.msk $0xffff, v60  }
0x17: {  	s20 =	sand.u32 $0xF, s29;
	s15 =	sadd.s32 s15, s16;
	s17 =	sshrl.u32 s17, $0x3;
	[tilespmem:s19+$0x2850 ss:$0x81] =	vst.msk $0xffff, v61  }
0x18: {  	s15 =	sadd.s32 s20, s15;
	[tilespmem:s19+$0x3060 ss:$0x81] =	vst.msk $0xffff, v62;
	s30 =	sand.u32 $0x7FF0, s17  }
0x19: {  	s31 =	sand.u32 $0x7, s14;
	[tilespmem:s19+$0x0 ss:$0x81] =	vst.msk $0xffff, v63;
	s15 =	sadd.s32 s30, s15  }
0x1a: {  	[hbm4b:s15+s31] =	stream.linear.scatter [tilespmem:s18], [sflag:$0x2], $0x4000, $0x20;
	[tilespmem:$0x10100] =	vst v63  }
.LBB1_5:
0x1b: {  	s18 =	sadd.s32 $0x400, s9  }
0x1c: {  	s14 =	sadd.s32 $0x80, s10;
	s19 =	smov.u32 s10;
	p2 =	sgt.s32 s18, $0x7FF  }
0x1d: {  	s19 =	smov.u32 @p2 s14  }
0x1e: {  	s14 =	simm.s32 $0x1;
	p3 =	sgt.s32 s19, $0x7F  }
0x1f: {  	s14 =	simm.s32 @!p3 $0x0  }
0x20: {  	s20 =	sadd.s32 s14, s11  }
0x21: {  	s21 =	smov.u32 s12;
	s14 =	sadd.s32 $0x4, s12;
	p4 =	sgt.s32 s20, $0x1D  }
0x22: {  	p1 =	slt.u32 s13, $0x2;
	s21 =	smov.u32 @p4 s14  }
0x23: {  	s17 =	smov.u32 s9;
	s18 =	smov.u32 @p2 s2;
	p2 =	sgt.s32 s21, $0x3  }
0x24: {  	s22 =	simm.s32 @!p1 $0x2;
	s21 =	smov.u32 @p2 s7;
	p2 =	sne.s32 s13, s8  }
.Ltmp1:
0x25: {  	s15 =	smov.u32 s11;
	_ =	swait.ge @!p1 [sflag:s22], $0x4000;
	(pc) =	sbr.rel @!p2 .LBB1_6-.Ltmp1, $4  }
0x26: {  	s16 =	smov.u32 s12;
	p0 =	por !p0, !p0;
	[sflag:s22] =	ssyncset.done @!p1 $0x0  }
0x27: {  	s9 =	smov.u32 s18;
	s19 =	simm.s32 @p3 $0x0;
	[sflag:s22] =	ssyncadd.s32 @!p1 $0xFFFFC000  }
0x28: {  	s20 =	simm.s32 @p4 $0x0;
	s14 =	smov.u32 s10;
	s10 =	smov.u32 s19  }
0x29: {  	s11 =	smov.u32 s20;
	s13 =	sadd.s32 $0x1, s13;
	s12 =	smov.u32 s21  }
.LBB1_1:
0x2a: {  	p1 =	sge.u32 s13, s5  }
0x2b: {  	s31 =	sadd.s32 $0xFFFFFFFF, s13;
	s18 =	sxor.u32 @!p1 $0xFFFFFFFF, s13;
	s19 =	sand.u32 @!p1 $0x78, s9  }
0x2c: {  	s20 =	sshll.u32 @!p1 s10, $0xB;
	s21 =	sshll.u32 @!p1 s10, $0x7;
	s22 =	sshll.u32 @!p1 s9, $0x3  }
0x2d: {  	s18 =	sshll.u32 @!p1 s18, $0xE;
	s20 =	sand.u32 @!p1 $0x3C000, s20;
	s21 =	sand.u32 @!p1 $0x380, s21  }
0x2e: {  	s23 =	sand.u32 @!p1 $0x400, s22;
	s19 =	sor.u32 @!p1 s21, s19;
	s21 =	smul.u32 @!p1 $0xF0000, s12  }
0x2f: {  	s20 =	sadd.s32 @!p1 s20, s22;
	s18 =	sand.u32 @!p1 $0x4000, s18;
	s22 =	sshll.u32 @!p1 s11, $0xF  }
0x30: {  	s19 =	sor.u32 @!p1 s23, s19;
	s20 =	sshrl.u32 @!p1 s20, $0x3;
	s21 =	sadd.s32 @!p1 s6, s21  }
0x31: {  	s20 =	sand.u32 @!p1 $0x7F00, s20;
	s21 =	sadd.s32 @!p1 s22, s21;
	s22 =	sand.u32 @!p1 $0x7, s9  }
0x32: {  	s19 =	sshrl.u32 @!p1 s19, $0x3;
	s20 =	sadd.s32 @!p1 s20, s21;
	s21 =	sshll.u32 @!p1 s22, $0x12  }
0x33: {  	s19 =	sadd.s32 @!p1 s19, s20;
	s20 =	sor.u32 @!p1 $0x400, s21;
	s21 =	simm.s32 @!p1 $0x4000  }
0x34: {  	[tilespmem:s18], [sflag:$0x1] =	stream.strided.gather @!p1 [hbm4b:s19+s20], $0x4000, s21, s20, $0x38;
	[tilespmem:$0x10100] =	vst v63  }
0x35: {  	p1 =	sge.u32 s31, s5  }
.Ltmp2:
0x36: {  	_ = 	snop;
	(pc) =	sbr.rel @p1 .LBB1_5-.Ltmp2, $1  }
0x37: {  	_ =	sdelay $0x3  }
0x38: {  	s18 =	simm.s32 $0x1  }
0x39: {  	_ =	swait.ge [sflag:s4], $0x4000;
	s18 =	simm.s32 @!p0 $0x0  }
0x3a: {  	[sflag:s4] =	ssyncset.done $0x0;
	s19 =	sshll.u32 s18, $0xE  }
0x3b: {  	[sflag:s4] =	ssyncadd.s32 $0xFFFFC000;
	s20 =	sor.u32 $0x40, s19  }
0x3c: {  	s18 =	smul.u32 $0x10200, s18;
	v0 =	vld [tilespmem:s20+$0x30]  }
0x3d: {  	v3 =	vld [tilespmem:s20+$0xFFFFFFD0]  }
0x3e: {  	s18 =	sshrl.u32 s18, $0x2;
	v4 =	vld [tilespmem:s20+$0xFFFFFFE0]  }
0x3f: {  	v5 =	vld [tilespmem:s20+$0xFFFFFFF0];
	s19 =	sor.u32 $0x8000, s18  }
0x40: {  	s31 =	sand.u32 $0x1, s13;
	v1 =	vld [tilespmem:s20+$0x0];
	s21 =	sadd.s32 $0x0, s19  }
0x41: {  	v2 =	vld [tilespmem:s20+$0x10];
	s18 =	smul.u32 $0x10200, s31;
	[tilespmem:s21+$0x3870 ss:$0x81] =	vst.msk $0xffff, v0  }
0x42: {  	[tilespmem:s21+$0x810 ss:$0x81] =	vst.msk $0xffff, v3;
	v3 =	vld [tilespmem:s20+$0x20]  }
0x43: {  	s18 =	sshrl.u32 s18, $0x2;
	v0 =	vld [tilespmem:s20+$0xFFFFFFC0];
	[tilespmem:s21+$0x1020 ss:$0x81] =	vst.msk $0xffff, v4;
	s20 =	sadd.s32 $0x80, s20  }
0x44: {  	s22 =	simm.s32 $0x4;
	s23 =	simm.s32 $0x8;
	s18 =	sor.u32 $0x8000, s18;
	[tilespmem:s21+$0x1830 ss:$0x81] =	vst.msk $0xffff, v5;
	v4 =	vld [tilespmem:s20+$0x30]  }
.LBB1_3:
0x45: {  	p1 =	sne.s32 s23, $0x1FC;
	v5 =	vld [tilespmem:s20+$0xFFFFFFD0];
	[tilespmem:s21+$0x2040 ss:$0x81] =	vst.msk $0xffff, v1  }
0x46: {  	v6 =	vld [tilespmem:s20+$0xFFFFFFE0];
	[tilespmem:s21+$0x2850 ss:$0x81] =	vst.msk $0xffff, v2  }
0x47: {  	s24 =	sshra.s32 s22, $0x2;
	s22 =	smov.u32 s23;
	v7 =	vld [tilespmem:s20+$0xFFFFFFF0];
	[tilespmem:s21+$0x3060 ss:$0x81] =	vst.msk $0xffff, v3  }
.Ltmp3:
0x48: {  	v1 =	vld [tilespmem:s20+$0x0];
	[tilespmem:s21+$0x0 ss:$0x81] =	vst.msk $0xffff, v0;
	s21 =	sadd.s32 s24, s19;
	(pc) =	sbr.rel @p1 .LBB1_3-.Ltmp3, $4  }
0x49: {  	v2 =	vld [tilespmem:s20+$0x10];
	[tilespmem:s21+$0x3870 ss:$0x81] =	vst.msk $0xffff, v4  }
0x4a: {  	[tilespmem:s21+$0x810 ss:$0x81] =	vst.msk $0xffff, v5;
	v3 =	vld [tilespmem:s20+$0x20]  }
0x4b: {  	v0 =	vld [tilespmem:s20+$0xFFFFFFC0];
	[tilespmem:s21+$0x1020 ss:$0x81] =	vst.msk $0xffff, v6;
	s20 =	sadd.s32 $0x80, s20  }
0x4c: {  	s23 =	sadd.s32 $0x4, s23;
	v4 =	vld [tilespmem:s20+$0x30];
	[tilespmem:s21+$0x1830 ss:$0x81] =	vst.msk $0xffff, v7  }
.Ltmp4:
0x4d: {  	_ = 	snop;
	(pc) =	sbr.rel .LBB1_4-.Ltmp4, $1  }
0x4e: {  	_ =	sdelay $0x3  }
.LBB1_6:
0x4f: {  	_ =	sfence.sel $0x180000  }
0x50: {  	s2 =	simm.s32 $0x1;
	[bflag:$0x0] =	sbarrier.arrive $0xFFFF  }
0x51: {  	s31 =	simm.s32 $0x2;
	[sflag:s2] =	ssyncpa.u1 $0x1  }
0x52: {  	[sflag:s31] =	ssyncpa.u1 $0x1  }
0x53: {  	p0 =	sne.s32 s0, $0x0;
	_ =	strace $0x90000047  }
0x54: {  	s0 =	sadd.s32 @!p0 $0x100000, s1;
	[bflag:$0x2] =	sbarrier.arrive $0xFFFF  }
0x55: {  	[sflag:s0] =	ssyncadd.tile.s32 @!p0 $0x1;
	_ =	shalt  }
.Lfunc_end1:
_tile_overlayer_lowered:
.L_overlay_start_2:
0x56: {  	(tag) =	ssettag $0x2  }
0x57: {  	s0 =	rddreg [dreg:$0x0];
	s2 =	stileid.u32  }
0x58: {  	s1 =	rddreg [dreg:$0x1];
	p0 =	sne.s32 s2, $0x0  }
0x59: {  	s3 =	rddreg [dreg:$0x2];
	[bflag:$0x3] =	sbarrier.arrive $0xFFFF;
	s2 =	simm.s32 @!p0 $0x1C01  }
0x5a: {  	[timem:s3], [sflag:s2] =	dma.local @!p0 [hbm:s0], s1  }
0x5b: {  	s0 =	simm.s32 @!p0 $0x1  }
0x5c: {  	_ =	swait.ge @!p0 [sflag:s0], s1  }
0x5d: {  	s1 =	ssub.s32 @!p0 $0x0, s1;
	[sflag:s0] =	ssyncset.done @!p0 $0x0  }
0x5e: {  	[sflag:s0] =	ssyncadd.s32 @!p0 s1  }
0x5f: {  	[bflag:$0x3] =	sbarrier.arrive $0xFFFF  }
0x60: {  	_ =	shalt  }

</sc_bundles>
